<compile_context>
chip_gen: v7x
topology: tpu7x:2x2x1
jax: 0.10.2.dev20260603
libtpu: 0.0.44.dev20260713+nightly
codegen_flags: <defaults>
</compile_context>

<pallas_src>
import functools

import jax
import jax.numpy as jnp
from jax import lax
from jax.experimental import pallas as pl
from jax.experimental.pallas import tpu as pltpu
from jax.experimental.pallas import tpu_sc as plsc


_STREAM = 128
_CHUNK = 1024
_PACK_BLK = 4096
_NSLAB = 5


def _pack_body(x_ref, w_ref, o_ref):
    x = x_ref[...]
    w = w_ref[...]
    blk = o_ref.shape[0]
    ya = lax.dot_general(
        x[:, :blk], w, (((0,), (1,)), ((), ())),
        preferred_element_type=jnp.float32,
    )
    yb = lax.dot_general(
        x[:, blk:], w, (((0,), (1,)), ((), ())),
        preferred_element_type=jnp.float32,
    )
    o_ref[...] = jnp.concatenate([ya, yb], axis=1).astype(jnp.bfloat16)


def _pack_table(emb_table, align_w):
    v, d = emb_table.shape
    nblk = -(-v // (2 * _PACK_BLK))
    embT = emb_table.T
    return pl.pallas_call(
        _pack_body,
        grid=(nblk,),
        in_specs=[
            pl.BlockSpec((d, 2 * _PACK_BLK), lambda i: (0, i)),
            pl.BlockSpec((d, d), lambda i: (0, 0)),
        ],
        out_specs=pl.BlockSpec((_PACK_BLK, 2 * d), lambda i: (i, 0)),
        out_shape=jax.ShapeDtypeStruct((nblk * _PACK_BLK, 2 * d), jnp.bfloat16),
    )(embT, align_w)


@functools.lru_cache(maxsize=None)
def _sc_gather_fn(b, s, d, nc, ns):
    rows = b * s
    nw = nc * ns
    n_chunks = rows // _CHUNK // nw
    n_str = _CHUNK // _STREAM
    cps = b // _CHUNK
    hb = b // 2
    hc = hb // _CHUNK

    mesh = plsc.VectorSubcoreMesh(core_axis_name="c", subcore_axis_name="s")

    @functools.partial(
        pl.kernel,
        mesh=mesh,
        out_type=jax.ShapeDtypeStruct((rows // 2, 2 * d), jnp.bfloat16),
        scratch_types=[
            pltpu.VMEM((_CHUNK,), jnp.int32),
            pltpu.VMEM((_CHUNK, d), jnp.bfloat16),
            pltpu.SemaphoreType.DMA,
        ],
        compiler_params=pltpu.CompilerParams(use_tc_tiling_on_sc=False),
    )
    def gather_kernel(table_hbm, idx_hbm, out_hbm, idx_v, rows_v, sem):
        wid = lax.axis_index("s") * nc + lax.axis_index("c")

        def body(t, carry):
            c = wid * n_chunks + t
            si = c // cps
            q = c % cps
            pltpu.sync_copy(idx_hbm.at[si, pl.ds(q * _CHUNK, _CHUNK)], idx_v)
            copies = [
                pltpu.async_copy(
                    table_hbm.at[idx_v.at[pl.ds(j * _STREAM, _STREAM)]],
                    rows_v.at[pl.ds(j * _STREAM, _STREAM)],
                    sem,
                )
                for j in range(n_str)
            ]
            for cp in copies:
                cp.wait()
            half = q // hc
            p0 = si * hb + (q % hc) * _CHUNK
            pltpu.sync_copy(
                rows_v, out_hbm.at[pl.ds(p0, _CHUNK), pl.ds(half * d, d)]
            )
            return carry

        lax.fori_loop(0, n_chunks, body, 0)

    return gather_kernel


def _out_body(x_ref, ids_ref, pos_ref, o_ref, *, s0):
    x2 = x_ref[...]
    d = pos_ref.shape[0]
    eye = (
        lax.broadcasted_iota(jnp.int32, (d, d), 0)
        == lax.broadcasted_iota(jnp.int32, (d, d), 1)
    ).astype(jnp.bfloat16)
    ya = lax.dot_general(
        eye, x2[:, :64], (((1,), (1,)), ((), ())),
        preferred_element_type=jnp.float32,
    )
    yb = lax.dot_general(
        eye, x2[:, 64:], (((1,), (1,)), ((), ())),
        preferred_element_type=jnp.float32,
    )
    y = jnp.concatenate([ya, yb], axis=1)
    y3 = lax.broadcast_in_dim(y, o_ref.shape, (1, 2))
    ids3 = lax.broadcast_in_dim(ids_ref[...], o_ref.shape, (0, 1, 2))
    n_pos = pos_ref.shape[1]
    onehot = (
        lax.broadcasted_iota(jnp.int32, (n_pos, 1), 0)
        == pl.program_id(0) + s0 + 1
    ).astype(jnp.float32)
    ps = lax.dot_general(
        pos_ref[...], onehot, (((1,), (0,)), ((), ())),
        preferred_element_type=jnp.float32,
    )
    pos3 = lax.broadcast_in_dim(ps, o_ref.shape, (1, 2))
    o_ref[...] = y3 + jnp.where(ids3 != 0, pos3, 0.0)


def _tc_out_slab(buf, gathered2, idsT3, posT, b, s, d, s0, ns_slab):
    n_pos = posT.shape[1]
    in_specs = [
        pl.BlockSpec((b // 2, 2 * d), lambda i: (i, 0)),
        pl.BlockSpec((1, 1, b), lambda i, s0=s0: (i + s0, 0, 0)),
        pl.BlockSpec((d, n_pos), lambda i: (0, 0)),
    ]
    args = (gathered2, idsT3, posT)
    aliases = {}
    if buf is not None:
        in_specs = [pl.BlockSpec(memory_space=pl.ANY)] + in_specs
        args = (buf,) + args
        aliases = {0: 0}
        body = functools.partial(_out_body_buf, s0=s0)
    else:
        body = functools.partial(_out_body, s0=s0)
    return pl.pallas_call(
        body,
        grid=(ns_slab,),
        in_specs=in_specs,
        out_specs=pl.BlockSpec((1, d, b), lambda i, s0=s0: (i + s0, 0, 0)),
        out_shape=jax.ShapeDtypeStruct((s, d, b), jnp.float32),
        input_output_aliases=aliases,
    )(*args)


def _out_body_buf(buf_ref, x_ref, ids_ref, pos_ref, o_ref, *, s0):
    _out_body(x_ref, ids_ref, pos_ref, o_ref, s0=s0)


def kernel(input, emb_table, align_w, pos_table):
    b, s = input.shape
    v, d = emb_table.shape

    tpack = _pack_table(emb_table, align_w)
    table_lin = tpack.reshape(tpack.shape[0] * 2, d)

    idsT = input.T.astype(jnp.int32)
    blki = idsT >> 13
    lk = idsT & 8191
    idsT_phys = (blki << 13) + ((lk & 4095) << 1) + (lk >> 12)

    info = plsc.get_sparse_core_info()
    nc, ns = info.num_cores, info.num_subcores

    ns_slab = s // _NSLAB
    gfn = _sc_gather_fn(b, ns_slab, d, nc, ns)
    slabs = [
        gfn(table_lin, lax.slice_in_dim(idsT_phys, k * ns_slab, (k + 1) * ns_slab))
        for k in range(_NSLAB)
    ]

    posT = pos_table.T
    idsT3 = idsT.reshape(s, 1, b)
    out = None
    for k in range(_NSLAB):
        out = _tc_out_slab(
            out, slabs[k], idsT3, posT, b, s, d, k * ns_slab, ns_slab
        )
    return lax.transpose(out, (2, 0, 1))

# --- scband reference (transcript-rebuilt; emitter-appended) ---
"""Pipeline reference for scband-positional-embedding-40312563040623 (READ-ONLY COPY).

The authoritative reference and input builder live on the scoring server;
editing this copy changes nothing except your own understanding.
"""

import jax, jax.numpy as jnp
import numpy as np

BATCH = 4096
SEQ_LEN = 200
VOCAB = 1000000
EMB_SIZE = 64
DIM_M = 64
MAX_SEQ_LEN_P1 = 201  # max_seq_len + 1


def _make_positional_table():
    pos = np.arange(MAX_SEQ_LEN_P1, dtype=np.float64)[:, None]
    i = np.arange(DIM_M, dtype=np.float64)[None, :]
    w = pos / np.power(10000.0, i / DIM_M)
    w[1:, ::2] = np.sin(w[1:, ::2])
    w[1:, 1::2] = np.cos(w[1:, 1::2])
    # row 0 is all zeros (pos=0 scale is 0), matching padding_idx behavior
    return jnp.asarray(w, dtype=jnp.float32)


def setup_inputs(seed: int = 0) -> dict:
    key = jax.random.key(seed)
    k1, k2, k3 = jax.random.split(key, 3)
    inp = jax.random.randint(k1, (BATCH, SEQ_LEN), 0, VOCAB, dtype=jnp.int64) if jax.config.jax_enable_x64 else jax.random.randint(k1, (BATCH, SEQ_LEN), 0, VOCAB, dtype=jnp.int32)
    emb_table = jax.random.normal(k2, (VOCAB, EMB_SIZE), dtype=jnp.float32) * 0.02
    align_w = jax.random.normal(k3, (DIM_M, EMB_SIZE), dtype=jnp.float32) * 0.02  # torch Linear weight: (out, in)
    pos_table = _make_positional_table()
    return {"input": inp, "emb_table": emb_table, "align_w": align_w, "pos_table": pos_table}


def reference(input, emb_table, align_w, pos_table):
    batch, seq_len = input.shape
    mask = input == 0
    pos_mask = jnp.tile(jnp.arange(1, seq_len + 1, dtype=input.dtype), (batch, 1))
    pos_mask = jnp.where(mask, 0, pos_mask)
    emb = jnp.take(emb_table, input, axis=0)          # (B, S, emb_size) gather
    aligned = emb @ align_w.T                           # linear, no bias
    pos_emb = jnp.take(pos_table, pos_mask, axis=0)    # (B, S, dim_m) gather
    return aligned + pos_emb

if __name__ == "__main__":
    import jax
    _d = setup_inputs()
    print(jax.jit(kernel)(*tuple(_d.values())))

</pallas_src>

<mosaic_0001>
#map = affine_map<(d0, d1) -> (0, 0)>
module attributes {stable_mosaic.version = 14 : i64} {
  func.func @gather_kernel(%arg0: i32, %arg1: i32, %arg2: memref<1007616x64xbf16, #tpu.memory_space<hbm>>, %arg3: memref<40x4096xi32, #tpu.memory_space<hbm>>, %arg4: memref<81920x128xbf16, #tpu.memory_space<hbm>>, %arg5: memref<1024xi32, #tpu.memory_space<vmem>>, %arg6: memref<1024x64xbf16, #tpu.memory_space<vmem>>, %arg7: memref<!tpu.dma_semaphore, #tpu.memory_space<semaphore_mem>>) attributes {dimension_semantics = [#tpu.dimension_semantics<core_parallel>, #tpu.dimension_semantics<subcore_parallel>], iteration_bounds = array<i64: 2, 16>, scalar_prefetch = 0 : i64, scratch_operands = 3 : i64, tpu.core_type = #tpu.core_type<sc_vector_subcore>, window_params = [{transform_indices = #map}, {transform_indices = #map}, {transform_indices = #map}]} {
    %mul3A = arith.constant 2 : i32
    %mul3A_0 = arith.muli %arg1, %mul3A : i32
    %add3A = arith.addi %mul3A_0, %arg0 : i32
    %scan3A = arith.constant 0 : i32
    %scan3A_1 = arith.constant 0 : i32
    %scan3A_2 = arith.constant 5 : i32
    %scan3A_3 = arith.addi %scan3A_1, %scan3A_2 : i32
    %scan3A_4 = arith.constant 1 : i32
    scf.for %scan3A_6 = %scan3A_1 to %scan3A_3 step %scan3A_4  : i32 {
      %mul3A_7 = arith.constant 5 : i32
      %mul3A_8 = arith.muli %add3A, %mul3A_7 : i32
      %add3A_9 = arith.addi %mul3A_8, %scan3A_6 : i32
      %jit3A = arith.constant 4 : i32
      %div3A = arith.divsi %add3A_9, %jit3A : i32
      %sign3A = arith.constant 0 : i32
      %sign3A_10 = arith.cmpi sgt, %add3A_9, %sign3A : i32
      %sign3A_11 = arith.extui %sign3A_10 : i1 to i32
      %sign3A_12 = arith.constant 0 : i32
      %sign3A_13 = arith.cmpi slt, %add3A_9, %sign3A_12 : i32
      %sign3A_14 = arith.extui %sign3A_13 : i1 to i32
      %sign3A_15 = arith.subi %sign3A_11, %sign3A_14 : i32
      %sign3A_16 = arith.constant 0 : i32
      %sign3A_17 = arith.cmpi sgt, %jit3A, %sign3A_16 : i32
      %sign3A_18 = arith.extui %sign3A_17 : i1 to i32
      %sign3A_19 = arith.constant 0 : i32
      %sign3A_20 = arith.cmpi slt, %jit3A, %sign3A_19 : i32
      %sign3A_21 = arith.extui %sign3A_20 : i1 to i32
      %sign3A_22 = arith.subi %sign3A_18, %sign3A_21 : i32
      %ne3A = arith.cmpi ne, %sign3A_15, %sign3A_22 : i32
      %rem3A = arith.remsi %add3A_9, %jit3A : i32
      %ne3A_23 = arith.constant 0 : i32
      %ne3A_24 = arith.cmpi ne, %rem3A, %ne3A_23 : i32
      %and3A = arith.andi %ne3A, %ne3A_24 : i1
      %sub3A = arith.constant 1 : i32
      %sub3A_25 = arith.subi %div3A, %sub3A : i32
      %select_n3A = arith.select %and3A, %sub3A_25, %div3A : i32
      %jit3A_26 = arith.constant 4 : i32
      %eq3A = arith.constant 0 : i32
      %eq3A_27 = arith.cmpi eq, %jit3A_26, %eq3A : i32
      %jit3A_28 = arith.constant 1 : i32
      %select_n3A_29 = arith.select %eq3A_27, %jit3A_28, %jit3A_26 : i32
      %rem3A_30 = arith.remsi %add3A_9, %select_n3A_29 : i32
      %ne3A_31 = arith.constant 0 : i32
      %ne3A_32 = arith.cmpi ne, %rem3A_30, %ne3A_31 : i32
      %lt3A = arith.constant 0 : i32
      %lt3A_33 = arith.cmpi slt, %rem3A_30, %lt3A : i32
      %lt3A_34 = arith.constant 0 : i32
      %lt3A_35 = arith.cmpi slt, %select_n3A_29, %lt3A_34 : i32
      %ne3A_36 = arith.xori %lt3A_33, %lt3A_35 : i1
      %and3A_37 = arith.andi %ne3A_36, %ne3A_32 : i1
      %add3A_38 = arith.addi %rem3A_30, %select_n3A_29 : i32
      %select_n3A_39 = arith.select %and3A_37, %add3A_38, %rem3A_30 : i32
      %mul3A_40 = arith.constant 1024 : i32
      %mul3A_41 = arith.muli %select_n3A_39, %mul3A_40 : i32
      "tpu.region"() ({
        %run_scoped3A = tpu.sem_alloc : memref<!tpu.dma_semaphore, #tpu.memory_space<semaphore_mem>>
        %dma_start3A_215 = tpu.memref_slice %arg3[%select_n3A, %mul3A_41] : memref<40x4096xi32, #tpu.memory_space<hbm>> -> memref<1x1024xi32, #tpu.memory_space<hbm>>
        %dma_start3A_216 = tpu.memref_squeeze %dma_start3A_215 : memref<1x1024xi32, #tpu.memory_space<hbm>> -> memref<1024xi32, #tpu.memory_space<hbm>>
        %dma_start3A_217 = tpu.memref_slice %arg3[%select_n3A, %mul3A_41] : memref<40x4096xi32, #tpu.memory_space<hbm>> -> memref<1x1024xi32, #tpu.memory_space<hbm>>
        %dma_start3A_218 = tpu.memref_squeeze %dma_start3A_217 : memref<1x1024xi32, #tpu.memory_space<hbm>> -> memref<1024xi32, #tpu.memory_space<hbm>>
        tpu.enqueue_dma source(%dma_start3A_218 : memref<1024xi32, #tpu.memory_space<hbm>>) target(%arg5 : memref<1024xi32, #tpu.memory_space<vmem>>) target_semaphore(%run_scoped3A : memref<!tpu.dma_semaphore, #tpu.memory_space<semaphore_mem>>)
        %dma_wait3A_219 = tpu.memref_slice %arg3[%select_n3A, %mul3A_41] : memref<40x4096xi32, #tpu.memory_space<hbm>> -> memref<1x1024xi32, #tpu.memory_space<hbm>>
        %dma_wait3A_220 = tpu.memref_squeeze %dma_wait3A_219 : memref<1x1024xi32, #tpu.memory_space<hbm>> -> memref<1024xi32, #tpu.memory_space<hbm>>
        %dma_wait3A_221 = tpu.memref_slice %arg3[%select_n3A, %mul3A_41] : memref<40x4096xi32, #tpu.memory_space<hbm>> -> memref<1x1024xi32, #tpu.memory_space<hbm>>
        %dma_wait3A_222 = tpu.memref_squeeze %dma_wait3A_221 : memref<1x1024xi32, #tpu.memory_space<hbm>> -> memref<1024xi32, #tpu.memory_space<hbm>>
        tpu.wait_dma2 semaphore(%run_scoped3A : memref<!tpu.dma_semaphore, #tpu.memory_space<semaphore_mem>>) src(%dma_wait3A_222 : memref<1024xi32, #tpu.memory_space<hbm>>) dst(%arg5 : memref<1024xi32, #tpu.memory_space<vmem>>)
        tpu.yield
      }) : () -> ()
      %dma_start3A = arith.constant 0 : i32
      %dma_start3A_42 = arith.constant 0 : i32
      %dma_start3A_43 = tpu.memref_slice %arg6[%dma_start3A, %dma_start3A_42] : memref<1024x64xbf16, #tpu.memory_space<vmem>> -> memref<128x64xbf16, #tpu.memory_space<vmem>>
      %dma_start3A_44 = arith.constant 0 : i32
      %dma_start3A_45 = tpu.memref_slice %arg5[%dma_start3A_44] : memref<1024xi32, #tpu.memory_space<vmem>> -> memref<128xi32, #tpu.memory_space<vmem>>
      %dma_start3A_46 = arith.constant 0 : i32
      %dma_start3A_47 = arith.constant 0 : i32
      %dma_start3A_48 = tpu.memref_slice %arg2[%dma_start3A_46, %dma_start3A_47] : memref<1007616x64xbf16, #tpu.memory_space<hbm>> -> memref<1007616x64xbf16, #tpu.memory_space<hbm>>
      tpu.enqueue_indirect_dma source(%dma_start3A_48 : memref<1007616x64xbf16, #tpu.memory_space<hbm>>) target(%dma_start3A_43 : memref<128x64xbf16, #tpu.memory_space<vmem>>) offsets(%dma_start3A_45 : memref<128xi32, #tpu.memory_space<vmem>>) semaphore(%arg7 : memref<!tpu.dma_semaphore, #tpu.memory_space<semaphore_mem>>)
      %dma_start3A_49 = arith.constant 128 : i32
      %dma_start3A_50 = arith.constant 0 : i32
      %dma_start3A_51 = tpu.memref_slice %arg6[%dma_start3A_49, %dma_start3A_50] : memref<1024x64xbf16, #tpu.memory_space<vmem>> -> memref<128x64xbf16, #tpu.memory_space<vmem>>
      %dma_start3A_52 = arith.constant 128 : i32
      %dma_start3A_53 = tpu.memref_slice %arg5[%dma_start3A_52] : memref<1024xi32, #tpu.memory_space<vmem>> -> memref<128xi32, #tpu.memory_space<vmem>>
      %dma_start3A_54 = arith.constant 0 : i32
      %dma_start3A_55 = arith.constant 0 : i32
      %dma_start3A_56 = tpu.memref_slice %arg2[%dma_start3A_54, %dma_start3A_55] : memref<1007616x64xbf16, #tpu.memory_space<hbm>> -> memref<1007616x64xbf16, #tpu.memory_space<hbm>>
      tpu.enqueue_indirect_dma source(%dma_start3A_56 : memref<1007616x64xbf16, #tpu.memory_space<hbm>>) target(%dma_start3A_51 : memref<128x64xbf16, #tpu.memory_space<vmem>>) offsets(%dma_start3A_53 : memref<128xi32, #tpu.memory_space<vmem>>) semaphore(%arg7 : memref<!tpu.dma_semaphore, #tpu.memory_space<semaphore_mem>>)
      %dma_start3A_57 = arith.constant 256 : i32
      %dma_start3A_58 = arith.constant 0 : i32
      %dma_start3A_59 = tpu.memref_slice %arg6[%dma_start3A_57, %dma_start3A_58] : memref<1024x64xbf16, #tpu.memory_space<vmem>> -> memref<128x64xbf16, #tpu.memory_space<vmem>>
      %dma_start3A_60 = arith.constant 256 : i32
      %dma_start3A_61 = tpu.memref_slice %arg5[%dma_start3A_60] : memref<1024xi32, #tpu.memory_space<vmem>> -> memref<128xi32, #tpu.memory_space<vmem>>
      %dma_start3A_62 = arith.constant 0 : i32
      %dma_start3A_63 = arith.constant 0 : i32
      %dma_start3A_64 = tpu.memref_slice %arg2[%dma_start3A_62, %dma_start3A_63] : memref<1007616x64xbf16, #tpu.memory_space<hbm>> -> memref<1007616x64xbf16, #tpu.memory_space<hbm>>
      tpu.enqueue_indirect_dma source(%dma_start3A_64 : memref<1007616x64xbf16, #tpu.memory_space<hbm>>) target(%dma_start3A_59 : memref<128x64xbf16, #tpu.memory_space<vmem>>) offsets(%dma_start3A_61 : memref<128xi32, #tpu.memory_space<vmem>>) semaphore(%arg7 : memref<!tpu.dma_semaphore, #tpu.memory_space<semaphore_mem>>)
      %dma_start3A_65 = arith.constant 384 : i32
      %dma_start3A_66 = arith.constant 0 : i32
      %dma_start3A_67 = tpu.memref_slice %arg6[%dma_start3A_65, %dma_start3A_66] : memref<1024x64xbf16, #tpu.memory_space<vmem>> -> memref<128x64xbf16, #tpu.memory_space<vmem>>
      %dma_start3A_68 = arith.constant 384 : i32
      %dma_start3A_69 = tpu.memref_slice %arg5[%dma_start3A_68] : memref<1024xi32, #tpu.memory_space<vmem>> -> memref<128xi32, #tpu.memory_space<vmem>>
      %dma_start3A_70 = arith.constant 0 : i32
      %dma_start3A_71 = arith.constant 0 : i32
      %dma_start3A_72 = tpu.memref_slice %arg2[%dma_start3A_70, %dma_start3A_71] : memref<1007616x64xbf16, #tpu.memory_space<hbm>> -> memref<1007616x64xbf16, #tpu.memory_space<hbm>>
      tpu.enqueue_indirect_dma source(%dma_start3A_72 : memref<1007616x64xbf16, #tpu.memory_space<hbm>>) target(%dma_start3A_67 : memref<128x64xbf16, #tpu.memory_space<vmem>>) offsets(%dma_start3A_69 : memref<128xi32, #tpu.memory_space<vmem>>) semaphore(%arg7 : memref<!tpu.dma_semaphore, #tpu.memory_space<semaphore_mem>>)
      %dma_start3A_73 = arith.constant 512 : i32
      %dma_start3A_74 = arith.constant 0 : i32
      %dma_start3A_75 = tpu.memref_slice %arg6[%dma_start3A_73, %dma_start3A_74] : memref<1024x64xbf16, #tpu.memory_space<vmem>> -> memref<128x64xbf16, #tpu.memory_space<vmem>>
      %dma_start3A_76 = arith.constant 512 : i32
      %dma_start3A_77 = tpu.memref_slice %arg5[%dma_start3A_76] : memref<1024xi32, #tpu.memory_space<vmem>> -> memref<128xi32, #tpu.memory_space<vmem>>
      %dma_start3A_78 = arith.constant 0 : i32
      %dma_start3A_79 = arith.constant 0 : i32
      %dma_start3A_80 = tpu.memref_slice %arg2[%dma_start3A_78, %dma_start3A_79] : memref<1007616x64xbf16, #tpu.memory_space<hbm>> -> memref<1007616x64xbf16, #tpu.memory_space<hbm>>
      tpu.enqueue_indirect_dma source(%dma_start3A_80 : memref<1007616x64xbf16, #tpu.memory_space<hbm>>) target(%dma_start3A_75 : memref<128x64xbf16, #tpu.memory_space<vmem>>) offsets(%dma_start3A_77 : memref<128xi32, #tpu.memory_space<vmem>>) semaphore(%arg7 : memref<!tpu.dma_semaphore, #tpu.memory_space<semaphore_mem>>)
      %dma_start3A_81 = arith.constant 640 : i32
      %dma_start3A_82 = arith.constant 0 : i32
      %dma_start3A_83 = tpu.memref_slice %arg6[%dma_start3A_81, %dma_start3A_82] : memref<1024x64xbf16, #tpu.memory_space<vmem>> -> memref<128x64xbf16, #tpu.memory_space<vmem>>
      %dma_start3A_84 = arith.constant 640 : i32
      %dma_start3A_85 = tpu.memref_slice %arg5[%dma_start3A_84] : memref<1024xi32, #tpu.memory_space<vmem>> -> memref<128xi32, #tpu.memory_space<vmem>>
      %dma_start3A_86 = arith.constant 0 : i32
      %dma_start3A_87 = arith.constant 0 : i32
      %dma_start3A_88 = tpu.memref_slice %arg2[%dma_start3A_86, %dma_start3A_87] : memref<1007616x64xbf16, #tpu.memory_space<hbm>> -> memref<1007616x64xbf16, #tpu.memory_space<hbm>>
      tpu.enqueue_indirect_dma source(%dma_start3A_88 : memref<1007616x64xbf16, #tpu.memory_space<hbm>>) target(%dma_start3A_83 : memref<128x64xbf16, #tpu.memory_space<vmem>>) offsets(%dma_start3A_85 : memref<128xi32, #tpu.memory_space<vmem>>) semaphore(%arg7 : memref<!tpu.dma_semaphore, #tpu.memory_space<semaphore_mem>>)
      %dma_start3A_89 = arith.constant 768 : i32
      %dma_start3A_90 = arith.constant 0 : i32
      %dma_start3A_91 = tpu.memref_slice %arg6[%dma_start3A_89, %dma_start3A_90] : memref<1024x64xbf16, #tpu.memory_space<vmem>> -> memref<128x64xbf16, #tpu.memory_space<vmem>>
      %dma_start3A_92 = arith.constant 768 : i32
      %dma_start3A_93 = tpu.memref_slice %arg5[%dma_start3A_92] : memref<1024xi32, #tpu.memory_space<vmem>> -> memref<128xi32, #tpu.memory_space<vmem>>
      %dma_start3A_94 = arith.constant 0 : i32
      %dma_start3A_95 = arith.constant 0 : i32
      %dma_start3A_96 = tpu.memref_slice %arg2[%dma_start3A_94, %dma_start3A_95] : memref<1007616x64xbf16, #tpu.memory_space<hbm>> -> memref<1007616x64xbf16, #tpu.memory_space<hbm>>
      tpu.enqueue_indirect_dma source(%dma_start3A_96 : memref<1007616x64xbf16, #tpu.memory_space<hbm>>) target(%dma_start3A_91 : memref<128x64xbf16, #tpu.memory_space<vmem>>) offsets(%dma_start3A_93 : memref<128xi32, #tpu.memory_space<vmem>>) semaphore(%arg7 : memref<!tpu.dma_semaphore, #tpu.memory_space<semaphore_mem>>)
      %dma_start3A_97 = arith.constant 896 : i32
      %dma_start3A_98 = arith.constant 0 : i32
      %dma_start3A_99 = tpu.memref_slice %arg6[%dma_start3A_97, %dma_start3A_98] : memref<1024x64xbf16, #tpu.memory_space<vmem>> -> memref<128x64xbf16, #tpu.memory_space<vmem>>
      %dma_start3A_100 = arith.constant 896 : i32
      %dma_start3A_101 = tpu.memref_slice %arg5[%dma_start3A_100] : memref<1024xi32, #tpu.memory_space<vmem>> -> memref<128xi32, #tpu.memory_space<vmem>>
      %dma_start3A_102 = arith.constant 0 : i32
      %dma_start3A_103 = arith.constant 0 : i32
      %dma_start3A_104 = tpu.memref_slice %arg2[%dma_start3A_102, %dma_start3A_103] : memref<1007616x64xbf16, #tpu.memory_space<hbm>> -> memref<1007616x64xbf16, #tpu.memory_space<hbm>>
      tpu.enqueue_indirect_dma source(%dma_start3A_104 : memref<1007616x64xbf16, #tpu.memory_space<hbm>>) target(%dma_start3A_99 : memref<128x64xbf16, #tpu.memory_space<vmem>>) offsets(%dma_start3A_101 : memref<128xi32, #tpu.memory_space<vmem>>) semaphore(%arg7 : memref<!tpu.dma_semaphore, #tpu.memory_space<semaphore_mem>>)
      %dma_wait3A = arith.constant 0 : i32
      %dma_wait3A_105 = arith.constant 0 : i32
      %dma_wait3A_106 = tpu.memref_slice %arg6[%dma_wait3A, %dma_wait3A_105] : memref<1024x64xbf16, #tpu.memory_space<vmem>> -> memref<128x64xbf16, #tpu.memory_space<vmem>>
      %dma_wait3A_107 = arith.constant 0 : i32
      %dma_wait3A_108 = tpu.memref_slice %arg5[%dma_wait3A_107] : memref<1024xi32, #tpu.memory_space<vmem>> -> memref<128xi32, #tpu.memory_space<vmem>>
      %dma_wait3A_109 = arith.constant 0 : i32
      %dma_wait3A_110 = arith.constant 0 : i32
      %dma_wait3A_111 = tpu.memref_slice %arg2[%dma_wait3A_109, %dma_wait3A_110] : memref<1007616x64xbf16, #tpu.memory_space<hbm>> -> memref<1007616x64xbf16, #tpu.memory_space<hbm>>
      tpu.wait_indirect_dma semaphore(%arg7 : memref<!tpu.dma_semaphore, #tpu.memory_space<semaphore_mem>>) src(%dma_wait3A_111 : memref<1007616x64xbf16, #tpu.memory_space<hbm>>) dst(%dma_wait3A_106 : memref<128x64xbf16, #tpu.memory_space<vmem>>)
      %dma_wait3A_112 = arith.constant 128 : i32
      %dma_wait3A_113 = arith.constant 0 : i32
      %dma_wait3A_114 = tpu.memref_slice %arg6[%dma_wait3A_112, %dma_wait3A_113] : memref<1024x64xbf16, #tpu.memory_space<vmem>> -> memref<128x64xbf16, #tpu.memory_space<vmem>>
      %dma_wait3A_115 = arith.constant 128 : i32
      %dma_wait3A_116 = tpu.memref_slice %arg5[%dma_wait3A_115] : memref<1024xi32, #tpu.memory_space<vmem>> -> memref<128xi32, #tpu.memory_space<vmem>>
      %dma_wait3A_117 = arith.constant 0 : i32
      %dma_wait3A_118 = arith.constant 0 : i32
      %dma_wait3A_119 = tpu.memref_slice %arg2[%dma_wait3A_117, %dma_wait3A_118] : memref<1007616x64xbf16, #tpu.memory_space<hbm>> -> memref<1007616x64xbf16, #tpu.memory_space<hbm>>
      tpu.wait_indirect_dma semaphore(%arg7 : memref<!tpu.dma_semaphore, #tpu.memory_space<semaphore_mem>>) src(%dma_wait3A_119 : memref<1007616x64xbf16, #tpu.memory_space<hbm>>) dst(%dma_wait3A_114 : memref<128x64xbf16, #tpu.memory_space<vmem>>)
      %dma_wait3A_120 = arith.constant 256 : i32
      %dma_wait3A_121 = arith.constant 0 : i32
      %dma_wait3A_122 = tpu.memref_slice %arg6[%dma_wait3A_120, %dma_wait3A_121] : memref<1024x64xbf16, #tpu.memory_space<vmem>> -> memref<128x64xbf16, #tpu.memory_space<vmem>>
      %dma_wait3A_123 = arith.constant 256 : i32
      %dma_wait3A_124 = tpu.memref_slice %arg5[%dma_wait3A_123] : memref<1024xi32, #tpu.memory_space<vmem>> -> memref<128xi32, #tpu.memory_space<vmem>>
      %dma_wait3A_125 = arith.constant 0 : i32
      %dma_wait3A_126 = arith.constant 0 : i32
      %dma_wait3A_127 = tpu.memref_slice %arg2[%dma_wait3A_125, %dma_wait3A_126] : memref<1007616x64xbf16, #tpu.memory_space<hbm>> -> memref<1007616x64xbf16, #tpu.memory_space<hbm>>
      tpu.wait_indirect_dma semaphore(%arg7 : memref<!tpu.dma_semaphore, #tpu.memory_space<semaphore_mem>>) src(%dma_wait3A_127 : memref<1007616x64xbf16, #tpu.memory_space<hbm>>) dst(%dma_wait3A_122 : memref<128x64xbf16, #tpu.memory_space<vmem>>)
      %dma_wait3A_128 = arith.constant 384 : i32
      %dma_wait3A_129 = arith.constant 0 : i32
      %dma_wait3A_130 = tpu.memref_slice %arg6[%dma_wait3A_128, %dma_wait3A_129] : memref<1024x64xbf16, #tpu.memory_space<vmem>> -> memref<128x64xbf16, #tpu.memory_space<vmem>>
      %dma_wait3A_131 = arith.constant 384 : i32
      %dma_wait3A_132 = tpu.memref_slice %arg5[%dma_wait3A_131] : memref<1024xi32, #tpu.memory_space<vmem>> -> memref<128xi32, #tpu.memory_space<vmem>>
      %dma_wait3A_133 = arith.constant 0 : i32
      %dma_wait3A_134 = arith.constant 0 : i32
      %dma_wait3A_135 = tpu.memref_slice %arg2[%dma_wait3A_133, %dma_wait3A_134] : memref<1007616x64xbf16, #tpu.memory_space<hbm>> -> memref<1007616x64xbf16, #tpu.memory_space<hbm>>
      tpu.wait_indirect_dma semaphore(%arg7 : memref<!tpu.dma_semaphore, #tpu.memory_space<semaphore_mem>>) src(%dma_wait3A_135 : memref<1007616x64xbf16, #tpu.memory_space<hbm>>) dst(%dma_wait3A_130 : memref<128x64xbf16, #tpu.memory_space<vmem>>)
      %dma_wait3A_136 = arith.constant 512 : i32
      %dma_wait3A_137 = arith.constant 0 : i32
      %dma_wait3A_138 = tpu.memref_slice %arg6[%dma_wait3A_136, %dma_wait3A_137] : memref<1024x64xbf16, #tpu.memory_space<vmem>> -> memref<128x64xbf16, #tpu.memory_space<vmem>>
      %dma_wait3A_139 = arith.constant 512 : i32
      %dma_wait3A_140 = tpu.memref_slice %arg5[%dma_wait3A_139] : memref<1024xi32, #tpu.memory_space<vmem>> -> memref<128xi32, #tpu.memory_space<vmem>>
      %dma_wait3A_141 = arith.constant 0 : i32
      %dma_wait3A_142 = arith.constant 0 : i32
      %dma_wait3A_143 = tpu.memref_slice %arg2[%dma_wait3A_141, %dma_wait3A_142] : memref<1007616x64xbf16, #tpu.memory_space<hbm>> -> memref<1007616x64xbf16, #tpu.memory_space<hbm>>
      tpu.wait_indirect_dma semaphore(%arg7 : memref<!tpu.dma_semaphore, #tpu.memory_space<semaphore_mem>>) src(%dma_wait3A_143 : memref<1007616x64xbf16, #tpu.memory_space<hbm>>) dst(%dma_wait3A_138 : memref<128x64xbf16, #tpu.memory_space<vmem>>)
      %dma_wait3A_144 = arith.constant 640 : i32
      %dma_wait3A_145 = arith.constant 0 : i32
      %dma_wait3A_146 = tpu.memref_slice %arg6[%dma_wait3A_144, %dma_wait3A_145] : memref<1024x64xbf16, #tpu.memory_space<vmem>> -> memref<128x64xbf16, #tpu.memory_space<vmem>>
      %dma_wait3A_147 = arith.constant 640 : i32
      %dma_wait3A_148 = tpu.memref_slice %arg5[%dma_wait3A_147] : memref<1024xi32, #tpu.memory_space<vmem>> -> memref<128xi32, #tpu.memory_space<vmem>>
      %dma_wait3A_149 = arith.constant 0 : i32
      %dma_wait3A_150 = arith.constant 0 : i32
      %dma_wait3A_151 = tpu.memref_slice %arg2[%dma_wait3A_149, %dma_wait3A_150] : memref<1007616x64xbf16, #tpu.memory_space<hbm>> -> memref<1007616x64xbf16, #tpu.memory_space<hbm>>
      tpu.wait_indirect_dma semaphore(%arg7 : memref<!tpu.dma_semaphore, #tpu.memory_space<semaphore_mem>>) src(%dma_wait3A_151 : memref<1007616x64xbf16, #tpu.memory_space<hbm>>) dst(%dma_wait3A_146 : memref<128x64xbf16, #tpu.memory_space<vmem>>)
      %dma_wait3A_152 = arith.constant 768 : i32
      %dma_wait3A_153 = arith.constant 0 : i32
      %dma_wait3A_154 = tpu.memref_slice %arg6[%dma_wait3A_152, %dma_wait3A_153] : memref<1024x64xbf16, #tpu.memory_space<vmem>> -> memref<128x64xbf16, #tpu.memory_space<vmem>>
      %dma_wait3A_155 = arith.constant 768 : i32
      %dma_wait3A_156 = tpu.memref_slice %arg5[%dma_wait3A_155] : memref<1024xi32, #tpu.memory_space<vmem>> -> memref<128xi32, #tpu.memory_space<vmem>>
      %dma_wait3A_157 = arith.constant 0 : i32
      %dma_wait3A_158 = arith.constant 0 : i32
      %dma_wait3A_159 = tpu.memref_slice %arg2[%dma_wait3A_157, %dma_wait3A_158] : memref<1007616x64xbf16, #tpu.memory_space<hbm>> -> memref<1007616x64xbf16, #tpu.memory_space<hbm>>
      tpu.wait_indirect_dma semaphore(%arg7 : memref<!tpu.dma_semaphore, #tpu.memory_space<semaphore_mem>>) src(%dma_wait3A_159 : memref<1007616x64xbf16, #tpu.memory_space<hbm>>) dst(%dma_wait3A_154 : memref<128x64xbf16, #tpu.memory_space<vmem>>)
      %dma_wait3A_160 = arith.constant 896 : i32
      %dma_wait3A_161 = arith.constant 0 : i32
      %dma_wait3A_162 = tpu.memref_slice %arg6[%dma_wait3A_160, %dma_wait3A_161] : memref<1024x64xbf16, #tpu.memory_space<vmem>> -> memref<128x64xbf16, #tpu.memory_space<vmem>>
      %dma_wait3A_163 = arith.constant 896 : i32
      %dma_wait3A_164 = tpu.memref_slice %arg5[%dma_wait3A_163] : memref<1024xi32, #tpu.memory_space<vmem>> -> memref<128xi32, #tpu.memory_space<vmem>>
      %dma_wait3A_165 = arith.constant 0 : i32
      %dma_wait3A_166 = arith.constant 0 : i32
      %dma_wait3A_167 = tpu.memref_slice %arg2[%dma_wait3A_165, %dma_wait3A_166] : memref<1007616x64xbf16, #tpu.memory_space<hbm>> -> memref<1007616x64xbf16, #tpu.memory_space<hbm>>
      tpu.wait_indirect_dma semaphore(%arg7 : memref<!tpu.dma_semaphore, #tpu.memory_space<semaphore_mem>>) src(%dma_wait3A_167 : memref<1007616x64xbf16, #tpu.memory_space<hbm>>) dst(%dma_wait3A_162 : memref<128x64xbf16, #tpu.memory_space<vmem>>)
      %jit3A_168 = arith.constant 2 : i32
      %div3A_169 = arith.divsi %select_n3A_39, %jit3A_168 : i32
      %sign3A_170 = arith.constant 0 : i32
      %sign3A_171 = arith.cmpi sgt, %select_n3A_39, %sign3A_170 : i32
      %sign3A_172 = arith.extui %sign3A_171 : i1 to i32
      %sign3A_173 = arith.constant 0 : i32
      %sign3A_174 = arith.cmpi slt, %select_n3A_39, %sign3A_173 : i32
      %sign3A_175 = arith.extui %sign3A_174 : i1 to i32
      %sign3A_176 = arith.subi %sign3A_172, %sign3A_175 : i32
      %sign3A_177 = arith.constant 0 : i32
      %sign3A_178 = arith.cmpi sgt, %jit3A_168, %sign3A_177 : i32
      %sign3A_179 = arith.extui %sign3A_178 : i1 to i32
      %sign3A_180 = arith.constant 0 : i32
      %sign3A_181 = arith.cmpi slt, %jit3A_168, %sign3A_180 : i32
      %sign3A_182 = arith.extui %sign3A_181 : i1 to i32
      %sign3A_183 = arith.subi %sign3A_179, %sign3A_182 : i32
      %ne3A_184 = arith.cmpi ne, %sign3A_176, %sign3A_183 : i32
      %rem3A_185 = arith.remsi %select_n3A_39, %jit3A_168 : i32
      %ne3A_186 = arith.constant 0 : i32
      %ne3A_187 = arith.cmpi ne, %rem3A_185, %ne3A_186 : i32
      %and3A_188 = arith.andi %ne3A_184, %ne3A_187 : i1
      %sub3A_189 = arith.constant 1 : i32
      %sub3A_190 = arith.subi %div3A_169, %sub3A_189 : i32
      %select_n3A_191 = arith.select %and3A_188, %sub3A_190, %div3A_169 : i32
      %mul3A_192 = arith.constant 2048 : i32
      %mul3A_193 = arith.muli %select_n3A, %mul3A_192 : i32
      %jit3A_194 = arith.constant 2 : i32
      %eq3A_195 = arith.constant 0 : i32
      %eq3A_196 = arith.cmpi eq, %jit3A_194, %eq3A_195 : i32
      %jit3A_197 = arith.constant 1 : i32
      %select_n3A_198 = arith.select %eq3A_196, %jit3A_197, %jit3A_194 : i32
      %rem3A_199 = arith.remsi %select_n3A_39, %select_n3A_198 : i32
      %ne3A_200 = arith.constant 0 : i32
      %ne3A_201 = arith.cmpi ne, %rem3A_199, %ne3A_200 : i32
      %lt3A_202 = arith.constant 0 : i32
      %lt3A_203 = arith.cmpi slt, %rem3A_199, %lt3A_202 : i32
      %lt3A_204 = arith.constant 0 : i32
      %lt3A_205 = arith.cmpi slt, %select_n3A_198, %lt3A_204 : i32
      %ne3A_206 = arith.xori %lt3A_203, %lt3A_205 : i1
      %and3A_207 = arith.andi %ne3A_206, %ne3A_201 : i1
      %add3A_208 = arith.addi %rem3A_199, %select_n3A_198 : i32
      %select_n3A_209 = arith.select %and3A_207, %add3A_208, %rem3A_199 : i32
      %mul3A_210 = arith.constant 1024 : i32
      %mul3A_211 = arith.muli %select_n3A_209, %mul3A_210 : i32
      %add3A_212 = arith.addi %mul3A_193, %mul3A_211 : i32
      %mul3A_213 = arith.constant 64 : i32
      %mul3A_214 = arith.muli %select_n3A_191, %mul3A_213 : i32
      "tpu.region"() ({
        %run_scoped3A = tpu.sem_alloc : memref<!tpu.dma_semaphore, #tpu.memory_space<semaphore_mem>>
        %dma_start3A_215 = tpu.memref_slice %arg4[%add3A_212, %mul3A_214] : memref<81920x128xbf16, #tpu.memory_space<hbm>> -> memref<1024x64xbf16, #tpu.memory_space<hbm>>
        %dma_start3A_216 = tpu.memref_slice %arg4[%add3A_212, %mul3A_214] : memref<81920x128xbf16, #tpu.memory_space<hbm>> -> memref<1024x64xbf16, #tpu.memory_space<hbm>>
        tpu.enqueue_dma source(%arg6 : memref<1024x64xbf16, #tpu.memory_space<vmem>>) target(%dma_start3A_216 : memref<1024x64xbf16, #tpu.memory_space<hbm>>) target_semaphore(%run_scoped3A : memref<!tpu.dma_semaphore, #tpu.memory_space<semaphore_mem>>)
        %dma_wait3A_217 = tpu.memref_slice %arg4[%add3A_212, %mul3A_214] : memref<81920x128xbf16, #tpu.memory_space<hbm>> -> memref<1024x64xbf16, #tpu.memory_space<hbm>>
        %dma_wait3A_218 = tpu.memref_slice %arg4[%add3A_212, %mul3A_214] : memref<81920x128xbf16, #tpu.memory_space<hbm>> -> memref<1024x64xbf16, #tpu.memory_space<hbm>>
        tpu.wait_dma2 semaphore(%run_scoped3A : memref<!tpu.dma_semaphore, #tpu.memory_space<semaphore_mem>>) src(%arg6 : memref<1024x64xbf16, #tpu.memory_space<vmem>>) dst(%dma_wait3A_218 : memref<1024x64xbf16, #tpu.memory_space<hbm>>)
        tpu.yield
      }) : () -> ()
    }
    %scan3A_5 = arith.constant 5 : i32
    return
  }
}

#map = affine_map<(d0, d1) -> (0, 0)>
module attributes {stable_mosaic.version = 14 : i64} {
  func.func @gather_kernel(%arg0: i32, %arg1: i32, %arg2: memref<1007616x64xbf16, #tpu.memory_space<hbm>>, %arg3: memref<40x4096xi32, #tpu.memory_space<hbm>>, %arg4: memref<81920x128xbf16, #tpu.memory_space<hbm>>, %arg5: memref<1024xi32, #tpu.memory_space<vmem>>, %arg6: memref<1024x64xbf16, #tpu.memory_space<vmem>>, %arg7: memref<!tpu.dma_semaphore, #tpu.memory_space<semaphore_mem>>) attributes {dimension_semantics = [#tpu.dimension_semantics<core_parallel>, #tpu.dimension_semantics<subcore_parallel>], iteration_bounds = array<i64: 2, 16>, scalar_prefetch = 0 : i64, scratch_operands = 3 : i64, tpu.core_type = #tpu.core_type<sc_vector_subcore>, window_params = [{transform_indices = #map}, {transform_indices = #map}, {transform_indices = #map}]} {
    %mul3A = arith.constant 2 : i32
    %mul3A_0 = arith.muli %arg1, %mul3A : i32
    %add3A = arith.addi %mul3A_0, %arg0 : i32
    %scan3A = arith.constant 0 : i32
    %scan3A_1 = arith.constant 0 : i32
    %scan3A_2 = arith.constant 5 : i32
    %scan3A_3 = arith.addi %scan3A_1, %scan3A_2 : i32
    %scan3A_4 = arith.constant 1 : i32
    scf.for %scan3A_6 = %scan3A_1 to %scan3A_3 step %scan3A_4  : i32 {
      %mul3A_7 = arith.constant 5 : i32
      %mul3A_8 = arith.muli %add3A, %mul3A_7 : i32
      %add3A_9 = arith.addi %mul3A_8, %scan3A_6 : i32
      %jit3A = arith.constant 4 : i32
      %div3A = arith.divsi %add3A_9, %jit3A : i32
      %sign3A = arith.constant 0 : i32
      %sign3A_10 = arith.cmpi sgt, %add3A_9, %sign3A : i32
      %sign3A_11 = arith.extui %sign3A_10 : i1 to i32
      %sign3A_12 = arith.constant 0 : i32
      %sign3A_13 = arith.cmpi slt, %add3A_9, %sign3A_12 : i32
      %sign3A_14 = arith.extui %sign3A_13 : i1 to i32
      %sign3A_15 = arith.subi %sign3A_11, %sign3A_14 : i32
      %sign3A_16 = arith.constant 0 : i32
      %sign3A_17 = arith.cmpi sgt, %jit3A, %sign3A_16 : i32
      %sign3A_18 = arith.extui %sign3A_17 : i1 to i32
      %sign3A_19 = arith.constant 0 : i32
      %sign3A_20 = arith.cmpi slt, %jit3A, %sign3A_19 : i32
      %sign3A_21 = arith.extui %sign3A_20 : i1 to i32
      %sign3A_22 = arith.subi %sign3A_18, %sign3A_21 : i32
      %ne3A = arith.cmpi ne, %sign3A_15, %sign3A_22 : i32
      %rem3A = arith.remsi %add3A_9, %jit3A : i32
      %ne3A_23 = arith.constant 0 : i32
      %ne3A_24 = arith.cmpi ne, %rem3A, %ne3A_23 : i32
      %and3A = arith.andi %ne3A, %ne3A_24 : i1
      %sub3A = arith.constant 1 : i32
      %sub3A_25 = arith.subi %div3A, %sub3A : i32
      %select_n3A = arith.select %and3A, %sub3A_25, %div3A : i32
      %jit3A_26 = arith.constant 4 : i32
      %eq3A = arith.constant 0 : i32
      %eq3A_27 = arith.cmpi eq, %jit3A_26, %eq3A : i32
      %jit3A_28 = arith.constant 1 : i32
      %select_n3A_29 = arith.select %eq3A_27, %jit3A_28, %jit3A_26 : i32
      %rem3A_30 = arith.remsi %add3A_9, %select_n3A_29 : i32
      %ne3A_31 = arith.constant 0 : i32
      %ne3A_32 = arith.cmpi ne, %rem3A_30, %ne3A_31 : i32
      %lt3A = arith.constant 0 : i32
      %lt3A_33 = arith.cmpi slt, %rem3A_30, %lt3A : i32
      %lt3A_34 = arith.constant 0 : i32
      %lt3A_35 = arith.cmpi slt, %select_n3A_29, %lt3A_34 : i32
      %ne3A_36 = arith.xori %lt3A_33, %lt3A_35 : i1
      %and3A_37 = arith.andi %ne3A_36, %ne3A_32 : i1
      %add3A_38 = arith.addi %rem3A_30, %select_n3A_29 : i32
      %select_n3A_39 = arith.select %and3A_37, %add3A_38, %rem3A_30 : i32
      %mul3A_40 = arith.constant 1024 : i32
      %mul3A_41 = arith.muli %select_n3A_39, %mul3A_40 : i32
      "tpu.region"() ({
        %run_scoped3A = tpu.sem_alloc : memref<!tpu.dma_semaphore, #tpu.memory_space<semaphore_mem>>
        %dma_start3A_215 = tpu.memref_slice %arg3[%select_n3A, %mul3A_41] : memref<40x4096xi32, #tpu.memory_space<hbm>> -> memref<1x1024xi32, #tpu.memory_space<hbm>>
        %dma_start3A_216 = tpu.memref_squeeze %dma_start3A_215 : memref<1x1024xi32, #tpu.memory_space<hbm>> -> memref<1024xi32, #tpu.memory_space<hbm>>
        %dma_start3A_217 = tpu.memref_slice %arg3[%select_n3A, %mul3A_41] : memref<40x4096xi32, #tpu.memory_space<hbm>> -> memref<1x1024xi32, #tpu.memory_space<hbm>>
        %dma_start3A_218 = tpu.memref_squeeze %dma_start3A_217 : memref<1x1024xi32, #tpu.memory_space<hbm>> -> memref<1024xi32, #tpu.memory_space<hbm>>
        tpu.enqueue_dma source(%dma_start3A_218 : memref<1024xi32, #tpu.memory_space<hbm>>) target(%arg5 : memref<1024xi32, #tpu.memory_space<vmem>>) target_semaphore(%run_scoped3A : memref<!tpu.dma_semaphore, #tpu.memory_space<semaphore_mem>>)
        %dma_wait3A_219 = tpu.memref_slice %arg3[%select_n3A, %mul3A_41] : memref<40x4096xi32, #tpu.memory_space<hbm>> -> memref<1x1024xi32, #tpu.memory_space<hbm>>
        %dma_wait3A_220 = tpu.memref_squeeze %dma_wait3A_219 : memref<1x1024xi32, #tpu.memory_space<hbm>> -> memref<1024xi32, #tpu.memory_space<hbm>>
        %dma_wait3A_221 = tpu.memref_slice %arg3[%select_n3A, %mul3A_41] : memref<40x4096xi32, #tpu.memory_space<hbm>> -> memref<1x1024xi32, #tpu.memory_space<hbm>>
        %dma_wait3A_222 = tpu.memref_squeeze %dma_wait3A_221 : memref<1x1024xi32, #tpu.memory_space<hbm>> -> memref<1024xi32, #tpu.memory_space<hbm>>
        tpu.wait_dma2 semaphore(%run_scoped3A : memref<!tpu.dma_semaphore, #tpu.memory_space<semaphore_mem>>) src(%dma_wait3A_222 : memref<1024xi32, #tpu.memory_space<hbm>>) dst(%arg5 : memref<1024xi32, #tpu.memory_space<vmem>>)
        tpu.yield
      }) : () -> ()
      %dma_start3A = arith.constant 0 : i32
      %dma_start3A_42 = arith.constant 0 : i32
      %dma_start3A_43 = tpu.memref_slice %arg6[%dma_start3A, %dma_start3A_42] : memref<1024x64xbf16, #tpu.memory_space<vmem>> -> memref<128x64xbf16, #tpu.memory_space<vmem>>
      %dma_start3A_44 = arith.constant 0 : i32
      %dma_start3A_45 = tpu.memref_slice %arg5[%dma_start3A_44] : memref<1024xi32, #tpu.memory_space<vmem>> -> memref<128xi32, #tpu.memory_space<vmem>>
      %dma_start3A_46 = arith.constant 0 : i32
      %dma_start3A_47 = arith.constant 0 : i32
      %dma_start3A_48 = tpu.memref_slice %arg2[%dma_start3A_46, %dma_start3A_47] : memref<1007616x64xbf16, #tpu.memory_space<hbm>> -> memref<1007616x64xbf16, #tpu.memory_space<hbm>>
      tpu.enqueue_indirect_dma source(%dma_start3A_48 : memref<1007616x64xbf16, #tpu.memory_space<hbm>>) target(%dma_start3A_43 : memref<128x64xbf16, #tpu.memory_space<vmem>>) offsets(%dma_start3A_45 : memref<128xi32, #tpu.memory_space<vmem>>) semaphore(%arg7 : memref<!tpu.dma_semaphore, #tpu.memory_space<semaphore_mem>>)
      %dma_start3A_49 = arith.constant 128 : i32
      %dma_start3A_50 = arith.constant 0 : i32
      %dma_start3A_51 = tpu.memref_slice %arg6[%dma_start3A_49, %dma_start3A_50] : memref<1024x64xbf16, #tpu.memory_space<vmem>> -> memref<128x64xbf16, #tpu.memory_space<vmem>>
      %dma_start3A_52 = arith.constant 128 : i32
      %dma_start3A_53 = tpu.memref_slice %arg5[%dma_start3A_52] : memref<1024xi32, #tpu.memory_space<vmem>> -> memref<128xi32, #tpu.memory_space<vmem>>
      %dma_start3A_54 = arith.constant 0 : i32
      %dma_start3A_55 = arith.constant 0 : i32
      %dma_start3A_56 = tpu.memref_slice %arg2[%dma_start3A_54, %dma_start3A_55] : memref<1007616x64xbf16, #tpu.memory_space<hbm>> -> memref<1007616x64xbf16, #tpu.memory_space<hbm>>
      tpu.enqueue_indirect_dma source(%dma_start3A_56 : memref<1007616x64xbf16, #tpu.memory_space<hbm>>) target(%dma_start3A_51 : memref<128x64xbf16, #tpu.memory_space<vmem>>) offsets(%dma_start3A_53 : memref<128xi32, #tpu.memory_space<vmem>>) semaphore(%arg7 : memref<!tpu.dma_semaphore, #tpu.memory_space<semaphore_mem>>)
      %dma_start3A_57 = arith.constant 256 : i32
      %dma_start3A_58 = arith.constant 0 : i32
      %dma_start3A_59 = tpu.memref_slice %arg6[%dma_start3A_57, %dma_start3A_58] : memref<1024x64xbf16, #tpu.memory_space<vmem>> -> memref<128x64xbf16, #tpu.memory_space<vmem>>
      %dma_start3A_60 = arith.constant 256 : i32
      %dma_start3A_61 = tpu.memref_slice %arg5[%dma_start3A_60] : memref<1024xi32, #tpu.memory_space<vmem>> -> memref<128xi32, #tpu.memory_space<vmem>>
      %dma_start3A_62 = arith.constant 0 : i32
      %dma_start3A_63 = arith.constant 0 : i32
      %dma_start3A_64 = tpu.memref_slice %arg2[%dma_start3A_62, %dma_start3A_63] : memref<1007616x64xbf16, #tpu.memory_space<hbm>> -> memref<1007616x64xbf16, #tpu.memory_space<hbm>>
      tpu.enqueue_indirect_dma source(%dma_start3A_64 : memref<1007616x64xbf16, #tpu.memory_space<hbm>>) target(%dma_start3A_59 : memref<128x64xbf16, #tpu.memory_space<vmem>>) offsets(%dma_start3A_61 : memref<128xi32, #tpu.memory_space<vmem>>) semaphore(%arg7 : memref<!tpu.dma_semaphore, #tpu.memory_space<semaphore_mem>>)
      %dma_start3A_65 = arith.constant 384 : i32
      %dma_start3A_66 = arith.constant 0 : i32
      %dma_start3A_67 = tpu.memref_slice %arg6[%dma_start3A_65, %dma_start3A_66] : memref<1024x64xbf16, #tpu.memory_space<vmem>> -> memref<128x64xbf16, #tpu.memory_space<vmem>>
      %dma_start3A_68 = arith.constant 384 : i32
      %dma_start3A_69 = tpu.memref_slice %arg5[%dma_start3A_68] : memref<1024xi32, #tpu.memory_space<vmem>> -> memref<128xi32, #tpu.memory_space<vmem>>
      %dma_start3A_70 = arith.constant 0 : i32
      %dma_start3A_71 = arith.constant 0 : i32
      %dma_start3A_72 = tpu.memref_slice %arg2[%dma_start3A_70, %dma_start3A_71] : memref<1007616x64xbf16, #tpu.memory_space<hbm>> -> memref<1007616x64xbf16, #tpu.memory_space<hbm>>
      tpu.enqueue_indirect_dma source(%dma_start3A_72 : memref<1007616x64xbf16, #tpu.memory_space<hbm>>) target(%dma_start3A_67 : memref<128x64xbf16, #tpu.memory_space<vmem>>) offsets(%dma_start3A_69 : memref<128xi32, #tpu.memory_space<vmem>>) semaphore(%arg7 : memref<!tpu.dma_semaphore, #tpu.memory_space<semaphore_mem>>)
      %dma_start3A_73 = arith.constant 512 : i32
      %dma_start3A_74 = arith.constant 0 : i32
      %dma_start3A_75 = tpu.memref_slice %arg6[%dma_start3A_73, %dma_start3A_74] : memref<1024x64xbf16, #tpu.memory_space<vmem>> -> memref<128x64xbf16, #tpu.memory_space<vmem>>
      %dma_start3A_76 = arith.constant 512 : i32
      %dma_start3A_77 = tpu.memref_slice %arg5[%dma_start3A_76] : memref<1024xi32, #tpu.memory_space<vmem>> -> memref<128xi32, #tpu.memory_space<vmem>>
      %dma_start3A_78 = arith.constant 0 : i32
      %dma_start3A_79 = arith.constant 0 : i32
      %dma_start3A_80 = tpu.memref_slice %arg2[%dma_start3A_78, %dma_start3A_79] : memref<1007616x64xbf16, #tpu.memory_space<hbm>> -> memref<1007616x64xbf16, #tpu.memory_space<hbm>>
      tpu.enqueue_indirect_dma source(%dma_start3A_80 : memref<1007616x64xbf16, #tpu.memory_space<hbm>>) target(%dma_start3A_75 : memref<128x64xbf16, #tpu.memory_space<vmem>>) offsets(%dma_start3A_77 : memref<128xi32, #tpu.memory_space<vmem>>) semaphore(%arg7 : memref<!tpu.dma_semaphore, #tpu.memory_space<semaphore_mem>>)
      %dma_start3A_81 = arith.constant 640 : i32
      %dma_start3A_82 = arith.constant 0 : i32
      %dma_start3A_83 = tpu.memref_slice %arg6[%dma_start3A_81, %dma_start3A_82] : memref<1024x64xbf16, #tpu.memory_space<vmem>> -> memref<128x64xbf16, #tpu.memory_space<vmem>>
      %dma_start3A_84 = arith.constant 640 : i32
      %dma_start3A_85 = tpu.memref_slice %arg5[%dma_start3A_84] : memref<1024xi32, #tpu.memory_space<vmem>> -> memref<128xi32, #tpu.memory_space<vmem>>
      %dma_start3A_86 = arith.constant 0 : i32
      %dma_start3A_87 = arith.constant 0 : i32
      %dma_start3A_88 = tpu.memref_slice %arg2[%dma_start3A_86, %dma_start3A_87] : memref<1007616x64xbf16, #tpu.memory_space<hbm>> -> memref<1007616x64xbf16, #tpu.memory_space<hbm>>
      tpu.enqueue_indirect_dma source(%dma_start3A_88 : memref<1007616x64xbf16, #tpu.memory_space<hbm>>) target(%dma_start3A_83 : memref<128x64xbf16, #tpu.memory_space<vmem>>) offsets(%dma_start3A_85 : memref<128xi32, #tpu.memory_space<vmem>>) semaphore(%arg7 : memref<!tpu.dma_semaphore, #tpu.memory_space<semaphore_mem>>)
      %dma_start3A_89 = arith.constant 768 : i32
      %dma_start3A_90 = arith.constant 0 : i32
      %dma_start3A_91 = tpu.memref_slice %arg6[%dma_start3A_89, %dma_start3A_90] : memref<1024x64xbf16, #tpu.memory_space<vmem>> -> memref<128x64xbf16, #tpu.memory_space<vmem>>
      %dma_start3A_92 = arith.constant 768 : i32
      %dma_start3A_93 = tpu.memref_slice %arg5[%dma_start3A_92] : memref<1024xi32, #tpu.memory_space<vmem>> -> memref<128xi32, #tpu.memory_space<vmem>>
      %dma_start3A_94 = arith.constant 0 : i32
      %dma_start3A_95 = arith.constant 0 : i32
      %dma_start3A_96 = tpu.memref_slice %arg2[%dma_start3A_94, %dma_start3A_95] : memref<1007616x64xbf16, #tpu.memory_space<hbm>> -> memref<1007616x64xbf16, #tpu.memory_space<hbm>>
      tpu.enqueue_indirect_dma source(%dma_start3A_96 : memref<1007616x64xbf16, #tpu.memory_space<hbm>>) target(%dma_start3A_91 : memref<128x64xbf16, #tpu.memory_space<vmem>>) offsets(%dma_start3A_93 : memref<128xi32, #tpu.memory_space<vmem>>) semaphore(%arg7 : memref<!tpu.dma_semaphore, #tpu.memory_space<semaphore_mem>>)
      %dma_start3A_97 = arith.constant 896 : i32
      %dma_start3A_98 = arith.constant 0 : i32
      %dma_start3A_99 = tpu.memref_slice %arg6[%dma_start3A_97, %dma_start3A_98] : memref<1024x64xbf16, #tpu.memory_space<vmem>> -> memref<128x64xbf16, #tpu.memory_space<vmem>>
      %dma_start3A_100 = arith.constant 896 : i32
      %dma_start3A_101 = tpu.memref_slice %arg5[%dma_start3A_100] : memref<1024xi32, #tpu.memory_space<vmem>> -> memref<128xi32, #tpu.memory_space<vmem>>
      %dma_start3A_102 = arith.constant 0 : i32
      %dma_start3A_103 = arith.constant 0 : i32
      %dma_start3A_104 = tpu.memref_slice %arg2[%dma_start3A_102, %dma_start3A_103] : memref<1007616x64xbf16, #tpu.memory_space<hbm>> -> memref<1007616x64xbf16, #tpu.memory_space<hbm>>
      tpu.enqueue_indirect_dma source(%dma_start3A_104 : memref<1007616x64xbf16, #tpu.memory_space<hbm>>) target(%dma_start3A_99 : memref<128x64xbf16, #tpu.memory_space<vmem>>) offsets(%dma_start3A_101 : memref<128xi32, #tpu.memory_space<vmem>>) semaphore(%arg7 : memref<!tpu.dma_semaphore, #tpu.memory_space<semaphore_mem>>)
      %dma_wait3A = arith.constant 0 : i32
      %dma_wait3A_105 = arith.constant 0 : i32
      %dma_wait3A_106 = tpu.memref_slice %arg6[%dma_wait3A, %dma_wait3A_105] : memref<1024x64xbf16, #tpu.memory_space<vmem>> -> memref<128x64xbf16, #tpu.memory_space<vmem>>
      %dma_wait3A_107 = arith.constant 0 : i32
      %dma_wait3A_108 = tpu.memref_slice %arg5[%dma_wait3A_107] : memref<1024xi32, #tpu.memory_space<vmem>> -> memref<128xi32, #tpu.memory_space<vmem>>
      %dma_wait3A_109 = arith.constant 0 : i32
      %dma_wait3A_110 = arith.constant 0 : i32
      %dma_wait3A_111 = tpu.memref_slice %arg2[%dma_wait3A_109, %dma_wait3A_110] : memref<1007616x64xbf16, #tpu.memory_space<hbm>> -> memref<1007616x64xbf16, #tpu.memory_space<hbm>>
      tpu.wait_indirect_dma semaphore(%arg7 : memref<!tpu.dma_semaphore, #tpu.memory_space<semaphore_mem>>) src(%dma_wait3A_111 : memref<1007616x64xbf16, #tpu.memory_space<hbm>>) dst(%dma_wait3A_106 : memref<128x64xbf16, #tpu.memory_space<vmem>>)
      %dma_wait3A_112 = arith.constant 128 : i32
      %dma_wait3A_113 = arith.constant 0 : i32
      %dma_wait3A_114 = tpu.memref_slice %arg6[%dma_wait3A_112, %dma_wait3A_113] : memref<1024x64xbf16, #tpu.memory_space<vmem>> -> memref<128x64xbf16, #tpu.memory_space<vmem>>
      %dma_wait3A_115 = arith.constant 128 : i32
      %dma_wait3A_116 = tpu.memref_slice %arg5[%dma_wait3A_115] : memref<1024xi32, #tpu.memory_space<vmem>> -> memref<128xi32, #tpu.memory_space<vmem>>
      %dma_wait3A_117 = arith.constant 0 : i32
      %dma_wait3A_118 = arith.constant 0 : i32
      %dma_wait3A_119 = tpu.memref_slice %arg2[%dma_wait3A_117, %dma_wait3A_118] : memref<1007616x64xbf16, #tpu.memory_space<hbm>> -> memref<1007616x64xbf16, #tpu.memory_space<hbm>>
      tpu.wait_indirect_dma semaphore(%arg7 : memref<!tpu.dma_semaphore, #tpu.memory_space<semaphore_mem>>) src(%dma_wait3A_119 : memref<1007616x64xbf16, #tpu.memory_space<hbm>>) dst(%dma_wait3A_114 : memref<128x64xbf16, #tpu.memory_space<vmem>>)
      %dma_wait3A_120 = arith.constant 256 : i32
      %dma_wait3A_121 = arith.constant 0 : i32
      %dma_wait3A_122 = tpu.memref_slice %arg6[%dma_wait3A_120, %dma_wait3A_121] : memref<1024x64xbf16, #tpu.memory_space<vmem>> -> memref<128x64xbf16, #tpu.memory_space<vmem>>
      %dma_wait3A_123 = arith.constant 256 : i32
      %dma_wait3A_124 = tpu.memref_slice %arg5[%dma_wait3A_123] : memref<1024xi32, #tpu.memory_space<vmem>> -> memref<128xi32, #tpu.memory_space<vmem>>
      %dma_wait3A_125 = arith.constant 0 : i32
      %dma_wait3A_126 = arith.constant 0 : i32
      %dma_wait3A_127 = tpu.memref_slice %arg2[%dma_wait3A_125, %dma_wait3A_126] : memref<1007616x64xbf16, #tpu.memory_space<hbm>> -> memref<1007616x64xbf16, #tpu.memory_space<hbm>>
      tpu.wait_indirect_dma semaphore(%arg7 : memref<!tpu.dma_semaphore, #tpu.memory_space<semaphore_mem>>) src(%dma_wait3A_127 : memref<1007616x64xbf16, #tpu.memory_space<hbm>>) dst(%dma_wait3A_122 : memref<128x64xbf16, #tpu.memory_space<vmem>>)
      %dma_wait3A_128 = arith.constant 384 : i32
      %dma_wait3A_129 = arith.constant 0 : i32
      %dma_wait3A_130 = tpu.memref_slice %arg6[%dma_wait3A_128, %dma_wait3A_129] : memref<1024x64xbf16, #tpu.memory_space<vmem>> -> memref<128x64xbf16, #tpu.memory_space<vmem>>
      %dma_wait3A_131 = arith.constant 384 : i32
      %dma_wait3A_132 = tpu.memref_slice %arg5[%dma_wait3A_131] : memref<1024xi32, #tpu.memory_space<vmem>> -> memref<128xi32, #tpu.memory_space<vmem>>
      %dma_wait3A_133 = arith.constant 0 : i32
      %dma_wait3A_134 = arith.constant 0 : i32
      %dma_wait3A_135 = tpu.memref_slice %arg2[%dma_wait3A_133, %dma_wait3A_134] : memref<1007616x64xbf16, #tpu.memory_space<hbm>> -> memref<1007616x64xbf16, #tpu.memory_space<hbm>>
      tpu.wait_indirect_dma semaphore(%arg7 : memref<!tpu.dma_semaphore, #tpu.memory_space<semaphore_mem>>) src(%dma_wait3A_135 : memref<1007616x64xbf16, #tpu.memory_space<hbm>>) dst(%dma_wait3A_130 : memref<128x64xbf16, #tpu.memory_space<vmem>>)
      %dma_wait3A_136 = arith.constant 512 : i32
      %dma_wait3A_137 = arith.constant 0 : i32
      %dma_wait3A_138 = tpu.memref_slice %arg6[%dma_wait3A_136, %dma_wait3A_137] : memref<1024x64xbf16, #tpu.memory_space<vmem>> -> memref<128x64xbf16, #tpu.memory_space<vmem>>
      %dma_wait3A_139 = arith.constant 512 : i32
      %dma_wait3A_140 = tpu.memref_slice %arg5[%dma_wait3A_139] : memref<1024xi32, #tpu.memory_space<vmem>> -> memref<128xi32, #tpu.memory_space<vmem>>
      %dma_wait3A_141 = arith.constant 0 : i32
      %dma_wait3A_142 = arith.constant 0 : i32
      %dma_wait3A_143 = tpu.memref_slice %arg2[%dma_wait3A_141, %dma_wait3A_142] : memref<1007616x64xbf16, #tpu.memory_space<hbm>> -> memref<1007616x64xbf16, #tpu.memory_space<hbm>>
      tpu.wait_indirect_dma semaphore(%arg7 : memref<!tpu.dma_semaphore, #tpu.memory_space<semaphore_mem>>) src(%dma_wait3A_143 : memref<1007616x64xbf16, #tpu.memory_space<hbm>>) dst(%dma_wait3A_138 : memref<128x64xbf16, #tpu.memory_space<vmem>>)
      %dma_wait3A_144 = arith.constant 640 : i32
      %dma_wait3A_145 = arith.constant 0 : i32
      %dma_wait3A_146 = tpu.memref_slice %arg6[%dma_wait3A_144, %dma_wait3A_145] : memref<1024x64xbf16, #tpu.memory_space<vmem>> -> memref<128x64xbf16, #tpu.memory_space<vmem>>
      %dma_wait3A_147 = arith.constant 640 : i32
      %dma_wait3A_148 = tpu.memref_slice %arg5[%dma_wait3A_147] : memref<1024xi32, #tpu.memory_space<vmem>> -> memref<128xi32, #tpu.memory_space<vmem>>
      %dma_wait3A_149 = arith.constant 0 : i32
      %dma_wait3A_150 = arith.constant 0 : i32
      %dma_wait3A_151 = tpu.memref_slice %arg2[%dma_wait3A_149, %dma_wait3A_150] : memref<1007616x64xbf16, #tpu.memory_space<hbm>> -> memref<1007616x64xbf16, #tpu.memory_space<hbm>>
      tpu.wait_indirect_dma semaphore(%arg7 : memref<!tpu.dma_semaphore, #tpu.memory_space<semaphore_mem>>) src(%dma_wait3A_151 : memref<1007616x64xbf16, #tpu.memory_space<hbm>>) dst(%dma_wait3A_146 : memref<128x64xbf16, #tpu.memory_space<vmem>>)
      %dma_wait3A_152 = arith.constant 768 : i32
      %dma_wait3A_153 = arith.constant 0 : i32
      %dma_wait3A_154 = tpu.memref_slice %arg6[%dma_wait3A_152, %dma_wait3A_153] : memref<1024x64xbf16, #tpu.memory_space<vmem>> -> memref<128x64xbf16, #tpu.memory_space<vmem>>
      %dma_wait3A_155 = arith.constant 768 : i32
      %dma_wait3A_156 = tpu.memref_slice %arg5[%dma_wait3A_155] : memref<1024xi32, #tpu.memory_space<vmem>> -> memref<128xi32, #tpu.memory_space<vmem>>
      %dma_wait3A_157 = arith.constant 0 : i32
      %dma_wait3A_158 = arith.constant 0 : i32
      %dma_wait3A_159 = tpu.memref_slice %arg2[%dma_wait3A_157, %dma_wait3A_158] : memref<1007616x64xbf16, #tpu.memory_space<hbm>> -> memref<1007616x64xbf16, #tpu.memory_space<hbm>>
      tpu.wait_indirect_dma semaphore(%arg7 : memref<!tpu.dma_semaphore, #tpu.memory_space<semaphore_mem>>) src(%dma_wait3A_159 : memref<1007616x64xbf16, #tpu.memory_space<hbm>>) dst(%dma_wait3A_154 : memref<128x64xbf16, #tpu.memory_space<vmem>>)
      %dma_wait3A_160 = arith.constant 896 : i32
      %dma_wait3A_161 = arith.constant 0 : i32
      %dma_wait3A_162 = tpu.memref_slice %arg6[%dma_wait3A_160, %dma_wait3A_161] : memref<1024x64xbf16, #tpu.memory_space<vmem>> -> memref<128x64xbf16, #tpu.memory_space<vmem>>
      %dma_wait3A_163 = arith.constant 896 : i32
      %dma_wait3A_164 = tpu.memref_slice %arg5[%dma_wait3A_163] : memref<1024xi32, #tpu.memory_space<vmem>> -> memref<128xi32, #tpu.memory_space<vmem>>
      %dma_wait3A_165 = arith.constant 0 : i32
      %dma_wait3A_166 = arith.constant 0 : i32
      %dma_wait3A_167 = tpu.memref_slice %arg2[%dma_wait3A_165, %dma_wait3A_166] : memref<1007616x64xbf16, #tpu.memory_space<hbm>> -> memref<1007616x64xbf16, #tpu.memory_space<hbm>>
      tpu.wait_indirect_dma semaphore(%arg7 : memref<!tpu.dma_semaphore, #tpu.memory_space<semaphore_mem>>) src(%dma_wait3A_167 : memref<1007616x64xbf16, #tpu.memory_space<hbm>>) dst(%dma_wait3A_162 : memref<128x64xbf16, #tpu.memory_space<vmem>>)
      %jit3A_168 = arith.constant 2 : i32
      %div3A_169 = arith.divsi %select_n3A_39, %jit3A_168 : i32
      %sign3A_170 = arith.constant 0 : i32
      %sign3A_171 = arith.cmpi sgt, %select_n3A_39, %sign3A_170 : i32
      %sign3A_172 = arith.extui %sign3A_171 : i1 to i32
      %sign3A_173 = arith.constant 0 : i32
      %sign3A_174 = arith.cmpi slt, %select_n3A_39, %sign3A_173 : i32
      %sign3A_175 = arith.extui %sign3A_174 : i1 to i32
      %sign3A_176 = arith.subi %sign3A_172, %sign3A_175 : i32
      %sign3A_177 = arith.constant 0 : i32
      %sign3A_178 = arith.cmpi sgt, %jit3A_168, %sign3A_177 : i32
      %sign3A_179 = arith.extui %sign3A_178 : i1 to i32
      %sign3A_180 = arith.constant 0 : i32
      %sign3A_181 = arith.cmpi slt, %jit3A_168, %sign3A_180 : i32
      %sign3A_182 = arith.extui %sign3A_181 : i1 to i32
      %sign3A_183 = arith.subi %sign3A_179, %sign3A_182 : i32
      %ne3A_184 = arith.cmpi ne, %sign3A_176, %sign3A_183 : i32
      %rem3A_185 = arith.remsi %select_n3A_39, %jit3A_168 : i32
      %ne3A_186 = arith.constant 0 : i32
      %ne3A_187 = arith.cmpi ne, %rem3A_185, %ne3A_186 : i32
      %and3A_188 = arith.andi %ne3A_184, %ne3A_187 : i1
      %sub3A_189 = arith.constant 1 : i32
      %sub3A_190 = arith.subi %div3A_169, %sub3A_189 : i32
      %select_n3A_191 = arith.select %and3A_188, %sub3A_190, %div3A_169 : i32
      %mul3A_192 = arith.constant 2048 : i32
      %mul3A_193 = arith.muli %select_n3A, %mul3A_192 : i32
      %jit3A_194 = arith.constant 2 : i32
      %eq3A_195 = arith.constant 0 : i32
      %eq3A_196 = arith.cmpi eq, %jit3A_194, %eq3A_195 : i32
      %jit3A_197 = arith.constant 1 : i32
      %select_n3A_198 = arith.select %eq3A_196, %jit3A_197, %jit3A_194 : i32
      %rem3A_199 = arith.remsi %select_n3A_39, %select_n3A_198 : i32
      %ne3A_200 = arith.constant 0 : i32
      %ne3A_201 = arith.cmpi ne, %rem3A_199, %ne3A_200 : i32
      %lt3A_202 = arith.constant 0 : i32
      %lt3A_203 = arith.cmpi slt, %rem3A_199, %lt3A_202 : i32
      %lt3A_204 = arith.constant 0 : i32
      %lt3A_205 = arith.cmpi slt, %select_n3A_198, %lt3A_204 : i32
      %ne3A_206 = arith.xori %lt3A_203, %lt3A_205 : i1
      %and3A_207 = arith.andi %ne3A_206, %ne3A_201 : i1
      %add3A_208 = arith.addi %rem3A_199, %select_n3A_198 : i32
      %select_n3A_209 = arith.select %and3A_207, %add3A_208, %rem3A_199 : i32
      %mul3A_210 = arith.constant 1024 : i32
      %mul3A_211 = arith.muli %select_n3A_209, %mul3A_210 : i32
      %add3A_212 = arith.addi %mul3A_193, %mul3A_211 : i32
      %mul3A_213 = arith.constant 64 : i32
      %mul3A_214 = arith.muli %select_n3A_191, %mul3A_213 : i32
      "tpu.region"() ({
        %run_scoped3A = tpu.sem_alloc : memref<!tpu.dma_semaphore, #tpu.memory_space<semaphore_mem>>
        %dma_start3A_215 = tpu.memref_slice %arg4[%add3A_212, %mul3A_214] : memref<81920x128xbf16, #tpu.memory_space<hbm>> -> memref<1024x64xbf16, #tpu.memory_space<hbm>>
        %dma_start3A_216 = tpu.memref_slice %arg4[%add3A_212, %mul3A_214] : memref<81920x128xbf16, #tpu.memory_space<hbm>> -> memref<1024x64xbf16, #tpu.memory_space<hbm>>
        tpu.enqueue_dma source(%arg6 : memref<1024x64xbf16, #tpu.memory_space<vmem>>) target(%dma_start3A_216 : memref<1024x64xbf16, #tpu.memory_space<hbm>>) target_semaphore(%run_scoped3A : memref<!tpu.dma_semaphore, #tpu.memory_space<semaphore_mem>>)
        %dma_wait3A_217 = tpu.memref_slice %arg4[%add3A_212, %mul3A_214] : memref<81920x128xbf16, #tpu.memory_space<hbm>> -> memref<1024x64xbf16, #tpu.memory_space<hbm>>
        %dma_wait3A_218 = tpu.memref_slice %arg4[%add3A_212, %mul3A_214] : memref<81920x128xbf16, #tpu.memory_space<hbm>> -> memref<1024x64xbf16, #tpu.memory_space<hbm>>
        tpu.wait_dma2 semaphore(%run_scoped3A : memref<!tpu.dma_semaphore, #tpu.memory_space<semaphore_mem>>) src(%arg6 : memref<1024x64xbf16, #tpu.memory_space<vmem>>) dst(%dma_wait3A_218 : memref<1024x64xbf16, #tpu.memory_space<hbm>>)
        tpu.yield
      }) : () -> ()
    }
    %scan3A_5 = arith.constant 5 : i32
    return
  }
}

#map = affine_map<(d0, d1) -> (0, 0)>
module attributes {stable_mosaic.version = 14 : i64} {
  func.func @gather_kernel(%arg0: i32, %arg1: i32, %arg2: memref<1007616x64xbf16, #tpu.memory_space<hbm>>, %arg3: memref<40x4096xi32, #tpu.memory_space<hbm>>, %arg4: memref<81920x128xbf16, #tpu.memory_space<hbm>>, %arg5: memref<1024xi32, #tpu.memory_space<vmem>>, %arg6: memref<1024x64xbf16, #tpu.memory_space<vmem>>, %arg7: memref<!tpu.dma_semaphore, #tpu.memory_space<semaphore_mem>>) attributes {dimension_semantics = [#tpu.dimension_semantics<core_parallel>, #tpu.dimension_semantics<subcore_parallel>], iteration_bounds = array<i64: 2, 16>, scalar_prefetch = 0 : i64, scratch_operands = 3 : i64, tpu.core_type = #tpu.core_type<sc_vector_subcore>, window_params = [{transform_indices = #map}, {transform_indices = #map}, {transform_indices = #map}]} {
    %mul3A = arith.constant 2 : i32
    %mul3A_0 = arith.muli %arg1, %mul3A : i32
    %add3A = arith.addi %mul3A_0, %arg0 : i32
    %scan3A = arith.constant 0 : i32
    %scan3A_1 = arith.constant 0 : i32
    %scan3A_2 = arith.constant 5 : i32
    %scan3A_3 = arith.addi %scan3A_1, %scan3A_2 : i32
    %scan3A_4 = arith.constant 1 : i32
    scf.for %scan3A_6 = %scan3A_1 to %scan3A_3 step %scan3A_4  : i32 {
      %mul3A_7 = arith.constant 5 : i32
      %mul3A_8 = arith.muli %add3A, %mul3A_7 : i32
      %add3A_9 = arith.addi %mul3A_8, %scan3A_6 : i32
      %jit3A = arith.constant 4 : i32
      %div3A = arith.divsi %add3A_9, %jit3A : i32
      %sign3A = arith.constant 0 : i32
      %sign3A_10 = arith.cmpi sgt, %add3A_9, %sign3A : i32
      %sign3A_11 = arith.extui %sign3A_10 : i1 to i32
      %sign3A_12 = arith.constant 0 : i32
      %sign3A_13 = arith.cmpi slt, %add3A_9, %sign3A_12 : i32
      %sign3A_14 = arith.extui %sign3A_13 : i1 to i32
      %sign3A_15 = arith.subi %sign3A_11, %sign3A_14 : i32
      %sign3A_16 = arith.constant 0 : i32
      %sign3A_17 = arith.cmpi sgt, %jit3A, %sign3A_16 : i32
      %sign3A_18 = arith.extui %sign3A_17 : i1 to i32
      %sign3A_19 = arith.constant 0 : i32
      %sign3A_20 = arith.cmpi slt, %jit3A, %sign3A_19 : i32
      %sign3A_21 = arith.extui %sign3A_20 : i1 to i32
      %sign3A_22 = arith.subi %sign3A_18, %sign3A_21 : i32
      %ne3A = arith.cmpi ne, %sign3A_15, %sign3A_22 : i32
      %rem3A = arith.remsi %add3A_9, %jit3A : i32
      %ne3A_23 = arith.constant 0 : i32
      %ne3A_24 = arith.cmpi ne, %rem3A, %ne3A_23 : i32
      %and3A = arith.andi %ne3A, %ne3A_24 : i1
      %sub3A = arith.constant 1 : i32
      %sub3A_25 = arith.subi %div3A, %sub3A : i32
      %select_n3A = arith.select %and3A, %sub3A_25, %div3A : i32
      %jit3A_26 = arith.constant 4 : i32
      %eq3A = arith.constant 0 : i32
      %eq3A_27 = arith.cmpi eq, %jit3A_26, %eq3A : i32
      %jit3A_28 = arith.constant 1 : i32
      %select_n3A_29 = arith.select %eq3A_27, %jit3A_28, %jit3A_26 : i32
      %rem3A_30 = arith.remsi %add3A_9, %select_n3A_29 : i32
      %ne3A_31 = arith.constant 0 : i32
      %ne3A_32 = arith.cmpi ne, %rem3A_30, %ne3A_31 : i32
      %lt3A = arith.constant 0 : i32
      %lt3A_33 = arith.cmpi slt, %rem3A_30, %lt3A : i32
      %lt3A_34 = arith.constant 0 : i32
      %lt3A_35 = arith.cmpi slt, %select_n3A_29, %lt3A_34 : i32
      %ne3A_36 = arith.xori %lt3A_33, %lt3A_35 : i1
      %and3A_37 = arith.andi %ne3A_36, %ne3A_32 : i1
      %add3A_38 = arith.addi %rem3A_30, %select_n3A_29 : i32
      %select_n3A_39 = arith.select %and3A_37, %add3A_38, %rem3A_30 : i32
      %mul3A_40 = arith.constant 1024 : i32
      %mul3A_41 = arith.muli %select_n3A_39, %mul3A_40 : i32
      "tpu.region"() ({
        %run_scoped3A = tpu.sem_alloc : memref<!tpu.dma_semaphore, #tpu.memory_space<semaphore_mem>>
        %dma_start3A_215 = tpu.memref_slice %arg3[%select_n3A, %mul3A_41] : memref<40x4096xi32, #tpu.memory_space<hbm>> -> memref<1x1024xi32, #tpu.memory_space<hbm>>
        %dma_start3A_216 = tpu.memref_squeeze %dma_start3A_215 : memref<1x1024xi32, #tpu.memory_space<hbm>> -> memref<1024xi32, #tpu.memory_space<hbm>>
        %dma_start3A_217 = tpu.memref_slice %arg3[%select_n3A, %mul3A_41] : memref<40x4096xi32, #tpu.memory_space<hbm>> -> memref<1x1024xi32, #tpu.memory_space<hbm>>
        %dma_start3A_218 = tpu.memref_squeeze %dma_start3A_217 : memref<1x1024xi32, #tpu.memory_space<hbm>> -> memref<1024xi32, #tpu.memory_space<hbm>>
        tpu.enqueue_dma source(%dma_start3A_218 : memref<1024xi32, #tpu.memory_space<hbm>>) target(%arg5 : memref<1024xi32, #tpu.memory_space<vmem>>) target_semaphore(%run_scoped3A : memref<!tpu.dma_semaphore, #tpu.memory_space<semaphore_mem>>)
        %dma_wait3A_219 = tpu.memref_slice %arg3[%select_n3A, %mul3A_41] : memref<40x4096xi32, #tpu.memory_space<hbm>> -> memref<1x1024xi32, #tpu.memory_space<hbm>>
        %dma_wait3A_220 = tpu.memref_squeeze %dma_wait3A_219 : memref<1x1024xi32, #tpu.memory_space<hbm>> -> memref<1024xi32, #tpu.memory_space<hbm>>
        %dma_wait3A_221 = tpu.memref_slice %arg3[%select_n3A, %mul3A_41] : memref<40x4096xi32, #tpu.memory_space<hbm>> -> memref<1x1024xi32, #tpu.memory_space<hbm>>
        %dma_wait3A_222 = tpu.memref_squeeze %dma_wait3A_221 : memref<1x1024xi32, #tpu.memory_space<hbm>> -> memref<1024xi32, #tpu.memory_space<hbm>>
        tpu.wait_dma2 semaphore(%run_scoped3A : memref<!tpu.dma_semaphore, #tpu.memory_space<semaphore_mem>>) src(%dma_wait3A_222 : memref<1024xi32, #tpu.memory_space<hbm>>) dst(%arg5 : memref<1024xi32, #tpu.memory_space<vmem>>)
        tpu.yield
      }) : () -> ()
      %dma_start3A = arith.constant 0 : i32
      %dma_start3A_42 = arith.constant 0 : i32
      %dma_start3A_43 = tpu.memref_slice %arg6[%dma_start3A, %dma_start3A_42] : memref<1024x64xbf16, #tpu.memory_space<vmem>> -> memref<128x64xbf16, #tpu.memory_space<vmem>>
      %dma_start3A_44 = arith.constant 0 : i32
      %dma_start3A_45 = tpu.memref_slice %arg5[%dma_start3A_44] : memref<1024xi32, #tpu.memory_space<vmem>> -> memref<128xi32, #tpu.memory_space<vmem>>
      %dma_start3A_46 = arith.constant 0 : i32
      %dma_start3A_47 = arith.constant 0 : i32
      %dma_start3A_48 = tpu.memref_slice %arg2[%dma_start3A_46, %dma_start3A_47] : memref<1007616x64xbf16, #tpu.memory_space<hbm>> -> memref<1007616x64xbf16, #tpu.memory_space<hbm>>
      tpu.enqueue_indirect_dma source(%dma_start3A_48 : memref<1007616x64xbf16, #tpu.memory_space<hbm>>) target(%dma_start3A_43 : memref<128x64xbf16, #tpu.memory_space<vmem>>) offsets(%dma_start3A_45 : memref<128xi32, #tpu.memory_space<vmem>>) semaphore(%arg7 : memref<!tpu.dma_semaphore, #tpu.memory_space<semaphore_mem>>)
      %dma_start3A_49 = arith.constant 128 : i32
      %dma_start3A_50 = arith.constant 0 : i32
      %dma_start3A_51 = tpu.memref_slice %arg6[%dma_start3A_49, %dma_start3A_50] : memref<1024x64xbf16, #tpu.memory_space<vmem>> -> memref<128x64xbf16, #tpu.memory_space<vmem>>
      %dma_start3A_52 = arith.constant 128 : i32
      %dma_start3A_53 = tpu.memref_slice %arg5[%dma_start3A_52] : memref<1024xi32, #tpu.memory_space<vmem>> -> memref<128xi32, #tpu.memory_space<vmem>>
      %dma_start3A_54 = arith.constant 0 : i32
      %dma_start3A_55 = arith.constant 0 : i32
      %dma_start3A_56 = tpu.memref_slice %arg2[%dma_start3A_54, %dma_start3A_55] : memref<1007616x64xbf16, #tpu.memory_space<hbm>> -> memref<1007616x64xbf16, #tpu.memory_space<hbm>>
      tpu.enqueue_indirect_dma source(%dma_start3A_56 : memref<1007616x64xbf16, #tpu.memory_space<hbm>>) target(%dma_start3A_51 : memref<128x64xbf16, #tpu.memory_space<vmem>>) offsets(%dma_start3A_53 : memref<128xi32, #tpu.memory_space<vmem>>) semaphore(%arg7 : memref<!tpu.dma_semaphore, #tpu.memory_space<semaphore_mem>>)
      %dma_start3A_57 = arith.constant 256 : i32
      %dma_start3A_58 = arith.constant 0 : i32
      %dma_start3A_59 = tpu.memref_slice %arg6[%dma_start3A_57, %dma_start3A_58] : memref<1024x64xbf16, #tpu.memory_space<vmem>> -> memref<128x64xbf16, #tpu.memory_space<vmem>>
      %dma_start3A_60 = arith.constant 256 : i32
      %dma_start3A_61 = tpu.memref_slice %arg5[%dma_start3A_60] : memref<1024xi32, #tpu.memory_space<vmem>> -> memref<128xi32, #tpu.memory_space<vmem>>
      %dma_start3A_62 = arith.constant 0 : i32
      %dma_start3A_63 = arith.constant 0 : i32
      %dma_start3A_64 = tpu.memref_slice %arg2[%dma_start3A_62, %dma_start3A_63] : memref<1007616x64xbf16, #tpu.memory_space<hbm>> -> memref<1007616x64xbf16, #tpu.memory_space<hbm>>
      tpu.enqueue_indirect_dma source(%dma_start3A_64 : memref<1007616x64xbf16, #tpu.memory_space<hbm>>) target(%dma_start3A_59 : memref<128x64xbf16, #tpu.memory_space<vmem>>) offsets(%dma_start3A_61 : memref<128xi32, #tpu.memory_space<vmem>>) semaphore(%arg7 : memref<!tpu.dma_semaphore, #tpu.memory_space<semaphore_mem>>)
      %dma_start3A_65 = arith.constant 384 : i32
      %dma_start3A_66 = arith.constant 0 : i32
      %dma_start3A_67 = tpu.memref_slice %arg6[%dma_start3A_65, %dma_start3A_66] : memref<1024x64xbf16, #tpu.memory_space<vmem>> -> memref<128x64xbf16, #tpu.memory_space<vmem>>
      %dma_start3A_68 = arith.constant 384 : i32
      %dma_start3A_69 = tpu.memref_slice %arg5[%dma_start3A_68] : memref<1024xi32, #tpu.memory_space<vmem>> -> memref<128xi32, #tpu.memory_space<vmem>>
      %dma_start3A_70 = arith.constant 0 : i32
      %dma_start3A_71 = arith.constant 0 : i32
      %dma_start3A_72 = tpu.memref_slice %arg2[%dma_start3A_70, %dma_start3A_71] : memref<1007616x64xbf16, #tpu.memory_space<hbm>> -> memref<1007616x64xbf16, #tpu.memory_space<hbm>>
      tpu.enqueue_indirect_dma source(%dma_start3A_72 : memref<1007616x64xbf16, #tpu.memory_space<hbm>>) target(%dma_start3A_67 : memref<128x64xbf16, #tpu.memory_space<vmem>>) offsets(%dma_start3A_69 : memref<128xi32, #tpu.memory_space<vmem>>) semaphore(%arg7 : memref<!tpu.dma_semaphore, #tpu.memory_space<semaphore_mem>>)
      %dma_start3A_73 = arith.constant 512 : i32
      %dma_start3A_74 = arith.constant 0 : i32
      %dma_start3A_75 = tpu.memref_slice %arg6[%dma_start3A_73, %dma_start3A_74] : memref<1024x64xbf16, #tpu.memory_space<vmem>> -> memref<128x64xbf16, #tpu.memory_space<vmem>>
      %dma_start3A_76 = arith.constant 512 : i32
      %dma_start3A_77 = tpu.memref_slice %arg5[%dma_start3A_76] : memref<1024xi32, #tpu.memory_space<vmem>> -> memref<128xi32, #tpu.memory_space<vmem>>
      %dma_start3A_78 = arith.constant 0 : i32
      %dma_start3A_79 = arith.constant 0 : i32
      %dma_start3A_80 = tpu.memref_slice %arg2[%dma_start3A_78, %dma_start3A_79] : memref<1007616x64xbf16, #tpu.memory_space<hbm>> -> memref<1007616x64xbf16, #tpu.memory_space<hbm>>
      tpu.enqueue_indirect_dma source(%dma_start3A_80 : memref<1007616x64xbf16, #tpu.memory_space<hbm>>) target(%dma_start3A_75 : memref<128x64xbf16, #tpu.memory_space<vmem>>) offsets(%dma_start3A_77 : memref<128xi32, #tpu.memory_space<vmem>>) semaphore(%arg7 : memref<!tpu.dma_semaphore, #tpu.memory_space<semaphore_mem>>)
      %dma_start3A_81 = arith.constant 640 : i32
      %dma_start3A_82 = arith.constant 0 : i32
      %dma_start3A_83 = tpu.memref_slice %arg6[%dma_start3A_81, %dma_start3A_82] : memref<1024x64xbf16, #tpu.memory_space<vmem>> -> memref<128x64xbf16, #tpu.memory_space<vmem>>
      %dma_start3A_84 = arith.constant 640 : i32
      %dma_start3A_85 = tpu.memref_slice %arg5[%dma_start3A_84] : memref<1024xi32, #tpu.memory_space<vmem>> -> memref<128xi32, #tpu.memory_space<vmem>>
      %dma_start3A_86 = arith.constant 0 : i32
      %dma_start3A_87 = arith.constant 0 : i32
      %dma_start3A_88 = tpu.memref_slice %arg2[%dma_start3A_86, %dma_start3A_87] : memref<1007616x64xbf16, #tpu.memory_space<hbm>> -> memref<1007616x64xbf16, #tpu.memory_space<hbm>>
      tpu.enqueue_indirect_dma source(%dma_start3A_88 : memref<1007616x64xbf16, #tpu.memory_space<hbm>>) target(%dma_start3A_83 : memref<128x64xbf16, #tpu.memory_space<vmem>>) offsets(%dma_start3A_85 : memref<128xi32, #tpu.memory_space<vmem>>) semaphore(%arg7 : memref<!tpu.dma_semaphore, #tpu.memory_space<semaphore_mem>>)
      %dma_start3A_89 = arith.constant 768 : i32
      %dma_start3A_90 = arith.constant 0 : i32
      %dma_start3A_91 = tpu.memref_slice %arg6[%dma_start3A_89, %dma_start3A_90] : memref<1024x64xbf16, #tpu.memory_space<vmem>> -> memref<128x64xbf16, #tpu.memory_space<vmem>>
      %dma_start3A_92 = arith.constant 768 : i32
      %dma_start3A_93 = tpu.memref_slice %arg5[%dma_start3A_92] : memref<1024xi32, #tpu.memory_space<vmem>> -> memref<128xi32, #tpu.memory_space<vmem>>
      %dma_start3A_94 = arith.constant 0 : i32
      %dma_start3A_95 = arith.constant 0 : i32
      %dma_start3A_96 = tpu.memref_slice %arg2[%dma_start3A_94, %dma_start3A_95] : memref<1007616x64xbf16, #tpu.memory_space<hbm>> -> memref<1007616x64xbf16, #tpu.memory_space<hbm>>
      tpu.enqueue_indirect_dma source(%dma_start3A_96 : memref<1007616x64xbf16, #tpu.memory_space<hbm>>) target(%dma_start3A_91 : memref<128x64xbf16, #tpu.memory_space<vmem>>) offsets(%dma_start3A_93 : memref<128xi32, #tpu.memory_space<vmem>>) semaphore(%arg7 : memref<!tpu.dma_semaphore, #tpu.memory_space<semaphore_mem>>)
      %dma_start3A_97 = arith.constant 896 : i32
      %dma_start3A_98 = arith.constant 0 : i32
      %dma_start3A_99 = tpu.memref_slice %arg6[%dma_start3A_97, %dma_start3A_98] : memref<1024x64xbf16, #tpu.memory_space<vmem>> -> memref<128x64xbf16, #tpu.memory_space<vmem>>
      %dma_start3A_100 = arith.constant 896 : i32
      %dma_start3A_101 = tpu.memref_slice %arg5[%dma_start3A_100] : memref<1024xi32, #tpu.memory_space<vmem>> -> memref<128xi32, #tpu.memory_space<vmem>>
      %dma_start3A_102 = arith.constant 0 : i32
      %dma_start3A_103 = arith.constant 0 : i32
      %dma_start3A_104 = tpu.memref_slice %arg2[%dma_start3A_102, %dma_start3A_103] : memref<1007616x64xbf16, #tpu.memory_space<hbm>> -> memref<1007616x64xbf16, #tpu.memory_space<hbm>>
      tpu.enqueue_indirect_dma source(%dma_start3A_104 : memref<1007616x64xbf16, #tpu.memory_space<hbm>>) target(%dma_start3A_99 : memref<128x64xbf16, #tpu.memory_space<vmem>>) offsets(%dma_start3A_101 : memref<128xi32, #tpu.memory_space<vmem>>) semaphore(%arg7 : memref<!tpu.dma_semaphore, #tpu.memory_space<semaphore_mem>>)
      %dma_wait3A = arith.constant 0 : i32
      %dma_wait3A_105 = arith.constant 0 : i32
      %dma_wait3A_106 = tpu.memref_slice %arg6[%dma_wait3A, %dma_wait3A_105] : memref<1024x64xbf16, #tpu.memory_space<vmem>> -> memref<128x64xbf16, #tpu.memory_space<vmem>>
      %dma_wait3A_107 = arith.constant 0 : i32
      %dma_wait3A_108 = tpu.memref_slice %arg5[%dma_wait3A_107] : memref<1024xi32, #tpu.memory_space<vmem>> -> memref<128xi32, #tpu.memory_space<vmem>>
      %dma_wait3A_109 = arith.constant 0 : i32
      %dma_wait3A_110 = arith.constant 0 : i32
      %dma_wait3A_111 = tpu.memref_slice %arg2[%dma_wait3A_109, %dma_wait3A_110] : memref<1007616x64xbf16, #tpu.memory_space<hbm>> -> memref<1007616x64xbf16, #tpu.memory_space<hbm>>
      tpu.wait_indirect_dma semaphore(%arg7 : memref<!tpu.dma_semaphore, #tpu.memory_space<semaphore_mem>>) src(%dma_wait3A_111 : memref<1007616x64xbf16, #tpu.memory_space<hbm>>) dst(%dma_wait3A_106 : memref<128x64xbf16, #tpu.memory_space<vmem>>)
      %dma_wait3A_112 = arith.constant 128 : i32
      %dma_wait3A_113 = arith.constant 0 : i32
      %dma_wait3A_114 = tpu.memref_slice %arg6[%dma_wait3A_112, %dma_wait3A_113] : memref<1024x64xbf16, #tpu.memory_space<vmem>> -> memref<128x64xbf16, #tpu.memory_space<vmem>>
      %dma_wait3A_115 = arith.constant 128 : i32
      %dma_wait3A_116 = tpu.memref_slice %arg5[%dma_wait3A_115] : memref<1024xi32, #tpu.memory_space<vmem>> -> memref<128xi32, #tpu.memory_space<vmem>>
      %dma_wait3A_117 = arith.constant 0 : i32
      %dma_wait3A_118 = arith.constant 0 : i32
      %dma_wait3A_119 = tpu.memref_slice %arg2[%dma_wait3A_117, %dma_wait3A_118] : memref<1007616x64xbf16, #tpu.memory_space<hbm>> -> memref<1007616x64xbf16, #tpu.memory_space<hbm>>
      tpu.wait_indirect_dma semaphore(%arg7 : memref<!tpu.dma_semaphore, #tpu.memory_space<semaphore_mem>>) src(%dma_wait3A_119 : memref<1007616x64xbf16, #tpu.memory_space<hbm>>) dst(%dma_wait3A_114 : memref<128x64xbf16, #tpu.memory_space<vmem>>)
      %dma_wait3A_120 = arith.constant 256 : i32
      %dma_wait3A_121 = arith.constant 0 : i32
      %dma_wait3A_122 = tpu.memref_slice %arg6[%dma_wait3A_120, %dma_wait3A_121] : memref<1024x64xbf16, #tpu.memory_space<vmem>> -> memref<128x64xbf16, #tpu.memory_space<vmem>>
      %dma_wait3A_123 = arith.constant 256 : i32
      %dma_wait3A_124 = tpu.memref_slice %arg5[%dma_wait3A_123] : memref<1024xi32, #tpu.memory_space<vmem>> -> memref<128xi32, #tpu.memory_space<vmem>>
      %dma_wait3A_125 = arith.constant 0 : i32
      %dma_wait3A_126 = arith.constant 0 : i32
      %dma_wait3A_127 = tpu.memref_slice %arg2[%dma_wait3A_125, %dma_wait3A_126] : memref<1007616x64xbf16, #tpu.memory_space<hbm>> -> memref<1007616x64xbf16, #tpu.memory_space<hbm>>
      tpu.wait_indirect_dma semaphore(%arg7 : memref<!tpu.dma_semaphore, #tpu.memory_space<semaphore_mem>>) src(%dma_wait3A_127 : memref<1007616x64xbf16, #tpu.memory_space<hbm>>) dst(%dma_wait3A_122 : memref<128x64xbf16, #tpu.memory_space<vmem>>)
      %dma_wait3A_128 = arith.constant 384 : i32
      %dma_wait3A_129 = arith.constant 0 : i32
      %dma_wait3A_130 = tpu.memref_slice %arg6[%dma_wait3A_128, %dma_wait3A_129] : memref<1024x64xbf16, #tpu.memory_space<vmem>> -> memref<128x64xbf16, #tpu.memory_space<vmem>>
      %dma_wait3A_131 = arith.constant 384 : i32
      %dma_wait3A_132 = tpu.memref_slice %arg5[%dma_wait3A_131] : memref<1024xi32, #tpu.memory_space<vmem>> -> memref<128xi32, #tpu.memory_space<vmem>>
      %dma_wait3A_133 = arith.constant 0 : i32
      %dma_wait3A_134 = arith.constant 0 : i32
      %dma_wait3A_135 = tpu.memref_slice %arg2[%dma_wait3A_133, %dma_wait3A_134] : memref<1007616x64xbf16, #tpu.memory_space<hbm>> -> memref<1007616x64xbf16, #tpu.memory_space<hbm>>
      tpu.wait_indirect_dma semaphore(%arg7 : memref<!tpu.dma_semaphore, #tpu.memory_space<semaphore_mem>>) src(%dma_wait3A_135 : memref<1007616x64xbf16, #tpu.memory_space<hbm>>) dst(%dma_wait3A_130 : memref<128x64xbf16, #tpu.memory_space<vmem>>)
      %dma_wait3A_136 = arith.constant 512 : i32
      %dma_wait3A_137 = arith.constant 0 : i32
      %dma_wait3A_138 = tpu.memref_slice %arg6[%dma_wait3A_136, %dma_wait3A_137] : memref<1024x64xbf16, #tpu.memory_space<vmem>> -> memref<128x64xbf16, #tpu.memory_space<vmem>>
      %dma_wait3A_139 = arith.constant 512 : i32
      %dma_wait3A_140 = tpu.memref_slice %arg5[%dma_wait3A_139] : memref<1024xi32, #tpu.memory_space<vmem>> -> memref<128xi32, #tpu.memory_space<vmem>>
      %dma_wait3A_141 = arith.constant 0 : i32
      %dma_wait3A_142 = arith.constant 0 : i32
      %dma_wait3A_143 = tpu.memref_slice %arg2[%dma_wait3A_141, %dma_wait3A_142] : memref<1007616x64xbf16, #tpu.memory_space<hbm>> -> memref<1007616x64xbf16, #tpu.memory_space<hbm>>
      tpu.wait_indirect_dma semaphore(%arg7 : memref<!tpu.dma_semaphore, #tpu.memory_space<semaphore_mem>>) src(%dma_wait3A_143 : memref<1007616x64xbf16, #tpu.memory_space<hbm>>) dst(%dma_wait3A_138 : memref<128x64xbf16, #tpu.memory_space<vmem>>)
      %dma_wait3A_144 = arith.constant 640 : i32
      %dma_wait3A_145 = arith.constant 0 : i32
      %dma_wait3A_146 = tpu.memref_slice %arg6[%dma_wait3A_144, %dma_wait3A_145] : memref<1024x64xbf16, #tpu.memory_space<vmem>> -> memref<128x64xbf16, #tpu.memory_space<vmem>>
      %dma_wait3A_147 = arith.constant 640 : i32
      %dma_wait3A_148 = tpu.memref_slice %arg5[%dma_wait3A_147] : memref<1024xi32, #tpu.memory_space<vmem>> -> memref<128xi32, #tpu.memory_space<vmem>>
      %dma_wait3A_149 = arith.constant 0 : i32
      %dma_wait3A_150 = arith.constant 0 : i32
      %dma_wait3A_151 = tpu.memref_slice %arg2[%dma_wait3A_149, %dma_wait3A_150] : memref<1007616x64xbf16, #tpu.memory_space<hbm>> -> memref<1007616x64xbf16, #tpu.memory_space<hbm>>
      tpu.wait_indirect_dma semaphore(%arg7 : memref<!tpu.dma_semaphore, #tpu.memory_space<semaphore_mem>>) src(%dma_wait3A_151 : memref<1007616x64xbf16, #tpu.memory_space<hbm>>) dst(%dma_wait3A_146 : memref<128x64xbf16, #tpu.memory_space<vmem>>)
      %dma_wait3A_152 = arith.constant 768 : i32
      %dma_wait3A_153 = arith.constant 0 : i32
      %dma_wait3A_154 = tpu.memref_slice %arg6[%dma_wait3A_152, %dma_wait3A_153] : memref<1024x64xbf16, #tpu.memory_space<vmem>> -> memref<128x64xbf16, #tpu.memory_space<vmem>>
      %dma_wait3A_155 = arith.constant 768 : i32
      %dma_wait3A_156 = tpu.memref_slice %arg5[%dma_wait3A_155] : memref<1024xi32, #tpu.memory_space<vmem>> -> memref<128xi32, #tpu.memory_space<vmem>>
      %dma_wait3A_157 = arith.constant 0 : i32
      %dma_wait3A_158 = arith.constant 0 : i32
      %dma_wait3A_159 = tpu.memref_slice %arg2[%dma_wait3A_157, %dma_wait3A_158] : memref<1007616x64xbf16, #tpu.memory_space<hbm>> -> memref<1007616x64xbf16, #tpu.memory_space<hbm>>
      tpu.wait_indirect_dma semaphore(%arg7 : memref<!tpu.dma_semaphore, #tpu.memory_space<semaphore_mem>>) src(%dma_wait3A_159 : memref<1007616x64xbf16, #tpu.memory_space<hbm>>) dst(%dma_wait3A_154 : memref<128x64xbf16, #tpu.memory_space<vmem>>)
      %dma_wait3A_160 = arith.constant 896 : i32
      %dma_wait3A_161 = arith.constant 0 : i32
      %dma_wait3A_162 = tpu.memref_slice %arg6[%dma_wait3A_160, %dma_wait3A_161] : memref<1024x64xbf16, #tpu.memory_space<vmem>> -> memref<128x64xbf16, #tpu.memory_space<vmem>>
      %dma_wait3A_163 = arith.constant 896 : i32
      %dma_wait3A_164 = tpu.memref_slice %arg5[%dma_wait3A_163] : memref<1024xi32, #tpu.memory_space<vmem>> -> memref<128xi32, #tpu.memory_space<vmem>>
      %dma_wait3A_165 = arith.constant 0 : i32
      %dma_wait3A_166 = arith.constant 0 : i32
      %dma_wait3A_167 = tpu.memref_slice %arg2[%dma_wait3A_165, %dma_wait3A_166] : memref<1007616x64xbf16, #tpu.memory_space<hbm>> -> memref<1007616x64xbf16, #tpu.memory_space<hbm>>
      tpu.wait_indirect_dma semaphore(%arg7 : memref<!tpu.dma_semaphore, #tpu.memory_space<semaphore_mem>>) src(%dma_wait3A_167 : memref<1007616x64xbf16, #tpu.memory_space<hbm>>) dst(%dma_wait3A_162 : memref<128x64xbf16, #tpu.memory_space<vmem>>)
      %jit3A_168 = arith.constant 2 : i32
      %div3A_169 = arith.divsi %select_n3A_39, %jit3A_168 : i32
      %sign3A_170 = arith.constant 0 : i32
      %sign3A_171 = arith.cmpi sgt, %select_n3A_39, %sign3A_170 : i32
      %sign3A_172 = arith.extui %sign3A_171 : i1 to i32
      %sign3A_173 = arith.constant 0 : i32
      %sign3A_174 = arith.cmpi slt, %select_n3A_39, %sign3A_173 : i32
      %sign3A_175 = arith.extui %sign3A_174 : i1 to i32
      %sign3A_176 = arith.subi %sign3A_172, %sign3A_175 : i32
      %sign3A_177 = arith.constant 0 : i32
      %sign3A_178 = arith.cmpi sgt, %jit3A_168, %sign3A_177 : i32
      %sign3A_179 = arith.extui %sign3A_178 : i1 to i32
      %sign3A_180 = arith.constant 0 : i32
      %sign3A_181 = arith.cmpi slt, %jit3A_168, %sign3A_180 : i32
      %sign3A_182 = arith.extui %sign3A_181 : i1 to i32
      %sign3A_183 = arith.subi %sign3A_179, %sign3A_182 : i32
      %ne3A_184 = arith.cmpi ne, %sign3A_176, %sign3A_183 : i32
      %rem3A_185 = arith.remsi %select_n3A_39, %jit3A_168 : i32
      %ne3A_186 = arith.constant 0 : i32
      %ne3A_187 = arith.cmpi ne, %rem3A_185, %ne3A_186 : i32
      %and3A_188 = arith.andi %ne3A_184, %ne3A_187 : i1
      %sub3A_189 = arith.constant 1 : i32
      %sub3A_190 = arith.subi %div3A_169, %sub3A_189 : i32
      %select_n3A_191 = arith.select %and3A_188, %sub3A_190, %div3A_169 : i32
      %mul3A_192 = arith.constant 2048 : i32
      %mul3A_193 = arith.muli %select_n3A, %mul3A_192 : i32
      %jit3A_194 = arith.constant 2 : i32
      %eq3A_195 = arith.constant 0 : i32
      %eq3A_196 = arith.cmpi eq, %jit3A_194, %eq3A_195 : i32
      %jit3A_197 = arith.constant 1 : i32
      %select_n3A_198 = arith.select %eq3A_196, %jit3A_197, %jit3A_194 : i32
      %rem3A_199 = arith.remsi %select_n3A_39, %select_n3A_198 : i32
      %ne3A_200 = arith.constant 0 : i32
      %ne3A_201 = arith.cmpi ne, %rem3A_199, %ne3A_200 : i32
      %lt3A_202 = arith.constant 0 : i32
      %lt3A_203 = arith.cmpi slt, %rem3A_199, %lt3A_202 : i32
      %lt3A_204 = arith.constant 0 : i32
      %lt3A_205 = arith.cmpi slt, %select_n3A_198, %lt3A_204 : i32
      %ne3A_206 = arith.xori %lt3A_203, %lt3A_205 : i1
      %and3A_207 = arith.andi %ne3A_206, %ne3A_201 : i1
      %add3A_208 = arith.addi %rem3A_199, %select_n3A_198 : i32
      %select_n3A_209 = arith.select %and3A_207, %add3A_208, %rem3A_199 : i32
      %mul3A_210 = arith.constant 1024 : i32
      %mul3A_211 = arith.muli %select_n3A_209, %mul3A_210 : i32
      %add3A_212 = arith.addi %mul3A_193, %mul3A_211 : i32
      %mul3A_213 = arith.constant 64 : i32
      %mul3A_214 = arith.muli %select_n3A_191, %mul3A_213 : i32
      "tpu.region"() ({
        %run_scoped3A = tpu.sem_alloc : memref<!tpu.dma_semaphore, #tpu.memory_space<semaphore_mem>>
        %dma_start3A_215 = tpu.memref_slice %arg4[%add3A_212, %mul3A_214] : memref<81920x128xbf16, #tpu.memory_space<hbm>> -> memref<1024x64xbf16, #tpu.memory_space<hbm>>
        %dma_start3A_216 = tpu.memref_slice %arg4[%add3A_212, %mul3A_214] : memref<81920x128xbf16, #tpu.memory_space<hbm>> -> memref<1024x64xbf16, #tpu.memory_space<hbm>>
        tpu.enqueue_dma source(%arg6 : memref<1024x64xbf16, #tpu.memory_space<vmem>>) target(%dma_start3A_216 : memref<1024x64xbf16, #tpu.memory_space<hbm>>) target_semaphore(%run_scoped3A : memref<!tpu.dma_semaphore, #tpu.memory_space<semaphore_mem>>)
        %dma_wait3A_217 = tpu.memref_slice %arg4[%add3A_212, %mul3A_214] : memref<81920x128xbf16, #tpu.memory_space<hbm>> -> memref<1024x64xbf16, #tpu.memory_space<hbm>>
        %dma_wait3A_218 = tpu.memref_slice %arg4[%add3A_212, %mul3A_214] : memref<81920x128xbf16, #tpu.memory_space<hbm>> -> memref<1024x64xbf16, #tpu.memory_space<hbm>>
        tpu.wait_dma2 semaphore(%run_scoped3A : memref<!tpu.dma_semaphore, #tpu.memory_space<semaphore_mem>>) src(%arg6 : memref<1024x64xbf16, #tpu.memory_space<vmem>>) dst(%dma_wait3A_218 : memref<1024x64xbf16, #tpu.memory_space<hbm>>)
        tpu.yield
      }) : () -> ()
    }
    %scan3A_5 = arith.constant 5 : i32
    return
  }
}

#map = affine_map<(d0, d1) -> (0, 0)>
module attributes {stable_mosaic.version = 14 : i64} {
  func.func @gather_kernel(%arg0: i32, %arg1: i32, %arg2: memref<1007616x64xbf16, #tpu.memory_space<hbm>>, %arg3: memref<40x4096xi32, #tpu.memory_space<hbm>>, %arg4: memref<81920x128xbf16, #tpu.memory_space<hbm>>, %arg5: memref<1024xi32, #tpu.memory_space<vmem>>, %arg6: memref<1024x64xbf16, #tpu.memory_space<vmem>>, %arg7: memref<!tpu.dma_semaphore, #tpu.memory_space<semaphore_mem>>) attributes {dimension_semantics = [#tpu.dimension_semantics<core_parallel>, #tpu.dimension_semantics<subcore_parallel>], iteration_bounds = array<i64: 2, 16>, scalar_prefetch = 0 : i64, scratch_operands = 3 : i64, tpu.core_type = #tpu.core_type<sc_vector_subcore>, window_params = [{transform_indices = #map}, {transform_indices = #map}, {transform_indices = #map}]} {
    %mul3A = arith.constant 2 : i32
    %mul3A_0 = arith.muli %arg1, %mul3A : i32
    %add3A = arith.addi %mul3A_0, %arg0 : i32
    %scan3A = arith.constant 0 : i32
    %scan3A_1 = arith.constant 0 : i32
    %scan3A_2 = arith.constant 5 : i32
    %scan3A_3 = arith.addi %scan3A_1, %scan3A_2 : i32
    %scan3A_4 = arith.constant 1 : i32
    scf.for %scan3A_6 = %scan3A_1 to %scan3A_3 step %scan3A_4  : i32 {
      %mul3A_7 = arith.constant 5 : i32
      %mul3A_8 = arith.muli %add3A, %mul3A_7 : i32
      %add3A_9 = arith.addi %mul3A_8, %scan3A_6 : i32
      %jit3A = arith.constant 4 : i32
      %div3A = arith.divsi %add3A_9, %jit3A : i32
      %sign3A = arith.constant 0 : i32
      %sign3A_10 = arith.cmpi sgt, %add3A_9, %sign3A : i32
      %sign3A_11 = arith.extui %sign3A_10 : i1 to i32
      %sign3A_12 = arith.constant 0 : i32
      %sign3A_13 = arith.cmpi slt, %add3A_9, %sign3A_12 : i32
      %sign3A_14 = arith.extui %sign3A_13 : i1 to i32
      %sign3A_15 = arith.subi %sign3A_11, %sign3A_14 : i32
      %sign3A_16 = arith.constant 0 : i32
      %sign3A_17 = arith.cmpi sgt, %jit3A, %sign3A_16 : i32
      %sign3A_18 = arith.extui %sign3A_17 : i1 to i32
      %sign3A_19 = arith.constant 0 : i32
      %sign3A_20 = arith.cmpi slt, %jit3A, %sign3A_19 : i32
      %sign3A_21 = arith.extui %sign3A_20 : i1 to i32
      %sign3A_22 = arith.subi %sign3A_18, %sign3A_21 : i32
      %ne3A = arith.cmpi ne, %sign3A_15, %sign3A_22 : i32
      %rem3A = arith.remsi %add3A_9, %jit3A : i32
      %ne3A_23 = arith.constant 0 : i32
      %ne3A_24 = arith.cmpi ne, %rem3A, %ne3A_23 : i32
      %and3A = arith.andi %ne3A, %ne3A_24 : i1
      %sub3A = arith.constant 1 : i32
      %sub3A_25 = arith.subi %div3A, %sub3A : i32
      %select_n3A = arith.select %and3A, %sub3A_25, %div3A : i32
      %jit3A_26 = arith.constant 4 : i32
      %eq3A = arith.constant 0 : i32
      %eq3A_27 = arith.cmpi eq, %jit3A_26, %eq3A : i32
      %jit3A_28 = arith.constant 1 : i32
      %select_n3A_29 = arith.select %eq3A_27, %jit3A_28, %jit3A_26 : i32
      %rem3A_30 = arith.remsi %add3A_9, %select_n3A_29 : i32
      %ne3A_31 = arith.constant 0 : i32
      %ne3A_32 = arith.cmpi ne, %rem3A_30, %ne3A_31 : i32
      %lt3A = arith.constant 0 : i32
      %lt3A_33 = arith.cmpi slt, %rem3A_30, %lt3A : i32
      %lt3A_34 = arith.constant 0 : i32
      %lt3A_35 = arith.cmpi slt, %select_n3A_29, %lt3A_34 : i32
      %ne3A_36 = arith.xori %lt3A_33, %lt3A_35 : i1
      %and3A_37 = arith.andi %ne3A_36, %ne3A_32 : i1
      %add3A_38 = arith.addi %rem3A_30, %select_n3A_29 : i32
      %select_n3A_39 = arith.select %and3A_37, %add3A_38, %rem3A_30 : i32
      %mul3A_40 = arith.constant 1024 : i32
      %mul3A_41 = arith.muli %select_n3A_39, %mul3A_40 : i32
      "tpu.region"() ({
        %run_scoped3A = tpu.sem_alloc : memref<!tpu.dma_semaphore, #tpu.memory_space<semaphore_mem>>
        %dma_start3A_215 = tpu.memref_slice %arg3[%select_n3A, %mul3A_41] : memref<40x4096xi32, #tpu.memory_space<hbm>> -> memref<1x1024xi32, #tpu.memory_space<hbm>>
        %dma_start3A_216 = tpu.memref_squeeze %dma_start3A_215 : memref<1x1024xi32, #tpu.memory_space<hbm>> -> memref<1024xi32, #tpu.memory_space<hbm>>
        %dma_start3A_217 = tpu.memref_slice %arg3[%select_n3A, %mul3A_41] : memref<40x4096xi32, #tpu.memory_space<hbm>> -> memref<1x1024xi32, #tpu.memory_space<hbm>>
        %dma_start3A_218 = tpu.memref_squeeze %dma_start3A_217 : memref<1x1024xi32, #tpu.memory_space<hbm>> -> memref<1024xi32, #tpu.memory_space<hbm>>
        tpu.enqueue_dma source(%dma_start3A_218 : memref<1024xi32, #tpu.memory_space<hbm>>) target(%arg5 : memref<1024xi32, #tpu.memory_space<vmem>>) target_semaphore(%run_scoped3A : memref<!tpu.dma_semaphore, #tpu.memory_space<semaphore_mem>>)
        %dma_wait3A_219 = tpu.memref_slice %arg3[%select_n3A, %mul3A_41] : memref<40x4096xi32, #tpu.memory_space<hbm>> -> memref<1x1024xi32, #tpu.memory_space<hbm>>
        %dma_wait3A_220 = tpu.memref_squeeze %dma_wait3A_219 : memref<1x1024xi32, #tpu.memory_space<hbm>> -> memref<1024xi32, #tpu.memory_space<hbm>>
        %dma_wait3A_221 = tpu.memref_slice %arg3[%select_n3A, %mul3A_41] : memref<40x4096xi32, #tpu.memory_space<hbm>> -> memref<1x1024xi32, #tpu.memory_space<hbm>>
        %dma_wait3A_222 = tpu.memref_squeeze %dma_wait3A_221 : memref<1x1024xi32, #tpu.memory_space<hbm>> -> memref<1024xi32, #tpu.memory_space<hbm>>
        tpu.wait_dma2 semaphore(%run_scoped3A : memref<!tpu.dma_semaphore, #tpu.memory_space<semaphore_mem>>) src(%dma_wait3A_222 : memref<1024xi32, #tpu.memory_space<hbm>>) dst(%arg5 : memref<1024xi32, #tpu.memory_space<vmem>>)
        tpu.yield
      }) : () -> ()
      %dma_start3A = arith.constant 0 : i32
      %dma_start3A_42 = arith.constant 0 : i32
      %dma_start3A_43 = tpu.memref_slice %arg6[%dma_start3A, %dma_start3A_42] : memref<1024x64xbf16, #tpu.memory_space<vmem>> -> memref<128x64xbf16, #tpu.memory_space<vmem>>
      %dma_start3A_44 = arith.constant 0 : i32
      %dma_start3A_45 = tpu.memref_slice %arg5[%dma_start3A_44] : memref<1024xi32, #tpu.memory_space<vmem>> -> memref<128xi32, #tpu.memory_space<vmem>>
      %dma_start3A_46 = arith.constant 0 : i32
      %dma_start3A_47 = arith.constant 0 : i32
      %dma_start3A_48 = tpu.memref_slice %arg2[%dma_start3A_46, %dma_start3A_47] : memref<1007616x64xbf16, #tpu.memory_space<hbm>> -> memref<1007616x64xbf16, #tpu.memory_space<hbm>>
      tpu.enqueue_indirect_dma source(%dma_start3A_48 : memref<1007616x64xbf16, #tpu.memory_space<hbm>>) target(%dma_start3A_43 : memref<128x64xbf16, #tpu.memory_space<vmem>>) offsets(%dma_start3A_45 : memref<128xi32, #tpu.memory_space<vmem>>) semaphore(%arg7 : memref<!tpu.dma_semaphore, #tpu.memory_space<semaphore_mem>>)
      %dma_start3A_49 = arith.constant 128 : i32
      %dma_start3A_50 = arith.constant 0 : i32
      %dma_start3A_51 = tpu.memref_slice %arg6[%dma_start3A_49, %dma_start3A_50] : memref<1024x64xbf16, #tpu.memory_space<vmem>> -> memref<128x64xbf16, #tpu.memory_space<vmem>>
      %dma_start3A_52 = arith.constant 128 : i32
      %dma_start3A_53 = tpu.memref_slice %arg5[%dma_start3A_52] : memref<1024xi32, #tpu.memory_space<vmem>> -> memref<128xi32, #tpu.memory_space<vmem>>
      %dma_start3A_54 = arith.constant 0 : i32
      %dma_start3A_55 = arith.constant 0 : i32
      %dma_start3A_56 = tpu.memref_slice %arg2[%dma_start3A_54, %dma_start3A_55] : memref<1007616x64xbf16, #tpu.memory_space<hbm>> -> memref<1007616x64xbf16, #tpu.memory_space<hbm>>
      tpu.enqueue_indirect_dma source(%dma_start3A_56 : memref<1007616x64xbf16, #tpu.memory_space<hbm>>) target(%dma_start3A_51 : memref<128x64xbf16, #tpu.memory_space<vmem>>) offsets(%dma_start3A_53 : memref<128xi32, #tpu.memory_space<vmem>>) semaphore(%arg7 : memref<!tpu.dma_semaphore, #tpu.memory_space<semaphore_mem>>)
      %dma_start3A_57 = arith.constant 256 : i32
      %dma_start3A_58 = arith.constant 0 : i32
      %dma_start3A_59 = tpu.memref_slice %arg6[%dma_start3A_57, %dma_start3A_58] : memref<1024x64xbf16, #tpu.memory_space<vmem>> -> memref<128x64xbf16, #tpu.memory_space<vmem>>
      %dma_start3A_60 = arith.constant 256 : i32
      %dma_start3A_61 = tpu.memref_slice %arg5[%dma_start3A_60] : memref<1024xi32, #tpu.memory_space<vmem>> -> memref<128xi32, #tpu.memory_space<vmem>>
      %dma_start3A_62 = arith.constant 0 : i32
      %dma_start3A_63 = arith.constant 0 : i32
      %dma_start3A_64 = tpu.memref_slice %arg2[%dma_start3A_62, %dma_start3A_63] : memref<1007616x64xbf16, #tpu.memory_space<hbm>> -> memref<1007616x64xbf16, #tpu.memory_space<hbm>>
      tpu.enqueue_indirect_dma source(%dma_start3A_64 : memref<1007616x64xbf16, #tpu.memory_space<hbm>>) target(%dma_start3A_59 : memref<128x64xbf16, #tpu.memory_space<vmem>>) offsets(%dma_start3A_61 : memref<128xi32, #tpu.memory_space<vmem>>) semaphore(%arg7 : memref<!tpu.dma_semaphore, #tpu.memory_space<semaphore_mem>>)
      %dma_start3A_65 = arith.constant 384 : i32
      %dma_start3A_66 = arith.constant 0 : i32
      %dma_start3A_67 = tpu.memref_slice %arg6[%dma_start3A_65, %dma_start3A_66] : memref<1024x64xbf16, #tpu.memory_space<vmem>> -> memref<128x64xbf16, #tpu.memory_space<vmem>>
      %dma_start3A_68 = arith.constant 384 : i32
      %dma_start3A_69 = tpu.memref_slice %arg5[%dma_start3A_68] : memref<1024xi32, #tpu.memory_space<vmem>> -> memref<128xi32, #tpu.memory_space<vmem>>
      %dma_start3A_70 = arith.constant 0 : i32
      %dma_start3A_71 = arith.constant 0 : i32
      %dma_start3A_72 = tpu.memref_slice %arg2[%dma_start3A_70, %dma_start3A_71] : memref<1007616x64xbf16, #tpu.memory_space<hbm>> -> memref<1007616x64xbf16, #tpu.memory_space<hbm>>
      tpu.enqueue_indirect_dma source(%dma_start3A_72 : memref<1007616x64xbf16, #tpu.memory_space<hbm>>) target(%dma_start3A_67 : memref<128x64xbf16, #tpu.memory_space<vmem>>) offsets(%dma_start3A_69 : memref<128xi32, #tpu.memory_space<vmem>>) semaphore(%arg7 : memref<!tpu.dma_semaphore, #tpu.memory_space<semaphore_mem>>)
      %dma_start3A_73 = arith.constant 512 : i32
      %dma_start3A_74 = arith.constant 0 : i32
      %dma_start3A_75 = tpu.memref_slice %arg6[%dma_start3A_73, %dma_start3A_74] : memref<1024x64xbf16, #tpu.memory_space<vmem>> -> memref<128x64xbf16, #tpu.memory_space<vmem>>
      %dma_start3A_76 = arith.constant 512 : i32
      %dma_start3A_77 = tpu.memref_slice %arg5[%dma_start3A_76] : memref<1024xi32, #tpu.memory_space<vmem>> -> memref<128xi32, #tpu.memory_space<vmem>>
      %dma_start3A_78 = arith.constant 0 : i32
      %dma_start3A_79 = arith.constant 0 : i32
      %dma_start3A_80 = tpu.memref_slice %arg2[%dma_start3A_78, %dma_start3A_79] : memref<1007616x64xbf16, #tpu.memory_space<hbm>> -> memref<1007616x64xbf16, #tpu.memory_space<hbm>>
      tpu.enqueue_indirect_dma source(%dma_start3A_80 : memref<1007616x64xbf16, #tpu.memory_space<hbm>>) target(%dma_start3A_75 : memref<128x64xbf16, #tpu.memory_space<vmem>>) offsets(%dma_start3A_77 : memref<128xi32, #tpu.memory_space<vmem>>) semaphore(%arg7 : memref<!tpu.dma_semaphore, #tpu.memory_space<semaphore_mem>>)
      %dma_start3A_81 = arith.constant 640 : i32
      %dma_start3A_82 = arith.constant 0 : i32
      %dma_start3A_83 = tpu.memref_slice %arg6[%dma_start3A_81, %dma_start3A_82] : memref<1024x64xbf16, #tpu.memory_space<vmem>> -> memref<128x64xbf16, #tpu.memory_space<vmem>>
      %dma_start3A_84 = arith.constant 640 : i32
      %dma_start3A_85 = tpu.memref_slice %arg5[%dma_start3A_84] : memref<1024xi32, #tpu.memory_space<vmem>> -> memref<128xi32, #tpu.memory_space<vmem>>
      %dma_start3A_86 = arith.constant 0 : i32
      %dma_start3A_87 = arith.constant 0 : i32
      %dma_start3A_88 = tpu.memref_slice %arg2[%dma_start3A_86, %dma_start3A_87] : memref<1007616x64xbf16, #tpu.memory_space<hbm>> -> memref<1007616x64xbf16, #tpu.memory_space<hbm>>
      tpu.enqueue_indirect_dma source(%dma_start3A_88 : memref<1007616x64xbf16, #tpu.memory_space<hbm>>) target(%dma_start3A_83 : memref<128x64xbf16, #tpu.memory_space<vmem>>) offsets(%dma_start3A_85 : memref<128xi32, #tpu.memory_space<vmem>>) semaphore(%arg7 : memref<!tpu.dma_semaphore, #tpu.memory_space<semaphore_mem>>)
      %dma_start3A_89 = arith.constant 768 : i32
      %dma_start3A_90 = arith.constant 0 : i32
      %dma_start3A_91 = tpu.memref_slice %arg6[%dma_start3A_89, %dma_start3A_90] : memref<1024x64xbf16, #tpu.memory_space<vmem>> -> memref<128x64xbf16, #tpu.memory_space<vmem>>
      %dma_start3A_92 = arith.constant 768 : i32
      %dma_start3A_93 = tpu.memref_slice %arg5[%dma_start3A_92] : memref<1024xi32, #tpu.memory_space<vmem>> -> memref<128xi32, #tpu.memory_space<vmem>>
      %dma_start3A_94 = arith.constant 0 : i32
      %dma_start3A_95 = arith.constant 0 : i32
      %dma_start3A_96 = tpu.memref_slice %arg2[%dma_start3A_94, %dma_start3A_95] : memref<1007616x64xbf16, #tpu.memory_space<hbm>> -> memref<1007616x64xbf16, #tpu.memory_space<hbm>>
      tpu.enqueue_indirect_dma source(%dma_start3A_96 : memref<1007616x64xbf16, #tpu.memory_space<hbm>>) target(%dma_start3A_91 : memref<128x64xbf16, #tpu.memory_space<vmem>>) offsets(%dma_start3A_93 : memref<128xi32, #tpu.memory_space<vmem>>) semaphore(%arg7 : memref<!tpu.dma_semaphore, #tpu.memory_space<semaphore_mem>>)
      %dma_start3A_97 = arith.constant 896 : i32
      %dma_start3A_98 = arith.constant 0 : i32
      %dma_start3A_99 = tpu.memref_slice %arg6[%dma_start3A_97, %dma_start3A_98] : memref<1024x64xbf16, #tpu.memory_space<vmem>> -> memref<128x64xbf16, #tpu.memory_space<vmem>>
      %dma_start3A_100 = arith.constant 896 : i32
      %dma_start3A_101 = tpu.memref_slice %arg5[%dma_start3A_100] : memref<1024xi32, #tpu.memory_space<vmem>> -> memref<128xi32, #tpu.memory_space<vmem>>
      %dma_start3A_102 = arith.constant 0 : i32
      %dma_start3A_103 = arith.constant 0 : i32
      %dma_start3A_104 = tpu.memref_slice %arg2[%dma_start3A_102, %dma_start3A_103] : memref<1007616x64xbf16, #tpu.memory_space<hbm>> -> memref<1007616x64xbf16, #tpu.memory_space<hbm>>
      tpu.enqueue_indirect_dma source(%dma_start3A_104 : memref<1007616x64xbf16, #tpu.memory_space<hbm>>) target(%dma_start3A_99 : memref<128x64xbf16, #tpu.memory_space<vmem>>) offsets(%dma_start3A_101 : memref<128xi32, #tpu.memory_space<vmem>>) semaphore(%arg7 : memref<!tpu.dma_semaphore, #tpu.memory_space<semaphore_mem>>)
      %dma_wait3A = arith.constant 0 : i32
      %dma_wait3A_105 = arith.constant 0 : i32
      %dma_wait3A_106 = tpu.memref_slice %arg6[%dma_wait3A, %dma_wait3A_105] : memref<1024x64xbf16, #tpu.memory_space<vmem>> -> memref<128x64xbf16, #tpu.memory_space<vmem>>
      %dma_wait3A_107 = arith.constant 0 : i32
      %dma_wait3A_108 = tpu.memref_slice %arg5[%dma_wait3A_107] : memref<1024xi32, #tpu.memory_space<vmem>> -> memref<128xi32, #tpu.memory_space<vmem>>
      %dma_wait3A_109 = arith.constant 0 : i32
      %dma_wait3A_110 = arith.constant 0 : i32
      %dma_wait3A_111 = tpu.memref_slice %arg2[%dma_wait3A_109, %dma_wait3A_110] : memref<1007616x64xbf16, #tpu.memory_space<hbm>> -> memref<1007616x64xbf16, #tpu.memory_space<hbm>>
      tpu.wait_indirect_dma semaphore(%arg7 : memref<!tpu.dma_semaphore, #tpu.memory_space<semaphore_mem>>) src(%dma_wait3A_111 : memref<1007616x64xbf16, #tpu.memory_space<hbm>>) dst(%dma_wait3A_106 : memref<128x64xbf16, #tpu.memory_space<vmem>>)
      %dma_wait3A_112 = arith.constant 128 : i32
      %dma_wait3A_113 = arith.constant 0 : i32
      %dma_wait3A_114 = tpu.memref_slice %arg6[%dma_wait3A_112, %dma_wait3A_113] : memref<1024x64xbf16, #tpu.memory_space<vmem>> -> memref<128x64xbf16, #tpu.memory_space<vmem>>
      %dma_wait3A_115 = arith.constant 128 : i32
      %dma_wait3A_116 = tpu.memref_slice %arg5[%dma_wait3A_115] : memref<1024xi32, #tpu.memory_space<vmem>> -> memref<128xi32, #tpu.memory_space<vmem>>
      %dma_wait3A_117 = arith.constant 0 : i32
      %dma_wait3A_118 = arith.constant 0 : i32
      %dma_wait3A_119 = tpu.memref_slice %arg2[%dma_wait3A_117, %dma_wait3A_118] : memref<1007616x64xbf16, #tpu.memory_space<hbm>> -> memref<1007616x64xbf16, #tpu.memory_space<hbm>>
      tpu.wait_indirect_dma semaphore(%arg7 : memref<!tpu.dma_semaphore, #tpu.memory_space<semaphore_mem>>) src(%dma_wait3A_119 : memref<1007616x64xbf16, #tpu.memory_space<hbm>>) dst(%dma_wait3A_114 : memref<128x64xbf16, #tpu.memory_space<vmem>>)
      %dma_wait3A_120 = arith.constant 256 : i32
      %dma_wait3A_121 = arith.constant 0 : i32
      %dma_wait3A_122 = tpu.memref_slice %arg6[%dma_wait3A_120, %dma_wait3A_121] : memref<1024x64xbf16, #tpu.memory_space<vmem>> -> memref<128x64xbf16, #tpu.memory_space<vmem>>
      %dma_wait3A_123 = arith.constant 256 : i32
      %dma_wait3A_124 = tpu.memref_slice %arg5[%dma_wait3A_123] : memref<1024xi32, #tpu.memory_space<vmem>> -> memref<128xi32, #tpu.memory_space<vmem>>
      %dma_wait3A_125 = arith.constant 0 : i32
      %dma_wait3A_126 = arith.constant 0 : i32
      %dma_wait3A_127 = tpu.memref_slice %arg2[%dma_wait3A_125, %dma_wait3A_126] : memref<1007616x64xbf16, #tpu.memory_space<hbm>> -> memref<1007616x64xbf16, #tpu.memory_space<hbm>>
      tpu.wait_indirect_dma semaphore(%arg7 : memref<!tpu.dma_semaphore, #tpu.memory_space<semaphore_mem>>) src(%dma_wait3A_127 : memref<1007616x64xbf16, #tpu.memory_space<hbm>>) dst(%dma_wait3A_122 : memref<128x64xbf16, #tpu.memory_space<vmem>>)
      %dma_wait3A_128 = arith.constant 384 : i32
      %dma_wait3A_129 = arith.constant 0 : i32
      %dma_wait3A_130 = tpu.memref_slice %arg6[%dma_wait3A_128, %dma_wait3A_129] : memref<1024x64xbf16, #tpu.memory_space<vmem>> -> memref<128x64xbf16, #tpu.memory_space<vmem>>
      %dma_wait3A_131 = arith.constant 384 : i32
      %dma_wait3A_132 = tpu.memref_slice %arg5[%dma_wait3A_131] : memref<1024xi32, #tpu.memory_space<vmem>> -> memref<128xi32, #tpu.memory_space<vmem>>
      %dma_wait3A_133 = arith.constant 0 : i32
      %dma_wait3A_134 = arith.constant 0 : i32
      %dma_wait3A_135 = tpu.memref_slice %arg2[%dma_wait3A_133, %dma_wait3A_134] : memref<1007616x64xbf16, #tpu.memory_space<hbm>> -> memref<1007616x64xbf16, #tpu.memory_space<hbm>>
      tpu.wait_indirect_dma semaphore(%arg7 : memref<!tpu.dma_semaphore, #tpu.memory_space<semaphore_mem>>) src(%dma_wait3A_135 : memref<1007616x64xbf16, #tpu.memory_space<hbm>>) dst(%dma_wait3A_130 : memref<128x64xbf16, #tpu.memory_space<vmem>>)
      %dma_wait3A_136 = arith.constant 512 : i32
      %dma_wait3A_137 = arith.constant 0 : i32
      %dma_wait3A_138 = tpu.memref_slice %arg6[%dma_wait3A_136, %dma_wait3A_137] : memref<1024x64xbf16, #tpu.memory_space<vmem>> -> memref<128x64xbf16, #tpu.memory_space<vmem>>
      %dma_wait3A_139 = arith.constant 512 : i32
      %dma_wait3A_140 = tpu.memref_slice %arg5[%dma_wait3A_139] : memref<1024xi32, #tpu.memory_space<vmem>> -> memref<128xi32, #tpu.memory_space<vmem>>
      %dma_wait3A_141 = arith.constant 0 : i32
      %dma_wait3A_142 = arith.constant 0 : i32
      %dma_wait3A_143 = tpu.memref_slice %arg2[%dma_wait3A_141, %dma_wait3A_142] : memref<1007616x64xbf16, #tpu.memory_space<hbm>> -> memref<1007616x64xbf16, #tpu.memory_space<hbm>>
      tpu.wait_indirect_dma semaphore(%arg7 : memref<!tpu.dma_semaphore, #tpu.memory_space<semaphore_mem>>) src(%dma_wait3A_143 : memref<1007616x64xbf16, #tpu.memory_space<hbm>>) dst(%dma_wait3A_138 : memref<128x64xbf16, #tpu.memory_space<vmem>>)
      %dma_wait3A_144 = arith.constant 640 : i32
      %dma_wait3A_145 = arith.constant 0 : i32
      %dma_wait3A_146 = tpu.memref_slice %arg6[%dma_wait3A_144, %dma_wait3A_145] : memref<1024x64xbf16, #tpu.memory_space<vmem>> -> memref<128x64xbf16, #tpu.memory_space<vmem>>
      %dma_wait3A_147 = arith.constant 640 : i32
      %dma_wait3A_148 = tpu.memref_slice %arg5[%dma_wait3A_147] : memref<1024xi32, #tpu.memory_space<vmem>> -> memref<128xi32, #tpu.memory_space<vmem>>
      %dma_wait3A_149 = arith.constant 0 : i32
      %dma_wait3A_150 = arith.constant 0 : i32
      %dma_wait3A_151 = tpu.memref_slice %arg2[%dma_wait3A_149, %dma_wait3A_150] : memref<1007616x64xbf16, #tpu.memory_space<hbm>> -> memref<1007616x64xbf16, #tpu.memory_space<hbm>>
      tpu.wait_indirect_dma semaphore(%arg7 : memref<!tpu.dma_semaphore, #tpu.memory_space<semaphore_mem>>) src(%dma_wait3A_151 : memref<1007616x64xbf16, #tpu.memory_space<hbm>>) dst(%dma_wait3A_146 : memref<128x64xbf16, #tpu.memory_space<vmem>>)
      %dma_wait3A_152 = arith.constant 768 : i32
      %dma_wait3A_153 = arith.constant 0 : i32
      %dma_wait3A_154 = tpu.memref_slice %arg6[%dma_wait3A_152, %dma_wait3A_153] : memref<1024x64xbf16, #tpu.memory_space<vmem>> -> memref<128x64xbf16, #tpu.memory_space<vmem>>
      %dma_wait3A_155 = arith.constant 768 : i32
      %dma_wait3A_156 = tpu.memref_slice %arg5[%dma_wait3A_155] : memref<1024xi32, #tpu.memory_space<vmem>> -> memref<128xi32, #tpu.memory_space<vmem>>
      %dma_wait3A_157 = arith.constant 0 : i32
      %dma_wait3A_158 = arith.constant 0 : i32
      %dma_wait3A_159 = tpu.memref_slice %arg2[%dma_wait3A_157, %dma_wait3A_158] : memref<1007616x64xbf16, #tpu.memory_space<hbm>> -> memref<1007616x64xbf16, #tpu.memory_space<hbm>>
      tpu.wait_indirect_dma semaphore(%arg7 : memref<!tpu.dma_semaphore, #tpu.memory_space<semaphore_mem>>) src(%dma_wait3A_159 : memref<1007616x64xbf16, #tpu.memory_space<hbm>>) dst(%dma_wait3A_154 : memref<128x64xbf16, #tpu.memory_space<vmem>>)
      %dma_wait3A_160 = arith.constant 896 : i32
      %dma_wait3A_161 = arith.constant 0 : i32
      %dma_wait3A_162 = tpu.memref_slice %arg6[%dma_wait3A_160, %dma_wait3A_161] : memref<1024x64xbf16, #tpu.memory_space<vmem>> -> memref<128x64xbf16, #tpu.memory_space<vmem>>
      %dma_wait3A_163 = arith.constant 896 : i32
      %dma_wait3A_164 = tpu.memref_slice %arg5[%dma_wait3A_163] : memref<1024xi32, #tpu.memory_space<vmem>> -> memref<128xi32, #tpu.memory_space<vmem>>
      %dma_wait3A_165 = arith.constant 0 : i32
      %dma_wait3A_166 = arith.constant 0 : i32
      %dma_wait3A_167 = tpu.memref_slice %arg2[%dma_wait3A_165, %dma_wait3A_166] : memref<1007616x64xbf16, #tpu.memory_space<hbm>> -> memref<1007616x64xbf16, #tpu.memory_space<hbm>>
      tpu.wait_indirect_dma semaphore(%arg7 : memref<!tpu.dma_semaphore, #tpu.memory_space<semaphore_mem>>) src(%dma_wait3A_167 : memref<1007616x64xbf16, #tpu.memory_space<hbm>>) dst(%dma_wait3A_162 : memref<128x64xbf16, #tpu.memory_space<vmem>>)
      %jit3A_168 = arith.constant 2 : i32
      %div3A_169 = arith.divsi %select_n3A_39, %jit3A_168 : i32
      %sign3A_170 = arith.constant 0 : i32
      %sign3A_171 = arith.cmpi sgt, %select_n3A_39, %sign3A_170 : i32
      %sign3A_172 = arith.extui %sign3A_171 : i1 to i32
      %sign3A_173 = arith.constant 0 : i32
      %sign3A_174 = arith.cmpi slt, %select_n3A_39, %sign3A_173 : i32
      %sign3A_175 = arith.extui %sign3A_174 : i1 to i32
      %sign3A_176 = arith.subi %sign3A_172, %sign3A_175 : i32
      %sign3A_177 = arith.constant 0 : i32
      %sign3A_178 = arith.cmpi sgt, %jit3A_168, %sign3A_177 : i32
      %sign3A_179 = arith.extui %sign3A_178 : i1 to i32
      %sign3A_180 = arith.constant 0 : i32
      %sign3A_181 = arith.cmpi slt, %jit3A_168, %sign3A_180 : i32
      %sign3A_182 = arith.extui %sign3A_181 : i1 to i32
      %sign3A_183 = arith.subi %sign3A_179, %sign3A_182 : i32
      %ne3A_184 = arith.cmpi ne, %sign3A_176, %sign3A_183 : i32
      %rem3A_185 = arith.remsi %select_n3A_39, %jit3A_168 : i32
      %ne3A_186 = arith.constant 0 : i32
      %ne3A_187 = arith.cmpi ne, %rem3A_185, %ne3A_186 : i32
      %and3A_188 = arith.andi %ne3A_184, %ne3A_187 : i1
      %sub3A_189 = arith.constant 1 : i32
      %sub3A_190 = arith.subi %div3A_169, %sub3A_189 : i32
      %select_n3A_191 = arith.select %and3A_188, %sub3A_190, %div3A_169 : i32
      %mul3A_192 = arith.constant 2048 : i32
      %mul3A_193 = arith.muli %select_n3A, %mul3A_192 : i32
      %jit3A_194 = arith.constant 2 : i32
      %eq3A_195 = arith.constant 0 : i32
      %eq3A_196 = arith.cmpi eq, %jit3A_194, %eq3A_195 : i32
      %jit3A_197 = arith.constant 1 : i32
      %select_n3A_198 = arith.select %eq3A_196, %jit3A_197, %jit3A_194 : i32
      %rem3A_199 = arith.remsi %select_n3A_39, %select_n3A_198 : i32
      %ne3A_200 = arith.constant 0 : i32
      %ne3A_201 = arith.cmpi ne, %rem3A_199, %ne3A_200 : i32
      %lt3A_202 = arith.constant 0 : i32
      %lt3A_203 = arith.cmpi slt, %rem3A_199, %lt3A_202 : i32
      %lt3A_204 = arith.constant 0 : i32
      %lt3A_205 = arith.cmpi slt, %select_n3A_198, %lt3A_204 : i32
      %ne3A_206 = arith.xori %lt3A_203, %lt3A_205 : i1
      %and3A_207 = arith.andi %ne3A_206, %ne3A_201 : i1
      %add3A_208 = arith.addi %rem3A_199, %select_n3A_198 : i32
      %select_n3A_209 = arith.select %and3A_207, %add3A_208, %rem3A_199 : i32
      %mul3A_210 = arith.constant 1024 : i32
      %mul3A_211 = arith.muli %select_n3A_209, %mul3A_210 : i32
      %add3A_212 = arith.addi %mul3A_193, %mul3A_211 : i32
      %mul3A_213 = arith.constant 64 : i32
      %mul3A_214 = arith.muli %select_n3A_191, %mul3A_213 : i32
      "tpu.region"() ({
        %run_scoped3A = tpu.sem_alloc : memref<!tpu.dma_semaphore, #tpu.memory_space<semaphore_mem>>
        %dma_start3A_215 = tpu.memref_slice %arg4[%add3A_212, %mul3A_214] : memref<81920x128xbf16, #tpu.memory_space<hbm>> -> memref<1024x64xbf16, #tpu.memory_space<hbm>>
        %dma_start3A_216 = tpu.memref_slice %arg4[%add3A_212, %mul3A_214] : memref<81920x128xbf16, #tpu.memory_space<hbm>> -> memref<1024x64xbf16, #tpu.memory_space<hbm>>
        tpu.enqueue_dma source(%arg6 : memref<1024x64xbf16, #tpu.memory_space<vmem>>) target(%dma_start3A_216 : memref<1024x64xbf16, #tpu.memory_space<hbm>>) target_semaphore(%run_scoped3A : memref<!tpu.dma_semaphore, #tpu.memory_space<semaphore_mem>>)
        %dma_wait3A_217 = tpu.memref_slice %arg4[%add3A_212, %mul3A_214] : memref<81920x128xbf16, #tpu.memory_space<hbm>> -> memref<1024x64xbf16, #tpu.memory_space<hbm>>
        %dma_wait3A_218 = tpu.memref_slice %arg4[%add3A_212, %mul3A_214] : memref<81920x128xbf16, #tpu.memory_space<hbm>> -> memref<1024x64xbf16, #tpu.memory_space<hbm>>
        tpu.wait_dma2 semaphore(%run_scoped3A : memref<!tpu.dma_semaphore, #tpu.memory_space<semaphore_mem>>) src(%arg6 : memref<1024x64xbf16, #tpu.memory_space<vmem>>) dst(%dma_wait3A_218 : memref<1024x64xbf16, #tpu.memory_space<hbm>>)
        tpu.yield
      }) : () -> ()
    }
    %scan3A_5 = arith.constant 5 : i32
    return
  }
}

#map = affine_map<(d0, d1) -> (0, 0)>
module attributes {stable_mosaic.version = 14 : i64} {
  func.func @gather_kernel(%arg0: i32, %arg1: i32, %arg2: memref<1007616x64xbf16, #tpu.memory_space<hbm>>, %arg3: memref<40x4096xi32, #tpu.memory_space<hbm>>, %arg4: memref<81920x128xbf16, #tpu.memory_space<hbm>>, %arg5: memref<1024xi32, #tpu.memory_space<vmem>>, %arg6: memref<1024x64xbf16, #tpu.memory_space<vmem>>, %arg7: memref<!tpu.dma_semaphore, #tpu.memory_space<semaphore_mem>>) attributes {dimension_semantics = [#tpu.dimension_semantics<core_parallel>, #tpu.dimension_semantics<subcore_parallel>], iteration_bounds = array<i64: 2, 16>, scalar_prefetch = 0 : i64, scratch_operands = 3 : i64, tpu.core_type = #tpu.core_type<sc_vector_subcore>, window_params = [{transform_indices = #map}, {transform_indices = #map}, {transform_indices = #map}]} {
    %mul3A = arith.constant 2 : i32
    %mul3A_0 = arith.muli %arg1, %mul3A : i32
    %add3A = arith.addi %mul3A_0, %arg0 : i32
    %scan3A = arith.constant 0 : i32
    %scan3A_1 = arith.constant 0 : i32
    %scan3A_2 = arith.constant 5 : i32
    %scan3A_3 = arith.addi %scan3A_1, %scan3A_2 : i32
    %scan3A_4 = arith.constant 1 : i32
    scf.for %scan3A_6 = %scan3A_1 to %scan3A_3 step %scan3A_4  : i32 {
      %mul3A_7 = arith.constant 5 : i32
      %mul3A_8 = arith.muli %add3A, %mul3A_7 : i32
      %add3A_9 = arith.addi %mul3A_8, %scan3A_6 : i32
      %jit3A = arith.constant 4 : i32
      %div3A = arith.divsi %add3A_9, %jit3A : i32
      %sign3A = arith.constant 0 : i32
      %sign3A_10 = arith.cmpi sgt, %add3A_9, %sign3A : i32
      %sign3A_11 = arith.extui %sign3A_10 : i1 to i32
      %sign3A_12 = arith.constant 0 : i32
      %sign3A_13 = arith.cmpi slt, %add3A_9, %sign3A_12 : i32
      %sign3A_14 = arith.extui %sign3A_13 : i1 to i32
      %sign3A_15 = arith.subi %sign3A_11, %sign3A_14 : i32
      %sign3A_16 = arith.constant 0 : i32
      %sign3A_17 = arith.cmpi sgt, %jit3A, %sign3A_16 : i32
      %sign3A_18 = arith.extui %sign3A_17 : i1 to i32
      %sign3A_19 = arith.constant 0 : i32
      %sign3A_20 = arith.cmpi slt, %jit3A, %sign3A_19 : i32
      %sign3A_21 = arith.extui %sign3A_20 : i1 to i32
      %sign3A_22 = arith.subi %sign3A_18, %sign3A_21 : i32
      %ne3A = arith.cmpi ne, %sign3A_15, %sign3A_22 : i32
      %rem3A = arith.remsi %add3A_9, %jit3A : i32
      %ne3A_23 = arith.constant 0 : i32
      %ne3A_24 = arith.cmpi ne, %rem3A, %ne3A_23 : i32
      %and3A = arith.andi %ne3A, %ne3A_24 : i1
      %sub3A = arith.constant 1 : i32
      %sub3A_25 = arith.subi %div3A, %sub3A : i32
      %select_n3A = arith.select %and3A, %sub3A_25, %div3A : i32
      %jit3A_26 = arith.constant 4 : i32
      %eq3A = arith.constant 0 : i32
      %eq3A_27 = arith.cmpi eq, %jit3A_26, %eq3A : i32
      %jit3A_28 = arith.constant 1 : i32
      %select_n3A_29 = arith.select %eq3A_27, %jit3A_28, %jit3A_26 : i32
      %rem3A_30 = arith.remsi %add3A_9, %select_n3A_29 : i32
      %ne3A_31 = arith.constant 0 : i32
      %ne3A_32 = arith.cmpi ne, %rem3A_30, %ne3A_31 : i32
      %lt3A = arith.constant 0 : i32
      %lt3A_33 = arith.cmpi slt, %rem3A_30, %lt3A : i32
      %lt3A_34 = arith.constant 0 : i32
      %lt3A_35 = arith.cmpi slt, %select_n3A_29, %lt3A_34 : i32
      %ne3A_36 = arith.xori %lt3A_33, %lt3A_35 : i1
      %and3A_37 = arith.andi %ne3A_36, %ne3A_32 : i1
      %add3A_38 = arith.addi %rem3A_30, %select_n3A_29 : i32
      %select_n3A_39 = arith.select %and3A_37, %add3A_38, %rem3A_30 : i32
      %mul3A_40 = arith.constant 1024 : i32
      %mul3A_41 = arith.muli %select_n3A_39, %mul3A_40 : i32
      "tpu.region"() ({
        %run_scoped3A = tpu.sem_alloc : memref<!tpu.dma_semaphore, #tpu.memory_space<semaphore_mem>>
        %dma_start3A_215 = tpu.memref_slice %arg3[%select_n3A, %mul3A_41] : memref<40x4096xi32, #tpu.memory_space<hbm>> -> memref<1x1024xi32, #tpu.memory_space<hbm>>
        %dma_start3A_216 = tpu.memref_squeeze %dma_start3A_215 : memref<1x1024xi32, #tpu.memory_space<hbm>> -> memref<1024xi32, #tpu.memory_space<hbm>>
        %dma_start3A_217 = tpu.memref_slice %arg3[%select_n3A, %mul3A_41] : memref<40x4096xi32, #tpu.memory_space<hbm>> -> memref<1x1024xi32, #tpu.memory_space<hbm>>
        %dma_start3A_218 = tpu.memref_squeeze %dma_start3A_217 : memref<1x1024xi32, #tpu.memory_space<hbm>> -> memref<1024xi32, #tpu.memory_space<hbm>>
        tpu.enqueue_dma source(%dma_start3A_218 : memref<1024xi32, #tpu.memory_space<hbm>>) target(%arg5 : memref<1024xi32, #tpu.memory_space<vmem>>) target_semaphore(%run_scoped3A : memref<!tpu.dma_semaphore, #tpu.memory_space<semaphore_mem>>)
        %dma_wait3A_219 = tpu.memref_slice %arg3[%select_n3A, %mul3A_41] : memref<40x4096xi32, #tpu.memory_space<hbm>> -> memref<1x1024xi32, #tpu.memory_space<hbm>>
        %dma_wait3A_220 = tpu.memref_squeeze %dma_wait3A_219 : memref<1x1024xi32, #tpu.memory_space<hbm>> -> memref<1024xi32, #tpu.memory_space<hbm>>
        %dma_wait3A_221 = tpu.memref_slice %arg3[%select_n3A, %mul3A_41] : memref<40x4096xi32, #tpu.memory_space<hbm>> -> memref<1x1024xi32, #tpu.memory_space<hbm>>
        %dma_wait3A_222 = tpu.memref_squeeze %dma_wait3A_221 : memref<1x1024xi32, #tpu.memory_space<hbm>> -> memref<1024xi32, #tpu.memory_space<hbm>>
        tpu.wait_dma2 semaphore(%run_scoped3A : memref<!tpu.dma_semaphore, #tpu.memory_space<semaphore_mem>>) src(%dma_wait3A_222 : memref<1024xi32, #tpu.memory_space<hbm>>) dst(%arg5 : memref<1024xi32, #tpu.memory_space<vmem>>)
        tpu.yield
      }) : () -> ()
      %dma_start3A = arith.constant 0 : i32
      %dma_start3A_42 = arith.constant 0 : i32
      %dma_start3A_43 = tpu.memref_slice %arg6[%dma_start3A, %dma_start3A_42] : memref<1024x64xbf16, #tpu.memory_space<vmem>> -> memref<128x64xbf16, #tpu.memory_space<vmem>>
      %dma_start3A_44 = arith.constant 0 : i32
      %dma_start3A_45 = tpu.memref_slice %arg5[%dma_start3A_44] : memref<1024xi32, #tpu.memory_space<vmem>> -> memref<128xi32, #tpu.memory_space<vmem>>
      %dma_start3A_46 = arith.constant 0 : i32
      %dma_start3A_47 = arith.constant 0 : i32
      %dma_start3A_48 = tpu.memref_slice %arg2[%dma_start3A_46, %dma_start3A_47] : memref<1007616x64xbf16, #tpu.memory_space<hbm>> -> memref<1007616x64xbf16, #tpu.memory_space<hbm>>
      tpu.enqueue_indirect_dma source(%dma_start3A_48 : memref<1007616x64xbf16, #tpu.memory_space<hbm>>) target(%dma_start3A_43 : memref<128x64xbf16, #tpu.memory_space<vmem>>) offsets(%dma_start3A_45 : memref<128xi32, #tpu.memory_space<vmem>>) semaphore(%arg7 : memref<!tpu.dma_semaphore, #tpu.memory_space<semaphore_mem>>)
      %dma_start3A_49 = arith.constant 128 : i32
      %dma_start3A_50 = arith.constant 0 : i32
      %dma_start3A_51 = tpu.memref_slice %arg6[%dma_start3A_49, %dma_start3A_50] : memref<1024x64xbf16, #tpu.memory_space<vmem>> -> memref<128x64xbf16, #tpu.memory_space<vmem>>
      %dma_start3A_52 = arith.constant 128 : i32
      %dma_start3A_53 = tpu.memref_slice %arg5[%dma_start3A_52] : memref<1024xi32, #tpu.memory_space<vmem>> -> memref<128xi32, #tpu.memory_space<vmem>>
      %dma_start3A_54 = arith.constant 0 : i32
      %dma_start3A_55 = arith.constant 0 : i32
      %dma_start3A_56 = tpu.memref_slice %arg2[%dma_start3A_54, %dma_start3A_55] : memref<1007616x64xbf16, #tpu.memory_space<hbm>> -> memref<1007616x64xbf16, #tpu.memory_space<hbm>>
      tpu.enqueue_indirect_dma source(%dma_start3A_56 : memref<1007616x64xbf16, #tpu.memory_space<hbm>>) target(%dma_start3A_51 : memref<128x64xbf16, #tpu.memory_space<vmem>>) offsets(%dma_start3A_53 : memref<128xi32, #tpu.memory_space<vmem>>) semaphore(%arg7 : memref<!tpu.dma_semaphore, #tpu.memory_space<semaphore_mem>>)
      %dma_start3A_57 = arith.constant 256 : i32
      %dma_start3A_58 = arith.constant 0 : i32
      %dma_start3A_59 = tpu.memref_slice %arg6[%dma_start3A_57, %dma_start3A_58] : memref<1024x64xbf16, #tpu.memory_space<vmem>> -> memref<128x64xbf16, #tpu.memory_space<vmem>>
      %dma_start3A_60 = arith.constant 256 : i32
      %dma_start3A_61 = tpu.memref_slice %arg5[%dma_start3A_60] : memref<1024xi32, #tpu.memory_space<vmem>> -> memref<128xi32, #tpu.memory_space<vmem>>
      %dma_start3A_62 = arith.constant 0 : i32
      %dma_start3A_63 = arith.constant 0 : i32
      %dma_start3A_64 = tpu.memref_slice %arg2[%dma_start3A_62, %dma_start3A_63] : memref<1007616x64xbf16, #tpu.memory_space<hbm>> -> memref<1007616x64xbf16, #tpu.memory_space<hbm>>
      tpu.enqueue_indirect_dma source(%dma_start3A_64 : memref<1007616x64xbf16, #tpu.memory_space<hbm>>) target(%dma_start3A_59 : memref<128x64xbf16, #tpu.memory_space<vmem>>) offsets(%dma_start3A_61 : memref<128xi32, #tpu.memory_space<vmem>>) semaphore(%arg7 : memref<!tpu.dma_semaphore, #tpu.memory_space<semaphore_mem>>)
      %dma_start3A_65 = arith.constant 384 : i32
      %dma_start3A_66 = arith.constant 0 : i32
      %dma_start3A_67 = tpu.memref_slice %arg6[%dma_start3A_65, %dma_start3A_66] : memref<1024x64xbf16, #tpu.memory_space<vmem>> -> memref<128x64xbf16, #tpu.memory_space<vmem>>
      %dma_start3A_68 = arith.constant 384 : i32
      %dma_start3A_69 = tpu.memref_slice %arg5[%dma_start3A_68] : memref<1024xi32, #tpu.memory_space<vmem>> -> memref<128xi32, #tpu.memory_space<vmem>>
      %dma_start3A_70 = arith.constant 0 : i32
      %dma_start3A_71 = arith.constant 0 : i32
      %dma_start3A_72 = tpu.memref_slice %arg2[%dma_start3A_70, %dma_start3A_71] : memref<1007616x64xbf16, #tpu.memory_space<hbm>> -> memref<1007616x64xbf16, #tpu.memory_space<hbm>>
      tpu.enqueue_indirect_dma source(%dma_start3A_72 : memref<1007616x64xbf16, #tpu.memory_space<hbm>>) target(%dma_start3A_67 : memref<128x64xbf16, #tpu.memory_space<vmem>>) offsets(%dma_start3A_69 : memref<128xi32, #tpu.memory_space<vmem>>) semaphore(%arg7 : memref<!tpu.dma_semaphore, #tpu.memory_space<semaphore_mem>>)
      %dma_start3A_73 = arith.constant 512 : i32
      %dma_start3A_74 = arith.constant 0 : i32
      %dma_start3A_75 = tpu.memref_slice %arg6[%dma_start3A_73, %dma_start3A_74] : memref<1024x64xbf16, #tpu.memory_space<vmem>> -> memref<128x64xbf16, #tpu.memory_space<vmem>>
      %dma_start3A_76 = arith.constant 512 : i32
      %dma_start3A_77 = tpu.memref_slice %arg5[%dma_start3A_76] : memref<1024xi32, #tpu.memory_space<vmem>> -> memref<128xi32, #tpu.memory_space<vmem>>
      %dma_start3A_78 = arith.constant 0 : i32
      %dma_start3A_79 = arith.constant 0 : i32
      %dma_start3A_80 = tpu.memref_slice %arg2[%dma_start3A_78, %dma_start3A_79] : memref<1007616x64xbf16, #tpu.memory_space<hbm>> -> memref<1007616x64xbf16, #tpu.memory_space<hbm>>
      tpu.enqueue_indirect_dma source(%dma_start3A_80 : memref<1007616x64xbf16, #tpu.memory_space<hbm>>) target(%dma_start3A_75 : memref<128x64xbf16, #tpu.memory_space<vmem>>) offsets(%dma_start3A_77 : memref<128xi32, #tpu.memory_space<vmem>>) semaphore(%arg7 : memref<!tpu.dma_semaphore, #tpu.memory_space<semaphore_mem>>)
      %dma_start3A_81 = arith.constant 640 : i32
      %dma_start3A_82 = arith.constant 0 : i32
      %dma_start3A_83 = tpu.memref_slice %arg6[%dma_start3A_81, %dma_start3A_82] : memref<1024x64xbf16, #tpu.memory_space<vmem>> -> memref<128x64xbf16, #tpu.memory_space<vmem>>
      %dma_start3A_84 = arith.constant 640 : i32
      %dma_start3A_85 = tpu.memref_slice %arg5[%dma_start3A_84] : memref<1024xi32, #tpu.memory_space<vmem>> -> memref<128xi32, #tpu.memory_space<vmem>>
      %dma_start3A_86 = arith.constant 0 : i32
      %dma_start3A_87 = arith.constant 0 : i32
      %dma_start3A_88 = tpu.memref_slice %arg2[%dma_start3A_86, %dma_start3A_87] : memref<1007616x64xbf16, #tpu.memory_space<hbm>> -> memref<1007616x64xbf16, #tpu.memory_space<hbm>>
      tpu.enqueue_indirect_dma source(%dma_start3A_88 : memref<1007616x64xbf16, #tpu.memory_space<hbm>>) target(%dma_start3A_83 : memref<128x64xbf16, #tpu.memory_space<vmem>>) offsets(%dma_start3A_85 : memref<128xi32, #tpu.memory_space<vmem>>) semaphore(%arg7 : memref<!tpu.dma_semaphore, #tpu.memory_space<semaphore_mem>>)
      %dma_start3A_89 = arith.constant 768 : i32
      %dma_start3A_90 = arith.constant 0 : i32
      %dma_start3A_91 = tpu.memref_slice %arg6[%dma_start3A_89, %dma_start3A_90] : memref<1024x64xbf16, #tpu.memory_space<vmem>> -> memref<128x64xbf16, #tpu.memory_space<vmem>>
      %dma_start3A_92 = arith.constant 768 : i32
      %dma_start3A_93 = tpu.memref_slice %arg5[%dma_start3A_92] : memref<1024xi32, #tpu.memory_space<vmem>> -> memref<128xi32, #tpu.memory_space<vmem>>
      %dma_start3A_94 = arith.constant 0 : i32
      %dma_start3A_95 = arith.constant 0 : i32
      %dma_start3A_96 = tpu.memref_slice %arg2[%dma_start3A_94, %dma_start3A_95] : memref<1007616x64xbf16, #tpu.memory_space<hbm>> -> memref<1007616x64xbf16, #tpu.memory_space<hbm>>
      tpu.enqueue_indirect_dma source(%dma_start3A_96 : memref<1007616x64xbf16, #tpu.memory_space<hbm>>) target(%dma_start3A_91 : memref<128x64xbf16, #tpu.memory_space<vmem>>) offsets(%dma_start3A_93 : memref<128xi32, #tpu.memory_space<vmem>>) semaphore(%arg7 : memref<!tpu.dma_semaphore, #tpu.memory_space<semaphore_mem>>)
      %dma_start3A_97 = arith.constant 896 : i32
      %dma_start3A_98 = arith.constant 0 : i32
      %dma_start3A_99 = tpu.memref_slice %arg6[%dma_start3A_97, %dma_start3A_98] : memref<1024x64xbf16, #tpu.memory_space<vmem>> -> memref<128x64xbf16, #tpu.memory_space<vmem>>
      %dma_start3A_100 = arith.constant 896 : i32
      %dma_start3A_101 = tpu.memref_slice %arg5[%dma_start3A_100] : memref<1024xi32, #tpu.memory_space<vmem>> -> memref<128xi32, #tpu.memory_space<vmem>>
      %dma_start3A_102 = arith.constant 0 : i32
      %dma_start3A_103 = arith.constant 0 : i32
      %dma_start3A_104 = tpu.memref_slice %arg2[%dma_start3A_102, %dma_start3A_103] : memref<1007616x64xbf16, #tpu.memory_space<hbm>> -> memref<1007616x64xbf16, #tpu.memory_space<hbm>>
      tpu.enqueue_indirect_dma source(%dma_start3A_104 : memref<1007616x64xbf16, #tpu.memory_space<hbm>>) target(%dma_start3A_99 : memref<128x64xbf16, #tpu.memory_space<vmem>>) offsets(%dma_start3A_101 : memref<128xi32, #tpu.memory_space<vmem>>) semaphore(%arg7 : memref<!tpu.dma_semaphore, #tpu.memory_space<semaphore_mem>>)
      %dma_wait3A = arith.constant 0 : i32
      %dma_wait3A_105 = arith.constant 0 : i32
      %dma_wait3A_106 = tpu.memref_slice %arg6[%dma_wait3A, %dma_wait3A_105] : memref<1024x64xbf16, #tpu.memory_space<vmem>> -> memref<128x64xbf16, #tpu.memory_space<vmem>>
      %dma_wait3A_107 = arith.constant 0 : i32
      %dma_wait3A_108 = tpu.memref_slice %arg5[%dma_wait3A_107] : memref<1024xi32, #tpu.memory_space<vmem>> -> memref<128xi32, #tpu.memory_space<vmem>>
      %dma_wait3A_109 = arith.constant 0 : i32
      %dma_wait3A_110 = arith.constant 0 : i32
      %dma_wait3A_111 = tpu.memref_slice %arg2[%dma_wait3A_109, %dma_wait3A_110] : memref<1007616x64xbf16, #tpu.memory_space<hbm>> -> memref<1007616x64xbf16, #tpu.memory_space<hbm>>
      tpu.wait_indirect_dma semaphore(%arg7 : memref<!tpu.dma_semaphore, #tpu.memory_space<semaphore_mem>>) src(%dma_wait3A_111 : memref<1007616x64xbf16, #tpu.memory_space<hbm>>) dst(%dma_wait3A_106 : memref<128x64xbf16, #tpu.memory_space<vmem>>)
      %dma_wait3A_112 = arith.constant 128 : i32
      %dma_wait3A_113 = arith.constant 0 : i32
      %dma_wait3A_114 = tpu.memref_slice %arg6[%dma_wait3A_112, %dma_wait3A_113] : memref<1024x64xbf16, #tpu.memory_space<vmem>> -> memref<128x64xbf16, #tpu.memory_space<vmem>>
      %dma_wait3A_115 = arith.constant 128 : i32
      %dma_wait3A_116 = tpu.memref_slice %arg5[%dma_wait3A_115] : memref<1024xi32, #tpu.memory_space<vmem>> -> memref<128xi32, #tpu.memory_space<vmem>>
      %dma_wait3A_117 = arith.constant 0 : i32
      %dma_wait3A_118 = arith.constant 0 : i32
      %dma_wait3A_119 = tpu.memref_slice %arg2[%dma_wait3A_117, %dma_wait3A_118] : memref<1007616x64xbf16, #tpu.memory_space<hbm>> -> memref<1007616x64xbf16, #tpu.memory_space<hbm>>
      tpu.wait_indirect_dma semaphore(%arg7 : memref<!tpu.dma_semaphore, #tpu.memory_space<semaphore_mem>>) src(%dma_wait3A_119 : memref<1007616x64xbf16, #tpu.memory_space<hbm>>) dst(%dma_wait3A_114 : memref<128x64xbf16, #tpu.memory_space<vmem>>)
      %dma_wait3A_120 = arith.constant 256 : i32
      %dma_wait3A_121 = arith.constant 0 : i32
      %dma_wait3A_122 = tpu.memref_slice %arg6[%dma_wait3A_120, %dma_wait3A_121] : memref<1024x64xbf16, #tpu.memory_space<vmem>> -> memref<128x64xbf16, #tpu.memory_space<vmem>>
      %dma_wait3A_123 = arith.constant 256 : i32
      %dma_wait3A_124 = tpu.memref_slice %arg5[%dma_wait3A_123] : memref<1024xi32, #tpu.memory_space<vmem>> -> memref<128xi32, #tpu.memory_space<vmem>>
      %dma_wait3A_125 = arith.constant 0 : i32
      %dma_wait3A_126 = arith.constant 0 : i32
      %dma_wait3A_127 = tpu.memref_slice %arg2[%dma_wait3A_125, %dma_wait3A_126] : memref<1007616x64xbf16, #tpu.memory_space<hbm>> -> memref<1007616x64xbf16, #tpu.memory_space<hbm>>
      tpu.wait_indirect_dma semaphore(%arg7 : memref<!tpu.dma_semaphore, #tpu.memory_space<semaphore_mem>>) src(%dma_wait3A_127 : memref<1007616x64xbf16, #tpu.memory_space<hbm>>) dst(%dma_wait3A_122 : memref<128x64xbf16, #tpu.memory_space<vmem>>)
      %dma_wait3A_128 = arith.constant 384 : i32
      %dma_wait3A_129 = arith.constant 0 : i32
      %dma_wait3A_130 = tpu.memref_slice %arg6[%dma_wait3A_128, %dma_wait3A_129] : memref<1024x64xbf16, #tpu.memory_space<vmem>> -> memref<128x64xbf16, #tpu.memory_space<vmem>>
      %dma_wait3A_131 = arith.constant 384 : i32
      %dma_wait3A_132 = tpu.memref_slice %arg5[%dma_wait3A_131] : memref<1024xi32, #tpu.memory_space<vmem>> -> memref<128xi32, #tpu.memory_space<vmem>>
      %dma_wait3A_133 = arith.constant 0 : i32
      %dma_wait3A_134 = arith.constant 0 : i32
      %dma_wait3A_135 = tpu.memref_slice %arg2[%dma_wait3A_133, %dma_wait3A_134] : memref<1007616x64xbf16, #tpu.memory_space<hbm>> -> memref<1007616x64xbf16, #tpu.memory_space<hbm>>
      tpu.wait_indirect_dma semaphore(%arg7 : memref<!tpu.dma_semaphore, #tpu.memory_space<semaphore_mem>>) src(%dma_wait3A_135 : memref<1007616x64xbf16, #tpu.memory_space<hbm>>) dst(%dma_wait3A_130 : memref<128x64xbf16, #tpu.memory_space<vmem>>)
      %dma_wait3A_136 = arith.constant 512 : i32
      %dma_wait3A_137 = arith.constant 0 : i32
      %dma_wait3A_138 = tpu.memref_slice %arg6[%dma_wait3A_136, %dma_wait3A_137] : memref<1024x64xbf16, #tpu.memory_space<vmem>> -> memref<128x64xbf16, #tpu.memory_space<vmem>>
      %dma_wait3A_139 = arith.constant 512 : i32
      %dma_wait3A_140 = tpu.memref_slice %arg5[%dma_wait3A_139] : memref<1024xi32, #tpu.memory_space<vmem>> -> memref<128xi32, #tpu.memory_space<vmem>>
      %dma_wait3A_141 = arith.constant 0 : i32
      %dma_wait3A_142 = arith.constant 0 : i32
      %dma_wait3A_143 = tpu.memref_slice %arg2[%dma_wait3A_141, %dma_wait3A_142] : memref<1007616x64xbf16, #tpu.memory_space<hbm>> -> memref<1007616x64xbf16, #tpu.memory_space<hbm>>
      tpu.wait_indirect_dma semaphore(%arg7 : memref<!tpu.dma_semaphore, #tpu.memory_space<semaphore_mem>>) src(%dma_wait3A_143 : memref<1007616x64xbf16, #tpu.memory_space<hbm>>) dst(%dma_wait3A_138 : memref<128x64xbf16, #tpu.memory_space<vmem>>)
      %dma_wait3A_144 = arith.constant 640 : i32
      %dma_wait3A_145 = arith.constant 0 : i32
      %dma_wait3A_146 = tpu.memref_slice %arg6[%dma_wait3A_144, %dma_wait3A_145] : memref<1024x64xbf16, #tpu.memory_space<vmem>> -> memref<128x64xbf16, #tpu.memory_space<vmem>>
      %dma_wait3A_147 = arith.constant 640 : i32
      %dma_wait3A_148 = tpu.memref_slice %arg5[%dma_wait3A_147] : memref<1024xi32, #tpu.memory_space<vmem>> -> memref<128xi32, #tpu.memory_space<vmem>>
      %dma_wait3A_149 = arith.constant 0 : i32
      %dma_wait3A_150 = arith.constant 0 : i32
      %dma_wait3A_151 = tpu.memref_slice %arg2[%dma_wait3A_149, %dma_wait3A_150] : memref<1007616x64xbf16, #tpu.memory_space<hbm>> -> memref<1007616x64xbf16, #tpu.memory_space<hbm>>
      tpu.wait_indirect_dma semaphore(%arg7 : memref<!tpu.dma_semaphore, #tpu.memory_space<semaphore_mem>>) src(%dma_wait3A_151 : memref<1007616x64xbf16, #tpu.memory_space<hbm>>) dst(%dma_wait3A_146 : memref<128x64xbf16, #tpu.memory_space<vmem>>)
      %dma_wait3A_152 = arith.constant 768 : i32
      %dma_wait3A_153 = arith.constant 0 : i32
      %dma_wait3A_154 = tpu.memref_slice %arg6[%dma_wait3A_152, %dma_wait3A_153] : memref<1024x64xbf16, #tpu.memory_space<vmem>> -> memref<128x64xbf16, #tpu.memory_space<vmem>>
      %dma_wait3A_155 = arith.constant 768 : i32
      %dma_wait3A_156 = tpu.memref_slice %arg5[%dma_wait3A_155] : memref<1024xi32, #tpu.memory_space<vmem>> -> memref<128xi32, #tpu.memory_space<vmem>>
      %dma_wait3A_157 = arith.constant 0 : i32
      %dma_wait3A_158 = arith.constant 0 : i32
      %dma_wait3A_159 = tpu.memref_slice %arg2[%dma_wait3A_157, %dma_wait3A_158] : memref<1007616x64xbf16, #tpu.memory_space<hbm>> -> memref<1007616x64xbf16, #tpu.memory_space<hbm>>
      tpu.wait_indirect_dma semaphore(%arg7 : memref<!tpu.dma_semaphore, #tpu.memory_space<semaphore_mem>>) src(%dma_wait3A_159 : memref<1007616x64xbf16, #tpu.memory_space<hbm>>) dst(%dma_wait3A_154 : memref<128x64xbf16, #tpu.memory_space<vmem>>)
      %dma_wait3A_160 = arith.constant 896 : i32
      %dma_wait3A_161 = arith.constant 0 : i32
      %dma_wait3A_162 = tpu.memref_slice %arg6[%dma_wait3A_160, %dma_wait3A_161] : memref<1024x64xbf16, #tpu.memory_space<vmem>> -> memref<128x64xbf16, #tpu.memory_space<vmem>>
      %dma_wait3A_163 = arith.constant 896 : i32
      %dma_wait3A_164 = tpu.memref_slice %arg5[%dma_wait3A_163] : memref<1024xi32, #tpu.memory_space<vmem>> -> memref<128xi32, #tpu.memory_space<vmem>>
      %dma_wait3A_165 = arith.constant 0 : i32
      %dma_wait3A_166 = arith.constant 0 : i32
      %dma_wait3A_167 = tpu.memref_slice %arg2[%dma_wait3A_165, %dma_wait3A_166] : memref<1007616x64xbf16, #tpu.memory_space<hbm>> -> memref<1007616x64xbf16, #tpu.memory_space<hbm>>
      tpu.wait_indirect_dma semaphore(%arg7 : memref<!tpu.dma_semaphore, #tpu.memory_space<semaphore_mem>>) src(%dma_wait3A_167 : memref<1007616x64xbf16, #tpu.memory_space<hbm>>) dst(%dma_wait3A_162 : memref<128x64xbf16, #tpu.memory_space<vmem>>)
      %jit3A_168 = arith.constant 2 : i32
      %div3A_169 = arith.divsi %select_n3A_39, %jit3A_168 : i32
      %sign3A_170 = arith.constant 0 : i32
      %sign3A_171 = arith.cmpi sgt, %select_n3A_39, %sign3A_170 : i32
      %sign3A_172 = arith.extui %sign3A_171 : i1 to i32
      %sign3A_173 = arith.constant 0 : i32
      %sign3A_174 = arith.cmpi slt, %select_n3A_39, %sign3A_173 : i32
      %sign3A_175 = arith.extui %sign3A_174 : i1 to i32
      %sign3A_176 = arith.subi %sign3A_172, %sign3A_175 : i32
      %sign3A_177 = arith.constant 0 : i32
      %sign3A_178 = arith.cmpi sgt, %jit3A_168, %sign3A_177 : i32
      %sign3A_179 = arith.extui %sign3A_178 : i1 to i32
      %sign3A_180 = arith.constant 0 : i32
      %sign3A_181 = arith.cmpi slt, %jit3A_168, %sign3A_180 : i32
      %sign3A_182 = arith.extui %sign3A_181 : i1 to i32
      %sign3A_183 = arith.subi %sign3A_179, %sign3A_182 : i32
      %ne3A_184 = arith.cmpi ne, %sign3A_176, %sign3A_183 : i32
      %rem3A_185 = arith.remsi %select_n3A_39, %jit3A_168 : i32
      %ne3A_186 = arith.constant 0 : i32
      %ne3A_187 = arith.cmpi ne, %rem3A_185, %ne3A_186 : i32
      %and3A_188 = arith.andi %ne3A_184, %ne3A_187 : i1
      %sub3A_189 = arith.constant 1 : i32
      %sub3A_190 = arith.subi %div3A_169, %sub3A_189 : i32
      %select_n3A_191 = arith.select %and3A_188, %sub3A_190, %div3A_169 : i32
      %mul3A_192 = arith.constant 2048 : i32
      %mul3A_193 = arith.muli %select_n3A, %mul3A_192 : i32
      %jit3A_194 = arith.constant 2 : i32
      %eq3A_195 = arith.constant 0 : i32
      %eq3A_196 = arith.cmpi eq, %jit3A_194, %eq3A_195 : i32
      %jit3A_197 = arith.constant 1 : i32
      %select_n3A_198 = arith.select %eq3A_196, %jit3A_197, %jit3A_194 : i32
      %rem3A_199 = arith.remsi %select_n3A_39, %select_n3A_198 : i32
      %ne3A_200 = arith.constant 0 : i32
      %ne3A_201 = arith.cmpi ne, %rem3A_199, %ne3A_200 : i32
      %lt3A_202 = arith.constant 0 : i32
      %lt3A_203 = arith.cmpi slt, %rem3A_199, %lt3A_202 : i32
      %lt3A_204 = arith.constant 0 : i32
      %lt3A_205 = arith.cmpi slt, %select_n3A_198, %lt3A_204 : i32
      %ne3A_206 = arith.xori %lt3A_203, %lt3A_205 : i1
      %and3A_207 = arith.andi %ne3A_206, %ne3A_201 : i1
      %add3A_208 = arith.addi %rem3A_199, %select_n3A_198 : i32
      %select_n3A_209 = arith.select %and3A_207, %add3A_208, %rem3A_199 : i32
      %mul3A_210 = arith.constant 1024 : i32
      %mul3A_211 = arith.muli %select_n3A_209, %mul3A_210 : i32
      %add3A_212 = arith.addi %mul3A_193, %mul3A_211 : i32
      %mul3A_213 = arith.constant 64 : i32
      %mul3A_214 = arith.muli %select_n3A_191, %mul3A_213 : i32
      "tpu.region"() ({
        %run_scoped3A = tpu.sem_alloc : memref<!tpu.dma_semaphore, #tpu.memory_space<semaphore_mem>>
        %dma_start3A_215 = tpu.memref_slice %arg4[%add3A_212, %mul3A_214] : memref<81920x128xbf16, #tpu.memory_space<hbm>> -> memref<1024x64xbf16, #tpu.memory_space<hbm>>
        %dma_start3A_216 = tpu.memref_slice %arg4[%add3A_212, %mul3A_214] : memref<81920x128xbf16, #tpu.memory_space<hbm>> -> memref<1024x64xbf16, #tpu.memory_space<hbm>>
        tpu.enqueue_dma source(%arg6 : memref<1024x64xbf16, #tpu.memory_space<vmem>>) target(%dma_start3A_216 : memref<1024x64xbf16, #tpu.memory_space<hbm>>) target_semaphore(%run_scoped3A : memref<!tpu.dma_semaphore, #tpu.memory_space<semaphore_mem>>)
        %dma_wait3A_217 = tpu.memref_slice %arg4[%add3A_212, %mul3A_214] : memref<81920x128xbf16, #tpu.memory_space<hbm>> -> memref<1024x64xbf16, #tpu.memory_space<hbm>>
        %dma_wait3A_218 = tpu.memref_slice %arg4[%add3A_212, %mul3A_214] : memref<81920x128xbf16, #tpu.memory_space<hbm>> -> memref<1024x64xbf16, #tpu.memory_space<hbm>>
        tpu.wait_dma2 semaphore(%run_scoped3A : memref<!tpu.dma_semaphore, #tpu.memory_space<semaphore_mem>>) src(%arg6 : memref<1024x64xbf16, #tpu.memory_space<vmem>>) dst(%dma_wait3A_218 : memref<1024x64xbf16, #tpu.memory_space<hbm>>)
        tpu.yield
      }) : () -> ()
    }
    %scan3A_5 = arith.constant 5 : i32
    return
  }
}

module attributes {stable_mosaic.version = 14 : i64} {
  func.func @_pack_body(%arg0: i32, %arg1: memref<64x8192xf32, #tpu.memory_space<vmem>>, %arg2: memref<64x64xf32, #tpu.memory_space<vmem>>, %arg3: memref<4096x128xbf16, #tpu.memory_space<vmem>>) attributes {dimension_semantics = [#tpu.dimension_semantics<arbitrary>], iteration_bounds = array<i64: 123>, scalar_prefetch = 0 : i64, scratch_operands = 0 : i64, tpu.core_type = #tpu.core_type<tc>, window_params = [{transform_indices = @transform_0, window_bounds = array<i64: 64, 8192>}, {pipeline_mode = #tpu.pipeline_mode<synchronous>, transform_indices = @transform_1, window_bounds = array<i64: 64, 64>}, {transform_indices = @transform_2, window_bounds = array<i64: 4096, 128>}]} {
    %get3A = arith.constant 0 : index
    %get3A_0 = arith.constant 0 : index
    %get3A_1 = vector.load %arg1[%get3A, %get3A_0] : memref<64x8192xf32, #tpu.memory_space<vmem>>, vector<64x8192xf32>
    %get3A_2 = arith.constant 0 : index
    %get3A_3 = arith.constant 0 : index
    %get3A_4 = vector.load %arg2[%get3A_2, %get3A_3] : memref<64x64xf32, #tpu.memory_space<vmem>>, vector<64x64xf32>
    %slice3A = vector.extract_strided_slice %get3A_1 {offsets = [0, 0], sizes = [64, 4096], strides = [1, 1]} : vector<64x8192xf32> to vector<64x4096xf32>
    %dot_general3A = arith.constant dense<0.000000e+00> : vector<4096x64xf32>
    %dot_general3A_5 = tpu.matmul %slice3A, %get3A_4, %dot_general3A {dimension_numbers = #tpu.dot_dimension_numbers<[0], [1], [1], [0], [0, 1, 1, 0], [], []>, transpose_lhs_hint = false} : vector<64x4096xf32>, vector<64x64xf32>, vector<4096x64xf32> -> vector<4096x64xf32>
    %slice3A_6 = vector.extract_strided_slice %get3A_1 {offsets = [0, 4096], sizes = [64, 4096], strides = [1, 1]} : vector<64x8192xf32> to vector<64x4096xf32>
    %dot_general3A_7 = arith.constant dense<0.000000e+00> : vector<4096x64xf32>
    %dot_general3A_8 = tpu.matmul %slice3A_6, %get3A_4, %dot_general3A_7 {dimension_numbers = #tpu.dot_dimension_numbers<[0], [1], [1], [0], [0, 1, 1, 0], [], []>, transpose_lhs_hint = false} : vector<64x4096xf32>, vector<64x64xf32>, vector<4096x64xf32> -> vector<4096x64xf32>
    %concatenate3A = tpu.concatenate %dot_general3A_5, %dot_general3A_8 in 1 : vector<4096x64xf32>, vector<4096x64xf32> -> vector<4096x128xf32>
    %convert_element_type3A = arith.truncf %concatenate3A : vector<4096x128xf32> to vector<4096x128xbf16>
    %swap3A = arith.constant 0 : index
    %swap3A_9 = arith.constant 0 : index
    %swap3A_10 = vector.load %arg3[%swap3A, %swap3A_9] : memref<4096x128xbf16, #tpu.memory_space<vmem>>, vector<4096x128xbf16>
    tpu.vector_store %arg3[%swap3A, %swap3A_9], %convert_element_type3A {strides = array<i32>} : memref<4096x128xbf16, #tpu.memory_space<vmem>>, vector<4096x128xbf16>,
    return
  }
  func.func @transform_0(%arg0: i32) -> (i32, i32) {
    %c0_i32 = arith.constant 0 : i32
    %c0_i32_0 = arith.constant 0 : i32
    return %c0_i32, %arg0 : i32, i32
  }
  func.func @transform_1(%arg0: i32) -> (i32, i32) {
    %c0_i32 = arith.constant 0 : i32
    %c0_i32_0 = arith.constant 0 : i32
    %c0_i32_1 = arith.constant 0 : i32
    return %c0_i32, %c0_i32_0 : i32, i32
  }
  func.func @transform_2(%arg0: i32) -> (i32, i32) {
    %c0_i32 = arith.constant 0 : i32
    %c0_i32_0 = arith.constant 0 : i32
    return %arg0, %c0_i32 : i32, i32
  }
}

module attributes {stable_mosaic.version = 14 : i64} {
  func.func @_out_body(%arg0: i32, %arg1: memref<2048x128xbf16, #tpu.memory_space<vmem>>, %arg2: memref<1x1x4096xi32, #tpu.memory_space<vmem>>, %arg3: memref<64x201xf32, #tpu.memory_space<vmem>>, %arg4: memref<1x64x4096xf32, #tpu.memory_space<vmem>>) attributes {dimension_semantics = [#tpu.dimension_semantics<arbitrary>], iteration_bounds = array<i64: 40>, scalar_prefetch = 0 : i64, scratch_operands = 0 : i64, tpu.core_type = #tpu.core_type<tc>, window_params = [{transform_indices = @transform_0, window_bounds = array<i64: 2048, 128>}, {transform_indices = @transform_1, window_bounds = array<i64: 1, 1, 4096>}, {pipeline_mode = #tpu.pipeline_mode<synchronous>, transform_indices = @transform_2, window_bounds = array<i64: 64, 201>}, {transform_indices = @transform_3, window_bounds = array<i64: 1, 64, 4096>}]} {
    %get3A = arith.constant 0 : index
    %get3A_0 = arith.constant 0 : index
    %get3A_1 = vector.load %arg1[%get3A, %get3A_0] : memref<2048x128xbf16, #tpu.memory_space<vmem>>, vector<2048x128xbf16>
    %iota3A = tpu.iota {dimensions = array<i32: 0>} : vector<64x64xi32>
    %iota3A_2 = tpu.iota {dimensions = array<i32: 1>} : vector<64x64xi32>
    %eq3A = arith.cmpi eq, %iota3A, %iota3A_2 : vector<64x64xi32>
    %convert_element_type3A = arith.extui %eq3A : vector<64x64xi1> to vector<64x64xi32>
    %convert_element_type3A_3 = arith.sitofp %convert_element_type3A : vector<64x64xi32> to vector<64x64xf32>
    %convert_element_type3A_4 = arith.truncf %convert_element_type3A_3 : vector<64x64xf32> to vector<64x64xbf16>
    %slice3A = vector.extract_strided_slice %get3A_1 {offsets = [0, 0], sizes = [2048, 64], strides = [1, 1]} : vector<2048x128xbf16> to vector<2048x64xbf16>
    %dot_general3A = arith.constant dense<0.000000e+00> : vector<64x2048xf32>
    %dot_general3A_5 = tpu.matmul %convert_element_type3A_4, %slice3A, %dot_general3A {dimension_numbers = #tpu.dot_dimension_numbers<[1], [1], [0], [0], [0, 0, 1, 0], [], []>, transpose_lhs_hint = false} : vector<64x64xbf16>, vector<2048x64xbf16>, vector<64x2048xf32> -> vector<64x2048xf32>
    %slice3A_6 = vector.extract_strided_slice %get3A_1 {offsets = [0, 64], sizes = [2048, 64], strides = [1, 1]} : vector<2048x128xbf16> to vector<2048x64xbf16>
    %dot_general3A_7 = arith.constant dense<0.000000e+00> : vector<64x2048xf32>
    %dot_general3A_8 = tpu.matmul %convert_element_type3A_4, %slice3A_6, %dot_general3A_7 {dimension_numbers = #tpu.dot_dimension_numbers<[1], [1], [0], [0], [0, 0, 1, 0], [], []>, transpose_lhs_hint = false} : vector<64x64xbf16>, vector<2048x64xbf16>, vector<64x2048xf32> -> vector<64x2048xf32>
    %concatenate3A = tpu.concatenate %dot_general3A_5, %dot_general3A_8 in 1 : vector<64x2048xf32>, vector<64x2048xf32> -> vector<64x4096xf32>
    %broadcast_in_dim3A = vector.shape_cast %concatenate3A : vector<64x4096xf32> to vector<1x64x4096xf32>
    %get3A_9 = arith.constant 0 : index
    %get3A_10 = arith.constant 0 : index
    %get3A_11 = arith.constant 0 : index
    %get3A_12 = vector.load %arg2[%get3A_9, %get3A_10, %get3A_11] : memref<1x1x4096xi32, #tpu.memory_space<vmem>>, vector<1x1x4096xi32>
    %broadcast_in_dim3A_13 = vector.shape_cast %get3A_12 : vector<1x1x4096xi32> to vector<1x1x4096xi32>
    %broadcast_in_dim3A_14 = vector.broadcast %broadcast_in_dim3A_13 : vector<1x1x4096xi32> to vector<1x64x4096xi32>
    %iota3A_15 = tpu.iota {dimensions = array<i32: 0>} : vector<201x1xi32>
    %add3A = arith.constant 0 : i32
    %add3A_16 = arith.addi %arg0, %add3A : i32
    %add3A_17 = arith.constant 1 : i32
    %add3A_18 = arith.addi %add3A_16, %add3A_17 : i32
    %eq3A_19 = vector.broadcast %add3A_18 : i32 to vector<201x1xi32>
    %eq3A_20 = arith.cmpi eq, %iota3A_15, %eq3A_19 : vector<201x1xi32>
    %convert_element_type3A_21 = arith.extui %eq3A_20 : vector<201x1xi1> to vector<201x1xi32>
    %convert_element_type3A_22 = arith.sitofp %convert_element_type3A_21 : vector<201x1xi32> to vector<201x1xf32>
    %get3A_23 = arith.constant 0 : index
    %get3A_24 = arith.constant 0 : index
    %get3A_25 = vector.load %arg3[%get3A_23, %get3A_24] : memref<64x201xf32, #tpu.memory_space<vmem>>, vector<64x201xf32>
    %dot_general3A_26 = arith.constant dense<0.000000e+00> : vector<64x1xf32>
    %dot_general3A_27 = tpu.matmul %get3A_25, %convert_element_type3A_22, %dot_general3A_26 {dimension_numbers = #tpu.dot_dimension_numbers<[1], [0], [0], [1], [0, 0, 1, 1], [], []>, transpose_lhs_hint = false} : vector<64x201xf32>, vector<201x1xf32>, vector<64x1xf32> -> vector<64x1xf32>
    %broadcast_in_dim3A_28 = vector.shape_cast %dot_general3A_27 : vector<64x1xf32> to vector<1x64x1xf32>
    %broadcast_in_dim3A_29 = vector.broadcast %broadcast_in_dim3A_28 : vector<1x64x1xf32> to vector<1x64x4096xf32>
    %ne3A = arith.constant 0 : i32
    %ne3A_30 = vector.broadcast %ne3A : i32 to vector<1x64x4096xi32>
    %ne3A_31 = arith.cmpi ne, %broadcast_in_dim3A_14, %ne3A_30 : vector<1x64x4096xi32>
    %jit3A = arith.constant 0.000000e+00 : f32
    %broadcast_in_dim3A_32 = vector.broadcast %jit3A : f32 to vector<1x64x4096xf32>
    %select_n3A = arith.select %ne3A_31, %broadcast_in_dim3A_29, %broadcast_in_dim3A_32 : vector<1x64x4096xi1>, vector<1x64x4096xf32>
    %add3A_33 = arith.addf %broadcast_in_dim3A, %select_n3A : vector<1x64x4096xf32>
    %swap3A = arith.constant 0 : index
    %swap3A_34 = arith.constant 0 : index
    %swap3A_35 = arith.constant 0 : index
    %swap3A_36 = vector.load %arg4[%swap3A, %swap3A_34, %swap3A_35] : memref<1x64x4096xf32, #tpu.memory_space<vmem>>, vector<1x64x4096xf32>
    tpu.vector_store %arg4[%swap3A, %swap3A_34, %swap3A_35], %add3A_33 {strides = array<i32>} : memref<1x64x4096xf32, #tpu.memory_space<vmem>>, vector<1x64x4096xf32>,
    return
  }
  func.func @transform_0(%arg0: i32) -> (i32, i32) {
    %c0_i32 = arith.constant 0 : i32
    %c0_i32_0 = arith.constant 0 : i32
    return %arg0, %c0_i32 : i32, i32
  }
  func.func @transform_1(%arg0: i32) -> (i32, i32, i32) {
    %add3A = arith.constant 0 : i32
    %add3A_0 = arith.addi %arg0, %add3A : i32
    %c0_i32 = arith.constant 0 : i32
    %c0_i32_1 = arith.constant 0 : i32
    %c0_i32_2 = arith.constant 0 : i32
    return %add3A_0, %c0_i32, %c0_i32_1 : i32, i32, i32
  }
  func.func @transform_2(%arg0: i32) -> (i32, i32) {
    %c0_i32 = arith.constant 0 : i32
    %c0_i32_0 = arith.constant 0 : i32
    %c0_i32_1 = arith.constant 0 : i32
    return %c0_i32, %c0_i32_0 : i32, i32
  }
  func.func @transform_3(%arg0: i32) -> (i32, i32, i32) {
    %add3A = arith.constant 0 : i32
    %add3A_0 = arith.addi %arg0, %add3A : i32
    %c0_i32 = arith.constant 0 : i32
    %c0_i32_1 = arith.constant 0 : i32
    %c0_i32_2 = arith.constant 0 : i32
    return %add3A_0, %c0_i32, %c0_i32_1 : i32, i32, i32
  }
}

module attributes {stable_mosaic.version = 14 : i64} {
  func.func @_out_body_buf(%arg0: i32, %arg1: memref<200x64x4096xf32, #tpu.memory_space<any>>, %arg2: memref<2048x128xbf16, #tpu.memory_space<vmem>>, %arg3: memref<1x1x4096xi32, #tpu.memory_space<vmem>>, %arg4: memref<64x201xf32, #tpu.memory_space<vmem>>, %arg5: memref<1x64x4096xf32, #tpu.memory_space<vmem>>) attributes {dimension_semantics = [#tpu.dimension_semantics<arbitrary>], iteration_bounds = array<i64: 40>, scalar_prefetch = 0 : i64, scratch_operands = 0 : i64, tpu.core_type = #tpu.core_type<tc>, window_params = [{}, {transform_indices = @transform_1, window_bounds = array<i64: 2048, 128>}, {transform_indices = @transform_2, window_bounds = array<i64: 1, 1, 4096>}, {pipeline_mode = #tpu.pipeline_mode<synchronous>, transform_indices = @transform_3, window_bounds = array<i64: 64, 201>}, {transform_indices = @transform_4, window_bounds = array<i64: 1, 64, 4096>}]} {
    %get3A = arith.constant 0 : index
    %get3A_0 = arith.constant 0 : index
    %get3A_1 = vector.load %arg2[%get3A, %get3A_0] : memref<2048x128xbf16, #tpu.memory_space<vmem>>, vector<2048x128xbf16>
    %iota3A = tpu.iota {dimensions = array<i32: 0>} : vector<64x64xi32>
    %iota3A_2 = tpu.iota {dimensions = array<i32: 1>} : vector<64x64xi32>
    %eq3A = arith.cmpi eq, %iota3A, %iota3A_2 : vector<64x64xi32>
    %convert_element_type3A = arith.extui %eq3A : vector<64x64xi1> to vector<64x64xi32>
    %convert_element_type3A_3 = arith.sitofp %convert_element_type3A : vector<64x64xi32> to vector<64x64xf32>
    %convert_element_type3A_4 = arith.truncf %convert_element_type3A_3 : vector<64x64xf32> to vector<64x64xbf16>
    %slice3A = vector.extract_strided_slice %get3A_1 {offsets = [0, 0], sizes = [2048, 64], strides = [1, 1]} : vector<2048x128xbf16> to vector<2048x64xbf16>
    %dot_general3A = arith.constant dense<0.000000e+00> : vector<64x2048xf32>
    %dot_general3A_5 = tpu.matmul %convert_element_type3A_4, %slice3A, %dot_general3A {dimension_numbers = #tpu.dot_dimension_numbers<[1], [1], [0], [0], [0, 0, 1, 0], [], []>, transpose_lhs_hint = false} : vector<64x64xbf16>, vector<2048x64xbf16>, vector<64x2048xf32> -> vector<64x2048xf32>
    %slice3A_6 = vector.extract_strided_slice %get3A_1 {offsets = [0, 64], sizes = [2048, 64], strides = [1, 1]} : vector<2048x128xbf16> to vector<2048x64xbf16>
    %dot_general3A_7 = arith.constant dense<0.000000e+00> : vector<64x2048xf32>
    %dot_general3A_8 = tpu.matmul %convert_element_type3A_4, %slice3A_6, %dot_general3A_7 {dimension_numbers = #tpu.dot_dimension_numbers<[1], [1], [0], [0], [0, 0, 1, 0], [], []>, transpose_lhs_hint = false} : vector<64x64xbf16>, vector<2048x64xbf16>, vector<64x2048xf32> -> vector<64x2048xf32>
    %concatenate3A = tpu.concatenate %dot_general3A_5, %dot_general3A_8 in 1 : vector<64x2048xf32>, vector<64x2048xf32> -> vector<64x4096xf32>
    %broadcast_in_dim3A = vector.shape_cast %concatenate3A : vector<64x4096xf32> to vector<1x64x4096xf32>
    %get3A_9 = arith.constant 0 : index
    %get3A_10 = arith.constant 0 : index
    %get3A_11 = arith.constant 0 : index
    %get3A_12 = vector.load %arg3[%get3A_9, %get3A_10, %get3A_11] : memref<1x1x4096xi32, #tpu.memory_space<vmem>>, vector<1x1x4096xi32>
    %broadcast_in_dim3A_13 = vector.shape_cast %get3A_12 : vector<1x1x4096xi32> to vector<1x1x4096xi32>
    %broadcast_in_dim3A_14 = vector.broadcast %broadcast_in_dim3A_13 : vector<1x1x4096xi32> to vector<1x64x4096xi32>
    %iota3A_15 = tpu.iota {dimensions = array<i32: 0>} : vector<201x1xi32>
    %add3A = arith.constant 40 : i32
    %add3A_16 = arith.addi %arg0, %add3A : i32
    %add3A_17 = arith.constant 1 : i32
    %add3A_18 = arith.addi %add3A_16, %add3A_17 : i32
    %eq3A_19 = vector.broadcast %add3A_18 : i32 to vector<201x1xi32>
    %eq3A_20 = arith.cmpi eq, %iota3A_15, %eq3A_19 : vector<201x1xi32>
    %convert_element_type3A_21 = arith.extui %eq3A_20 : vector<201x1xi1> to vector<201x1xi32>
    %convert_element_type3A_22 = arith.sitofp %convert_element_type3A_21 : vector<201x1xi32> to vector<201x1xf32>
    %get3A_23 = arith.constant 0 : index
    %get3A_24 = arith.constant 0 : index
    %get3A_25 = vector.load %arg4[%get3A_23, %get3A_24] : memref<64x201xf32, #tpu.memory_space<vmem>>, vector<64x201xf32>
    %dot_general3A_26 = arith.constant dense<0.000000e+00> : vector<64x1xf32>
    %dot_general3A_27 = tpu.matmul %get3A_25, %convert_element_type3A_22, %dot_general3A_26 {dimension_numbers = #tpu.dot_dimension_numbers<[1], [0], [0], [1], [0, 0, 1, 1], [], []>, transpose_lhs_hint = false} : vector<64x201xf32>, vector<201x1xf32>, vector<64x1xf32> -> vector<64x1xf32>
    %broadcast_in_dim3A_28 = vector.shape_cast %dot_general3A_27 : vector<64x1xf32> to vector<1x64x1xf32>
    %broadcast_in_dim3A_29 = vector.broadcast %broadcast_in_dim3A_28 : vector<1x64x1xf32> to vector<1x64x4096xf32>
    %ne3A = arith.constant 0 : i32
    %ne3A_30 = vector.broadcast %ne3A : i32 to vector<1x64x4096xi32>
    %ne3A_31 = arith.cmpi ne, %broadcast_in_dim3A_14, %ne3A_30 : vector<1x64x4096xi32>
    %jit3A = arith.constant 0.000000e+00 : f32
    %broadcast_in_dim3A_32 = vector.broadcast %jit3A : f32 to vector<1x64x4096xf32>
    %select_n3A = arith.select %ne3A_31, %broadcast_in_dim3A_29, %broadcast_in_dim3A_32 : vector<1x64x4096xi1>, vector<1x64x4096xf32>
    %add3A_33 = arith.addf %broadcast_in_dim3A, %select_n3A : vector<1x64x4096xf32>
    %swap3A = arith.constant 0 : index
    %swap3A_34 = arith.constant 0 : index
    %swap3A_35 = arith.constant 0 : index
    %swap3A_36 = vector.load %arg5[%swap3A, %swap3A_34, %swap3A_35] : memref<1x64x4096xf32, #tpu.memory_space<vmem>>, vector<1x64x4096xf32>
    tpu.vector_store %arg5[%swap3A, %swap3A_34, %swap3A_35], %add3A_33 {strides = array<i32>} : memref<1x64x4096xf32, #tpu.memory_space<vmem>>, vector<1x64x4096xf32>,
    return
  }
  func.func @transform_1(%arg0: i32) -> (i32, i32) {
    %c0_i32 = arith.constant 0 : i32
    %c0_i32_0 = arith.constant 0 : i32
    return %arg0, %c0_i32 : i32, i32
  }
  func.func @transform_2(%arg0: i32) -> (i32, i32, i32) {
    %add3A = arith.constant 40 : i32
    %add3A_0 = arith.addi %arg0, %add3A : i32
    %c0_i32 = arith.constant 0 : i32
    %c0_i32_1 = arith.constant 0 : i32
    %c0_i32_2 = arith.constant 0 : i32
    return %add3A_0, %c0_i32, %c0_i32_1 : i32, i32, i32
  }
  func.func @transform_3(%arg0: i32) -> (i32, i32) {
    %c0_i32 = arith.constant 0 : i32
    %c0_i32_0 = arith.constant 0 : i32
    %c0_i32_1 = arith.constant 0 : i32
    return %c0_i32, %c0_i32_0 : i32, i32
  }
  func.func @transform_4(%arg0: i32) -> (i32, i32, i32) {
    %add3A = arith.constant 40 : i32
    %add3A_0 = arith.addi %arg0, %add3A : i32
    %c0_i32 = arith.constant 0 : i32
    %c0_i32_1 = arith.constant 0 : i32
    %c0_i32_2 = arith.constant 0 : i32
    return %add3A_0, %c0_i32, %c0_i32_1 : i32, i32, i32
  }
}

module attributes {stable_mosaic.version = 14 : i64} {
  func.func @_out_body_buf(%arg0: i32, %arg1: memref<200x64x4096xf32, #tpu.memory_space<any>>, %arg2: memref<2048x128xbf16, #tpu.memory_space<vmem>>, %arg3: memref<1x1x4096xi32, #tpu.memory_space<vmem>>, %arg4: memref<64x201xf32, #tpu.memory_space<vmem>>, %arg5: memref<1x64x4096xf32, #tpu.memory_space<vmem>>) attributes {dimension_semantics = [#tpu.dimension_semantics<arbitrary>], iteration_bounds = array<i64: 40>, scalar_prefetch = 0 : i64, scratch_operands = 0 : i64, tpu.core_type = #tpu.core_type<tc>, window_params = [{}, {transform_indices = @transform_1, window_bounds = array<i64: 2048, 128>}, {transform_indices = @transform_2, window_bounds = array<i64: 1, 1, 4096>}, {pipeline_mode = #tpu.pipeline_mode<synchronous>, transform_indices = @transform_3, window_bounds = array<i64: 64, 201>}, {transform_indices = @transform_4, window_bounds = array<i64: 1, 64, 4096>}]} {
    %get3A = arith.constant 0 : index
    %get3A_0 = arith.constant 0 : index
    %get3A_1 = vector.load %arg2[%get3A, %get3A_0] : memref<2048x128xbf16, #tpu.memory_space<vmem>>, vector<2048x128xbf16>
    %iota3A = tpu.iota {dimensions = array<i32: 0>} : vector<64x64xi32>
    %iota3A_2 = tpu.iota {dimensions = array<i32: 1>} : vector<64x64xi32>
    %eq3A = arith.cmpi eq, %iota3A, %iota3A_2 : vector<64x64xi32>
    %convert_element_type3A = arith.extui %eq3A : vector<64x64xi1> to vector<64x64xi32>
    %convert_element_type3A_3 = arith.sitofp %convert_element_type3A : vector<64x64xi32> to vector<64x64xf32>
    %convert_element_type3A_4 = arith.truncf %convert_element_type3A_3 : vector<64x64xf32> to vector<64x64xbf16>
    %slice3A = vector.extract_strided_slice %get3A_1 {offsets = [0, 0], sizes = [2048, 64], strides = [1, 1]} : vector<2048x128xbf16> to vector<2048x64xbf16>
    %dot_general3A = arith.constant dense<0.000000e+00> : vector<64x2048xf32>
    %dot_general3A_5 = tpu.matmul %convert_element_type3A_4, %slice3A, %dot_general3A {dimension_numbers = #tpu.dot_dimension_numbers<[1], [1], [0], [0], [0, 0, 1, 0], [], []>, transpose_lhs_hint = false} : vector<64x64xbf16>, vector<2048x64xbf16>, vector<64x2048xf32> -> vector<64x2048xf32>
    %slice3A_6 = vector.extract_strided_slice %get3A_1 {offsets = [0, 64], sizes = [2048, 64], strides = [1, 1]} : vector<2048x128xbf16> to vector<2048x64xbf16>
    %dot_general3A_7 = arith.constant dense<0.000000e+00> : vector<64x2048xf32>
    %dot_general3A_8 = tpu.matmul %convert_element_type3A_4, %slice3A_6, %dot_general3A_7 {dimension_numbers = #tpu.dot_dimension_numbers<[1], [1], [0], [0], [0, 0, 1, 0], [], []>, transpose_lhs_hint = false} : vector<64x64xbf16>, vector<2048x64xbf16>, vector<64x2048xf32> -> vector<64x2048xf32>
    %concatenate3A = tpu.concatenate %dot_general3A_5, %dot_general3A_8 in 1 : vector<64x2048xf32>, vector<64x2048xf32> -> vector<64x4096xf32>
    %broadcast_in_dim3A = vector.shape_cast %concatenate3A : vector<64x4096xf32> to vector<1x64x4096xf32>
    %get3A_9 = arith.constant 0 : index
    %get3A_10 = arith.constant 0 : index
    %get3A_11 = arith.constant 0 : index
    %get3A_12 = vector.load %arg3[%get3A_9, %get3A_10, %get3A_11] : memref<1x1x4096xi32, #tpu.memory_space<vmem>>, vector<1x1x4096xi32>
    %broadcast_in_dim3A_13 = vector.shape_cast %get3A_12 : vector<1x1x4096xi32> to vector<1x1x4096xi32>
    %broadcast_in_dim3A_14 = vector.broadcast %broadcast_in_dim3A_13 : vector<1x1x4096xi32> to vector<1x64x4096xi32>
    %iota3A_15 = tpu.iota {dimensions = array<i32: 0>} : vector<201x1xi32>
    %add3A = arith.constant 80 : i32
    %add3A_16 = arith.addi %arg0, %add3A : i32
    %add3A_17 = arith.constant 1 : i32
    %add3A_18 = arith.addi %add3A_16, %add3A_17 : i32
    %eq3A_19 = vector.broadcast %add3A_18 : i32 to vector<201x1xi32>
    %eq3A_20 = arith.cmpi eq, %iota3A_15, %eq3A_19 : vector<201x1xi32>
    %convert_element_type3A_21 = arith.extui %eq3A_20 : vector<201x1xi1> to vector<201x1xi32>
    %convert_element_type3A_22 = arith.sitofp %convert_element_type3A_21 : vector<201x1xi32> to vector<201x1xf32>
    %get3A_23 = arith.constant 0 : index
    %get3A_24 = arith.constant 0 : index
    %get3A_25 = vector.load %arg4[%get3A_23, %get3A_24] : memref<64x201xf32, #tpu.memory_space<vmem>>, vector<64x201xf32>
    %dot_general3A_26 = arith.constant dense<0.000000e+00> : vector<64x1xf32>
    %dot_general3A_27 = tpu.matmul %get3A_25, %convert_element_type3A_22, %dot_general3A_26 {dimension_numbers = #tpu.dot_dimension_numbers<[1], [0], [0], [1], [0, 0, 1, 1], [], []>, transpose_lhs_hint = false} : vector<64x201xf32>, vector<201x1xf32>, vector<64x1xf32> -> vector<64x1xf32>
    %broadcast_in_dim3A_28 = vector.shape_cast %dot_general3A_27 : vector<64x1xf32> to vector<1x64x1xf32>
    %broadcast_in_dim3A_29 = vector.broadcast %broadcast_in_dim3A_28 : vector<1x64x1xf32> to vector<1x64x4096xf32>
    %ne3A = arith.constant 0 : i32
    %ne3A_30 = vector.broadcast %ne3A : i32 to vector<1x64x4096xi32>
    %ne3A_31 = arith.cmpi ne, %broadcast_in_dim3A_14, %ne3A_30 : vector<1x64x4096xi32>
    %jit3A = arith.constant 0.000000e+00 : f32
    %broadcast_in_dim3A_32 = vector.broadcast %jit3A : f32 to vector<1x64x4096xf32>
    %select_n3A = arith.select %ne3A_31, %broadcast_in_dim3A_29, %broadcast_in_dim3A_32 : vector<1x64x4096xi1>, vector<1x64x4096xf32>
    %add3A_33 = arith.addf %broadcast_in_dim3A, %select_n3A : vector<1x64x4096xf32>
    %swap3A = arith.constant 0 : index
    %swap3A_34 = arith.constant 0 : index
    %swap3A_35 = arith.constant 0 : index
    %swap3A_36 = vector.load %arg5[%swap3A, %swap3A_34, %swap3A_35] : memref<1x64x4096xf32, #tpu.memory_space<vmem>>, vector<1x64x4096xf32>
    tpu.vector_store %arg5[%swap3A, %swap3A_34, %swap3A_35], %add3A_33 {strides = array<i32>} : memref<1x64x4096xf32, #tpu.memory_space<vmem>>, vector<1x64x4096xf32>,
    return
  }
  func.func @transform_1(%arg0: i32) -> (i32, i32) {
    %c0_i32 = arith.constant 0 : i32
    %c0_i32_0 = arith.constant 0 : i32
    return %arg0, %c0_i32 : i32, i32
  }
  func.func @transform_2(%arg0: i32) -> (i32, i32, i32) {
    %add3A = arith.constant 80 : i32
    %add3A_0 = arith.addi %arg0, %add3A : i32
    %c0_i32 = arith.constant 0 : i32
    %c0_i32_1 = arith.constant 0 : i32
    %c0_i32_2 = arith.constant 0 : i32
    return %add3A_0, %c0_i32, %c0_i32_1 : i32, i32, i32
  }
  func.func @transform_3(%arg0: i32) -> (i32, i32) {
    %c0_i32 = arith.constant 0 : i32
    %c0_i32_0 = arith.constant 0 : i32
    %c0_i32_1 = arith.constant 0 : i32
    return %c0_i32, %c0_i32_0 : i32, i32
  }
  func.func @transform_4(%arg0: i32) -> (i32, i32, i32) {
    %add3A = arith.constant 80 : i32
    %add3A_0 = arith.addi %arg0, %add3A : i32
    %c0_i32 = arith.constant 0 : i32
    %c0_i32_1 = arith.constant 0 : i32
    %c0_i32_2 = arith.constant 0 : i32
    return %add3A_0, %c0_i32, %c0_i32_1 : i32, i32, i32
  }
}

module attributes {stable_mosaic.version = 14 : i64} {
  func.func @_out_body_buf(%arg0: i32, %arg1: memref<200x64x4096xf32, #tpu.memory_space<any>>, %arg2: memref<2048x128xbf16, #tpu.memory_space<vmem>>, %arg3: memref<1x1x4096xi32, #tpu.memory_space<vmem>>, %arg4: memref<64x201xf32, #tpu.memory_space<vmem>>, %arg5: memref<1x64x4096xf32, #tpu.memory_space<vmem>>) attributes {dimension_semantics = [#tpu.dimension_semantics<arbitrary>], iteration_bounds = array<i64: 40>, scalar_prefetch = 0 : i64, scratch_operands = 0 : i64, tpu.core_type = #tpu.core_type<tc>, window_params = [{}, {transform_indices = @transform_1, window_bounds = array<i64: 2048, 128>}, {transform_indices = @transform_2, window_bounds = array<i64: 1, 1, 4096>}, {pipeline_mode = #tpu.pipeline_mode<synchronous>, transform_indices = @transform_3, window_bounds = array<i64: 64, 201>}, {transform_indices = @transform_4, window_bounds = array<i64: 1, 64, 4096>}]} {
    %get3A = arith.constant 0 : index
    %get3A_0 = arith.constant 0 : index
    %get3A_1 = vector.load %arg2[%get3A, %get3A_0] : memref<2048x128xbf16, #tpu.memory_space<vmem>>, vector<2048x128xbf16>
    %iota3A = tpu.iota {dimensions = array<i32: 0>} : vector<64x64xi32>
    %iota3A_2 = tpu.iota {dimensions = array<i32: 1>} : vector<64x64xi32>
    %eq3A = arith.cmpi eq, %iota3A, %iota3A_2 : vector<64x64xi32>
    %convert_element_type3A = arith.extui %eq3A : vector<64x64xi1> to vector<64x64xi32>
    %convert_element_type3A_3 = arith.sitofp %convert_element_type3A : vector<64x64xi32> to vector<64x64xf32>
    %convert_element_type3A_4 = arith.truncf %convert_element_type3A_3 : vector<64x64xf32> to vector<64x64xbf16>
    %slice3A = vector.extract_strided_slice %get3A_1 {offsets = [0, 0], sizes = [2048, 64], strides = [1, 1]} : vector<2048x128xbf16> to vector<2048x64xbf16>
    %dot_general3A = arith.constant dense<0.000000e+00> : vector<64x2048xf32>
    %dot_general3A_5 = tpu.matmul %convert_element_type3A_4, %slice3A, %dot_general3A {dimension_numbers = #tpu.dot_dimension_numbers<[1], [1], [0], [0], [0, 0, 1, 0], [], []>, transpose_lhs_hint = false} : vector<64x64xbf16>, vector<2048x64xbf16>, vector<64x2048xf32> -> vector<64x2048xf32>
    %slice3A_6 = vector.extract_strided_slice %get3A_1 {offsets = [0, 64], sizes = [2048, 64], strides = [1, 1]} : vector<2048x128xbf16> to vector<2048x64xbf16>
    %dot_general3A_7 = arith.constant dense<0.000000e+00> : vector<64x2048xf32>
    %dot_general3A_8 = tpu.matmul %convert_element_type3A_4, %slice3A_6, %dot_general3A_7 {dimension_numbers = #tpu.dot_dimension_numbers<[1], [1], [0], [0], [0, 0, 1, 0], [], []>, transpose_lhs_hint = false} : vector<64x64xbf16>, vector<2048x64xbf16>, vector<64x2048xf32> -> vector<64x2048xf32>
    %concatenate3A = tpu.concatenate %dot_general3A_5, %dot_general3A_8 in 1 : vector<64x2048xf32>, vector<64x2048xf32> -> vector<64x4096xf32>
    %broadcast_in_dim3A = vector.shape_cast %concatenate3A : vector<64x4096xf32> to vector<1x64x4096xf32>
    %get3A_9 = arith.constant 0 : index
    %get3A_10 = arith.constant 0 : index
    %get3A_11 = arith.constant 0 : index
    %get3A_12 = vector.load %arg3[%get3A_9, %get3A_10, %get3A_11] : memref<1x1x4096xi32, #tpu.memory_space<vmem>>, vector<1x1x4096xi32>
    %broadcast_in_dim3A_13 = vector.shape_cast %get3A_12 : vector<1x1x4096xi32> to vector<1x1x4096xi32>
    %broadcast_in_dim3A_14 = vector.broadcast %broadcast_in_dim3A_13 : vector<1x1x4096xi32> to vector<1x64x4096xi32>
    %iota3A_15 = tpu.iota {dimensions = array<i32: 0>} : vector<201x1xi32>
    %add3A = arith.constant 120 : i32
    %add3A_16 = arith.addi %arg0, %add3A : i32
    %add3A_17 = arith.constant 1 : i32
    %add3A_18 = arith.addi %add3A_16, %add3A_17 : i32
    %eq3A_19 = vector.broadcast %add3A_18 : i32 to vector<201x1xi32>
    %eq3A_20 = arith.cmpi eq, %iota3A_15, %eq3A_19 : vector<201x1xi32>
    %convert_element_type3A_21 = arith.extui %eq3A_20 : vector<201x1xi1> to vector<201x1xi32>
    %convert_element_type3A_22 = arith.sitofp %convert_element_type3A_21 : vector<201x1xi32> to vector<201x1xf32>
    %get3A_23 = arith.constant 0 : index
    %get3A_24 = arith.constant 0 : index
    %get3A_25 = vector.load %arg4[%get3A_23, %get3A_24] : memref<64x201xf32, #tpu.memory_space<vmem>>, vector<64x201xf32>
    %dot_general3A_26 = arith.constant dense<0.000000e+00> : vector<64x1xf32>
    %dot_general3A_27 = tpu.matmul %get3A_25, %convert_element_type3A_22, %dot_general3A_26 {dimension_numbers = #tpu.dot_dimension_numbers<[1], [0], [0], [1], [0, 0, 1, 1], [], []>, transpose_lhs_hint = false} : vector<64x201xf32>, vector<201x1xf32>, vector<64x1xf32> -> vector<64x1xf32>
    %broadcast_in_dim3A_28 = vector.shape_cast %dot_general3A_27 : vector<64x1xf32> to vector<1x64x1xf32>
    %broadcast_in_dim3A_29 = vector.broadcast %broadcast_in_dim3A_28 : vector<1x64x1xf32> to vector<1x64x4096xf32>
    %ne3A = arith.constant 0 : i32
    %ne3A_30 = vector.broadcast %ne3A : i32 to vector<1x64x4096xi32>
    %ne3A_31 = arith.cmpi ne, %broadcast_in_dim3A_14, %ne3A_30 : vector<1x64x4096xi32>
    %jit3A = arith.constant 0.000000e+00 : f32
    %broadcast_in_dim3A_32 = vector.broadcast %jit3A : f32 to vector<1x64x4096xf32>
    %select_n3A = arith.select %ne3A_31, %broadcast_in_dim3A_29, %broadcast_in_dim3A_32 : vector<1x64x4096xi1>, vector<1x64x4096xf32>
    %add3A_33 = arith.addf %broadcast_in_dim3A, %select_n3A : vector<1x64x4096xf32>
    %swap3A = arith.constant 0 : index
    %swap3A_34 = arith.constant 0 : index
    %swap3A_35 = arith.constant 0 : index
    %swap3A_36 = vector.load %arg5[%swap3A, %swap3A_34, %swap3A_35] : memref<1x64x4096xf32, #tpu.memory_space<vmem>>, vector<1x64x4096xf32>
    tpu.vector_store %arg5[%swap3A, %swap3A_34, %swap3A_35], %add3A_33 {strides = array<i32>} : memref<1x64x4096xf32, #tpu.memory_space<vmem>>, vector<1x64x4096xf32>,
    return
  }
  func.func @transform_1(%arg0: i32) -> (i32, i32) {
    %c0_i32 = arith.constant 0 : i32
    %c0_i32_0 = arith.constant 0 : i32
    return %arg0, %c0_i32 : i32, i32
  }
  func.func @transform_2(%arg0: i32) -> (i32, i32, i32) {
    %add3A = arith.constant 120 : i32
    %add3A_0 = arith.addi %arg0, %add3A : i32
    %c0_i32 = arith.constant 0 : i32
    %c0_i32_1 = arith.constant 0 : i32
    %c0_i32_2 = arith.constant 0 : i32
    return %add3A_0, %c0_i32, %c0_i32_1 : i32, i32, i32
  }
  func.func @transform_3(%arg0: i32) -> (i32, i32) {
    %c0_i32 = arith.constant 0 : i32
    %c0_i32_0 = arith.constant 0 : i32
    %c0_i32_1 = arith.constant 0 : i32
    return %c0_i32, %c0_i32_0 : i32, i32
  }
  func.func @transform_4(%arg0: i32) -> (i32, i32, i32) {
    %add3A = arith.constant 120 : i32
    %add3A_0 = arith.addi %arg0, %add3A : i32
    %c0_i32 = arith.constant 0 : i32
    %c0_i32_1 = arith.constant 0 : i32
    %c0_i32_2 = arith.constant 0 : i32
    return %add3A_0, %c0_i32, %c0_i32_1 : i32, i32, i32
  }
}

module attributes {stable_mosaic.version = 14 : i64} {
  func.func @_out_body_buf(%arg0: i32, %arg1: memref<200x64x4096xf32, #tpu.memory_space<any>>, %arg2: memref<2048x128xbf16, #tpu.memory_space<vmem>>, %arg3: memref<1x1x4096xi32, #tpu.memory_space<vmem>>, %arg4: memref<64x201xf32, #tpu.memory_space<vmem>>, %arg5: memref<1x64x4096xf32, #tpu.memory_space<vmem>>) attributes {dimension_semantics = [#tpu.dimension_semantics<arbitrary>], iteration_bounds = array<i64: 40>, scalar_prefetch = 0 : i64, scratch_operands = 0 : i64, tpu.core_type = #tpu.core_type<tc>, window_params = [{}, {transform_indices = @transform_1, window_bounds = array<i64: 2048, 128>}, {transform_indices = @transform_2, window_bounds = array<i64: 1, 1, 4096>}, {pipeline_mode = #tpu.pipeline_mode<synchronous>, transform_indices = @transform_3, window_bounds = array<i64: 64, 201>}, {transform_indices = @transform_4, window_bounds = array<i64: 1, 64, 4096>}]} {
    %get3A = arith.constant 0 : index
    %get3A_0 = arith.constant 0 : index
    %get3A_1 = vector.load %arg2[%get3A, %get3A_0] : memref<2048x128xbf16, #tpu.memory_space<vmem>>, vector<2048x128xbf16>
    %iota3A = tpu.iota {dimensions = array<i32: 0>} : vector<64x64xi32>
    %iota3A_2 = tpu.iota {dimensions = array<i32: 1>} : vector<64x64xi32>
    %eq3A = arith.cmpi eq, %iota3A, %iota3A_2 : vector<64x64xi32>
    %convert_element_type3A = arith.extui %eq3A : vector<64x64xi1> to vector<64x64xi32>
    %convert_element_type3A_3 = arith.sitofp %convert_element_type3A : vector<64x64xi32> to vector<64x64xf32>
    %convert_element_type3A_4 = arith.truncf %convert_element_type3A_3 : vector<64x64xf32> to vector<64x64xbf16>
    %slice3A = vector.extract_strided_slice %get3A_1 {offsets = [0, 0], sizes = [2048, 64], strides = [1, 1]} : vector<2048x128xbf16> to vector<2048x64xbf16>
    %dot_general3A = arith.constant dense<0.000000e+00> : vector<64x2048xf32>
    %dot_general3A_5 = tpu.matmul %convert_element_type3A_4, %slice3A, %dot_general3A {dimension_numbers = #tpu.dot_dimension_numbers<[1], [1], [0], [0], [0, 0, 1, 0], [], []>, transpose_lhs_hint = false} : vector<64x64xbf16>, vector<2048x64xbf16>, vector<64x2048xf32> -> vector<64x2048xf32>
    %slice3A_6 = vector.extract_strided_slice %get3A_1 {offsets = [0, 64], sizes = [2048, 64], strides = [1, 1]} : vector<2048x128xbf16> to vector<2048x64xbf16>
    %dot_general3A_7 = arith.constant dense<0.000000e+00> : vector<64x2048xf32>
    %dot_general3A_8 = tpu.matmul %convert_element_type3A_4, %slice3A_6, %dot_general3A_7 {dimension_numbers = #tpu.dot_dimension_numbers<[1], [1], [0], [0], [0, 0, 1, 0], [], []>, transpose_lhs_hint = false} : vector<64x64xbf16>, vector<2048x64xbf16>, vector<64x2048xf32> -> vector<64x2048xf32>
    %concatenate3A = tpu.concatenate %dot_general3A_5, %dot_general3A_8 in 1 : vector<64x2048xf32>, vector<64x2048xf32> -> vector<64x4096xf32>
    %broadcast_in_dim3A = vector.shape_cast %concatenate3A : vector<64x4096xf32> to vector<1x64x4096xf32>
    %get3A_9 = arith.constant 0 : index
    %get3A_10 = arith.constant 0 : index
    %get3A_11 = arith.constant 0 : index
    %get3A_12 = vector.load %arg3[%get3A_9, %get3A_10, %get3A_11] : memref<1x1x4096xi32, #tpu.memory_space<vmem>>, vector<1x1x4096xi32>
    %broadcast_in_dim3A_13 = vector.shape_cast %get3A_12 : vector<1x1x4096xi32> to vector<1x1x4096xi32>
    %broadcast_in_dim3A_14 = vector.broadcast %broadcast_in_dim3A_13 : vector<1x1x4096xi32> to vector<1x64x4096xi32>
    %iota3A_15 = tpu.iota {dimensions = array<i32: 0>} : vector<201x1xi32>
    %add3A = arith.constant 160 : i32
    %add3A_16 = arith.addi %arg0, %add3A : i32
    %add3A_17 = arith.constant 1 : i32
    %add3A_18 = arith.addi %add3A_16, %add3A_17 : i32
    %eq3A_19 = vector.broadcast %add3A_18 : i32 to vector<201x1xi32>
    %eq3A_20 = arith.cmpi eq, %iota3A_15, %eq3A_19 : vector<201x1xi32>
    %convert_element_type3A_21 = arith.extui %eq3A_20 : vector<201x1xi1> to vector<201x1xi32>
    %convert_element_type3A_22 = arith.sitofp %convert_element_type3A_21 : vector<201x1xi32> to vector<201x1xf32>
    %get3A_23 = arith.constant 0 : index
    %get3A_24 = arith.constant 0 : index
    %get3A_25 = vector.load %arg4[%get3A_23, %get3A_24] : memref<64x201xf32, #tpu.memory_space<vmem>>, vector<64x201xf32>
    %dot_general3A_26 = arith.constant dense<0.000000e+00> : vector<64x1xf32>
    %dot_general3A_27 = tpu.matmul %get3A_25, %convert_element_type3A_22, %dot_general3A_26 {dimension_numbers = #tpu.dot_dimension_numbers<[1], [0], [0], [1], [0, 0, 1, 1], [], []>, transpose_lhs_hint = false} : vector<64x201xf32>, vector<201x1xf32>, vector<64x1xf32> -> vector<64x1xf32>
    %broadcast_in_dim3A_28 = vector.shape_cast %dot_general3A_27 : vector<64x1xf32> to vector<1x64x1xf32>
    %broadcast_in_dim3A_29 = vector.broadcast %broadcast_in_dim3A_28 : vector<1x64x1xf32> to vector<1x64x4096xf32>
    %ne3A = arith.constant 0 : i32
    %ne3A_30 = vector.broadcast %ne3A : i32 to vector<1x64x4096xi32>
    %ne3A_31 = arith.cmpi ne, %broadcast_in_dim3A_14, %ne3A_30 : vector<1x64x4096xi32>
    %jit3A = arith.constant 0.000000e+00 : f32
    %broadcast_in_dim3A_32 = vector.broadcast %jit3A : f32 to vector<1x64x4096xf32>
    %select_n3A = arith.select %ne3A_31, %broadcast_in_dim3A_29, %broadcast_in_dim3A_32 : vector<1x64x4096xi1>, vector<1x64x4096xf32>
    %add3A_33 = arith.addf %broadcast_in_dim3A, %select_n3A : vector<1x64x4096xf32>
    %swap3A = arith.constant 0 : index
    %swap3A_34 = arith.constant 0 : index
    %swap3A_35 = arith.constant 0 : index
    %swap3A_36 = vector.load %arg5[%swap3A, %swap3A_34, %swap3A_35] : memref<1x64x4096xf32, #tpu.memory_space<vmem>>, vector<1x64x4096xf32>
    tpu.vector_store %arg5[%swap3A, %swap3A_34, %swap3A_35], %add3A_33 {strides = array<i32>} : memref<1x64x4096xf32, #tpu.memory_space<vmem>>, vector<1x64x4096xf32>,
    return
  }
  func.func @transform_1(%arg0: i32) -> (i32, i32) {
    %c0_i32 = arith.constant 0 : i32
    %c0_i32_0 = arith.constant 0 : i32
    return %arg0, %c0_i32 : i32, i32
  }
  func.func @transform_2(%arg0: i32) -> (i32, i32, i32) {
    %add3A = arith.constant 160 : i32
    %add3A_0 = arith.addi %arg0, %add3A : i32
    %c0_i32 = arith.constant 0 : i32
    %c0_i32_1 = arith.constant 0 : i32
    %c0_i32_2 = arith.constant 0 : i32
    return %add3A_0, %c0_i32, %c0_i32_1 : i32, i32, i32
  }
  func.func @transform_3(%arg0: i32) -> (i32, i32) {
    %c0_i32 = arith.constant 0 : i32
    %c0_i32_0 = arith.constant 0 : i32
    %c0_i32_1 = arith.constant 0 : i32
    return %c0_i32, %c0_i32_0 : i32, i32
  }
  func.func @transform_4(%arg0: i32) -> (i32, i32, i32) {
    %add3A = arith.constant 160 : i32
    %add3A_0 = arith.addi %arg0, %add3A : i32
    %c0_i32 = arith.constant 0 : i32
    %c0_i32_1 = arith.constant 0 : i32
    %c0_i32_2 = arith.constant 0 : i32
    return %add3A_0, %c0_i32, %c0_i32_1 : i32, i32, i32
  }
}

</mosaic_0001>

<sc_bundles>
// kernel: kernel.13.cloned.1.call-start
scs
__scs_entry_jumppad:
0x0: {  	(pc) =	sbr.rel $0x88, $3  }
0x1: {  	(tag) =	ssettag $0x0;
	lr =	simm.s32 $0x1  }
0x2: {  	[smem:$0x3F9D] =	sst lr;
	_ =	strace $0xD0000000  }
0x3: {  	_ = 	snop  }
0x4: {  	_ = 	snop  }
0x5: {  	_ = 	snop  }
0x6: {  	_ = 	snop  }
0x7: {  	_ = 	snop  }
__scs_overlays_trampoline_lowered:
0x8: {  	[smem:$0x3FAC] =	sst s0  }
0x9: {  	[smem:$0x3FAD] =	sst s1  }
0xa: {  	[smem:$0x3FAE] =	sst s2  }
0xb: {  	[smem:$0x3FAF] =	sst s3  }
0xc: {  	[smem:$0x3FB0] =	sst s4  }
0xd: {  	[smem:$0x3FB1] =	sst s5  }
0xe: {  	[smem:$0x3FB2] =	sst s6  }
0xf: {  	[smem:$0x3FB3] =	sst s7  }
0x10: {  	[smem:$0x3FB4] =	sst s8  }
0x11: {  	[smem:$0x3FB5] =	sst s9;
	s0 =	simm.s32 @!p0 $0x0  }
0x12: {  	s1 =	sld [smem:$0x3F9B];
	s0 =	simm.s32 @p0 $0x1  }
0x13: {  	[smem:$0x3FB6] =	sst s0;
	s0 =	simm.s32 @!p1 $0x0  }
0x14: {  	s2 =	sld [smem:$0x3F9A];
	s0 =	simm.s32 @p1 $0x1  }
0x15: {  	[smem:$0x3FB7] =	sst s0;
	s0 =	simm.s32 @!p2 $0x0  }
0x16: {  	s3 =	sld [smem:$0x3FDB];
	s0 =	simm.s32 @p2 $0x1  }
0x17: {  	s4 =	simm.s32 $0x1BF5;
	[smem:$0x3FB9] =	sst s0  }
0x18: {  	s0 =	sld [smem:$0x3F9C];
	_ =	swait.ge [sflag:s4], $0x0  }
0x19: {  	s7 =	sld [smem:$0x3F9D]  }
0x1a: {  	s8 =	sadd.s32 $0xFFFFE003, lr  }
0x1b: {  	s9 =	sadd.s32 $0xFFFFFEF7, lr;
	s5 =	simm.s32 $0xFFFFFFFF;
	p2 =	slt.u32 s8, $0xFFFFF086  }
0x1c: {  	p1 =	slt.u32 s9, $0xF7A;
	s5 =	simm.s32 @!p2 $0x0  }
0x1d: {  	s5 =	simm.s32 @p1 $0x1;
	p0 =	seq.s32 s7, s2  }
0x1e: {  	s7 =	smul.u32 @!p0 $0xF7A, s2;
	p2 =	seq.s32 @!p0 s5, $0x0  }
0x1f: {  	s9 =	smul.u32 $0xF7A, s1;
	s8 =	simm.s32 @!p0 $0x1BF5;
	p2 =	por !p2, p0  }
0x20: {  	[sflag:s8] =	ssyncset.s32 @!p0 $0xFFFFF086;
	s6 =	sadd.s32 @!p0 s3, s7;
	s7 =	simm.s32 @!p0 $0x108  }
0x21: {  	s3 =	sadd.s32 s3, s9;
	s6 =	sadd.s32 @!p0 $0x88, s6;
	s7 =	simm.s32 @p2 $0x1082  }
0x22: {  	[simem:s7], [sflag:s8] =	dma.local @!p0 [hbm:s6], $0xF7A  }
0x23: {  	s9 =	sor.u32 $0xD0000000, s2;
	s6 =	simm.s32 $0x108;
	_ =	swait.ge @!p0 [sflag:s8], $0x0  }
0x24: {  	s3 =	sadd.s32 $0x88, s3;
	s6 =	simm.s32 @!p1 $0x1082;
	[sflag:s4] =	ssyncset.s32 $0xFFFFF086  }
0x25: {  	[simem:s6], [sflag:s4] =	dma.local [hbm:s3], $0xF7A  }
0x26: {  	[smem:$0x3F9D] =	sst s1;
	(tag) =	ssettag s2;
	_ =	strace s9  }
0x27: {  	s1 =	sld [smem:$0x3FAD]  }
0x28: {  	s2 =	sld [smem:$0x3FAE]  }
0x29: {  	s4 =	sld [smem:$0x3FB0]  }
0x2a: {  	p0 =	seq.s32 s5, $0x0;
	s5 =	sld [smem:$0x3FB1]  }
0x2b: {  	s6 =	sld [smem:$0x3FB2]  }
0x2c: {  	s7 =	sld [smem:$0x3FB3]  }
0x2d: {  	s3 =	simm.s32 $0x108;
	s8 =	sld [smem:$0x3FB4]  }
0x2e: {  	s3 =	simm.s32 @!p0 $0x1082;
	s9 =	sld [smem:$0x3FB5]  }
0x2f: {  	lr =	sadd.s32 s0, s3;
	s0 =	sld [smem:$0x3FAC]  }
0x30: {  	s3 =	sld [smem:$0x3FAF]  }
0x31: {  	[smem:$0x3FB8] =	sst s10  }
0x32: {  	s10 =	sld [smem:$0x3FB6];
	_ =	sdelay $0x3  }
0x33: {  	p0 =	seq.s32 s10, $0x1;
	s10 =	sld [smem:$0x3FB8];
	_ =	sdelay $0x3  }
0x34: {  	[smem:$0x3FB8] =	sst s10  }
0x35: {  	s10 =	sld [smem:$0x3FB7];
	_ =	sdelay $0x3  }
0x36: {  	p1 =	seq.s32 s10, $0x1;
	s10 =	sld [smem:$0x3FB8];
	_ =	sdelay $0x3  }
0x37: {  	[smem:$0x3FB8] =	sst s10  }
0x38: {  	s10 =	sld [smem:$0x3FB9]  }
0x39: {  	_ = 	snop;
	(pc) =	sbr.ind lr, $3  }
0x3a: {  	_ = 	snop  }
0x3b: {  	_ = 	snop  }
0x3c: {  	p2 =	seq.s32 s10, $0x1;
	s10 =	sld [smem:$0x3FB8]  }
0x3d: {  	_ =	shalt  }
0x3e: {  	_ =	shalt  }
0x3f: {  	_ =	shalt  }
0x40: {  	_ =	shalt  }
0x41: {  	_ =	shalt  }
0x42: {  	_ =	shalt  }
0x43: {  	_ =	shalt  }
0x44: {  	_ =	shalt  }
0x45: {  	_ =	shalt  }
0x46: {  	_ =	shalt  }
0x47: {  	_ =	shalt  }
0x48: {  	_ =	shalt  }
0x49: {  	_ =	shalt  }
0x4a: {  	_ =	shalt  }
0x4b: {  	_ =	shalt  }
0x4c: {  	_ =	shalt  }
0x4d: {  	_ =	shalt  }
0x4e: {  	_ =	shalt  }
0x4f: {  	_ =	shalt  }
0x50: {  	_ =	shalt  }
0x51: {  	_ =	shalt  }
0x52: {  	_ =	shalt  }
0x53: {  	_ =	shalt  }
0x54: {  	_ =	shalt  }
0x55: {  	_ =	shalt  }
0x56: {  	_ =	shalt  }
0x57: {  	_ =	shalt  }
0x58: {  	_ =	shalt  }
0x59: {  	_ =	shalt  }
0x5a: {  	_ =	shalt  }
0x5b: {  	_ =	shalt  }
0x5c: {  	_ =	shalt  }
0x5d: {  	_ =	shalt  }
0x5e: {  	_ =	shalt  }
0x5f: {  	_ =	shalt  }
0x60: {  	_ =	shalt  }
0x61: {  	_ =	shalt  }
0x62: {  	_ =	shalt  }
0x63: {  	_ =	shalt  }
0x64: {  	_ =	shalt  }
0x65: {  	_ =	shalt  }
0x66: {  	_ =	shalt  }
0x67: {  	_ =	shalt  }
0x68: {  	_ =	shalt  }
0x69: {  	_ =	shalt  }
0x6a: {  	_ =	shalt  }
0x6b: {  	_ =	shalt  }
0x6c: {  	_ =	shalt  }
0x6d: {  	_ =	shalt  }
0x6e: {  	_ =	shalt  }
0x6f: {  	_ =	shalt  }
0x70: {  	_ =	shalt  }
0x71: {  	_ =	shalt  }
0x72: {  	_ =	shalt  }
0x73: {  	_ =	shalt  }
0x74: {  	_ =	shalt  }
0x75: {  	_ =	shalt  }
0x76: {  	_ =	shalt  }
0x77: {  	_ =	shalt  }
0x78: {  	_ =	shalt  }
0x79: {  	_ =	shalt  }
0x7a: {  	_ =	shalt  }
0x7b: {  	_ =	shalt  }
0x7c: {  	_ =	shalt  }
0x7d: {  	_ =	shalt  }
0x7e: {  	_ =	shalt  }
0x7f: {  	_ =	shalt  }
0x80: {  	_ =	shalt  }
0x81: {  	_ =	shalt  }
0x82: {  	_ =	shalt  }
0x83: {  	_ =	shalt  }
0x84: {  	_ =	shalt  }
0x85: {  	_ =	shalt  }
0x86: {  	_ =	shalt  }
0x87: {  	_ =	shalt  }
.Lfunc_end0:
.L_simem_size_0:
called_computation.1_lowered:
.L_overlay_start_0:
0x88: {  	s2 =	sld [smem:$0x3FD9]  }
0x89: {  	s3 =	sld [smem:$0x3FFE];
	_ =	sdelay $0x1  }
0x8a: {  	s1 =	srdreg.scid  }
0x8b: {  	s0 =	sand.u32 $0x1, s1  }
0x8c: {  	s17 =	sshll.u32 s0, $0xA;
	s2 =	sadd.s32 s3, s2  }
0x8d: {  	s2 =	sadd.s32 s2, s17  }
0x8e: {  	[smem:$0x3FC4] =	sst s2  }
0x8f: {  	_ = 	snop  }
0x90: {  	(tm) =	ssettm $0x1  }
0x91: {  	s18 =	sld [smem:$0x3FFB];
	_ =	sdelay $0x3  }
0x92: {  	_ =	strace s18  }
0x93: {  	s2 =	sld [smem:$0x3FFC];
	_ =	sdelay $0x3  }
0x94: {  	_ =	strace s2  }
0x95: {  	s2 =	sld [smem:$0x3FFD];
	_ =	sdelay $0x3  }
0x96: {  	_ =	strace s2  }
0x97: {  	_ =	strace $0x8FFFFFFF  }
0x98: {  	s19 =	sld [smem:$0x3FDB];
	_ =	sdelay $0x1  }
0x99: {  	s20 =	simm.s32 $_scs_section_size  }
0x9a: {  	s4 =	simm.s32 $_size__tile_overlayer_lowered;
	s5 =	simm.s32 $_tile_overlayer_lowered  }
0x9b: {  	s6 =	simm.s32 $0x1BFF;
	s21 =	sshll.u32 s5, $0x1;
	s3 =	sadd.s32 s20, s19  }
0x9c: {  	s22 =	simm.s32 $0x0;
	s4 =	sshll.u32 s4, $0x1;
	s5 =	sadd.s32 s21, s3  }
0x9d: {  	[timem:s22], [sflag:s6] =	dma.local [hbm:s5], s4  }
0x9e: {  	_ =	swait.ge [sflag:s6], s4  }
0x9f: {  	s4 =	ssub.s32 $0x0, s4;
	[sflag:s6] =	ssyncset.done $0x0  }
0xa0: {  	[sflag:s6] =	ssyncadd.s32 s4;
	_ =	sdelay $0x1  }
0xa1: {  	s23 =	simm.s32 $0x1B8B  }
0xa2: {  	_ =	swait.ge [sflag:s23], $0x1  }
0xa3: {  	[sflag:s23] =	ssyncset.done $0x0  }
0xa4: {  	[sflag:s23] =	ssyncadd.s32 $0xFFFFFFFF  }
0xa5: {  	s4 =	sld [smem:$0x0]  }
0xa6: {  	s5 =	sand.u32 $0xFFFFFFFE, s1  }
0xa7: {  	p0 =	sne.s32 s1, s5  }
0xa8: {  	s5 =	sshll.u32 @p0 s5, $0xE  }
0xa9: {  	s5 =	sadd.s32 @p0 $0x11B8D, s5;
	s6 =	sshll.u32 @p0 s4, $0x11  }
0xaa: {  	s5 =	sor.u32 @p0 s6, s5  }
0xab: {  	[sflag:s5] =	ssyncadd.remote.s32 @p0 $0x1;
	_ =	sdelay $0x1  }
0xac: {  	s5 =	simm.s32 @p0 $0x1B8D  }
0xad: {  	_ =	swait.eq @p0 [sflag:s5], $0x1  }
0xae: {  	[sflag:s5] =	ssyncadd.s32 @p0 $0xFFFFFFFF  }
0xaf: {  	s6 =	sshll.u32 @!p0 s1, $0xE  }
0xb0: {  	s6 =	sor.u32 @!p0 $0x4000, s6;
	s5 =	simm.s32 @!p0 $0x1B8D  }
0xb1: {  	s4 =	sshll.u32 @!p0 s4, $0x11;
	s6 =	sadd.s32 @!p0 $0x11B8D, s6;
	_ =	swait.eq @!p0 [sflag:s5], $0x1  }
0xb2: {  	s4 =	sor.u32 @!p0 s4, s6;
	[sflag:s5] =	ssyncadd.s32 @!p0 $0xFFFFFFFF  }
0xb3: {  	s25 =	simm.s32 $0x1B8E;
	s24 =	sld [smem:$0x3FFE];
	[sflag:s4] =	ssyncadd.remote.s32 @!p0 $0x1  }
0xb4: {  	s26 =	simm.s32 $execute0_lowered;
	[smem:$0x3FD2] =	sst s25  }
0xb5: {  	s5 =	sshll.u32 s26, $0x1;
	_ =	strace $0x80000055;
	[dreg:$0x1] =	wrdreg $0xFFFFFFFF  }
0xb6: {  	s28 =	simm.s32 $_size_execute0_lowered;
	s3 =	sadd.s32 s3, s5;
	[dreg:$0x0] =	wrdreg $0x0  }
0xb7: {  	s5 =	sshll.u32 s28, $0x1;
	[dreg:$0x2] =	wrdreg s3  }
0xb8: {  	[dreg:$0x3] =	wrdreg s5  }
0xb9: {  	[dreg:$0x4] =	wrdreg $0xC0  }
0xba: {  	_ =	task [dreg:s22], $0x5FFFF  }
0xbb: {  	[dreg:$0x1] =	wrdreg $0xFFFFFFFF  }
0xbc: {  	[dreg:$0x0] =	wrdreg $0x60  }
0xbd: {  	[dreg:$0x2] =	wrdreg s24  }
0xbe: {  	[dreg:$0x3] =	wrdreg $0x9  }
0xbf: {  	_ =	task.clear_ibuf [dreg:s22], $0x4FFFF;
	_ =	strace $0x90000055  }
0xc0: {  	s29 =	simm.s32 $0x9;
	_ =	strace $0x80000057  }
0xc1: {  	_ =	swait.ge [sflag:s29], $0x1  }
0xc2: {  	[sflag:s29] =	ssyncadd.s32 $0xFFFFFFFF  }
0xc3: {  	_ =	strace $0x90000057  }
0xc4: {  	_ =	sfence  }
0xc5: {  	s30 =	sld [smem:$0x0];
	_ =	sdelay $0x2  }
0xc6: {  	s31 =	sshll.u32 s1, $0xD;
	s1 =	sshrl.u32 s1, $0x2  }
0xc7: {  	s4 =	sand.u32 $0x4000, s31;
	s1 =	sadd.s32 s1, s30  }
0xc8: {  	s0 =	sor.u32 s4, s0;
	s1 =	sshll.u32 s1, $0x11  }
0xc9: {  	s0 =	sor.u32 s1, s0  }
0xca: {  	s0 =	sadd.s32 $0x8F2B, s0  }
0xcb: {  	[sflag:s0] =	ssyncadd.remote.s32 $0x1  }
0xcc: {  	_ =	sfence.sel $0xFFFF  }
0xcd: {  	[dreg:$0x0] =	wrdreg $0xFFFFFFFF;
	(pc) =	sbr.abs _section_cstart, $3  }
0xce: {  	[dreg:$0x1] =	wrdreg $0xFFFFFFFF  }
0xcf: {  	_ =	task.clear_ibuf [dreg:s22], $0x2FFFF;
	_ =	strace $0x9FFFFFFF  }
0xd0: {  	(tm) =	ssettm $0x7FFFFFFF  }
0xd1: {  	_ =	shalt  }
tec
execute0_lowered:
.L_overlay_start_1:
0x0: {  	(tag) =	ssettag $0x1  }
0x1: {  	s4 =	rddreg [dreg:$0x0]  }
0x2: {  	s0 =	rddreg [dreg:$0x1];
	s2 =	simm.s32 $0x0  }
0x3: {  	s3 =	srdreg.scid;
	s1 =	stileid.u32;
	s28 =	simm.s32 $0x1400  }
0x4: {  	s29 =	simm.s32 $0x100;
	s30 =	simm.s32 $0x2400;
	s31 =	simm.s32 $0x180  }
0x5: {  	s9 =	simm.s32 $0x200;
	s10 =	simm.s32 $0x4400;
	s11 =	simm.s32 $0x280  }
0x6: {  	s12 =	simm.s32 $0x5400;
	s13 =	simm.s32 $0x300;
	s14 =	simm.s32 $0x6400  }
0x7: {  	s15 =	simm.s32 $0x380;
	s16 =	simm.s32 $0x7400;
	[smem:$0x7FF] =	sst s2  }
0x8: {  	s5 =	sand.u32 $0x1, s3;
	s3 =	sadd.s32 $0x2A00, s4;
	s7 =	sadd.s32 $0x3E4A00, s4  }
0x9: {  	s4 =	sadd.s32 $0x673A00, s4;
	_ =	strace $0x80000056;
	[dreg:$0x2] =	wrdreg s7  }
0xa: {  	s17 =	simm.s32 $0x1;
	s18 =	simm.s32 $0x20;
	[dreg:$0x3] =	wrdreg s4  }
0xb: {  	s19 =	simm.s32 $0x40;
	s6 =	smul.u32 $0xA, s1;
	[dreg:$0x5] =	wrdreg s28  }
0xc: {  	s20 =	simm.s32 $0x0;
	s8 =	smul.u32 $0x5, s5;
	[dreg:$0x6] =	wrdreg s29  }
0xd: {  	s5 =	ssub.s32 $0x2, s5;
	[dreg:$0x7] =	wrdreg s30;
	s7 =	simm.s32 $0x400  }
0xe: {  	[dreg:$0x8] =	wrdreg s31;
	s26 =	sshrl.u32 s5, $0x1;
	s6 =	sadd.s32 s8, s6  }
0xf: {  	s4 =	ssub.s32 s5, s26;
	s5 =	simm.s32 $0x2;
	s8 =	simm.s32 $0x3400  }
0x10: {  	[dreg:$0x4] =	wrdreg s6;
	s4 =	smax.u32 s4, $0x1;
	s6 =	simm.s32 $0x80  }
.LBB2_1:
0x11: {  	s21 =	rddreg [dreg:$0x4]  }
0x12: {  	s21 =	sadd.s32 $0x0, s21  }
0x13: {  	s23 =	sand.u32 $0x3, s21  }
0x14: {  	s22 =	rddreg [dreg:$0x2];
	s24 =	sshrl.u32 s21, $0x2;
	s23 =	sshll.u32 s23, $0x7  }
0x15: {  	s25 =	sshll.u32 s24, $0x9;
	s22 =	sadd.s32 s22, s23  }
0x16: {  	s22 =	sadd.s32 s25, s22  }
0x17: {  	[tilespmem:s2], [sflag:$0x2] =	stream.linear.gather [hbm4b:s22+s2], $0x400, $0x38;
	[tilespmem:$0x8400] =	vst v63  }
0x18: {  	_ =	swait.ge [sflag:s5], $0x400  }
0x19: {  	[sflag:s5] =	ssyncset.done $0x0  }
0x1a: {  	s25 =	rddreg [dreg:$0x7];
	[sflag:s5] =	ssyncadd.s32 $0xFFFFFC00  }
0x1b: {  	[tilespmem:s7], [sflag:$0x1] =	stream.indirect.gather [hbm4b:s3+s6], $0x20, s2, s6, $0xb8;
	[tilespmem:$0x8400] =	vst v63  }
0x1c: {  	s26 =	rddreg [dreg:$0x5]  }
0x1d: {  	[tilespmem:s26], [sflag:$0x1] =	stream.indirect.gather [hbm4b:s3+s6], $0x20, s6, s6, $0xb8;
	[tilespmem:$0x8400] =	vst v63  }
0x1e: {  	s28 =	rddreg [dreg:$0x6]  }
0x1f: {  	[tilespmem:s25], [sflag:$0x1] =	stream.indirect.gather [hbm4b:s3+s6], $0x20, s28, s6, $0xb8;
	[tilespmem:$0x8400] =	vst v63  }
0x20: {  	s29 =	rddreg [dreg:$0x8]  }
0x21: {  	[tilespmem:s8], [sflag:$0x1] =	stream.indirect.gather [hbm4b:s3+s6], $0x20, s29, s6, $0xb8;
	[tilespmem:$0x8400] =	vst v63  }
0x22: {  	_ = 	snop  }
0x23: {  	[tilespmem:s10], [sflag:$0x1] =	stream.indirect.gather [hbm4b:s3+s6], $0x20, s9, s6, $0xb8;
	[tilespmem:$0x8400] =	vst v63  }
0x24: {  	_ = 	snop  }
0x25: {  	[tilespmem:s12], [sflag:$0x1] =	stream.indirect.gather [hbm4b:s3+s6], $0x20, s11, s6, $0xb8;
	[tilespmem:$0x8400] =	vst v63  }
0x26: {  	_ = 	snop  }
0x27: {  	[tilespmem:s14], [sflag:$0x1] =	stream.indirect.gather [hbm4b:s3+s6], $0x20, s13, s6, $0xb8;
	[tilespmem:$0x8400] =	vst v63  }
0x28: {  	_ = 	snop  }
0x29: {  	[tilespmem:s16], [sflag:$0x1] =	stream.indirect.gather [hbm4b:s3+s6], $0x20, s15, s6, $0xb8;
	[tilespmem:$0x8400] =	vst v63  }
0x2a: {  	_ =	swait.ge [sflag:s17], $0x1000  }
0x2b: {  	[sflag:s17] =	ssyncset.done $0x0  }
0x2c: {  	[sflag:s17] =	ssyncadd.s32 $0xFFFFF000  }
0x2d: {  	_ =	swait.ge [sflag:s17], $0x1000  }
0x2e: {  	[sflag:s17] =	ssyncset.done $0x0  }
0x2f: {  	[sflag:s17] =	ssyncadd.s32 $0xFFFFF000  }
0x30: {  	_ =	swait.ge [sflag:s17], $0x1000  }
0x31: {  	[sflag:s17] =	ssyncset.done $0x0  }
0x32: {  	[sflag:s17] =	ssyncadd.s32 $0xFFFFF000  }
0x33: {  	_ =	swait.ge [sflag:s17], $0x1000  }
0x34: {  	[sflag:s17] =	ssyncset.done $0x0  }
0x35: {  	[sflag:s17] =	ssyncadd.s32 $0xFFFFF000  }
0x36: {  	_ =	swait.ge [sflag:s17], $0x1000  }
0x37: {  	[sflag:s17] =	ssyncset.done $0x0  }
0x38: {  	[sflag:s17] =	ssyncadd.s32 $0xFFFFF000  }
0x39: {  	_ =	swait.ge [sflag:s17], $0x1000  }
0x3a: {  	[sflag:s17] =	ssyncset.done $0x0  }
0x3b: {  	[sflag:s17] =	ssyncadd.s32 $0xFFFFF000  }
0x3c: {  	_ =	swait.ge [sflag:s17], $0x1000  }
0x3d: {  	[sflag:s17] =	ssyncset.done $0x0  }
0x3e: {  	[sflag:s17] =	ssyncadd.s32 $0xFFFFF000  }
0x3f: {  	_ =	swait.ge [sflag:s17], $0x1000  }
0x40: {  	s31 =	sshll.u32 s21, $0xD;
	s24 =	sshll.u32 s24, $0xE;
	s30 =	rddreg [dreg:$0x3]  }
0x41: {  	s21 =	sshll.u32 s21, $0x1;
	s23 =	sand.u32 $0x2000, s31;
	s22 =	sadd.s32 s30, s24  }
0x42: {  	s21 =	sand.u32 $0x4, s21;
	[sflag:s17] =	ssyncset.done $0x0;
	s22 =	sadd.s32 s23, s22  }
0x43: {  	[sflag:s17] =	ssyncadd.s32 $0xFFFFF000;
	s21 =	sadd.s32 s21, s22  }
0x44: {  	[hbm4b:s21+s18] =	stream.strided.scatter [tilespmem:s7], [sflag:$0x2], $0x8000, s19, s18, $0x38;
	[tilespmem:$0x8400] =	vst v63  }
0x45: {  	s22 =	simm.s32 $0x2;
	_ =	swait.ge [sflag:s5], $0x8000  }
0x46: {  	s21 =	simm.s32 $0x1;
	s23 =	rddreg [dreg:$0x4];
	[sflag:s5] =	ssyncset.done $0x0  }
.LBB2_2:
0x47: {  	s25 =	sadd.s32 s21, s23  }
0x48: {  	s28 =	sand.u32 $0x3, s25  }
0x49: {  	s26 =	rddreg [dreg:$0x2];
	s23 =	sshrl.u32 s25, $0x2;
	s28 =	sshll.u32 s28, $0x7  }
0x4a: {  	s29 =	sshll.u32 s23, $0x9;
	s26 =	sadd.s32 s26, s28  }
0x4b: {  	[sflag:s5] =	ssyncadd.s32 $0xFFFF8000;
	s26 =	sadd.s32 s29, s26  }
0x4c: {  	[tilespmem:s2], [sflag:$0x2] =	stream.linear.gather [hbm4b:s26+s2], $0x400, $0x38;
	[tilespmem:$0x8400] =	vst v63  }
0x4d: {  	_ =	swait.ge [sflag:s5], $0x400  }
0x4e: {  	[sflag:s5] =	ssyncset.done $0x0  }
0x4f: {  	s26 =	rddreg [dreg:$0x7];
	[sflag:s5] =	ssyncadd.s32 $0xFFFFFC00  }
0x50: {  	[tilespmem:s7], [sflag:$0x1] =	stream.indirect.gather [hbm4b:s3+s6], $0x20, s2, s6, $0xb8;
	[tilespmem:$0x8400] =	vst v63  }
0x51: {  	s30 =	rddreg [dreg:$0x5]  }
0x52: {  	[tilespmem:s30], [sflag:$0x1] =	stream.indirect.gather [hbm4b:s3+s6], $0x20, s6, s6, $0xb8;
	[tilespmem:$0x8400] =	vst v63  }
0x53: {  	s31 =	rddreg [dreg:$0x6]  }
0x54: {  	[tilespmem:s26], [sflag:$0x1] =	stream.indirect.gather [hbm4b:s3+s6], $0x20, s31, s6, $0xb8;
	[tilespmem:$0x8400] =	vst v63  }
0x55: {  	s30 =	rddreg [dreg:$0x8]  }
0x56: {  	[tilespmem:s8], [sflag:$0x1] =	stream.indirect.gather [hbm4b:s3+s6], $0x20, s30, s6, $0xb8;
	[tilespmem:$0x8400] =	vst v63  }
0x57: {  	_ = 	snop  }
0x58: {  	[tilespmem:s10], [sflag:$0x1] =	stream.indirect.gather [hbm4b:s3+s6], $0x20, s9, s6, $0xb8;
	[tilespmem:$0x8400] =	vst v63  }
0x59: {  	_ = 	snop  }
0x5a: {  	[tilespmem:s12], [sflag:$0x1] =	stream.indirect.gather [hbm4b:s3+s6], $0x20, s11, s6, $0xb8;
	[tilespmem:$0x8400] =	vst v63  }
0x5b: {  	_ = 	snop  }
0x5c: {  	[tilespmem:s14], [sflag:$0x1] =	stream.indirect.gather [hbm4b:s3+s6], $0x20, s13, s6, $0xb8;
	[tilespmem:$0x8400] =	vst v63  }
0x5d: {  	_ = 	snop  }
0x5e: {  	[tilespmem:s16], [sflag:$0x1] =	stream.indirect.gather [hbm4b:s3+s6], $0x20, s15, s6, $0xb8;
	[tilespmem:$0x8400] =	vst v63  }
0x5f: {  	_ =	swait.ge [sflag:s17], $0x1000  }
0x60: {  	[sflag:s17] =	ssyncset.done $0x0  }
0x61: {  	[sflag:s17] =	ssyncadd.s32 $0xFFFFF000  }
0x62: {  	_ =	swait.ge [sflag:s17], $0x1000  }
0x63: {  	[sflag:s17] =	ssyncset.done $0x0  }
0x64: {  	[sflag:s17] =	ssyncadd.s32 $0xFFFFF000  }
0x65: {  	_ =	swait.ge [sflag:s17], $0x1000  }
0x66: {  	[sflag:s17] =	ssyncset.done $0x0  }
0x67: {  	[sflag:s17] =	ssyncadd.s32 $0xFFFFF000  }
0x68: {  	_ =	swait.ge [sflag:s17], $0x1000  }
0x69: {  	[sflag:s17] =	ssyncset.done $0x0  }
0x6a: {  	[sflag:s17] =	ssyncadd.s32 $0xFFFFF000  }
0x6b: {  	_ =	swait.ge [sflag:s17], $0x1000  }
0x6c: {  	[sflag:s17] =	ssyncset.done $0x0  }
0x6d: {  	[sflag:s17] =	ssyncadd.s32 $0xFFFFF000  }
0x6e: {  	_ =	swait.ge [sflag:s17], $0x1000  }
0x6f: {  	[sflag:s17] =	ssyncset.done $0x0  }
0x70: {  	[sflag:s17] =	ssyncadd.s32 $0xFFFFF000  }
0x71: {  	_ =	swait.ge [sflag:s17], $0x1000  }
0x72: {  	[sflag:s17] =	ssyncset.done $0x0  }
0x73: {  	p0 =	sne.s32 s22, $0x4;
	s24 =	smov.u32 s22;
	[sflag:s17] =	ssyncadd.s32 $0xFFFFF000  }
0x74: {  	s21 =	smov.u32 s24;
	s24 =	sshll.u32 s25, $0xD;
	_ =	swait.ge [sflag:s17], $0x1000  }
0x75: {  	s25 =	sshll.u32 s25, $0x1;
	s23 =	sshll.u32 s23, $0xE;
	s31 =	rddreg [dreg:$0x3]  }
0x76: {  	s24 =	sand.u32 $0x2000, s24;
	s25 =	sand.u32 $0x4, s25;
	s23 =	sadd.s32 s31, s23  }
.Ltmp0:
0x77: {  	[sflag:s17] =	ssyncset.done $0x0;
	s23 =	sadd.s32 s24, s23;
	(pc) =	sbr.rel @p0 .LBB2_2-.Ltmp0, $4  }
0x78: {  	[sflag:s17] =	ssyncadd.s32 $0xFFFFF000;
	s23 =	sadd.s32 s25, s23  }
0x79: {  	[hbm4b:s23+s18] =	stream.strided.scatter [tilespmem:s7], [sflag:$0x2], $0x8000, s19, s18, $0x38;
	[tilespmem:$0x8400] =	vst v63  }
0x7a: {  	_ =	swait.ge [sflag:s5], $0x8000  }
0x7b: {  	s22 =	sadd.s32 $0x1, s22;
	s23 =	rddreg [dreg:$0x4];
	[sflag:s5] =	ssyncset.done $0x0  }
0x7c: {  	s21 =	sadd.s32 s21, s23  }
0x7d: {  	s23 =	sand.u32 $0x3, s21  }
0x7e: {  	s22 =	rddreg [dreg:$0x2];
	s24 =	sshrl.u32 s21, $0x2;
	s23 =	sshll.u32 s23, $0x7  }
0x7f: {  	s25 =	sshll.u32 s24, $0x9;
	s22 =	sadd.s32 s22, s23  }
0x80: {  	[sflag:s5] =	ssyncadd.s32 $0xFFFF8000;
	s22 =	sadd.s32 s25, s22  }
0x81: {  	[tilespmem:s2], [sflag:$0x2] =	stream.linear.gather [hbm4b:s22+s2], $0x400, $0x38;
	[tilespmem:$0x8400] =	vst v63  }
0x82: {  	_ =	swait.ge [sflag:s5], $0x400  }
0x83: {  	[sflag:s5] =	ssyncset.done $0x0  }
0x84: {  	s25 =	rddreg [dreg:$0x7];
	[sflag:s5] =	ssyncadd.s32 $0xFFFFFC00  }
0x85: {  	[tilespmem:s7], [sflag:$0x1] =	stream.indirect.gather [hbm4b:s3+s6], $0x20, s2, s6, $0xb8;
	[tilespmem:$0x8400] =	vst v63  }
0x86: {  	s26 =	rddreg [dreg:$0x5]  }
0x87: {  	[tilespmem:s26], [sflag:$0x1] =	stream.indirect.gather [hbm4b:s3+s6], $0x20, s6, s6, $0xb8;
	[tilespmem:$0x8400] =	vst v63  }
0x88: {  	s28 =	rddreg [dreg:$0x6]  }
0x89: {  	[tilespmem:s25], [sflag:$0x1] =	stream.indirect.gather [hbm4b:s3+s6], $0x20, s28, s6, $0xb8;
	[tilespmem:$0x8400] =	vst v63  }
0x8a: {  	s29 =	rddreg [dreg:$0x8]  }
0x8b: {  	[tilespmem:s8], [sflag:$0x1] =	stream.indirect.gather [hbm4b:s3+s6], $0x20, s29, s6, $0xb8;
	[tilespmem:$0x8400] =	vst v63  }
0x8c: {  	_ = 	snop  }
0x8d: {  	[tilespmem:s10], [sflag:$0x1] =	stream.indirect.gather [hbm4b:s3+s6], $0x20, s9, s6, $0xb8;
	[tilespmem:$0x8400] =	vst v63  }
0x8e: {  	_ = 	snop  }
0x8f: {  	[tilespmem:s12], [sflag:$0x1] =	stream.indirect.gather [hbm4b:s3+s6], $0x20, s11, s6, $0xb8;
	[tilespmem:$0x8400] =	vst v63  }
0x90: {  	_ = 	snop  }
0x91: {  	[tilespmem:s14], [sflag:$0x1] =	stream.indirect.gather [hbm4b:s3+s6], $0x20, s13, s6, $0xb8;
	[tilespmem:$0x8400] =	vst v63  }
0x92: {  	_ = 	snop  }
0x93: {  	[tilespmem:s16], [sflag:$0x1] =	stream.indirect.gather [hbm4b:s3+s6], $0x20, s15, s6, $0xb8;
	[tilespmem:$0x8400] =	vst v63  }
0x94: {  	_ =	swait.ge [sflag:s17], $0x1000  }
0x95: {  	[sflag:s17] =	ssyncset.done $0x0  }
0x96: {  	[sflag:s17] =	ssyncadd.s32 $0xFFFFF000  }
0x97: {  	_ =	swait.ge [sflag:s17], $0x1000  }
0x98: {  	[sflag:s17] =	ssyncset.done $0x0  }
0x99: {  	[sflag:s17] =	ssyncadd.s32 $0xFFFFF000  }
0x9a: {  	_ =	swait.ge [sflag:s17], $0x1000  }
0x9b: {  	[sflag:s17] =	ssyncset.done $0x0  }
0x9c: {  	[sflag:s17] =	ssyncadd.s32 $0xFFFFF000  }
0x9d: {  	_ =	swait.ge [sflag:s17], $0x1000  }
0x9e: {  	[sflag:s17] =	ssyncset.done $0x0  }
0x9f: {  	[sflag:s17] =	ssyncadd.s32 $0xFFFFF000  }
0xa0: {  	_ =	swait.ge [sflag:s17], $0x1000  }
0xa1: {  	[sflag:s17] =	ssyncset.done $0x0  }
0xa2: {  	[sflag:s17] =	ssyncadd.s32 $0xFFFFF000  }
0xa3: {  	_ =	swait.ge [sflag:s17], $0x1000  }
0xa4: {  	[sflag:s17] =	ssyncset.done $0x0  }
0xa5: {  	[sflag:s17] =	ssyncadd.s32 $0xFFFFF000  }
0xa6: {  	_ =	swait.ge [sflag:s17], $0x1000  }
0xa7: {  	[sflag:s17] =	ssyncset.done $0x0  }
0xa8: {  	[sflag:s17] =	ssyncadd.s32 $0xFFFFF000  }
0xa9: {  	s20 =	sadd.s32 $0x1, s20;
	s31 =	sshll.u32 s21, $0xD;
	_ =	swait.ge [sflag:s17], $0x1000  }
0xaa: {  	s21 =	sshll.u32 s21, $0x1;
	s24 =	sshll.u32 s24, $0xE;
	s30 =	rddreg [dreg:$0x3]  }
0xab: {  	p0 =	sne.s32 s20, s4;
	s23 =	sand.u32 $0x2000, s31;
	s22 =	sadd.s32 s30, s24  }
0xac: {  	s21 =	sand.u32 $0x4, s21;
	[sflag:s17] =	ssyncset.done $0x0;
	s22 =	sadd.s32 s23, s22  }
.Ltmp1:
0xad: {  	[sflag:s17] =	ssyncadd.s32 $0xFFFFF000;
	s21 =	sadd.s32 s21, s22;
	(pc) =	sbr.rel @p0 .LBB2_1-.Ltmp1, $4  }
0xae: {  	[hbm4b:s21+s18] =	stream.strided.scatter [tilespmem:s7], [sflag:$0x2], $0x8000, s19, s18, $0x38;
	[tilespmem:$0x8400] =	vst v63  }
0xaf: {  	_ =	swait.ge [sflag:s5], $0x8000  }
0xb0: {  	[sflag:s5] =	ssyncset.done $0x0  }
0xb1: {  	[sflag:s5] =	ssyncadd.s32 $0xFFFF8000  }
0xb2: {  	_ =	sfence.sel $0x180000  }
0xb3: {  	[bflag:$0x0] =	sbarrier.arrive $0xFFFF  }
0xb4: {  	p0 =	sne.s32 s1, $0x0;
	_ =	strace $0x90000056  }
0xb5: {  	s0 =	sadd.s32 @!p0 $0x100000, s0;
	[bflag:$0x2] =	sbarrier.arrive $0xFFFF  }
0xb6: {  	[sflag:s0] =	ssyncadd.tile.s32 @!p0 $0x1;
	_ =	shalt  }
.Lfunc_end2:
_tile_overlayer_lowered:
.L_overlay_start_2:
0xb7: {  	(tag) =	ssettag $0x2  }
0xb8: {  	s0 =	rddreg [dreg:$0x0];
	s2 =	stileid.u32  }
0xb9: {  	s1 =	rddreg [dreg:$0x1];
	p0 =	sne.s32 s2, $0x0  }
0xba: {  	s3 =	rddreg [dreg:$0x2];
	[bflag:$0x3] =	sbarrier.arrive $0xFFFF;
	s2 =	simm.s32 @!p0 $0x1C02  }
0xbb: {  	[timem:s3], [sflag:s2] =	dma.local @!p0 [hbm:s0], s1  }
0xbc: {  	s0 =	simm.s32 @!p0 $0x2  }
0xbd: {  	_ =	swait.ge @!p0 [sflag:s0], s1  }
0xbe: {  	s1 =	ssub.s32 @!p0 $0x0, s1;
	[sflag:s0] =	ssyncset.done @!p0 $0x0  }
0xbf: {  	[sflag:s0] =	ssyncadd.s32 @!p0 s1  }
0xc0: {  	[bflag:$0x3] =	sbarrier.arrive $0xFFFF  }
0xc1: {  	_ =	shalt  }

// kernel: kernel.16.cloned.1.call-start
scs
__scs_entry_jumppad:
0x0: {  	(pc) =	sbr.rel $0x88, $3  }
0x1: {  	(tag) =	ssettag $0x0;
	lr =	simm.s32 $0x1  }
0x2: {  	[smem:$0x3F9D] =	sst lr;
	_ =	strace $0xD0000000  }
0x3: {  	_ = 	snop  }
0x4: {  	_ = 	snop  }
0x5: {  	_ = 	snop  }
0x6: {  	_ = 	snop  }
0x7: {  	_ = 	snop  }
__scs_overlays_trampoline_lowered:
0x8: {  	[smem:$0x3FAC] =	sst s0  }
0x9: {  	[smem:$0x3FAD] =	sst s1  }
0xa: {  	[smem:$0x3FAE] =	sst s2  }
0xb: {  	[smem:$0x3FAF] =	sst s3  }
0xc: {  	[smem:$0x3FB0] =	sst s4  }
0xd: {  	[smem:$0x3FB1] =	sst s5  }
0xe: {  	[smem:$0x3FB2] =	sst s6  }
0xf: {  	[smem:$0x3FB3] =	sst s7  }
0x10: {  	[smem:$0x3FB4] =	sst s8  }
0x11: {  	[smem:$0x3FB5] =	sst s9;
	s0 =	simm.s32 @!p0 $0x0  }
0x12: {  	s1 =	sld [smem:$0x3F9B];
	s0 =	simm.s32 @p0 $0x1  }
0x13: {  	[smem:$0x3FB6] =	sst s0;
	s0 =	simm.s32 @!p1 $0x0  }
0x14: {  	s2 =	sld [smem:$0x3F9A];
	s0 =	simm.s32 @p1 $0x1  }
0x15: {  	[smem:$0x3FB7] =	sst s0;
	s0 =	simm.s32 @!p2 $0x0  }
0x16: {  	s3 =	sld [smem:$0x3FDB];
	s0 =	simm.s32 @p2 $0x1  }
0x17: {  	s4 =	simm.s32 $0x1BF5;
	[smem:$0x3FB9] =	sst s0  }
0x18: {  	s0 =	sld [smem:$0x3F9C];
	_ =	swait.ge [sflag:s4], $0x0  }
0x19: {  	s7 =	sld [smem:$0x3F9D]  }
0x1a: {  	s8 =	sadd.s32 $0xFFFFE003, lr  }
0x1b: {  	s9 =	sadd.s32 $0xFFFFFEF7, lr;
	s5 =	simm.s32 $0xFFFFFFFF;
	p2 =	slt.u32 s8, $0xFFFFF086  }
0x1c: {  	p1 =	slt.u32 s9, $0xF7A;
	s5 =	simm.s32 @!p2 $0x0  }
0x1d: {  	s5 =	simm.s32 @p1 $0x1;
	p0 =	seq.s32 s7, s2  }
0x1e: {  	s7 =	smul.u32 @!p0 $0xF7A, s2;
	p2 =	seq.s32 @!p0 s5, $0x0  }
0x1f: {  	s9 =	smul.u32 $0xF7A, s1;
	s8 =	simm.s32 @!p0 $0x1BF5;
	p2 =	por !p2, p0  }
0x20: {  	[sflag:s8] =	ssyncset.s32 @!p0 $0xFFFFF086;
	s6 =	sadd.s32 @!p0 s3, s7;
	s7 =	simm.s32 @!p0 $0x108  }
0x21: {  	s3 =	sadd.s32 s3, s9;
	s6 =	sadd.s32 @!p0 $0x88, s6;
	s7 =	simm.s32 @p2 $0x1082  }
0x22: {  	[simem:s7], [sflag:s8] =	dma.local @!p0 [hbm:s6], $0xF7A  }
0x23: {  	s9 =	sor.u32 $0xD0000000, s2;
	s6 =	simm.s32 $0x108;
	_ =	swait.ge @!p0 [sflag:s8], $0x0  }
0x24: {  	s3 =	sadd.s32 $0x88, s3;
	s6 =	simm.s32 @!p1 $0x1082;
	[sflag:s4] =	ssyncset.s32 $0xFFFFF086  }
0x25: {  	[simem:s6], [sflag:s4] =	dma.local [hbm:s3], $0xF7A  }
0x26: {  	[smem:$0x3F9D] =	sst s1;
	(tag) =	ssettag s2;
	_ =	strace s9  }
0x27: {  	s1 =	sld [smem:$0x3FAD]  }
0x28: {  	s2 =	sld [smem:$0x3FAE]  }
0x29: {  	s4 =	sld [smem:$0x3FB0]  }
0x2a: {  	p0 =	seq.s32 s5, $0x0;
	s5 =	sld [smem:$0x3FB1]  }
0x2b: {  	s6 =	sld [smem:$0x3FB2]  }
0x2c: {  	s7 =	sld [smem:$0x3FB3]  }
0x2d: {  	s3 =	simm.s32 $0x108;
	s8 =	sld [smem:$0x3FB4]  }
0x2e: {  	s3 =	simm.s32 @!p0 $0x1082;
	s9 =	sld [smem:$0x3FB5]  }
0x2f: {  	lr =	sadd.s32 s0, s3;
	s0 =	sld [smem:$0x3FAC]  }
0x30: {  	s3 =	sld [smem:$0x3FAF]  }
0x31: {  	[smem:$0x3FB8] =	sst s10  }
0x32: {  	s10 =	sld [smem:$0x3FB6];
	_ =	sdelay $0x3  }
0x33: {  	p0 =	seq.s32 s10, $0x1;
	s10 =	sld [smem:$0x3FB8];
	_ =	sdelay $0x3  }
0x34: {  	[smem:$0x3FB8] =	sst s10  }
0x35: {  	s10 =	sld [smem:$0x3FB7];
	_ =	sdelay $0x3  }
0x36: {  	p1 =	seq.s32 s10, $0x1;
	s10 =	sld [smem:$0x3FB8];
	_ =	sdelay $0x3  }
0x37: {  	[smem:$0x3FB8] =	sst s10  }
0x38: {  	s10 =	sld [smem:$0x3FB9]  }
0x39: {  	_ = 	snop;
	(pc) =	sbr.ind lr, $3  }
0x3a: {  	_ = 	snop  }
0x3b: {  	_ = 	snop  }
0x3c: {  	p2 =	seq.s32 s10, $0x1;
	s10 =	sld [smem:$0x3FB8]  }
0x3d: {  	_ =	shalt  }
0x3e: {  	_ =	shalt  }
0x3f: {  	_ =	shalt  }
0x40: {  	_ =	shalt  }
0x41: {  	_ =	shalt  }
0x42: {  	_ =	shalt  }
0x43: {  	_ =	shalt  }
0x44: {  	_ =	shalt  }
0x45: {  	_ =	shalt  }
0x46: {  	_ =	shalt  }
0x47: {  	_ =	shalt  }
0x48: {  	_ =	shalt  }
0x49: {  	_ =	shalt  }
0x4a: {  	_ =	shalt  }
0x4b: {  	_ =	shalt  }
0x4c: {  	_ =	shalt  }
0x4d: {  	_ =	shalt  }
0x4e: {  	_ =	shalt  }
0x4f: {  	_ =	shalt  }
0x50: {  	_ =	shalt  }
0x51: {  	_ =	shalt  }
0x52: {  	_ =	shalt  }
0x53: {  	_ =	shalt  }
0x54: {  	_ =	shalt  }
0x55: {  	_ =	shalt  }
0x56: {  	_ =	shalt  }
0x57: {  	_ =	shalt  }
0x58: {  	_ =	shalt  }
0x59: {  	_ =	shalt  }
0x5a: {  	_ =	shalt  }
0x5b: {  	_ =	shalt  }
0x5c: {  	_ =	shalt  }
0x5d: {  	_ =	shalt  }
0x5e: {  	_ =	shalt  }
0x5f: {  	_ =	shalt  }
0x60: {  	_ =	shalt  }
0x61: {  	_ =	shalt  }
0x62: {  	_ =	shalt  }
0x63: {  	_ =	shalt  }
0x64: {  	_ =	shalt  }
0x65: {  	_ =	shalt  }
0x66: {  	_ =	shalt  }
0x67: {  	_ =	shalt  }
0x68: {  	_ =	shalt  }
0x69: {  	_ =	shalt  }
0x6a: {  	_ =	shalt  }
0x6b: {  	_ =	shalt  }
0x6c: {  	_ =	shalt  }
0x6d: {  	_ =	shalt  }
0x6e: {  	_ =	shalt  }
0x6f: {  	_ =	shalt  }
0x70: {  	_ =	shalt  }
0x71: {  	_ =	shalt  }
0x72: {  	_ =	shalt  }
0x73: {  	_ =	shalt  }
0x74: {  	_ =	shalt  }
0x75: {  	_ =	shalt  }
0x76: {  	_ =	shalt  }
0x77: {  	_ =	shalt  }
0x78: {  	_ =	shalt  }
0x79: {  	_ =	shalt  }
0x7a: {  	_ =	shalt  }
0x7b: {  	_ =	shalt  }
0x7c: {  	_ =	shalt  }
0x7d: {  	_ =	shalt  }
0x7e: {  	_ =	shalt  }
0x7f: {  	_ =	shalt  }
0x80: {  	_ =	shalt  }
0x81: {  	_ =	shalt  }
0x82: {  	_ =	shalt  }
0x83: {  	_ =	shalt  }
0x84: {  	_ =	shalt  }
0x85: {  	_ =	shalt  }
0x86: {  	_ =	shalt  }
0x87: {  	_ =	shalt  }
.Lfunc_end0:
.L_simem_size_0:
called_computation.2_lowered:
.L_overlay_start_0:
0x88: {  	s2 =	sld [smem:$0x3FD9]  }
0x89: {  	s3 =	sld [smem:$0x3FFE];
	_ =	sdelay $0x1  }
0x8a: {  	s1 =	srdreg.scid  }
0x8b: {  	s0 =	sand.u32 $0x1, s1  }
0x8c: {  	s17 =	sshll.u32 s0, $0xA;
	s2 =	sadd.s32 s3, s2  }
0x8d: {  	s2 =	sadd.s32 s2, s17  }
0x8e: {  	[smem:$0x3FC4] =	sst s2  }
0x8f: {  	_ = 	snop  }
0x90: {  	(tm) =	ssettm $0x1  }
0x91: {  	s18 =	sld [smem:$0x3FFB];
	_ =	sdelay $0x3  }
0x92: {  	_ =	strace s18  }
0x93: {  	s2 =	sld [smem:$0x3FFC];
	_ =	sdelay $0x3  }
0x94: {  	_ =	strace s2  }
0x95: {  	s2 =	sld [smem:$0x3FFD];
	_ =	sdelay $0x3  }
0x96: {  	_ =	strace s2  }
0x97: {  	_ =	strace $0x8FFFFFFF  }
0x98: {  	s19 =	sld [smem:$0x3FDB];
	_ =	sdelay $0x1  }
0x99: {  	s20 =	simm.s32 $_scs_section_size  }
0x9a: {  	s4 =	simm.s32 $_size__tile_overlayer_lowered;
	s5 =	simm.s32 $_tile_overlayer_lowered  }
0x9b: {  	s6 =	simm.s32 $0x1BFF;
	s21 =	sshll.u32 s5, $0x1;
	s3 =	sadd.s32 s20, s19  }
0x9c: {  	s22 =	simm.s32 $0x0;
	s4 =	sshll.u32 s4, $0x1;
	s5 =	sadd.s32 s21, s3  }
0x9d: {  	[timem:s22], [sflag:s6] =	dma.local [hbm:s5], s4  }
0x9e: {  	_ =	swait.ge [sflag:s6], s4  }
0x9f: {  	s4 =	ssub.s32 $0x0, s4;
	[sflag:s6] =	ssyncset.done $0x0  }
0xa0: {  	[sflag:s6] =	ssyncadd.s32 s4;
	_ =	sdelay $0x1  }
0xa1: {  	s23 =	simm.s32 $0x1B8B  }
0xa2: {  	_ =	swait.ge [sflag:s23], $0x1  }
0xa3: {  	[sflag:s23] =	ssyncset.done $0x0  }
0xa4: {  	[sflag:s23] =	ssyncadd.s32 $0xFFFFFFFF  }
0xa5: {  	s4 =	sld [smem:$0x0]  }
0xa6: {  	s5 =	sand.u32 $0xFFFFFFFE, s1  }
0xa7: {  	p0 =	sne.s32 s1, s5  }
0xa8: {  	s5 =	sshll.u32 @p0 s5, $0xE  }
0xa9: {  	s5 =	sadd.s32 @p0 $0x11B8D, s5;
	s6 =	sshll.u32 @p0 s4, $0x11  }
0xaa: {  	s5 =	sor.u32 @p0 s6, s5  }
0xab: {  	[sflag:s5] =	ssyncadd.remote.s32 @p0 $0x1;
	_ =	sdelay $0x1  }
0xac: {  	s5 =	simm.s32 @p0 $0x1B8D  }
0xad: {  	_ =	swait.eq @p0 [sflag:s5], $0x1  }
0xae: {  	[sflag:s5] =	ssyncadd.s32 @p0 $0xFFFFFFFF  }
0xaf: {  	s6 =	sshll.u32 @!p0 s1, $0xE  }
0xb0: {  	s6 =	sor.u32 @!p0 $0x4000, s6;
	s5 =	simm.s32 @!p0 $0x1B8D  }
0xb1: {  	s4 =	sshll.u32 @!p0 s4, $0x11;
	s6 =	sadd.s32 @!p0 $0x11B8D, s6;
	_ =	swait.eq @!p0 [sflag:s5], $0x1  }
0xb2: {  	s4 =	sor.u32 @!p0 s4, s6;
	[sflag:s5] =	ssyncadd.s32 @!p0 $0xFFFFFFFF  }
0xb3: {  	s25 =	simm.s32 $0x1B8E;
	s24 =	sld [smem:$0x3FFE];
	[sflag:s4] =	ssyncadd.remote.s32 @!p0 $0x1  }
0xb4: {  	s26 =	simm.s32 $execute0_lowered;
	[smem:$0x3FD2] =	sst s25  }
0xb5: {  	s5 =	sshll.u32 s26, $0x1;
	_ =	strace $0x80000052;
	[dreg:$0x1] =	wrdreg $0xFFFFFFFF  }
0xb6: {  	s28 =	simm.s32 $_size_execute0_lowered;
	s3 =	sadd.s32 s3, s5;
	[dreg:$0x0] =	wrdreg $0x0  }
0xb7: {  	s5 =	sshll.u32 s28, $0x1;
	[dreg:$0x2] =	wrdreg s3  }
0xb8: {  	[dreg:$0x3] =	wrdreg s5  }
0xb9: {  	[dreg:$0x4] =	wrdreg $0xC0  }
0xba: {  	_ =	task [dreg:s22], $0x5FFFF  }
0xbb: {  	[dreg:$0x1] =	wrdreg $0xFFFFFFFF  }
0xbc: {  	[dreg:$0x0] =	wrdreg $0x60  }
0xbd: {  	[dreg:$0x2] =	wrdreg s24  }
0xbe: {  	[dreg:$0x3] =	wrdreg $0xA  }
0xbf: {  	_ =	task.clear_ibuf [dreg:s22], $0x4FFFF;
	_ =	strace $0x90000052  }
0xc0: {  	s29 =	simm.s32 $0xA;
	_ =	strace $0x80000054  }
0xc1: {  	_ =	swait.ge [sflag:s29], $0x1  }
0xc2: {  	[sflag:s29] =	ssyncadd.s32 $0xFFFFFFFF  }
0xc3: {  	_ =	strace $0x90000054  }
0xc4: {  	_ =	sfence  }
0xc5: {  	s30 =	sld [smem:$0x0];
	_ =	sdelay $0x2  }
0xc6: {  	s31 =	sshll.u32 s1, $0xD;
	s1 =	sshrl.u32 s1, $0x2  }
0xc7: {  	s4 =	sand.u32 $0x4000, s31;
	s1 =	sadd.s32 s1, s30  }
0xc8: {  	s0 =	sor.u32 s4, s0;
	s1 =	sshll.u32 s1, $0x11  }
0xc9: {  	s0 =	sor.u32 s1, s0  }
0xca: {  	s0 =	sadd.s32 $0x8F2B, s0  }
0xcb: {  	[sflag:s0] =	ssyncadd.remote.s32 $0x1  }
0xcc: {  	_ =	sfence.sel $0xFFFF  }
0xcd: {  	[dreg:$0x0] =	wrdreg $0xFFFFFFFF;
	(pc) =	sbr.abs _section_cstart, $3  }
0xce: {  	[dreg:$0x1] =	wrdreg $0xFFFFFFFF  }
0xcf: {  	_ =	task.clear_ibuf [dreg:s22], $0x2FFFF;
	_ =	strace $0x9FFFFFFF  }
0xd0: {  	(tm) =	ssettm $0x7FFFFFFF  }
0xd1: {  	_ =	shalt  }
tec
execute0_lowered:
.L_overlay_start_1:
0x0: {  	(tag) =	ssettag $0x1  }
0x1: {  	s4 =	rddreg [dreg:$0x0]  }
0x2: {  	s0 =	rddreg [dreg:$0x1];
	s2 =	simm.s32 $0x0  }
0x3: {  	s3 =	srdreg.scid;
	s1 =	stileid.u32;
	s28 =	simm.s32 $0x1400  }
0x4: {  	s29 =	simm.s32 $0x100;
	s30 =	simm.s32 $0x2400;
	s31 =	simm.s32 $0x180  }
0x5: {  	s9 =	simm.s32 $0x200;
	s10 =	simm.s32 $0x4400;
	s11 =	simm.s32 $0x280  }
0x6: {  	s12 =	simm.s32 $0x5400;
	s13 =	simm.s32 $0x300;
	s14 =	simm.s32 $0x6400  }
0x7: {  	s15 =	simm.s32 $0x380;
	s16 =	simm.s32 $0x7400;
	[smem:$0x7FF] =	sst s2  }
0x8: {  	s5 =	sand.u32 $0x1, s3;
	s3 =	sadd.s32 $0x2A00, s4;
	s7 =	sadd.s32 $0x3DFA00, s4  }
0x9: {  	s4 =	sadd.s32 $0x5D3A00, s4;
	_ =	strace $0x80000053;
	[dreg:$0x2] =	wrdreg s7  }
0xa: {  	s17 =	simm.s32 $0x1;
	s18 =	simm.s32 $0x20;
	[dreg:$0x3] =	wrdreg s4  }
0xb: {  	s19 =	simm.s32 $0x40;
	s6 =	smul.u32 $0xA, s1;
	[dreg:$0x5] =	wrdreg s28  }
0xc: {  	s20 =	simm.s32 $0x0;
	s8 =	smul.u32 $0x5, s5;
	[dreg:$0x6] =	wrdreg s29  }
0xd: {  	s5 =	ssub.s32 $0x2, s5;
	[dreg:$0x7] =	wrdreg s30;
	s7 =	simm.s32 $0x400  }
0xe: {  	[dreg:$0x8] =	wrdreg s31;
	s26 =	sshrl.u32 s5, $0x1;
	s6 =	sadd.s32 s8, s6  }
0xf: {  	s4 =	ssub.s32 s5, s26;
	s5 =	simm.s32 $0x2;
	s8 =	simm.s32 $0x3400  }
0x10: {  	[dreg:$0x4] =	wrdreg s6;
	s4 =	smax.u32 s4, $0x1;
	s6 =	simm.s32 $0x80  }
.LBB2_1:
0x11: {  	s21 =	rddreg [dreg:$0x4]  }
0x12: {  	s21 =	sadd.s32 $0x0, s21  }
0x13: {  	s23 =	sand.u32 $0x3, s21  }
0x14: {  	s22 =	rddreg [dreg:$0x2];
	s24 =	sshrl.u32 s21, $0x2;
	s23 =	sshll.u32 s23, $0x7  }
0x15: {  	s25 =	sshll.u32 s24, $0x9;
	s22 =	sadd.s32 s22, s23  }
0x16: {  	s22 =	sadd.s32 s25, s22  }
0x17: {  	[tilespmem:s2], [sflag:$0x2] =	stream.linear.gather [hbm4b:s22+s2], $0x400, $0x38;
	[tilespmem:$0x8400] =	vst v63  }
0x18: {  	_ =	swait.ge [sflag:s5], $0x400  }
0x19: {  	[sflag:s5] =	ssyncset.done $0x0  }
0x1a: {  	s25 =	rddreg [dreg:$0x7];
	[sflag:s5] =	ssyncadd.s32 $0xFFFFFC00  }
0x1b: {  	[tilespmem:s7], [sflag:$0x1] =	stream.indirect.gather [hbm4b:s3+s6], $0x20, s2, s6, $0xb8;
	[tilespmem:$0x8400] =	vst v63  }
0x1c: {  	s26 =	rddreg [dreg:$0x5]  }
0x1d: {  	[tilespmem:s26], [sflag:$0x1] =	stream.indirect.gather [hbm4b:s3+s6], $0x20, s6, s6, $0xb8;
	[tilespmem:$0x8400] =	vst v63  }
0x1e: {  	s28 =	rddreg [dreg:$0x6]  }
0x1f: {  	[tilespmem:s25], [sflag:$0x1] =	stream.indirect.gather [hbm4b:s3+s6], $0x20, s28, s6, $0xb8;
	[tilespmem:$0x8400] =	vst v63  }
0x20: {  	s29 =	rddreg [dreg:$0x8]  }
0x21: {  	[tilespmem:s8], [sflag:$0x1] =	stream.indirect.gather [hbm4b:s3+s6], $0x20, s29, s6, $0xb8;
	[tilespmem:$0x8400] =	vst v63  }
0x22: {  	_ = 	snop  }
0x23: {  	[tilespmem:s10], [sflag:$0x1] =	stream.indirect.gather [hbm4b:s3+s6], $0x20, s9, s6, $0xb8;
	[tilespmem:$0x8400] =	vst v63  }
0x24: {  	_ = 	snop  }
0x25: {  	[tilespmem:s12], [sflag:$0x1] =	stream.indirect.gather [hbm4b:s3+s6], $0x20, s11, s6, $0xb8;
	[tilespmem:$0x8400] =	vst v63  }
0x26: {  	_ = 	snop  }
0x27: {  	[tilespmem:s14], [sflag:$0x1] =	stream.indirect.gather [hbm4b:s3+s6], $0x20, s13, s6, $0xb8;
	[tilespmem:$0x8400] =	vst v63  }
0x28: {  	_ = 	snop  }
0x29: {  	[tilespmem:s16], [sflag:$0x1] =	stream.indirect.gather [hbm4b:s3+s6], $0x20, s15, s6, $0xb8;
	[tilespmem:$0x8400] =	vst v63  }
0x2a: {  	_ =	swait.ge [sflag:s17], $0x1000  }
0x2b: {  	[sflag:s17] =	ssyncset.done $0x0  }
0x2c: {  	[sflag:s17] =	ssyncadd.s32 $0xFFFFF000  }
0x2d: {  	_ =	swait.ge [sflag:s17], $0x1000  }
0x2e: {  	[sflag:s17] =	ssyncset.done $0x0  }
0x2f: {  	[sflag:s17] =	ssyncadd.s32 $0xFFFFF000  }
0x30: {  	_ =	swait.ge [sflag:s17], $0x1000  }
0x31: {  	[sflag:s17] =	ssyncset.done $0x0  }
0x32: {  	[sflag:s17] =	ssyncadd.s32 $0xFFFFF000  }
0x33: {  	_ =	swait.ge [sflag:s17], $0x1000  }
0x34: {  	[sflag:s17] =	ssyncset.done $0x0  }
0x35: {  	[sflag:s17] =	ssyncadd.s32 $0xFFFFF000  }
0x36: {  	_ =	swait.ge [sflag:s17], $0x1000  }
0x37: {  	[sflag:s17] =	ssyncset.done $0x0  }
0x38: {  	[sflag:s17] =	ssyncadd.s32 $0xFFFFF000  }
0x39: {  	_ =	swait.ge [sflag:s17], $0x1000  }
0x3a: {  	[sflag:s17] =	ssyncset.done $0x0  }
0x3b: {  	[sflag:s17] =	ssyncadd.s32 $0xFFFFF000  }
0x3c: {  	_ =	swait.ge [sflag:s17], $0x1000  }
0x3d: {  	[sflag:s17] =	ssyncset.done $0x0  }
0x3e: {  	[sflag:s17] =	ssyncadd.s32 $0xFFFFF000  }
0x3f: {  	_ =	swait.ge [sflag:s17], $0x1000  }
0x40: {  	s31 =	sshll.u32 s21, $0xD;
	s24 =	sshll.u32 s24, $0xE;
	s30 =	rddreg [dreg:$0x3]  }
0x41: {  	s21 =	sshll.u32 s21, $0x1;
	s23 =	sand.u32 $0x2000, s31;
	s22 =	sadd.s32 s30, s24  }
0x42: {  	s21 =	sand.u32 $0x4, s21;
	[sflag:s17] =	ssyncset.done $0x0;
	s22 =	sadd.s32 s23, s22  }
0x43: {  	[sflag:s17] =	ssyncadd.s32 $0xFFFFF000;
	s21 =	sadd.s32 s21, s22  }
0x44: {  	[hbm4b:s21+s18] =	stream.strided.scatter [tilespmem:s7], [sflag:$0x2], $0x8000, s19, s18, $0x38;
	[tilespmem:$0x8400] =	vst v63  }
0x45: {  	s22 =	simm.s32 $0x2;
	_ =	swait.ge [sflag:s5], $0x8000  }
0x46: {  	s21 =	simm.s32 $0x1;
	s23 =	rddreg [dreg:$0x4];
	[sflag:s5] =	ssyncset.done $0x0  }
.LBB2_2:
0x47: {  	s25 =	sadd.s32 s21, s23  }
0x48: {  	s28 =	sand.u32 $0x3, s25  }
0x49: {  	s26 =	rddreg [dreg:$0x2];
	s23 =	sshrl.u32 s25, $0x2;
	s28 =	sshll.u32 s28, $0x7  }
0x4a: {  	s29 =	sshll.u32 s23, $0x9;
	s26 =	sadd.s32 s26, s28  }
0x4b: {  	[sflag:s5] =	ssyncadd.s32 $0xFFFF8000;
	s26 =	sadd.s32 s29, s26  }
0x4c: {  	[tilespmem:s2], [sflag:$0x2] =	stream.linear.gather [hbm4b:s26+s2], $0x400, $0x38;
	[tilespmem:$0x8400] =	vst v63  }
0x4d: {  	_ =	swait.ge [sflag:s5], $0x400  }
0x4e: {  	[sflag:s5] =	ssyncset.done $0x0  }
0x4f: {  	s26 =	rddreg [dreg:$0x7];
	[sflag:s5] =	ssyncadd.s32 $0xFFFFFC00  }
0x50: {  	[tilespmem:s7], [sflag:$0x1] =	stream.indirect.gather [hbm4b:s3+s6], $0x20, s2, s6, $0xb8;
	[tilespmem:$0x8400] =	vst v63  }
0x51: {  	s30 =	rddreg [dreg:$0x5]  }
0x52: {  	[tilespmem:s30], [sflag:$0x1] =	stream.indirect.gather [hbm4b:s3+s6], $0x20, s6, s6, $0xb8;
	[tilespmem:$0x8400] =	vst v63  }
0x53: {  	s31 =	rddreg [dreg:$0x6]  }
0x54: {  	[tilespmem:s26], [sflag:$0x1] =	stream.indirect.gather [hbm4b:s3+s6], $0x20, s31, s6, $0xb8;
	[tilespmem:$0x8400] =	vst v63  }
0x55: {  	s30 =	rddreg [dreg:$0x8]  }
0x56: {  	[tilespmem:s8], [sflag:$0x1] =	stream.indirect.gather [hbm4b:s3+s6], $0x20, s30, s6, $0xb8;
	[tilespmem:$0x8400] =	vst v63  }
0x57: {  	_ = 	snop  }
0x58: {  	[tilespmem:s10], [sflag:$0x1] =	stream.indirect.gather [hbm4b:s3+s6], $0x20, s9, s6, $0xb8;
	[tilespmem:$0x8400] =	vst v63  }
0x59: {  	_ = 	snop  }
0x5a: {  	[tilespmem:s12], [sflag:$0x1] =	stream.indirect.gather [hbm4b:s3+s6], $0x20, s11, s6, $0xb8;
	[tilespmem:$0x8400] =	vst v63  }
0x5b: {  	_ = 	snop  }
0x5c: {  	[tilespmem:s14], [sflag:$0x1] =	stream.indirect.gather [hbm4b:s3+s6], $0x20, s13, s6, $0xb8;
	[tilespmem:$0x8400] =	vst v63  }
0x5d: {  	_ = 	snop  }
0x5e: {  	[tilespmem:s16], [sflag:$0x1] =	stream.indirect.gather [hbm4b:s3+s6], $0x20, s15, s6, $0xb8;
	[tilespmem:$0x8400] =	vst v63  }
0x5f: {  	_ =	swait.ge [sflag:s17], $0x1000  }
0x60: {  	[sflag:s17] =	ssyncset.done $0x0  }
0x61: {  	[sflag:s17] =	ssyncadd.s32 $0xFFFFF000  }
0x62: {  	_ =	swait.ge [sflag:s17], $0x1000  }
0x63: {  	[sflag:s17] =	ssyncset.done $0x0  }
0x64: {  	[sflag:s17] =	ssyncadd.s32 $0xFFFFF000  }
0x65: {  	_ =	swait.ge [sflag:s17], $0x1000  }
0x66: {  	[sflag:s17] =	ssyncset.done $0x0  }
0x67: {  	[sflag:s17] =	ssyncadd.s32 $0xFFFFF000  }
0x68: {  	_ =	swait.ge [sflag:s17], $0x1000  }
0x69: {  	[sflag:s17] =	ssyncset.done $0x0  }
0x6a: {  	[sflag:s17] =	ssyncadd.s32 $0xFFFFF000  }
0x6b: {  	_ =	swait.ge [sflag:s17], $0x1000  }
0x6c: {  	[sflag:s17] =	ssyncset.done $0x0  }
0x6d: {  	[sflag:s17] =	ssyncadd.s32 $0xFFFFF000  }
0x6e: {  	_ =	swait.ge [sflag:s17], $0x1000  }
0x6f: {  	[sflag:s17] =	ssyncset.done $0x0  }
0x70: {  	[sflag:s17] =	ssyncadd.s32 $0xFFFFF000  }
0x71: {  	_ =	swait.ge [sflag:s17], $0x1000  }
0x72: {  	[sflag:s17] =	ssyncset.done $0x0  }
0x73: {  	p0 =	sne.s32 s22, $0x4;
	s24 =	smov.u32 s22;
	[sflag:s17] =	ssyncadd.s32 $0xFFFFF000  }
0x74: {  	s21 =	smov.u32 s24;
	s24 =	sshll.u32 s25, $0xD;
	_ =	swait.ge [sflag:s17], $0x1000  }
0x75: {  	s25 =	sshll.u32 s25, $0x1;
	s23 =	sshll.u32 s23, $0xE;
	s31 =	rddreg [dreg:$0x3]  }
0x76: {  	s24 =	sand.u32 $0x2000, s24;
	s25 =	sand.u32 $0x4, s25;
	s23 =	sadd.s32 s31, s23  }
.Ltmp0:
0x77: {  	[sflag:s17] =	ssyncset.done $0x0;
	s23 =	sadd.s32 s24, s23;
	(pc) =	sbr.rel @p0 .LBB2_2-.Ltmp0, $4  }
0x78: {  	[sflag:s17] =	ssyncadd.s32 $0xFFFFF000;
	s23 =	sadd.s32 s25, s23  }
0x79: {  	[hbm4b:s23+s18] =	stream.strided.scatter [tilespmem:s7], [sflag:$0x2], $0x8000, s19, s18, $0x38;
	[tilespmem:$0x8400] =	vst v63  }
0x7a: {  	_ =	swait.ge [sflag:s5], $0x8000  }
0x7b: {  	s22 =	sadd.s32 $0x1, s22;
	s23 =	rddreg [dreg:$0x4];
	[sflag:s5] =	ssyncset.done $0x0  }
0x7c: {  	s21 =	sadd.s32 s21, s23  }
0x7d: {  	s23 =	sand.u32 $0x3, s21  }
0x7e: {  	s22 =	rddreg [dreg:$0x2];
	s24 =	sshrl.u32 s21, $0x2;
	s23 =	sshll.u32 s23, $0x7  }
0x7f: {  	s25 =	sshll.u32 s24, $0x9;
	s22 =	sadd.s32 s22, s23  }
0x80: {  	[sflag:s5] =	ssyncadd.s32 $0xFFFF8000;
	s22 =	sadd.s32 s25, s22  }
0x81: {  	[tilespmem:s2], [sflag:$0x2] =	stream.linear.gather [hbm4b:s22+s2], $0x400, $0x38;
	[tilespmem:$0x8400] =	vst v63  }
0x82: {  	_ =	swait.ge [sflag:s5], $0x400  }
0x83: {  	[sflag:s5] =	ssyncset.done $0x0  }
0x84: {  	s25 =	rddreg [dreg:$0x7];
	[sflag:s5] =	ssyncadd.s32 $0xFFFFFC00  }
0x85: {  	[tilespmem:s7], [sflag:$0x1] =	stream.indirect.gather [hbm4b:s3+s6], $0x20, s2, s6, $0xb8;
	[tilespmem:$0x8400] =	vst v63  }
0x86: {  	s26 =	rddreg [dreg:$0x5]  }
0x87: {  	[tilespmem:s26], [sflag:$0x1] =	stream.indirect.gather [hbm4b:s3+s6], $0x20, s6, s6, $0xb8;
	[tilespmem:$0x8400] =	vst v63  }
0x88: {  	s28 =	rddreg [dreg:$0x6]  }
0x89: {  	[tilespmem:s25], [sflag:$0x1] =	stream.indirect.gather [hbm4b:s3+s6], $0x20, s28, s6, $0xb8;
	[tilespmem:$0x8400] =	vst v63  }
0x8a: {  	s29 =	rddreg [dreg:$0x8]  }
0x8b: {  	[tilespmem:s8], [sflag:$0x1] =	stream.indirect.gather [hbm4b:s3+s6], $0x20, s29, s6, $0xb8;
	[tilespmem:$0x8400] =	vst v63  }
0x8c: {  	_ = 	snop  }
0x8d: {  	[tilespmem:s10], [sflag:$0x1] =	stream.indirect.gather [hbm4b:s3+s6], $0x20, s9, s6, $0xb8;
	[tilespmem:$0x8400] =	vst v63  }
0x8e: {  	_ = 	snop  }
0x8f: {  	[tilespmem:s12], [sflag:$0x1] =	stream.indirect.gather [hbm4b:s3+s6], $0x20, s11, s6, $0xb8;
	[tilespmem:$0x8400] =	vst v63  }
0x90: {  	_ = 	snop  }
0x91: {  	[tilespmem:s14], [sflag:$0x1] =	stream.indirect.gather [hbm4b:s3+s6], $0x20, s13, s6, $0xb8;
	[tilespmem:$0x8400] =	vst v63  }
0x92: {  	_ = 	snop  }
0x93: {  	[tilespmem:s16], [sflag:$0x1] =	stream.indirect.gather [hbm4b:s3+s6], $0x20, s15, s6, $0xb8;
	[tilespmem:$0x8400] =	vst v63  }
0x94: {  	_ =	swait.ge [sflag:s17], $0x1000  }
0x95: {  	[sflag:s17] =	ssyncset.done $0x0  }
0x96: {  	[sflag:s17] =	ssyncadd.s32 $0xFFFFF000  }
0x97: {  	_ =	swait.ge [sflag:s17], $0x1000  }
0x98: {  	[sflag:s17] =	ssyncset.done $0x0  }
0x99: {  	[sflag:s17] =	ssyncadd.s32 $0xFFFFF000  }
0x9a: {  	_ =	swait.ge [sflag:s17], $0x1000  }
0x9b: {  	[sflag:s17] =	ssyncset.done $0x0  }
0x9c: {  	[sflag:s17] =	ssyncadd.s32 $0xFFFFF000  }
0x9d: {  	_ =	swait.ge [sflag:s17], $0x1000  }
0x9e: {  	[sflag:s17] =	ssyncset.done $0x0  }
0x9f: {  	[sflag:s17] =	ssyncadd.s32 $0xFFFFF000  }
0xa0: {  	_ =	swait.ge [sflag:s17], $0x1000  }
0xa1: {  	[sflag:s17] =	ssyncset.done $0x0  }
0xa2: {  	[sflag:s17] =	ssyncadd.s32 $0xFFFFF000  }
0xa3: {  	_ =	swait.ge [sflag:s17], $0x1000  }
0xa4: {  	[sflag:s17] =	ssyncset.done $0x0  }
0xa5: {  	[sflag:s17] =	ssyncadd.s32 $0xFFFFF000  }
0xa6: {  	_ =	swait.ge [sflag:s17], $0x1000  }
0xa7: {  	[sflag:s17] =	ssyncset.done $0x0  }
0xa8: {  	[sflag:s17] =	ssyncadd.s32 $0xFFFFF000  }
0xa9: {  	s20 =	sadd.s32 $0x1, s20;
	s31 =	sshll.u32 s21, $0xD;
	_ =	swait.ge [sflag:s17], $0x1000  }
0xaa: {  	s21 =	sshll.u32 s21, $0x1;
	s24 =	sshll.u32 s24, $0xE;
	s30 =	rddreg [dreg:$0x3]  }
0xab: {  	p0 =	sne.s32 s20, s4;
	s23 =	sand.u32 $0x2000, s31;
	s22 =	sadd.s32 s30, s24  }
0xac: {  	s21 =	sand.u32 $0x4, s21;
	[sflag:s17] =	ssyncset.done $0x0;
	s22 =	sadd.s32 s23, s22  }
.Ltmp1:
0xad: {  	[sflag:s17] =	ssyncadd.s32 $0xFFFFF000;
	s21 =	sadd.s32 s21, s22;
	(pc) =	sbr.rel @p0 .LBB2_1-.Ltmp1, $4  }
0xae: {  	[hbm4b:s21+s18] =	stream.strided.scatter [tilespmem:s7], [sflag:$0x2], $0x8000, s19, s18, $0x38;
	[tilespmem:$0x8400] =	vst v63  }
0xaf: {  	_ =	swait.ge [sflag:s5], $0x8000  }
0xb0: {  	[sflag:s5] =	ssyncset.done $0x0  }
0xb1: {  	[sflag:s5] =	ssyncadd.s32 $0xFFFF8000  }
0xb2: {  	_ =	sfence.sel $0x180000  }
0xb3: {  	[bflag:$0x0] =	sbarrier.arrive $0xFFFF  }
0xb4: {  	p0 =	sne.s32 s1, $0x0;
	_ =	strace $0x90000053  }
0xb5: {  	s0 =	sadd.s32 @!p0 $0x100000, s0;
	[bflag:$0x2] =	sbarrier.arrive $0xFFFF  }
0xb6: {  	[sflag:s0] =	ssyncadd.tile.s32 @!p0 $0x1;
	_ =	shalt  }
.Lfunc_end2:
_tile_overlayer_lowered:
.L_overlay_start_2:
0xb7: {  	(tag) =	ssettag $0x2  }
0xb8: {  	s0 =	rddreg [dreg:$0x0];
	s2 =	stileid.u32  }
0xb9: {  	s1 =	rddreg [dreg:$0x1];
	p0 =	sne.s32 s2, $0x0  }
0xba: {  	s3 =	rddreg [dreg:$0x2];
	[bflag:$0x3] =	sbarrier.arrive $0xFFFF;
	s2 =	simm.s32 @!p0 $0x1C02  }
0xbb: {  	[timem:s3], [sflag:s2] =	dma.local @!p0 [hbm:s0], s1  }
0xbc: {  	s0 =	simm.s32 @!p0 $0x2  }
0xbd: {  	_ =	swait.ge @!p0 [sflag:s0], s1  }
0xbe: {  	s1 =	ssub.s32 @!p0 $0x0, s1;
	[sflag:s0] =	ssyncset.done @!p0 $0x0  }
0xbf: {  	[sflag:s0] =	ssyncadd.s32 @!p0 s1  }
0xc0: {  	[bflag:$0x3] =	sbarrier.arrive $0xFFFF  }
0xc1: {  	_ =	shalt  }

// kernel: kernel.19.cloned.1.call-start
scs
__scs_entry_jumppad:
0x0: {  	(pc) =	sbr.rel $0x88, $3  }
0x1: {  	(tag) =	ssettag $0x0;
	lr =	simm.s32 $0x1  }
0x2: {  	[smem:$0x3F9D] =	sst lr;
	_ =	strace $0xD0000000  }
0x3: {  	_ = 	snop  }
0x4: {  	_ = 	snop  }
0x5: {  	_ = 	snop  }
0x6: {  	_ = 	snop  }
0x7: {  	_ = 	snop  }
__scs_overlays_trampoline_lowered:
0x8: {  	[smem:$0x3FAC] =	sst s0  }
0x9: {  	[smem:$0x3FAD] =	sst s1  }
0xa: {  	[smem:$0x3FAE] =	sst s2  }
0xb: {  	[smem:$0x3FAF] =	sst s3  }
0xc: {  	[smem:$0x3FB0] =	sst s4  }
0xd: {  	[smem:$0x3FB1] =	sst s5  }
0xe: {  	[smem:$0x3FB2] =	sst s6  }
0xf: {  	[smem:$0x3FB3] =	sst s7  }
0x10: {  	[smem:$0x3FB4] =	sst s8  }
0x11: {  	[smem:$0x3FB5] =	sst s9;
	s0 =	simm.s32 @!p0 $0x0  }
0x12: {  	s1 =	sld [smem:$0x3F9B];
	s0 =	simm.s32 @p0 $0x1  }
0x13: {  	[smem:$0x3FB6] =	sst s0;
	s0 =	simm.s32 @!p1 $0x0  }
0x14: {  	s2 =	sld [smem:$0x3F9A];
	s0 =	simm.s32 @p1 $0x1  }
0x15: {  	[smem:$0x3FB7] =	sst s0;
	s0 =	simm.s32 @!p2 $0x0  }
0x16: {  	s3 =	sld [smem:$0x3FDB];
	s0 =	simm.s32 @p2 $0x1  }
0x17: {  	s4 =	simm.s32 $0x1BF5;
	[smem:$0x3FB9] =	sst s0  }
0x18: {  	s0 =	sld [smem:$0x3F9C];
	_ =	swait.ge [sflag:s4], $0x0  }
0x19: {  	s7 =	sld [smem:$0x3F9D]  }
0x1a: {  	s8 =	sadd.s32 $0xFFFFE003, lr  }
0x1b: {  	s9 =	sadd.s32 $0xFFFFFEF7, lr;
	s5 =	simm.s32 $0xFFFFFFFF;
	p2 =	slt.u32 s8, $0xFFFFF086  }
0x1c: {  	p1 =	slt.u32 s9, $0xF7A;
	s5 =	simm.s32 @!p2 $0x0  }
0x1d: {  	s5 =	simm.s32 @p1 $0x1;
	p0 =	seq.s32 s7, s2  }
0x1e: {  	s7 =	smul.u32 @!p0 $0xF7A, s2;
	p2 =	seq.s32 @!p0 s5, $0x0  }
0x1f: {  	s9 =	smul.u32 $0xF7A, s1;
	s8 =	simm.s32 @!p0 $0x1BF5;
	p2 =	por !p2, p0  }
0x20: {  	[sflag:s8] =	ssyncset.s32 @!p0 $0xFFFFF086;
	s6 =	sadd.s32 @!p0 s3, s7;
	s7 =	simm.s32 @!p0 $0x108  }
0x21: {  	s3 =	sadd.s32 s3, s9;
	s6 =	sadd.s32 @!p0 $0x88, s6;
	s7 =	simm.s32 @p2 $0x1082  }
0x22: {  	[simem:s7], [sflag:s8] =	dma.local @!p0 [hbm:s6], $0xF7A  }
0x23: {  	s9 =	sor.u32 $0xD0000000, s2;
	s6 =	simm.s32 $0x108;
	_ =	swait.ge @!p0 [sflag:s8], $0x0  }
0x24: {  	s3 =	sadd.s32 $0x88, s3;
	s6 =	simm.s32 @!p1 $0x1082;
	[sflag:s4] =	ssyncset.s32 $0xFFFFF086  }
0x25: {  	[simem:s6], [sflag:s4] =	dma.local [hbm:s3], $0xF7A  }
0x26: {  	[smem:$0x3F9D] =	sst s1;
	(tag) =	ssettag s2;
	_ =	strace s9  }
0x27: {  	s1 =	sld [smem:$0x3FAD]  }
0x28: {  	s2 =	sld [smem:$0x3FAE]  }
0x29: {  	s4 =	sld [smem:$0x3FB0]  }
0x2a: {  	p0 =	seq.s32 s5, $0x0;
	s5 =	sld [smem:$0x3FB1]  }
0x2b: {  	s6 =	sld [smem:$0x3FB2]  }
0x2c: {  	s7 =	sld [smem:$0x3FB3]  }
0x2d: {  	s3 =	simm.s32 $0x108;
	s8 =	sld [smem:$0x3FB4]  }
0x2e: {  	s3 =	simm.s32 @!p0 $0x1082;
	s9 =	sld [smem:$0x3FB5]  }
0x2f: {  	lr =	sadd.s32 s0, s3;
	s0 =	sld [smem:$0x3FAC]  }
0x30: {  	s3 =	sld [smem:$0x3FAF]  }
0x31: {  	[smem:$0x3FB8] =	sst s10  }
0x32: {  	s10 =	sld [smem:$0x3FB6];
	_ =	sdelay $0x3  }
0x33: {  	p0 =	seq.s32 s10, $0x1;
	s10 =	sld [smem:$0x3FB8];
	_ =	sdelay $0x3  }
0x34: {  	[smem:$0x3FB8] =	sst s10  }
0x35: {  	s10 =	sld [smem:$0x3FB7];
	_ =	sdelay $0x3  }
0x36: {  	p1 =	seq.s32 s10, $0x1;
	s10 =	sld [smem:$0x3FB8];
	_ =	sdelay $0x3  }
0x37: {  	[smem:$0x3FB8] =	sst s10  }
0x38: {  	s10 =	sld [smem:$0x3FB9]  }
0x39: {  	_ = 	snop;
	(pc) =	sbr.ind lr, $3  }
0x3a: {  	_ = 	snop  }
0x3b: {  	_ = 	snop  }
0x3c: {  	p2 =	seq.s32 s10, $0x1;
	s10 =	sld [smem:$0x3FB8]  }
0x3d: {  	_ =	shalt  }
0x3e: {  	_ =	shalt  }
0x3f: {  	_ =	shalt  }
0x40: {  	_ =	shalt  }
0x41: {  	_ =	shalt  }
0x42: {  	_ =	shalt  }
0x43: {  	_ =	shalt  }
0x44: {  	_ =	shalt  }
0x45: {  	_ =	shalt  }
0x46: {  	_ =	shalt  }
0x47: {  	_ =	shalt  }
0x48: {  	_ =	shalt  }
0x49: {  	_ =	shalt  }
0x4a: {  	_ =	shalt  }
0x4b: {  	_ =	shalt  }
0x4c: {  	_ =	shalt  }
0x4d: {  	_ =	shalt  }
0x4e: {  	_ =	shalt  }
0x4f: {  	_ =	shalt  }
0x50: {  	_ =	shalt  }
0x51: {  	_ =	shalt  }
0x52: {  	_ =	shalt  }
0x53: {  	_ =	shalt  }
0x54: {  	_ =	shalt  }
0x55: {  	_ =	shalt  }
0x56: {  	_ =	shalt  }
0x57: {  	_ =	shalt  }
0x58: {  	_ =	shalt  }
0x59: {  	_ =	shalt  }
0x5a: {  	_ =	shalt  }
0x5b: {  	_ =	shalt  }
0x5c: {  	_ =	shalt  }
0x5d: {  	_ =	shalt  }
0x5e: {  	_ =	shalt  }
0x5f: {  	_ =	shalt  }
0x60: {  	_ =	shalt  }
0x61: {  	_ =	shalt  }
0x62: {  	_ =	shalt  }
0x63: {  	_ =	shalt  }
0x64: {  	_ =	shalt  }
0x65: {  	_ =	shalt  }
0x66: {  	_ =	shalt  }
0x67: {  	_ =	shalt  }
0x68: {  	_ =	shalt  }
0x69: {  	_ =	shalt  }
0x6a: {  	_ =	shalt  }
0x6b: {  	_ =	shalt  }
0x6c: {  	_ =	shalt  }
0x6d: {  	_ =	shalt  }
0x6e: {  	_ =	shalt  }
0x6f: {  	_ =	shalt  }
0x70: {  	_ =	shalt  }
0x71: {  	_ =	shalt  }
0x72: {  	_ =	shalt  }
0x73: {  	_ =	shalt  }
0x74: {  	_ =	shalt  }
0x75: {  	_ =	shalt  }
0x76: {  	_ =	shalt  }
0x77: {  	_ =	shalt  }
0x78: {  	_ =	shalt  }
0x79: {  	_ =	shalt  }
0x7a: {  	_ =	shalt  }
0x7b: {  	_ =	shalt  }
0x7c: {  	_ =	shalt  }
0x7d: {  	_ =	shalt  }
0x7e: {  	_ =	shalt  }
0x7f: {  	_ =	shalt  }
0x80: {  	_ =	shalt  }
0x81: {  	_ =	shalt  }
0x82: {  	_ =	shalt  }
0x83: {  	_ =	shalt  }
0x84: {  	_ =	shalt  }
0x85: {  	_ =	shalt  }
0x86: {  	_ =	shalt  }
0x87: {  	_ =	shalt  }
.Lfunc_end0:
.L_simem_size_0:
called_computation.3_lowered:
.L_overlay_start_0:
0x88: {  	s2 =	sld [smem:$0x3FD9]  }
0x89: {  	s3 =	sld [smem:$0x3FFE];
	_ =	sdelay $0x1  }
0x8a: {  	s1 =	srdreg.scid  }
0x8b: {  	s0 =	sand.u32 $0x1, s1  }
0x8c: {  	s17 =	sshll.u32 s0, $0xA;
	s2 =	sadd.s32 s3, s2  }
0x8d: {  	s2 =	sadd.s32 s2, s17  }
0x8e: {  	[smem:$0x3FC4] =	sst s2  }
0x8f: {  	_ = 	snop  }
0x90: {  	(tm) =	ssettm $0x1  }
0x91: {  	s18 =	sld [smem:$0x3FFB];
	_ =	sdelay $0x3  }
0x92: {  	_ =	strace s18  }
0x93: {  	s2 =	sld [smem:$0x3FFC];
	_ =	sdelay $0x3  }
0x94: {  	_ =	strace s2  }
0x95: {  	s2 =	sld [smem:$0x3FFD];
	_ =	sdelay $0x3  }
0x96: {  	_ =	strace s2  }
0x97: {  	_ =	strace $0x8FFFFFFF  }
0x98: {  	s19 =	sld [smem:$0x3FDB];
	_ =	sdelay $0x1  }
0x99: {  	s20 =	simm.s32 $_scs_section_size  }
0x9a: {  	s4 =	simm.s32 $_size__tile_overlayer_lowered;
	s5 =	simm.s32 $_tile_overlayer_lowered  }
0x9b: {  	s6 =	simm.s32 $0x1BFF;
	s21 =	sshll.u32 s5, $0x1;
	s3 =	sadd.s32 s20, s19  }
0x9c: {  	s22 =	simm.s32 $0x0;
	s4 =	sshll.u32 s4, $0x1;
	s5 =	sadd.s32 s21, s3  }
0x9d: {  	[timem:s22], [sflag:s6] =	dma.local [hbm:s5], s4  }
0x9e: {  	_ =	swait.ge [sflag:s6], s4  }
0x9f: {  	s4 =	ssub.s32 $0x0, s4;
	[sflag:s6] =	ssyncset.done $0x0  }
0xa0: {  	[sflag:s6] =	ssyncadd.s32 s4;
	_ =	sdelay $0x1  }
0xa1: {  	s23 =	simm.s32 $0x1B8B  }
0xa2: {  	_ =	swait.ge [sflag:s23], $0x1  }
0xa3: {  	[sflag:s23] =	ssyncset.done $0x0  }
0xa4: {  	[sflag:s23] =	ssyncadd.s32 $0xFFFFFFFF  }
0xa5: {  	s4 =	sld [smem:$0x0]  }
0xa6: {  	s5 =	sand.u32 $0xFFFFFFFE, s1  }
0xa7: {  	p0 =	sne.s32 s1, s5  }
0xa8: {  	s5 =	sshll.u32 @p0 s5, $0xE  }
0xa9: {  	s5 =	sadd.s32 @p0 $0x11B8D, s5;
	s6 =	sshll.u32 @p0 s4, $0x11  }
0xaa: {  	s5 =	sor.u32 @p0 s6, s5  }
0xab: {  	[sflag:s5] =	ssyncadd.remote.s32 @p0 $0x1;
	_ =	sdelay $0x1  }
0xac: {  	s5 =	simm.s32 @p0 $0x1B8D  }
0xad: {  	_ =	swait.eq @p0 [sflag:s5], $0x1  }
0xae: {  	[sflag:s5] =	ssyncadd.s32 @p0 $0xFFFFFFFF  }
0xaf: {  	s6 =	sshll.u32 @!p0 s1, $0xE  }
0xb0: {  	s6 =	sor.u32 @!p0 $0x4000, s6;
	s5 =	simm.s32 @!p0 $0x1B8D  }
0xb1: {  	s4 =	sshll.u32 @!p0 s4, $0x11;
	s6 =	sadd.s32 @!p0 $0x11B8D, s6;
	_ =	swait.eq @!p0 [sflag:s5], $0x1  }
0xb2: {  	s4 =	sor.u32 @!p0 s4, s6;
	[sflag:s5] =	ssyncadd.s32 @!p0 $0xFFFFFFFF  }
0xb3: {  	s25 =	simm.s32 $0x1B8E;
	s24 =	sld [smem:$0x3FFE];
	[sflag:s4] =	ssyncadd.remote.s32 @!p0 $0x1  }
0xb4: {  	s26 =	simm.s32 $execute0_lowered;
	[smem:$0x3FD2] =	sst s25  }
0xb5: {  	s5 =	sshll.u32 s26, $0x1;
	_ =	strace $0x8000004F;
	[dreg:$0x1] =	wrdreg $0xFFFFFFFF  }
0xb6: {  	s28 =	simm.s32 $_size_execute0_lowered;
	s3 =	sadd.s32 s3, s5;
	[dreg:$0x0] =	wrdreg $0x0  }
0xb7: {  	s5 =	sshll.u32 s28, $0x1;
	[dreg:$0x2] =	wrdreg s3  }
0xb8: {  	[dreg:$0x3] =	wrdreg s5  }
0xb9: {  	[dreg:$0x4] =	wrdreg $0xC0  }
0xba: {  	_ =	task [dreg:s22], $0x5FFFF  }
0xbb: {  	[dreg:$0x1] =	wrdreg $0xFFFFFFFF  }
0xbc: {  	[dreg:$0x0] =	wrdreg $0x60  }
0xbd: {  	[dreg:$0x2] =	wrdreg s24  }
0xbe: {  	[dreg:$0x3] =	wrdreg $0xB  }
0xbf: {  	_ =	task.clear_ibuf [dreg:s22], $0x4FFFF;
	_ =	strace $0x9000004F  }
0xc0: {  	s29 =	simm.s32 $0xB;
	_ =	strace $0x80000051  }
0xc1: {  	_ =	swait.ge [sflag:s29], $0x1  }
0xc2: {  	[sflag:s29] =	ssyncadd.s32 $0xFFFFFFFF  }
0xc3: {  	_ =	strace $0x90000051  }
0xc4: {  	_ =	sfence  }
0xc5: {  	s30 =	sld [smem:$0x0];
	_ =	sdelay $0x2  }
0xc6: {  	s31 =	sshll.u32 s1, $0xD;
	s1 =	sshrl.u32 s1, $0x2  }
0xc7: {  	s4 =	sand.u32 $0x4000, s31;
	s1 =	sadd.s32 s1, s30  }
0xc8: {  	s0 =	sor.u32 s4, s0;
	s1 =	sshll.u32 s1, $0x11  }
0xc9: {  	s0 =	sor.u32 s1, s0  }
0xca: {  	s0 =	sadd.s32 $0x8F2B, s0  }
0xcb: {  	[sflag:s0] =	ssyncadd.remote.s32 $0x1  }
0xcc: {  	_ =	sfence.sel $0xFFFF  }
0xcd: {  	[dreg:$0x0] =	wrdreg $0xFFFFFFFF;
	(pc) =	sbr.abs _section_cstart, $3  }
0xce: {  	[dreg:$0x1] =	wrdreg $0xFFFFFFFF  }
0xcf: {  	_ =	task.clear_ibuf [dreg:s22], $0x2FFFF;
	_ =	strace $0x9FFFFFFF  }
0xd0: {  	(tm) =	ssettm $0x7FFFFFFF  }
0xd1: {  	_ =	shalt  }
tec
execute0_lowered:
.L_overlay_start_1:
0x0: {  	(tag) =	ssettag $0x1  }
0x1: {  	s4 =	rddreg [dreg:$0x0]  }
0x2: {  	s0 =	rddreg [dreg:$0x1];
	s2 =	simm.s32 $0x0  }
0x3: {  	s3 =	srdreg.scid;
	s1 =	stileid.u32;
	s28 =	simm.s32 $0x1400  }
0x4: {  	s29 =	simm.s32 $0x100;
	s30 =	simm.s32 $0x2400;
	s31 =	simm.s32 $0x180  }
0x5: {  	s9 =	simm.s32 $0x200;
	s10 =	simm.s32 $0x4400;
	s11 =	simm.s32 $0x280  }
0x6: {  	s12 =	simm.s32 $0x5400;
	s13 =	simm.s32 $0x300;
	s14 =	simm.s32 $0x6400  }
0x7: {  	s15 =	simm.s32 $0x380;
	s16 =	simm.s32 $0x7400;
	[smem:$0x7FF] =	sst s2  }
0x8: {  	s5 =	sand.u32 $0x1, s3;
	s3 =	sadd.s32 $0x2A00, s4;
	s7 =	sadd.s32 $0x3DAA00, s4  }
0x9: {  	s4 =	sadd.s32 $0x533A00, s4;
	_ =	strace $0x80000050;
	[dreg:$0x2] =	wrdreg s7  }
0xa: {  	s17 =	simm.s32 $0x1;
	s18 =	simm.s32 $0x20;
	[dreg:$0x3] =	wrdreg s4  }
0xb: {  	s19 =	simm.s32 $0x40;
	s6 =	smul.u32 $0xA, s1;
	[dreg:$0x5] =	wrdreg s28  }
0xc: {  	s20 =	simm.s32 $0x0;
	s8 =	smul.u32 $0x5, s5;
	[dreg:$0x6] =	wrdreg s29  }
0xd: {  	s5 =	ssub.s32 $0x2, s5;
	[dreg:$0x7] =	wrdreg s30;
	s7 =	simm.s32 $0x400  }
0xe: {  	[dreg:$0x8] =	wrdreg s31;
	s26 =	sshrl.u32 s5, $0x1;
	s6 =	sadd.s32 s8, s6  }
0xf: {  	s4 =	ssub.s32 s5, s26;
	s5 =	simm.s32 $0x2;
	s8 =	simm.s32 $0x3400  }
0x10: {  	[dreg:$0x4] =	wrdreg s6;
	s4 =	smax.u32 s4, $0x1;
	s6 =	simm.s32 $0x80  }
.LBB2_1:
0x11: {  	s21 =	rddreg [dreg:$0x4]  }
0x12: {  	s21 =	sadd.s32 $0x0, s21  }
0x13: {  	s23 =	sand.u32 $0x3, s21  }
0x14: {  	s22 =	rddreg [dreg:$0x2];
	s24 =	sshrl.u32 s21, $0x2;
	s23 =	sshll.u32 s23, $0x7  }
0x15: {  	s25 =	sshll.u32 s24, $0x9;
	s22 =	sadd.s32 s22, s23  }
0x16: {  	s22 =	sadd.s32 s25, s22  }
0x17: {  	[tilespmem:s2], [sflag:$0x2] =	stream.linear.gather [hbm4b:s22+s2], $0x400, $0x38;
	[tilespmem:$0x8400] =	vst v63  }
0x18: {  	_ =	swait.ge [sflag:s5], $0x400  }
0x19: {  	[sflag:s5] =	ssyncset.done $0x0  }
0x1a: {  	s25 =	rddreg [dreg:$0x7];
	[sflag:s5] =	ssyncadd.s32 $0xFFFFFC00  }
0x1b: {  	[tilespmem:s7], [sflag:$0x1] =	stream.indirect.gather [hbm4b:s3+s6], $0x20, s2, s6, $0xb8;
	[tilespmem:$0x8400] =	vst v63  }
0x1c: {  	s26 =	rddreg [dreg:$0x5]  }
0x1d: {  	[tilespmem:s26], [sflag:$0x1] =	stream.indirect.gather [hbm4b:s3+s6], $0x20, s6, s6, $0xb8;
	[tilespmem:$0x8400] =	vst v63  }
0x1e: {  	s28 =	rddreg [dreg:$0x6]  }
0x1f: {  	[tilespmem:s25], [sflag:$0x1] =	stream.indirect.gather [hbm4b:s3+s6], $0x20, s28, s6, $0xb8;
	[tilespmem:$0x8400] =	vst v63  }
0x20: {  	s29 =	rddreg [dreg:$0x8]  }
0x21: {  	[tilespmem:s8], [sflag:$0x1] =	stream.indirect.gather [hbm4b:s3+s6], $0x20, s29, s6, $0xb8;
	[tilespmem:$0x8400] =	vst v63  }
0x22: {  	_ = 	snop  }
0x23: {  	[tilespmem:s10], [sflag:$0x1] =	stream.indirect.gather [hbm4b:s3+s6], $0x20, s9, s6, $0xb8;
	[tilespmem:$0x8400] =	vst v63  }
0x24: {  	_ = 	snop  }
0x25: {  	[tilespmem:s12], [sflag:$0x1] =	stream.indirect.gather [hbm4b:s3+s6], $0x20, s11, s6, $0xb8;
	[tilespmem:$0x8400] =	vst v63  }
0x26: {  	_ = 	snop  }
0x27: {  	[tilespmem:s14], [sflag:$0x1] =	stream.indirect.gather [hbm4b:s3+s6], $0x20, s13, s6, $0xb8;
	[tilespmem:$0x8400] =	vst v63  }
0x28: {  	_ = 	snop  }
0x29: {  	[tilespmem:s16], [sflag:$0x1] =	stream.indirect.gather [hbm4b:s3+s6], $0x20, s15, s6, $0xb8;
	[tilespmem:$0x8400] =	vst v63  }
0x2a: {  	_ =	swait.ge [sflag:s17], $0x1000  }
0x2b: {  	[sflag:s17] =	ssyncset.done $0x0  }
0x2c: {  	[sflag:s17] =	ssyncadd.s32 $0xFFFFF000  }
0x2d: {  	_ =	swait.ge [sflag:s17], $0x1000  }
0x2e: {  	[sflag:s17] =	ssyncset.done $0x0  }
0x2f: {  	[sflag:s17] =	ssyncadd.s32 $0xFFFFF000  }
0x30: {  	_ =	swait.ge [sflag:s17], $0x1000  }
0x31: {  	[sflag:s17] =	ssyncset.done $0x0  }
0x32: {  	[sflag:s17] =	ssyncadd.s32 $0xFFFFF000  }
0x33: {  	_ =	swait.ge [sflag:s17], $0x1000  }
0x34: {  	[sflag:s17] =	ssyncset.done $0x0  }
0x35: {  	[sflag:s17] =	ssyncadd.s32 $0xFFFFF000  }
0x36: {  	_ =	swait.ge [sflag:s17], $0x1000  }
0x37: {  	[sflag:s17] =	ssyncset.done $0x0  }
0x38: {  	[sflag:s17] =	ssyncadd.s32 $0xFFFFF000  }
0x39: {  	_ =	swait.ge [sflag:s17], $0x1000  }
0x3a: {  	[sflag:s17] =	ssyncset.done $0x0  }
0x3b: {  	[sflag:s17] =	ssyncadd.s32 $0xFFFFF000  }
0x3c: {  	_ =	swait.ge [sflag:s17], $0x1000  }
0x3d: {  	[sflag:s17] =	ssyncset.done $0x0  }
0x3e: {  	[sflag:s17] =	ssyncadd.s32 $0xFFFFF000  }
0x3f: {  	_ =	swait.ge [sflag:s17], $0x1000  }
0x40: {  	s31 =	sshll.u32 s21, $0xD;
	s24 =	sshll.u32 s24, $0xE;
	s30 =	rddreg [dreg:$0x3]  }
0x41: {  	s21 =	sshll.u32 s21, $0x1;
	s23 =	sand.u32 $0x2000, s31;
	s22 =	sadd.s32 s30, s24  }
0x42: {  	s21 =	sand.u32 $0x4, s21;
	[sflag:s17] =	ssyncset.done $0x0;
	s22 =	sadd.s32 s23, s22  }
0x43: {  	[sflag:s17] =	ssyncadd.s32 $0xFFFFF000;
	s21 =	sadd.s32 s21, s22  }
0x44: {  	[hbm4b:s21+s18] =	stream.strided.scatter [tilespmem:s7], [sflag:$0x2], $0x8000, s19, s18, $0x38;
	[tilespmem:$0x8400] =	vst v63  }
0x45: {  	s22 =	simm.s32 $0x2;
	_ =	swait.ge [sflag:s5], $0x8000  }
0x46: {  	s21 =	simm.s32 $0x1;
	s23 =	rddreg [dreg:$0x4];
	[sflag:s5] =	ssyncset.done $0x0  }
.LBB2_2:
0x47: {  	s25 =	sadd.s32 s21, s23  }
0x48: {  	s28 =	sand.u32 $0x3, s25  }
0x49: {  	s26 =	rddreg [dreg:$0x2];
	s23 =	sshrl.u32 s25, $0x2;
	s28 =	sshll.u32 s28, $0x7  }
0x4a: {  	s29 =	sshll.u32 s23, $0x9;
	s26 =	sadd.s32 s26, s28  }
0x4b: {  	[sflag:s5] =	ssyncadd.s32 $0xFFFF8000;
	s26 =	sadd.s32 s29, s26  }
0x4c: {  	[tilespmem:s2], [sflag:$0x2] =	stream.linear.gather [hbm4b:s26+s2], $0x400, $0x38;
	[tilespmem:$0x8400] =	vst v63  }
0x4d: {  	_ =	swait.ge [sflag:s5], $0x400  }
0x4e: {  	[sflag:s5] =	ssyncset.done $0x0  }
0x4f: {  	s26 =	rddreg [dreg:$0x7];
	[sflag:s5] =	ssyncadd.s32 $0xFFFFFC00  }
0x50: {  	[tilespmem:s7], [sflag:$0x1] =	stream.indirect.gather [hbm4b:s3+s6], $0x20, s2, s6, $0xb8;
	[tilespmem:$0x8400] =	vst v63  }
0x51: {  	s30 =	rddreg [dreg:$0x5]  }
0x52: {  	[tilespmem:s30], [sflag:$0x1] =	stream.indirect.gather [hbm4b:s3+s6], $0x20, s6, s6, $0xb8;
	[tilespmem:$0x8400] =	vst v63  }
0x53: {  	s31 =	rddreg [dreg:$0x6]  }
0x54: {  	[tilespmem:s26], [sflag:$0x1] =	stream.indirect.gather [hbm4b:s3+s6], $0x20, s31, s6, $0xb8;
	[tilespmem:$0x8400] =	vst v63  }
0x55: {  	s30 =	rddreg [dreg:$0x8]  }
0x56: {  	[tilespmem:s8], [sflag:$0x1] =	stream.indirect.gather [hbm4b:s3+s6], $0x20, s30, s6, $0xb8;
	[tilespmem:$0x8400] =	vst v63  }
0x57: {  	_ = 	snop  }
0x58: {  	[tilespmem:s10], [sflag:$0x1] =	stream.indirect.gather [hbm4b:s3+s6], $0x20, s9, s6, $0xb8;
	[tilespmem:$0x8400] =	vst v63  }
0x59: {  	_ = 	snop  }
0x5a: {  	[tilespmem:s12], [sflag:$0x1] =	stream.indirect.gather [hbm4b:s3+s6], $0x20, s11, s6, $0xb8;
	[tilespmem:$0x8400] =	vst v63  }
0x5b: {  	_ = 	snop  }
0x5c: {  	[tilespmem:s14], [sflag:$0x1] =	stream.indirect.gather [hbm4b:s3+s6], $0x20, s13, s6, $0xb8;
	[tilespmem:$0x8400] =	vst v63  }
0x5d: {  	_ = 	snop  }
0x5e: {  	[tilespmem:s16], [sflag:$0x1] =	stream.indirect.gather [hbm4b:s3+s6], $0x20, s15, s6, $0xb8;
	[tilespmem:$0x8400] =	vst v63  }
0x5f: {  	_ =	swait.ge [sflag:s17], $0x1000  }
0x60: {  	[sflag:s17] =	ssyncset.done $0x0  }
0x61: {  	[sflag:s17] =	ssyncadd.s32 $0xFFFFF000  }
0x62: {  	_ =	swait.ge [sflag:s17], $0x1000  }
0x63: {  	[sflag:s17] =	ssyncset.done $0x0  }
0x64: {  	[sflag:s17] =	ssyncadd.s32 $0xFFFFF000  }
0x65: {  	_ =	swait.ge [sflag:s17], $0x1000  }
0x66: {  	[sflag:s17] =	ssyncset.done $0x0  }
0x67: {  	[sflag:s17] =	ssyncadd.s32 $0xFFFFF000  }
0x68: {  	_ =	swait.ge [sflag:s17], $0x1000  }
0x69: {  	[sflag:s17] =	ssyncset.done $0x0  }
0x6a: {  	[sflag:s17] =	ssyncadd.s32 $0xFFFFF000  }
0x6b: {  	_ =	swait.ge [sflag:s17], $0x1000  }
0x6c: {  	[sflag:s17] =	ssyncset.done $0x0  }
0x6d: {  	[sflag:s17] =	ssyncadd.s32 $0xFFFFF000  }
0x6e: {  	_ =	swait.ge [sflag:s17], $0x1000  }
0x6f: {  	[sflag:s17] =	ssyncset.done $0x0  }
0x70: {  	[sflag:s17] =	ssyncadd.s32 $0xFFFFF000  }
0x71: {  	_ =	swait.ge [sflag:s17], $0x1000  }
0x72: {  	[sflag:s17] =	ssyncset.done $0x0  }
0x73: {  	p0 =	sne.s32 s22, $0x4;
	s24 =	smov.u32 s22;
	[sflag:s17] =	ssyncadd.s32 $0xFFFFF000  }
0x74: {  	s21 =	smov.u32 s24;
	s24 =	sshll.u32 s25, $0xD;
	_ =	swait.ge [sflag:s17], $0x1000  }
0x75: {  	s25 =	sshll.u32 s25, $0x1;
	s23 =	sshll.u32 s23, $0xE;
	s31 =	rddreg [dreg:$0x3]  }
0x76: {  	s24 =	sand.u32 $0x2000, s24;
	s25 =	sand.u32 $0x4, s25;
	s23 =	sadd.s32 s31, s23  }
.Ltmp0:
0x77: {  	[sflag:s17] =	ssyncset.done $0x0;
	s23 =	sadd.s32 s24, s23;
	(pc) =	sbr.rel @p0 .LBB2_2-.Ltmp0, $4  }
0x78: {  	[sflag:s17] =	ssyncadd.s32 $0xFFFFF000;
	s23 =	sadd.s32 s25, s23  }
0x79: {  	[hbm4b:s23+s18] =	stream.strided.scatter [tilespmem:s7], [sflag:$0x2], $0x8000, s19, s18, $0x38;
	[tilespmem:$0x8400] =	vst v63  }
0x7a: {  	_ =	swait.ge [sflag:s5], $0x8000  }
0x7b: {  	s22 =	sadd.s32 $0x1, s22;
	s23 =	rddreg [dreg:$0x4];
	[sflag:s5] =	ssyncset.done $0x0  }
0x7c: {  	s21 =	sadd.s32 s21, s23  }
0x7d: {  	s23 =	sand.u32 $0x3, s21  }
0x7e: {  	s22 =	rddreg [dreg:$0x2];
	s24 =	sshrl.u32 s21, $0x2;
	s23 =	sshll.u32 s23, $0x7  }
0x7f: {  	s25 =	sshll.u32 s24, $0x9;
	s22 =	sadd.s32 s22, s23  }
0x80: {  	[sflag:s5] =	ssyncadd.s32 $0xFFFF8000;
	s22 =	sadd.s32 s25, s22  }
0x81: {  	[tilespmem:s2], [sflag:$0x2] =	stream.linear.gather [hbm4b:s22+s2], $0x400, $0x38;
	[tilespmem:$0x8400] =	vst v63  }
0x82: {  	_ =	swait.ge [sflag:s5], $0x400  }
0x83: {  	[sflag:s5] =	ssyncset.done $0x0  }
0x84: {  	s25 =	rddreg [dreg:$0x7];
	[sflag:s5] =	ssyncadd.s32 $0xFFFFFC00  }
0x85: {  	[tilespmem:s7], [sflag:$0x1] =	stream.indirect.gather [hbm4b:s3+s6], $0x20, s2, s6, $0xb8;
	[tilespmem:$0x8400] =	vst v63  }
0x86: {  	s26 =	rddreg [dreg:$0x5]  }
0x87: {  	[tilespmem:s26], [sflag:$0x1] =	stream.indirect.gather [hbm4b:s3+s6], $0x20, s6, s6, $0xb8;
	[tilespmem:$0x8400] =	vst v63  }
0x88: {  	s28 =	rddreg [dreg:$0x6]  }
0x89: {  	[tilespmem:s25], [sflag:$0x1] =	stream.indirect.gather [hbm4b:s3+s6], $0x20, s28, s6, $0xb8;
	[tilespmem:$0x8400] =	vst v63  }
0x8a: {  	s29 =	rddreg [dreg:$0x8]  }
0x8b: {  	[tilespmem:s8], [sflag:$0x1] =	stream.indirect.gather [hbm4b:s3+s6], $0x20, s29, s6, $0xb8;
	[tilespmem:$0x8400] =	vst v63  }
0x8c: {  	_ = 	snop  }
0x8d: {  	[tilespmem:s10], [sflag:$0x1] =	stream.indirect.gather [hbm4b:s3+s6], $0x20, s9, s6, $0xb8;
	[tilespmem:$0x8400] =	vst v63  }
0x8e: {  	_ = 	snop  }
0x8f: {  	[tilespmem:s12], [sflag:$0x1] =	stream.indirect.gather [hbm4b:s3+s6], $0x20, s11, s6, $0xb8;
	[tilespmem:$0x8400] =	vst v63  }
0x90: {  	_ = 	snop  }
0x91: {  	[tilespmem:s14], [sflag:$0x1] =	stream.indirect.gather [hbm4b:s3+s6], $0x20, s13, s6, $0xb8;
	[tilespmem:$0x8400] =	vst v63  }
0x92: {  	_ = 	snop  }
0x93: {  	[tilespmem:s16], [sflag:$0x1] =	stream.indirect.gather [hbm4b:s3+s6], $0x20, s15, s6, $0xb8;
	[tilespmem:$0x8400] =	vst v63  }
0x94: {  	_ =	swait.ge [sflag:s17], $0x1000  }
0x95: {  	[sflag:s17] =	ssyncset.done $0x0  }
0x96: {  	[sflag:s17] =	ssyncadd.s32 $0xFFFFF000  }
0x97: {  	_ =	swait.ge [sflag:s17], $0x1000  }
0x98: {  	[sflag:s17] =	ssyncset.done $0x0  }
0x99: {  	[sflag:s17] =	ssyncadd.s32 $0xFFFFF000  }
0x9a: {  	_ =	swait.ge [sflag:s17], $0x1000  }
0x9b: {  	[sflag:s17] =	ssyncset.done $0x0  }
0x9c: {  	[sflag:s17] =	ssyncadd.s32 $0xFFFFF000  }
0x9d: {  	_ =	swait.ge [sflag:s17], $0x1000  }
0x9e: {  	[sflag:s17] =	ssyncset.done $0x0  }
0x9f: {  	[sflag:s17] =	ssyncadd.s32 $0xFFFFF000  }
0xa0: {  	_ =	swait.ge [sflag:s17], $0x1000  }
0xa1: {  	[sflag:s17] =	ssyncset.done $0x0  }
0xa2: {  	[sflag:s17] =	ssyncadd.s32 $0xFFFFF000  }
0xa3: {  	_ =	swait.ge [sflag:s17], $0x1000  }
0xa4: {  	[sflag:s17] =	ssyncset.done $0x0  }
0xa5: {  	[sflag:s17] =	ssyncadd.s32 $0xFFFFF000  }
0xa6: {  	_ =	swait.ge [sflag:s17], $0x1000  }
0xa7: {  	[sflag:s17] =	ssyncset.done $0x0  }
0xa8: {  	[sflag:s17] =	ssyncadd.s32 $0xFFFFF000  }
0xa9: {  	s20 =	sadd.s32 $0x1, s20;
	s31 =	sshll.u32 s21, $0xD;
	_ =	swait.ge [sflag:s17], $0x1000  }
0xaa: {  	s21 =	sshll.u32 s21, $0x1;
	s24 =	sshll.u32 s24, $0xE;
	s30 =	rddreg [dreg:$0x3]  }
0xab: {  	p0 =	sne.s32 s20, s4;
	s23 =	sand.u32 $0x2000, s31;
	s22 =	sadd.s32 s30, s24  }
0xac: {  	s21 =	sand.u32 $0x4, s21;
	[sflag:s17] =	ssyncset.done $0x0;
	s22 =	sadd.s32 s23, s22  }
.Ltmp1:
0xad: {  	[sflag:s17] =	ssyncadd.s32 $0xFFFFF000;
	s21 =	sadd.s32 s21, s22;
	(pc) =	sbr.rel @p0 .LBB2_1-.Ltmp1, $4  }
0xae: {  	[hbm4b:s21+s18] =	stream.strided.scatter [tilespmem:s7], [sflag:$0x2], $0x8000, s19, s18, $0x38;
	[tilespmem:$0x8400] =	vst v63  }
0xaf: {  	_ =	swait.ge [sflag:s5], $0x8000  }
0xb0: {  	[sflag:s5] =	ssyncset.done $0x0  }
0xb1: {  	[sflag:s5] =	ssyncadd.s32 $0xFFFF8000  }
0xb2: {  	_ =	sfence.sel $0x180000  }
0xb3: {  	[bflag:$0x0] =	sbarrier.arrive $0xFFFF  }
0xb4: {  	p0 =	sne.s32 s1, $0x0;
	_ =	strace $0x90000050  }
0xb5: {  	s0 =	sadd.s32 @!p0 $0x100000, s0;
	[bflag:$0x2] =	sbarrier.arrive $0xFFFF  }
0xb6: {  	[sflag:s0] =	ssyncadd.tile.s32 @!p0 $0x1;
	_ =	shalt  }
.Lfunc_end2:
_tile_overlayer_lowered:
.L_overlay_start_2:
0xb7: {  	(tag) =	ssettag $0x2  }
0xb8: {  	s0 =	rddreg [dreg:$0x0];
	s2 =	stileid.u32  }
0xb9: {  	s1 =	rddreg [dreg:$0x1];
	p0 =	sne.s32 s2, $0x0  }
0xba: {  	s3 =	rddreg [dreg:$0x2];
	[bflag:$0x3] =	sbarrier.arrive $0xFFFF;
	s2 =	simm.s32 @!p0 $0x1C02  }
0xbb: {  	[timem:s3], [sflag:s2] =	dma.local @!p0 [hbm:s0], s1  }
0xbc: {  	s0 =	simm.s32 @!p0 $0x2  }
0xbd: {  	_ =	swait.ge @!p0 [sflag:s0], s1  }
0xbe: {  	s1 =	ssub.s32 @!p0 $0x0, s1;
	[sflag:s0] =	ssyncset.done @!p0 $0x0  }
0xbf: {  	[sflag:s0] =	ssyncadd.s32 @!p0 s1  }
0xc0: {  	[bflag:$0x3] =	sbarrier.arrive $0xFFFF  }
0xc1: {  	_ =	shalt  }

// kernel: kernel.22.cloned.1.call-start
scs
__scs_entry_jumppad:
0x0: {  	(pc) =	sbr.rel $0x88, $3  }
0x1: {  	(tag) =	ssettag $0x0;
	lr =	simm.s32 $0x1  }
0x2: {  	[smem:$0x3F9D] =	sst lr;
	_ =	strace $0xD0000000  }
0x3: {  	_ = 	snop  }
0x4: {  	_ = 	snop  }
0x5: {  	_ = 	snop  }
0x6: {  	_ = 	snop  }
0x7: {  	_ = 	snop  }
__scs_overlays_trampoline_lowered:
0x8: {  	[smem:$0x3FAC] =	sst s0  }
0x9: {  	[smem:$0x3FAD] =	sst s1  }
0xa: {  	[smem:$0x3FAE] =	sst s2  }
0xb: {  	[smem:$0x3FAF] =	sst s3  }
0xc: {  	[smem:$0x3FB0] =	sst s4  }
0xd: {  	[smem:$0x3FB1] =	sst s5  }
0xe: {  	[smem:$0x3FB2] =	sst s6  }
0xf: {  	[smem:$0x3FB3] =	sst s7  }
0x10: {  	[smem:$0x3FB4] =	sst s8  }
0x11: {  	[smem:$0x3FB5] =	sst s9;
	s0 =	simm.s32 @!p0 $0x0  }
0x12: {  	s1 =	sld [smem:$0x3F9B];
	s0 =	simm.s32 @p0 $0x1  }
0x13: {  	[smem:$0x3FB6] =	sst s0;
	s0 =	simm.s32 @!p1 $0x0  }
0x14: {  	s2 =	sld [smem:$0x3F9A];
	s0 =	simm.s32 @p1 $0x1  }
0x15: {  	[smem:$0x3FB7] =	sst s0;
	s0 =	simm.s32 @!p2 $0x0  }
0x16: {  	s3 =	sld [smem:$0x3FDB];
	s0 =	simm.s32 @p2 $0x1  }
0x17: {  	s4 =	simm.s32 $0x1BF5;
	[smem:$0x3FB9] =	sst s0  }
0x18: {  	s0 =	sld [smem:$0x3F9C];
	_ =	swait.ge [sflag:s4], $0x0  }
0x19: {  	s7 =	sld [smem:$0x3F9D]  }
0x1a: {  	s8 =	sadd.s32 $0xFFFFE003, lr  }
0x1b: {  	s9 =	sadd.s32 $0xFFFFFEF7, lr;
	s5 =	simm.s32 $0xFFFFFFFF;
	p2 =	slt.u32 s8, $0xFFFFF086  }
0x1c: {  	p1 =	slt.u32 s9, $0xF7A;
	s5 =	simm.s32 @!p2 $0x0  }
0x1d: {  	s5 =	simm.s32 @p1 $0x1;
	p0 =	seq.s32 s7, s2  }
0x1e: {  	s7 =	smul.u32 @!p0 $0xF7A, s2;
	p2 =	seq.s32 @!p0 s5, $0x0  }
0x1f: {  	s9 =	smul.u32 $0xF7A, s1;
	s8 =	simm.s32 @!p0 $0x1BF5;
	p2 =	por !p2, p0  }
0x20: {  	[sflag:s8] =	ssyncset.s32 @!p0 $0xFFFFF086;
	s6 =	sadd.s32 @!p0 s3, s7;
	s7 =	simm.s32 @!p0 $0x108  }
0x21: {  	s3 =	sadd.s32 s3, s9;
	s6 =	sadd.s32 @!p0 $0x88, s6;
	s7 =	simm.s32 @p2 $0x1082  }
0x22: {  	[simem:s7], [sflag:s8] =	dma.local @!p0 [hbm:s6], $0xF7A  }
0x23: {  	s9 =	sor.u32 $0xD0000000, s2;
	s6 =	simm.s32 $0x108;
	_ =	swait.ge @!p0 [sflag:s8], $0x0  }
0x24: {  	s3 =	sadd.s32 $0x88, s3;
	s6 =	simm.s32 @!p1 $0x1082;
	[sflag:s4] =	ssyncset.s32 $0xFFFFF086  }
0x25: {  	[simem:s6], [sflag:s4] =	dma.local [hbm:s3], $0xF7A  }
0x26: {  	[smem:$0x3F9D] =	sst s1;
	(tag) =	ssettag s2;
	_ =	strace s9  }
0x27: {  	s1 =	sld [smem:$0x3FAD]  }
0x28: {  	s2 =	sld [smem:$0x3FAE]  }
0x29: {  	s4 =	sld [smem:$0x3FB0]  }
0x2a: {  	p0 =	seq.s32 s5, $0x0;
	s5 =	sld [smem:$0x3FB1]  }
0x2b: {  	s6 =	sld [smem:$0x3FB2]  }
0x2c: {  	s7 =	sld [smem:$0x3FB3]  }
0x2d: {  	s3 =	simm.s32 $0x108;
	s8 =	sld [smem:$0x3FB4]  }
0x2e: {  	s3 =	simm.s32 @!p0 $0x1082;
	s9 =	sld [smem:$0x3FB5]  }
0x2f: {  	lr =	sadd.s32 s0, s3;
	s0 =	sld [smem:$0x3FAC]  }
0x30: {  	s3 =	sld [smem:$0x3FAF]  }
0x31: {  	[smem:$0x3FB8] =	sst s10  }
0x32: {  	s10 =	sld [smem:$0x3FB6];
	_ =	sdelay $0x3  }
0x33: {  	p0 =	seq.s32 s10, $0x1;
	s10 =	sld [smem:$0x3FB8];
	_ =	sdelay $0x3  }
0x34: {  	[smem:$0x3FB8] =	sst s10  }
0x35: {  	s10 =	sld [smem:$0x3FB7];
	_ =	sdelay $0x3  }
0x36: {  	p1 =	seq.s32 s10, $0x1;
	s10 =	sld [smem:$0x3FB8];
	_ =	sdelay $0x3  }
0x37: {  	[smem:$0x3FB8] =	sst s10  }
0x38: {  	s10 =	sld [smem:$0x3FB9]  }
0x39: {  	_ = 	snop;
	(pc) =	sbr.ind lr, $3  }
0x3a: {  	_ = 	snop  }
0x3b: {  	_ = 	snop  }
0x3c: {  	p2 =	seq.s32 s10, $0x1;
	s10 =	sld [smem:$0x3FB8]  }
0x3d: {  	_ =	shalt  }
0x3e: {  	_ =	shalt  }
0x3f: {  	_ =	shalt  }
0x40: {  	_ =	shalt  }
0x41: {  	_ =	shalt  }
0x42: {  	_ =	shalt  }
0x43: {  	_ =	shalt  }
0x44: {  	_ =	shalt  }
0x45: {  	_ =	shalt  }
0x46: {  	_ =	shalt  }
0x47: {  	_ =	shalt  }
0x48: {  	_ =	shalt  }
0x49: {  	_ =	shalt  }
0x4a: {  	_ =	shalt  }
0x4b: {  	_ =	shalt  }
0x4c: {  	_ =	shalt  }
0x4d: {  	_ =	shalt  }
0x4e: {  	_ =	shalt  }
0x4f: {  	_ =	shalt  }
0x50: {  	_ =	shalt  }
0x51: {  	_ =	shalt  }
0x52: {  	_ =	shalt  }
0x53: {  	_ =	shalt  }
0x54: {  	_ =	shalt  }
0x55: {  	_ =	shalt  }
0x56: {  	_ =	shalt  }
0x57: {  	_ =	shalt  }
0x58: {  	_ =	shalt  }
0x59: {  	_ =	shalt  }
0x5a: {  	_ =	shalt  }
0x5b: {  	_ =	shalt  }
0x5c: {  	_ =	shalt  }
0x5d: {  	_ =	shalt  }
0x5e: {  	_ =	shalt  }
0x5f: {  	_ =	shalt  }
0x60: {  	_ =	shalt  }
0x61: {  	_ =	shalt  }
0x62: {  	_ =	shalt  }
0x63: {  	_ =	shalt  }
0x64: {  	_ =	shalt  }
0x65: {  	_ =	shalt  }
0x66: {  	_ =	shalt  }
0x67: {  	_ =	shalt  }
0x68: {  	_ =	shalt  }
0x69: {  	_ =	shalt  }
0x6a: {  	_ =	shalt  }
0x6b: {  	_ =	shalt  }
0x6c: {  	_ =	shalt  }
0x6d: {  	_ =	shalt  }
0x6e: {  	_ =	shalt  }
0x6f: {  	_ =	shalt  }
0x70: {  	_ =	shalt  }
0x71: {  	_ =	shalt  }
0x72: {  	_ =	shalt  }
0x73: {  	_ =	shalt  }
0x74: {  	_ =	shalt  }
0x75: {  	_ =	shalt  }
0x76: {  	_ =	shalt  }
0x77: {  	_ =	shalt  }
0x78: {  	_ =	shalt  }
0x79: {  	_ =	shalt  }
0x7a: {  	_ =	shalt  }
0x7b: {  	_ =	shalt  }
0x7c: {  	_ =	shalt  }
0x7d: {  	_ =	shalt  }
0x7e: {  	_ =	shalt  }
0x7f: {  	_ =	shalt  }
0x80: {  	_ =	shalt  }
0x81: {  	_ =	shalt  }
0x82: {  	_ =	shalt  }
0x83: {  	_ =	shalt  }
0x84: {  	_ =	shalt  }
0x85: {  	_ =	shalt  }
0x86: {  	_ =	shalt  }
0x87: {  	_ =	shalt  }
.Lfunc_end0:
.L_simem_size_0:
called_computation.4_lowered:
.L_overlay_start_0:
0x88: {  	s2 =	sld [smem:$0x3FD9]  }
0x89: {  	s3 =	sld [smem:$0x3FFE];
	_ =	sdelay $0x1  }
0x8a: {  	s1 =	srdreg.scid  }
0x8b: {  	s0 =	sand.u32 $0x1, s1  }
0x8c: {  	s17 =	sshll.u32 s0, $0xA;
	s2 =	sadd.s32 s3, s2  }
0x8d: {  	s2 =	sadd.s32 s2, s17  }
0x8e: {  	[smem:$0x3FC4] =	sst s2  }
0x8f: {  	_ = 	snop  }
0x90: {  	(tm) =	ssettm $0x1  }
0x91: {  	s18 =	sld [smem:$0x3FFB];
	_ =	sdelay $0x3  }
0x92: {  	_ =	strace s18  }
0x93: {  	s2 =	sld [smem:$0x3FFC];
	_ =	sdelay $0x3  }
0x94: {  	_ =	strace s2  }
0x95: {  	s2 =	sld [smem:$0x3FFD];
	_ =	sdelay $0x3  }
0x96: {  	_ =	strace s2  }
0x97: {  	_ =	strace $0x8FFFFFFF  }
0x98: {  	s19 =	sld [smem:$0x3FDB];
	_ =	sdelay $0x1  }
0x99: {  	s20 =	simm.s32 $_scs_section_size  }
0x9a: {  	s4 =	simm.s32 $_size__tile_overlayer_lowered;
	s5 =	simm.s32 $_tile_overlayer_lowered  }
0x9b: {  	s6 =	simm.s32 $0x1BFF;
	s21 =	sshll.u32 s5, $0x1;
	s3 =	sadd.s32 s20, s19  }
0x9c: {  	s22 =	simm.s32 $0x0;
	s4 =	sshll.u32 s4, $0x1;
	s5 =	sadd.s32 s21, s3  }
0x9d: {  	[timem:s22], [sflag:s6] =	dma.local [hbm:s5], s4  }
0x9e: {  	_ =	swait.ge [sflag:s6], s4  }
0x9f: {  	s4 =	ssub.s32 $0x0, s4;
	[sflag:s6] =	ssyncset.done $0x0  }
0xa0: {  	[sflag:s6] =	ssyncadd.s32 s4;
	_ =	sdelay $0x1  }
0xa1: {  	s23 =	simm.s32 $0x1B8B  }
0xa2: {  	_ =	swait.ge [sflag:s23], $0x1  }
0xa3: {  	[sflag:s23] =	ssyncset.done $0x0  }
0xa4: {  	[sflag:s23] =	ssyncadd.s32 $0xFFFFFFFF  }
0xa5: {  	s4 =	sld [smem:$0x0]  }
0xa6: {  	s5 =	sand.u32 $0xFFFFFFFE, s1  }
0xa7: {  	p0 =	sne.s32 s1, s5  }
0xa8: {  	s5 =	sshll.u32 @p0 s5, $0xE  }
0xa9: {  	s5 =	sadd.s32 @p0 $0x11B8D, s5;
	s6 =	sshll.u32 @p0 s4, $0x11  }
0xaa: {  	s5 =	sor.u32 @p0 s6, s5  }
0xab: {  	[sflag:s5] =	ssyncadd.remote.s32 @p0 $0x1;
	_ =	sdelay $0x1  }
0xac: {  	s5 =	simm.s32 @p0 $0x1B8D  }
0xad: {  	_ =	swait.eq @p0 [sflag:s5], $0x1  }
0xae: {  	[sflag:s5] =	ssyncadd.s32 @p0 $0xFFFFFFFF  }
0xaf: {  	s6 =	sshll.u32 @!p0 s1, $0xE  }
0xb0: {  	s6 =	sor.u32 @!p0 $0x4000, s6;
	s5 =	simm.s32 @!p0 $0x1B8D  }
0xb1: {  	s4 =	sshll.u32 @!p0 s4, $0x11;
	s6 =	sadd.s32 @!p0 $0x11B8D, s6;
	_ =	swait.eq @!p0 [sflag:s5], $0x1  }
0xb2: {  	s4 =	sor.u32 @!p0 s4, s6;
	[sflag:s5] =	ssyncadd.s32 @!p0 $0xFFFFFFFF  }
0xb3: {  	s25 =	simm.s32 $0x1B8E;
	s24 =	sld [smem:$0x3FFE];
	[sflag:s4] =	ssyncadd.remote.s32 @!p0 $0x1  }
0xb4: {  	s26 =	simm.s32 $execute0_lowered;
	[smem:$0x3FD2] =	sst s25  }
0xb5: {  	s5 =	sshll.u32 s26, $0x1;
	_ =	strace $0x8000004C;
	[dreg:$0x1] =	wrdreg $0xFFFFFFFF  }
0xb6: {  	s28 =	simm.s32 $_size_execute0_lowered;
	s3 =	sadd.s32 s3, s5;
	[dreg:$0x0] =	wrdreg $0x0  }
0xb7: {  	s5 =	sshll.u32 s28, $0x1;
	[dreg:$0x2] =	wrdreg s3  }
0xb8: {  	[dreg:$0x3] =	wrdreg s5  }
0xb9: {  	[dreg:$0x4] =	wrdreg $0xC0  }
0xba: {  	_ =	task [dreg:s22], $0x5FFFF  }
0xbb: {  	[dreg:$0x1] =	wrdreg $0xFFFFFFFF  }
0xbc: {  	[dreg:$0x0] =	wrdreg $0x60  }
0xbd: {  	[dreg:$0x2] =	wrdreg s24  }
0xbe: {  	[dreg:$0x3] =	wrdreg $0xC  }
0xbf: {  	_ =	task.clear_ibuf [dreg:s22], $0x4FFFF;
	_ =	strace $0x9000004C  }
0xc0: {  	s29 =	simm.s32 $0xC;
	_ =	strace $0x8000004E  }
0xc1: {  	_ =	swait.ge [sflag:s29], $0x1  }
0xc2: {  	[sflag:s29] =	ssyncadd.s32 $0xFFFFFFFF  }
0xc3: {  	_ =	strace $0x9000004E  }
0xc4: {  	_ =	sfence  }
0xc5: {  	s30 =	sld [smem:$0x0];
	_ =	sdelay $0x2  }
0xc6: {  	s31 =	sshll.u32 s1, $0xD;
	s1 =	sshrl.u32 s1, $0x2  }
0xc7: {  	s4 =	sand.u32 $0x4000, s31;
	s1 =	sadd.s32 s1, s30  }
0xc8: {  	s0 =	sor.u32 s4, s0;
	s1 =	sshll.u32 s1, $0x11  }
0xc9: {  	s0 =	sor.u32 s1, s0  }
0xca: {  	s0 =	sadd.s32 $0x8F2B, s0  }
0xcb: {  	[sflag:s0] =	ssyncadd.remote.s32 $0x1  }
0xcc: {  	_ =	sfence.sel $0xFFFF  }
0xcd: {  	[dreg:$0x0] =	wrdreg $0xFFFFFFFF;
	(pc) =	sbr.abs _section_cstart, $3  }
0xce: {  	[dreg:$0x1] =	wrdreg $0xFFFFFFFF  }
0xcf: {  	_ =	task.clear_ibuf [dreg:s22], $0x2FFFF;
	_ =	strace $0x9FFFFFFF  }
0xd0: {  	(tm) =	ssettm $0x7FFFFFFF  }
0xd1: {  	_ =	shalt  }
tec
execute0_lowered:
.L_overlay_start_1:
0x0: {  	(tag) =	ssettag $0x1  }
0x1: {  	s4 =	rddreg [dreg:$0x0]  }
0x2: {  	s0 =	rddreg [dreg:$0x1];
	s2 =	simm.s32 $0x0  }
0x3: {  	s3 =	srdreg.scid;
	s1 =	stileid.u32;
	s28 =	simm.s32 $0x1400  }
0x4: {  	s29 =	simm.s32 $0x100;
	s30 =	simm.s32 $0x2400;
	s31 =	simm.s32 $0x180  }
0x5: {  	s9 =	simm.s32 $0x200;
	s10 =	simm.s32 $0x4400;
	s11 =	simm.s32 $0x280  }
0x6: {  	s12 =	simm.s32 $0x5400;
	s13 =	simm.s32 $0x300;
	s14 =	simm.s32 $0x6400  }
0x7: {  	s15 =	simm.s32 $0x380;
	s16 =	simm.s32 $0x7400;
	[smem:$0x7FF] =	sst s2  }
0x8: {  	s5 =	sand.u32 $0x1, s3;
	s3 =	sadd.s32 $0x2A00, s4;
	s7 =	sadd.s32 $0x48EA00, s4  }
0x9: {  	s4 =	sadd.s32 $0x493A00, s4;
	_ =	strace $0x8000004D;
	[dreg:$0x2] =	wrdreg s7  }
0xa: {  	s17 =	simm.s32 $0x1;
	s18 =	simm.s32 $0x20;
	[dreg:$0x3] =	wrdreg s4  }
0xb: {  	s19 =	simm.s32 $0x40;
	s6 =	smul.u32 $0xA, s1;
	[dreg:$0x5] =	wrdreg s28  }
0xc: {  	s20 =	simm.s32 $0x0;
	s8 =	smul.u32 $0x5, s5;
	[dreg:$0x6] =	wrdreg s29  }
0xd: {  	s5 =	ssub.s32 $0x2, s5;
	[dreg:$0x7] =	wrdreg s30;
	s7 =	simm.s32 $0x400  }
0xe: {  	[dreg:$0x8] =	wrdreg s31;
	s26 =	sshrl.u32 s5, $0x1;
	s6 =	sadd.s32 s8, s6  }
0xf: {  	s4 =	ssub.s32 s5, s26;
	s5 =	simm.s32 $0x2;
	s8 =	simm.s32 $0x3400  }
0x10: {  	[dreg:$0x4] =	wrdreg s6;
	s4 =	smax.u32 s4, $0x1;
	s6 =	simm.s32 $0x80  }
.LBB2_1:
0x11: {  	s21 =	rddreg [dreg:$0x4]  }
0x12: {  	s21 =	sadd.s32 $0x0, s21  }
0x13: {  	s23 =	sand.u32 $0x3, s21  }
0x14: {  	s22 =	rddreg [dreg:$0x2];
	s24 =	sshrl.u32 s21, $0x2;
	s23 =	sshll.u32 s23, $0x7  }
0x15: {  	s25 =	sshll.u32 s24, $0x9;
	s22 =	sadd.s32 s22, s23  }
0x16: {  	s22 =	sadd.s32 s25, s22  }
0x17: {  	[tilespmem:s2], [sflag:$0x2] =	stream.linear.gather [hbm4b:s22+s2], $0x400, $0x38;
	[tilespmem:$0x8400] =	vst v63  }
0x18: {  	_ =	swait.ge [sflag:s5], $0x400  }
0x19: {  	[sflag:s5] =	ssyncset.done $0x0  }
0x1a: {  	s25 =	rddreg [dreg:$0x7];
	[sflag:s5] =	ssyncadd.s32 $0xFFFFFC00  }
0x1b: {  	[tilespmem:s7], [sflag:$0x1] =	stream.indirect.gather [hbm4b:s3+s6], $0x20, s2, s6, $0xb8;
	[tilespmem:$0x8400] =	vst v63  }
0x1c: {  	s26 =	rddreg [dreg:$0x5]  }
0x1d: {  	[tilespmem:s26], [sflag:$0x1] =	stream.indirect.gather [hbm4b:s3+s6], $0x20, s6, s6, $0xb8;
	[tilespmem:$0x8400] =	vst v63  }
0x1e: {  	s28 =	rddreg [dreg:$0x6]  }
0x1f: {  	[tilespmem:s25], [sflag:$0x1] =	stream.indirect.gather [hbm4b:s3+s6], $0x20, s28, s6, $0xb8;
	[tilespmem:$0x8400] =	vst v63  }
0x20: {  	s29 =	rddreg [dreg:$0x8]  }
0x21: {  	[tilespmem:s8], [sflag:$0x1] =	stream.indirect.gather [hbm4b:s3+s6], $0x20, s29, s6, $0xb8;
	[tilespmem:$0x8400] =	vst v63  }
0x22: {  	_ = 	snop  }
0x23: {  	[tilespmem:s10], [sflag:$0x1] =	stream.indirect.gather [hbm4b:s3+s6], $0x20, s9, s6, $0xb8;
	[tilespmem:$0x8400] =	vst v63  }
0x24: {  	_ = 	snop  }
0x25: {  	[tilespmem:s12], [sflag:$0x1] =	stream.indirect.gather [hbm4b:s3+s6], $0x20, s11, s6, $0xb8;
	[tilespmem:$0x8400] =	vst v63  }
0x26: {  	_ = 	snop  }
0x27: {  	[tilespmem:s14], [sflag:$0x1] =	stream.indirect.gather [hbm4b:s3+s6], $0x20, s13, s6, $0xb8;
	[tilespmem:$0x8400] =	vst v63  }
0x28: {  	_ = 	snop  }
0x29: {  	[tilespmem:s16], [sflag:$0x1] =	stream.indirect.gather [hbm4b:s3+s6], $0x20, s15, s6, $0xb8;
	[tilespmem:$0x8400] =	vst v63  }
0x2a: {  	_ =	swait.ge [sflag:s17], $0x1000  }
0x2b: {  	[sflag:s17] =	ssyncset.done $0x0  }
0x2c: {  	[sflag:s17] =	ssyncadd.s32 $0xFFFFF000  }
0x2d: {  	_ =	swait.ge [sflag:s17], $0x1000  }
0x2e: {  	[sflag:s17] =	ssyncset.done $0x0  }
0x2f: {  	[sflag:s17] =	ssyncadd.s32 $0xFFFFF000  }
0x30: {  	_ =	swait.ge [sflag:s17], $0x1000  }
0x31: {  	[sflag:s17] =	ssyncset.done $0x0  }
0x32: {  	[sflag:s17] =	ssyncadd.s32 $0xFFFFF000  }
0x33: {  	_ =	swait.ge [sflag:s17], $0x1000  }
0x34: {  	[sflag:s17] =	ssyncset.done $0x0  }
0x35: {  	[sflag:s17] =	ssyncadd.s32 $0xFFFFF000  }
0x36: {  	_ =	swait.ge [sflag:s17], $0x1000  }
0x37: {  	[sflag:s17] =	ssyncset.done $0x0  }
0x38: {  	[sflag:s17] =	ssyncadd.s32 $0xFFFFF000  }
0x39: {  	_ =	swait.ge [sflag:s17], $0x1000  }
0x3a: {  	[sflag:s17] =	ssyncset.done $0x0  }
0x3b: {  	[sflag:s17] =	ssyncadd.s32 $0xFFFFF000  }
0x3c: {  	_ =	swait.ge [sflag:s17], $0x1000  }
0x3d: {  	[sflag:s17] =	ssyncset.done $0x0  }
0x3e: {  	[sflag:s17] =	ssyncadd.s32 $0xFFFFF000  }
0x3f: {  	_ =	swait.ge [sflag:s17], $0x1000  }
0x40: {  	s31 =	sshll.u32 s21, $0xD;
	s24 =	sshll.u32 s24, $0xE;
	s30 =	rddreg [dreg:$0x3]  }
0x41: {  	s21 =	sshll.u32 s21, $0x1;
	s23 =	sand.u32 $0x2000, s31;
	s22 =	sadd.s32 s30, s24  }
0x42: {  	s21 =	sand.u32 $0x4, s21;
	[sflag:s17] =	ssyncset.done $0x0;
	s22 =	sadd.s32 s23, s22  }
0x43: {  	[sflag:s17] =	ssyncadd.s32 $0xFFFFF000;
	s21 =	sadd.s32 s21, s22  }
0x44: {  	[hbm4b:s21+s18] =	stream.strided.scatter [tilespmem:s7], [sflag:$0x2], $0x8000, s19, s18, $0x38;
	[tilespmem:$0x8400] =	vst v63  }
0x45: {  	s22 =	simm.s32 $0x2;
	_ =	swait.ge [sflag:s5], $0x8000  }
0x46: {  	s21 =	simm.s32 $0x1;
	s23 =	rddreg [dreg:$0x4];
	[sflag:s5] =	ssyncset.done $0x0  }
.LBB2_2:
0x47: {  	s25 =	sadd.s32 s21, s23  }
0x48: {  	s28 =	sand.u32 $0x3, s25  }
0x49: {  	s26 =	rddreg [dreg:$0x2];
	s23 =	sshrl.u32 s25, $0x2;
	s28 =	sshll.u32 s28, $0x7  }
0x4a: {  	s29 =	sshll.u32 s23, $0x9;
	s26 =	sadd.s32 s26, s28  }
0x4b: {  	[sflag:s5] =	ssyncadd.s32 $0xFFFF8000;
	s26 =	sadd.s32 s29, s26  }
0x4c: {  	[tilespmem:s2], [sflag:$0x2] =	stream.linear.gather [hbm4b:s26+s2], $0x400, $0x38;
	[tilespmem:$0x8400] =	vst v63  }
0x4d: {  	_ =	swait.ge [sflag:s5], $0x400  }
0x4e: {  	[sflag:s5] =	ssyncset.done $0x0  }
0x4f: {  	s26 =	rddreg [dreg:$0x7];
	[sflag:s5] =	ssyncadd.s32 $0xFFFFFC00  }
0x50: {  	[tilespmem:s7], [sflag:$0x1] =	stream.indirect.gather [hbm4b:s3+s6], $0x20, s2, s6, $0xb8;
	[tilespmem:$0x8400] =	vst v63  }
0x51: {  	s30 =	rddreg [dreg:$0x5]  }
0x52: {  	[tilespmem:s30], [sflag:$0x1] =	stream.indirect.gather [hbm4b:s3+s6], $0x20, s6, s6, $0xb8;
	[tilespmem:$0x8400] =	vst v63  }
0x53: {  	s31 =	rddreg [dreg:$0x6]  }
0x54: {  	[tilespmem:s26], [sflag:$0x1] =	stream.indirect.gather [hbm4b:s3+s6], $0x20, s31, s6, $0xb8;
	[tilespmem:$0x8400] =	vst v63  }
0x55: {  	s30 =	rddreg [dreg:$0x8]  }
0x56: {  	[tilespmem:s8], [sflag:$0x1] =	stream.indirect.gather [hbm4b:s3+s6], $0x20, s30, s6, $0xb8;
	[tilespmem:$0x8400] =	vst v63  }
0x57: {  	_ = 	snop  }
0x58: {  	[tilespmem:s10], [sflag:$0x1] =	stream.indirect.gather [hbm4b:s3+s6], $0x20, s9, s6, $0xb8;
	[tilespmem:$0x8400] =	vst v63  }
0x59: {  	_ = 	snop  }
0x5a: {  	[tilespmem:s12], [sflag:$0x1] =	stream.indirect.gather [hbm4b:s3+s6], $0x20, s11, s6, $0xb8;
	[tilespmem:$0x8400] =	vst v63  }
0x5b: {  	_ = 	snop  }
0x5c: {  	[tilespmem:s14], [sflag:$0x1] =	stream.indirect.gather [hbm4b:s3+s6], $0x20, s13, s6, $0xb8;
	[tilespmem:$0x8400] =	vst v63  }
0x5d: {  	_ = 	snop  }
0x5e: {  	[tilespmem:s16], [sflag:$0x1] =	stream.indirect.gather [hbm4b:s3+s6], $0x20, s15, s6, $0xb8;
	[tilespmem:$0x8400] =	vst v63  }
0x5f: {  	_ =	swait.ge [sflag:s17], $0x1000  }
0x60: {  	[sflag:s17] =	ssyncset.done $0x0  }
0x61: {  	[sflag:s17] =	ssyncadd.s32 $0xFFFFF000  }
0x62: {  	_ =	swait.ge [sflag:s17], $0x1000  }
0x63: {  	[sflag:s17] =	ssyncset.done $0x0  }
0x64: {  	[sflag:s17] =	ssyncadd.s32 $0xFFFFF000  }
0x65: {  	_ =	swait.ge [sflag:s17], $0x1000  }
0x66: {  	[sflag:s17] =	ssyncset.done $0x0  }
0x67: {  	[sflag:s17] =	ssyncadd.s32 $0xFFFFF000  }
0x68: {  	_ =	swait.ge [sflag:s17], $0x1000  }
0x69: {  	[sflag:s17] =	ssyncset.done $0x0  }
0x6a: {  	[sflag:s17] =	ssyncadd.s32 $0xFFFFF000  }
0x6b: {  	_ =	swait.ge [sflag:s17], $0x1000  }
0x6c: {  	[sflag:s17] =	ssyncset.done $0x0  }
0x6d: {  	[sflag:s17] =	ssyncadd.s32 $0xFFFFF000  }
0x6e: {  	_ =	swait.ge [sflag:s17], $0x1000  }
0x6f: {  	[sflag:s17] =	ssyncset.done $0x0  }
0x70: {  	[sflag:s17] =	ssyncadd.s32 $0xFFFFF000  }
0x71: {  	_ =	swait.ge [sflag:s17], $0x1000  }
0x72: {  	[sflag:s17] =	ssyncset.done $0x0  }
0x73: {  	p0 =	sne.s32 s22, $0x4;
	s24 =	smov.u32 s22;
	[sflag:s17] =	ssyncadd.s32 $0xFFFFF000  }
0x74: {  	s21 =	smov.u32 s24;
	s24 =	sshll.u32 s25, $0xD;
	_ =	swait.ge [sflag:s17], $0x1000  }
0x75: {  	s25 =	sshll.u32 s25, $0x1;
	s23 =	sshll.u32 s23, $0xE;
	s31 =	rddreg [dreg:$0x3]  }
0x76: {  	s24 =	sand.u32 $0x2000, s24;
	s25 =	sand.u32 $0x4, s25;
	s23 =	sadd.s32 s31, s23  }
.Ltmp0:
0x77: {  	[sflag:s17] =	ssyncset.done $0x0;
	s23 =	sadd.s32 s24, s23;
	(pc) =	sbr.rel @p0 .LBB2_2-.Ltmp0, $4  }
0x78: {  	[sflag:s17] =	ssyncadd.s32 $0xFFFFF000;
	s23 =	sadd.s32 s25, s23  }
0x79: {  	[hbm4b:s23+s18] =	stream.strided.scatter [tilespmem:s7], [sflag:$0x2], $0x8000, s19, s18, $0x38;
	[tilespmem:$0x8400] =	vst v63  }
0x7a: {  	_ =	swait.ge [sflag:s5], $0x8000  }
0x7b: {  	s22 =	sadd.s32 $0x1, s22;
	s23 =	rddreg [dreg:$0x4];
	[sflag:s5] =	ssyncset.done $0x0  }
0x7c: {  	s21 =	sadd.s32 s21, s23  }
0x7d: {  	s23 =	sand.u32 $0x3, s21  }
0x7e: {  	s22 =	rddreg [dreg:$0x2];
	s24 =	sshrl.u32 s21, $0x2;
	s23 =	sshll.u32 s23, $0x7  }
0x7f: {  	s25 =	sshll.u32 s24, $0x9;
	s22 =	sadd.s32 s22, s23  }
0x80: {  	[sflag:s5] =	ssyncadd.s32 $0xFFFF8000;
	s22 =	sadd.s32 s25, s22  }
0x81: {  	[tilespmem:s2], [sflag:$0x2] =	stream.linear.gather [hbm4b:s22+s2], $0x400, $0x38;
	[tilespmem:$0x8400] =	vst v63  }
0x82: {  	_ =	swait.ge [sflag:s5], $0x400  }
0x83: {  	[sflag:s5] =	ssyncset.done $0x0  }
0x84: {  	s25 =	rddreg [dreg:$0x7];
	[sflag:s5] =	ssyncadd.s32 $0xFFFFFC00  }
0x85: {  	[tilespmem:s7], [sflag:$0x1] =	stream.indirect.gather [hbm4b:s3+s6], $0x20, s2, s6, $0xb8;
	[tilespmem:$0x8400] =	vst v63  }
0x86: {  	s26 =	rddreg [dreg:$0x5]  }
0x87: {  	[tilespmem:s26], [sflag:$0x1] =	stream.indirect.gather [hbm4b:s3+s6], $0x20, s6, s6, $0xb8;
	[tilespmem:$0x8400] =	vst v63  }
0x88: {  	s28 =	rddreg [dreg:$0x6]  }
0x89: {  	[tilespmem:s25], [sflag:$0x1] =	stream.indirect.gather [hbm4b:s3+s6], $0x20, s28, s6, $0xb8;
	[tilespmem:$0x8400] =	vst v63  }
0x8a: {  	s29 =	rddreg [dreg:$0x8]  }
0x8b: {  	[tilespmem:s8], [sflag:$0x1] =	stream.indirect.gather [hbm4b:s3+s6], $0x20, s29, s6, $0xb8;
	[tilespmem:$0x8400] =	vst v63  }
0x8c: {  	_ = 	snop  }
0x8d: {  	[tilespmem:s10], [sflag:$0x1] =	stream.indirect.gather [hbm4b:s3+s6], $0x20, s9, s6, $0xb8;
	[tilespmem:$0x8400] =	vst v63  }
0x8e: {  	_ = 	snop  }
0x8f: {  	[tilespmem:s12], [sflag:$0x1] =	stream.indirect.gather [hbm4b:s3+s6], $0x20, s11, s6, $0xb8;
	[tilespmem:$0x8400] =	vst v63  }
0x90: {  	_ = 	snop  }
0x91: {  	[tilespmem:s14], [sflag:$0x1] =	stream.indirect.gather [hbm4b:s3+s6], $0x20, s13, s6, $0xb8;
	[tilespmem:$0x8400] =	vst v63  }
0x92: {  	_ = 	snop  }
0x93: {  	[tilespmem:s16], [sflag:$0x1] =	stream.indirect.gather [hbm4b:s3+s6], $0x20, s15, s6, $0xb8;
	[tilespmem:$0x8400] =	vst v63  }
0x94: {  	_ =	swait.ge [sflag:s17], $0x1000  }
0x95: {  	[sflag:s17] =	ssyncset.done $0x0  }
0x96: {  	[sflag:s17] =	ssyncadd.s32 $0xFFFFF000  }
0x97: {  	_ =	swait.ge [sflag:s17], $0x1000  }
0x98: {  	[sflag:s17] =	ssyncset.done $0x0  }
0x99: {  	[sflag:s17] =	ssyncadd.s32 $0xFFFFF000  }
0x9a: {  	_ =	swait.ge [sflag:s17], $0x1000  }
0x9b: {  	[sflag:s17] =	ssyncset.done $0x0  }
0x9c: {  	[sflag:s17] =	ssyncadd.s32 $0xFFFFF000  }
0x9d: {  	_ =	swait.ge [sflag:s17], $0x1000  }
0x9e: {  	[sflag:s17] =	ssyncset.done $0x0  }
0x9f: {  	[sflag:s17] =	ssyncadd.s32 $0xFFFFF000  }
0xa0: {  	_ =	swait.ge [sflag:s17], $0x1000  }
0xa1: {  	[sflag:s17] =	ssyncset.done $0x0  }
0xa2: {  	[sflag:s17] =	ssyncadd.s32 $0xFFFFF000  }
0xa3: {  	_ =	swait.ge [sflag:s17], $0x1000  }
0xa4: {  	[sflag:s17] =	ssyncset.done $0x0  }
0xa5: {  	[sflag:s17] =	ssyncadd.s32 $0xFFFFF000  }
0xa6: {  	_ =	swait.ge [sflag:s17], $0x1000  }
0xa7: {  	[sflag:s17] =	ssyncset.done $0x0  }
0xa8: {  	[sflag:s17] =	ssyncadd.s32 $0xFFFFF000  }
0xa9: {  	s20 =	sadd.s32 $0x1, s20;
	s31 =	sshll.u32 s21, $0xD;
	_ =	swait.ge [sflag:s17], $0x1000  }
0xaa: {  	s21 =	sshll.u32 s21, $0x1;
	s24 =	sshll.u32 s24, $0xE;
	s30 =	rddreg [dreg:$0x3]  }
0xab: {  	p0 =	sne.s32 s20, s4;
	s23 =	sand.u32 $0x2000, s31;
	s22 =	sadd.s32 s30, s24  }
0xac: {  	s21 =	sand.u32 $0x4, s21;
	[sflag:s17] =	ssyncset.done $0x0;
	s22 =	sadd.s32 s23, s22  }
.Ltmp1:
0xad: {  	[sflag:s17] =	ssyncadd.s32 $0xFFFFF000;
	s21 =	sadd.s32 s21, s22;
	(pc) =	sbr.rel @p0 .LBB2_1-.Ltmp1, $4  }
0xae: {  	[hbm4b:s21+s18] =	stream.strided.scatter [tilespmem:s7], [sflag:$0x2], $0x8000, s19, s18, $0x38;
	[tilespmem:$0x8400] =	vst v63  }
0xaf: {  	_ =	swait.ge [sflag:s5], $0x8000  }
0xb0: {  	[sflag:s5] =	ssyncset.done $0x0  }
0xb1: {  	[sflag:s5] =	ssyncadd.s32 $0xFFFF8000  }
0xb2: {  	_ =	sfence.sel $0x180000  }
0xb3: {  	[bflag:$0x0] =	sbarrier.arrive $0xFFFF  }
0xb4: {  	p0 =	sne.s32 s1, $0x0;
	_ =	strace $0x9000004D  }
0xb5: {  	s0 =	sadd.s32 @!p0 $0x100000, s0;
	[bflag:$0x2] =	sbarrier.arrive $0xFFFF  }
0xb6: {  	[sflag:s0] =	ssyncadd.tile.s32 @!p0 $0x1;
	_ =	shalt  }
.Lfunc_end2:
_tile_overlayer_lowered:
.L_overlay_start_2:
0xb7: {  	(tag) =	ssettag $0x2  }
0xb8: {  	s0 =	rddreg [dreg:$0x0];
	s2 =	stileid.u32  }
0xb9: {  	s1 =	rddreg [dreg:$0x1];
	p0 =	sne.s32 s2, $0x0  }
0xba: {  	s3 =	rddreg [dreg:$0x2];
	[bflag:$0x3] =	sbarrier.arrive $0xFFFF;
	s2 =	simm.s32 @!p0 $0x1C02  }
0xbb: {  	[timem:s3], [sflag:s2] =	dma.local @!p0 [hbm:s0], s1  }
0xbc: {  	s0 =	simm.s32 @!p0 $0x2  }
0xbd: {  	_ =	swait.ge @!p0 [sflag:s0], s1  }
0xbe: {  	s1 =	ssub.s32 @!p0 $0x0, s1;
	[sflag:s0] =	ssyncset.done @!p0 $0x0  }
0xbf: {  	[sflag:s0] =	ssyncadd.s32 @!p0 s1  }
0xc0: {  	[bflag:$0x3] =	sbarrier.arrive $0xFFFF  }
0xc1: {  	_ =	shalt  }

// kernel: kernel.25.cloned.1.call-start
scs
__scs_entry_jumppad:
0x0: {  	(pc) =	sbr.rel $0x88, $3  }
0x1: {  	(tag) =	ssettag $0x0;
	lr =	simm.s32 $0x1  }
0x2: {  	[smem:$0x3F9D] =	sst lr;
	_ =	strace $0xD0000000  }
0x3: {  	_ = 	snop  }
0x4: {  	_ = 	snop  }
0x5: {  	_ = 	snop  }
0x6: {  	_ = 	snop  }
0x7: {  	_ = 	snop  }
__scs_overlays_trampoline_lowered:
0x8: {  	[smem:$0x3FAC] =	sst s0  }
0x9: {  	[smem:$0x3FAD] =	sst s1  }
0xa: {  	[smem:$0x3FAE] =	sst s2  }
0xb: {  	[smem:$0x3FAF] =	sst s3  }
0xc: {  	[smem:$0x3FB0] =	sst s4  }
0xd: {  	[smem:$0x3FB1] =	sst s5  }
0xe: {  	[smem:$0x3FB2] =	sst s6  }
0xf: {  	[smem:$0x3FB3] =	sst s7  }
0x10: {  	[smem:$0x3FB4] =	sst s8  }
0x11: {  	[smem:$0x3FB5] =	sst s9;
	s0 =	simm.s32 @!p0 $0x0  }
0x12: {  	s1 =	sld [smem:$0x3F9B];
	s0 =	simm.s32 @p0 $0x1  }
0x13: {  	[smem:$0x3FB6] =	sst s0;
	s0 =	simm.s32 @!p1 $0x0  }
0x14: {  	s2 =	sld [smem:$0x3F9A];
	s0 =	simm.s32 @p1 $0x1  }
0x15: {  	[smem:$0x3FB7] =	sst s0;
	s0 =	simm.s32 @!p2 $0x0  }
0x16: {  	s3 =	sld [smem:$0x3FDB];
	s0 =	simm.s32 @p2 $0x1  }
0x17: {  	s4 =	simm.s32 $0x1BF5;
	[smem:$0x3FB9] =	sst s0  }
0x18: {  	s0 =	sld [smem:$0x3F9C];
	_ =	swait.ge [sflag:s4], $0x0  }
0x19: {  	s7 =	sld [smem:$0x3F9D]  }
0x1a: {  	s8 =	sadd.s32 $0xFFFFE003, lr  }
0x1b: {  	s9 =	sadd.s32 $0xFFFFFEF7, lr;
	s5 =	simm.s32 $0xFFFFFFFF;
	p2 =	slt.u32 s8, $0xFFFFF086  }
0x1c: {  	p1 =	slt.u32 s9, $0xF7A;
	s5 =	simm.s32 @!p2 $0x0  }
0x1d: {  	s5 =	simm.s32 @p1 $0x1;
	p0 =	seq.s32 s7, s2  }
0x1e: {  	s7 =	smul.u32 @!p0 $0xF7A, s2;
	p2 =	seq.s32 @!p0 s5, $0x0  }
0x1f: {  	s9 =	smul.u32 $0xF7A, s1;
	s8 =	simm.s32 @!p0 $0x1BF5;
	p2 =	por !p2, p0  }
0x20: {  	[sflag:s8] =	ssyncset.s32 @!p0 $0xFFFFF086;
	s6 =	sadd.s32 @!p0 s3, s7;
	s7 =	simm.s32 @!p0 $0x108  }
0x21: {  	s3 =	sadd.s32 s3, s9;
	s6 =	sadd.s32 @!p0 $0x88, s6;
	s7 =	simm.s32 @p2 $0x1082  }
0x22: {  	[simem:s7], [sflag:s8] =	dma.local @!p0 [hbm:s6], $0xF7A  }
0x23: {  	s9 =	sor.u32 $0xD0000000, s2;
	s6 =	simm.s32 $0x108;
	_ =	swait.ge @!p0 [sflag:s8], $0x0  }
0x24: {  	s3 =	sadd.s32 $0x88, s3;
	s6 =	simm.s32 @!p1 $0x1082;
	[sflag:s4] =	ssyncset.s32 $0xFFFFF086  }
0x25: {  	[simem:s6], [sflag:s4] =	dma.local [hbm:s3], $0xF7A  }
0x26: {  	[smem:$0x3F9D] =	sst s1;
	(tag) =	ssettag s2;
	_ =	strace s9  }
0x27: {  	s1 =	sld [smem:$0x3FAD]  }
0x28: {  	s2 =	sld [smem:$0x3FAE]  }
0x29: {  	s4 =	sld [smem:$0x3FB0]  }
0x2a: {  	p0 =	seq.s32 s5, $0x0;
	s5 =	sld [smem:$0x3FB1]  }
0x2b: {  	s6 =	sld [smem:$0x3FB2]  }
0x2c: {  	s7 =	sld [smem:$0x3FB3]  }
0x2d: {  	s3 =	simm.s32 $0x108;
	s8 =	sld [smem:$0x3FB4]  }
0x2e: {  	s3 =	simm.s32 @!p0 $0x1082;
	s9 =	sld [smem:$0x3FB5]  }
0x2f: {  	lr =	sadd.s32 s0, s3;
	s0 =	sld [smem:$0x3FAC]  }
0x30: {  	s3 =	sld [smem:$0x3FAF]  }
0x31: {  	[smem:$0x3FB8] =	sst s10  }
0x32: {  	s10 =	sld [smem:$0x3FB6];
	_ =	sdelay $0x3  }
0x33: {  	p0 =	seq.s32 s10, $0x1;
	s10 =	sld [smem:$0x3FB8];
	_ =	sdelay $0x3  }
0x34: {  	[smem:$0x3FB8] =	sst s10  }
0x35: {  	s10 =	sld [smem:$0x3FB7];
	_ =	sdelay $0x3  }
0x36: {  	p1 =	seq.s32 s10, $0x1;
	s10 =	sld [smem:$0x3FB8];
	_ =	sdelay $0x3  }
0x37: {  	[smem:$0x3FB8] =	sst s10  }
0x38: {  	s10 =	sld [smem:$0x3FB9]  }
0x39: {  	_ = 	snop;
	(pc) =	sbr.ind lr, $3  }
0x3a: {  	_ = 	snop  }
0x3b: {  	_ = 	snop  }
0x3c: {  	p2 =	seq.s32 s10, $0x1;
	s10 =	sld [smem:$0x3FB8]  }
0x3d: {  	_ =	shalt  }
0x3e: {  	_ =	shalt  }
0x3f: {  	_ =	shalt  }
0x40: {  	_ =	shalt  }
0x41: {  	_ =	shalt  }
0x42: {  	_ =	shalt  }
0x43: {  	_ =	shalt  }
0x44: {  	_ =	shalt  }
0x45: {  	_ =	shalt  }
0x46: {  	_ =	shalt  }
0x47: {  	_ =	shalt  }
0x48: {  	_ =	shalt  }
0x49: {  	_ =	shalt  }
0x4a: {  	_ =	shalt  }
0x4b: {  	_ =	shalt  }
0x4c: {  	_ =	shalt  }
0x4d: {  	_ =	shalt  }
0x4e: {  	_ =	shalt  }
0x4f: {  	_ =	shalt  }
0x50: {  	_ =	shalt  }
0x51: {  	_ =	shalt  }
0x52: {  	_ =	shalt  }
0x53: {  	_ =	shalt  }
0x54: {  	_ =	shalt  }
0x55: {  	_ =	shalt  }
0x56: {  	_ =	shalt  }
0x57: {  	_ =	shalt  }
0x58: {  	_ =	shalt  }
0x59: {  	_ =	shalt  }
0x5a: {  	_ =	shalt  }
0x5b: {  	_ =	shalt  }
0x5c: {  	_ =	shalt  }
0x5d: {  	_ =	shalt  }
0x5e: {  	_ =	shalt  }
0x5f: {  	_ =	shalt  }
0x60: {  	_ =	shalt  }
0x61: {  	_ =	shalt  }
0x62: {  	_ =	shalt  }
0x63: {  	_ =	shalt  }
0x64: {  	_ =	shalt  }
0x65: {  	_ =	shalt  }
0x66: {  	_ =	shalt  }
0x67: {  	_ =	shalt  }
0x68: {  	_ =	shalt  }
0x69: {  	_ =	shalt  }
0x6a: {  	_ =	shalt  }
0x6b: {  	_ =	shalt  }
0x6c: {  	_ =	shalt  }
0x6d: {  	_ =	shalt  }
0x6e: {  	_ =	shalt  }
0x6f: {  	_ =	shalt  }
0x70: {  	_ =	shalt  }
0x71: {  	_ =	shalt  }
0x72: {  	_ =	shalt  }
0x73: {  	_ =	shalt  }
0x74: {  	_ =	shalt  }
0x75: {  	_ =	shalt  }
0x76: {  	_ =	shalt  }
0x77: {  	_ =	shalt  }
0x78: {  	_ =	shalt  }
0x79: {  	_ =	shalt  }
0x7a: {  	_ =	shalt  }
0x7b: {  	_ =	shalt  }
0x7c: {  	_ =	shalt  }
0x7d: {  	_ =	shalt  }
0x7e: {  	_ =	shalt  }
0x7f: {  	_ =	shalt  }
0x80: {  	_ =	shalt  }
0x81: {  	_ =	shalt  }
0x82: {  	_ =	shalt  }
0x83: {  	_ =	shalt  }
0x84: {  	_ =	shalt  }
0x85: {  	_ =	shalt  }
0x86: {  	_ =	shalt  }
0x87: {  	_ =	shalt  }
.Lfunc_end0:
.L_simem_size_0:
called_computation.5_lowered:
.L_overlay_start_0:
0x88: {  	s2 =	sld [smem:$0x3FD9]  }
0x89: {  	s3 =	sld [smem:$0x3FFE];
	_ =	sdelay $0x1  }
0x8a: {  	s1 =	srdreg.scid  }
0x8b: {  	s0 =	sand.u32 $0x1, s1  }
0x8c: {  	s16 =	sshll.u32 s0, $0xA;
	s2 =	sadd.s32 s3, s2  }
0x8d: {  	s2 =	sadd.s32 s2, s16  }
0x8e: {  	[smem:$0x3FC4] =	sst s2  }
0x8f: {  	_ = 	snop  }
0x90: {  	(tm) =	ssettm $0x1  }
0x91: {  	s17 =	sld [smem:$0x3FFB];
	_ =	sdelay $0x3  }
0x92: {  	_ =	strace s17  }
0x93: {  	s2 =	sld [smem:$0x3FFC];
	_ =	sdelay $0x3  }
0x94: {  	_ =	strace s2  }
0x95: {  	s2 =	sld [smem:$0x3FFD];
	_ =	sdelay $0x3  }
0x96: {  	_ =	strace s2  }
0x97: {  	_ =	strace $0x8FFFFFFF  }
0x98: {  	s18 =	sld [smem:$0x3FDB];
	_ =	sdelay $0x1  }
0x99: {  	s19 =	simm.s32 $_scs_section_size  }
0x9a: {  	s4 =	simm.s32 $_size__tile_overlayer_lowered;
	s5 =	simm.s32 $_tile_overlayer_lowered  }
0x9b: {  	s22 =	simm.s32 $0x1BFF;
	s21 =	sshll.u32 s5, $0x1;
	s2 =	sadd.s32 s19, s18  }
0x9c: {  	s6 =	simm.s32 $0x0;
	s20 =	sshll.u32 s4, $0x1;
	s4 =	sadd.s32 s21, s2  }
0x9d: {  	[timem:s6], [sflag:s22] =	dma.local [hbm:s4], s20  }
0x9e: {  	_ =	swait.ge [sflag:s22], s20  }
0x9f: {  	s3 =	ssub.s32 $0x0, s20;
	[sflag:s22] =	ssyncset.done $0x0  }
0xa0: {  	[sflag:s22] =	ssyncadd.s32 s3;
	_ =	sdelay $0x1  }
0xa1: {  	s23 =	simm.s32 $0x1B8B  }
0xa2: {  	_ =	swait.ge [sflag:s23], $0x1  }
0xa3: {  	[sflag:s23] =	ssyncset.done $0x0  }
0xa4: {  	s25 =	simm.s32 $0x1B8E;
	s24 =	sld [smem:$0x3FFE];
	[sflag:s23] =	ssyncadd.s32 $0xFFFFFFFF  }
0xa5: {  	s26 =	simm.s32 $execute0_lowered;
	[smem:$0x3FD2] =	sst s25  }
0xa6: {  	s4 =	sshll.u32 s26, $0x1;
	_ =	strace $0x80000049;
	[dreg:$0x1] =	wrdreg $0xFFFFFFFF  }
0xa7: {  	s28 =	simm.s32 $_size_execute0_lowered;
	s2 =	sadd.s32 s2, s4;
	[dreg:$0x0] =	wrdreg $0x0  }
0xa8: {  	s4 =	sshll.u32 s28, $0x1;
	[dreg:$0x2] =	wrdreg s2  }
0xa9: {  	[dreg:$0x3] =	wrdreg s4  }
0xaa: {  	[dreg:$0x4] =	wrdreg $0xC0  }
0xab: {  	_ =	task [dreg:s6], $0x5FFFF  }
0xac: {  	[dreg:$0x1] =	wrdreg $0xFFFFFFFF  }
0xad: {  	[dreg:$0x0] =	wrdreg $0x60  }
0xae: {  	[dreg:$0x2] =	wrdreg s24  }
0xaf: {  	[dreg:$0x3] =	wrdreg $0xD  }
0xb0: {  	_ =	task.clear_ibuf [dreg:s6], $0x4FFFF;
	_ =	strace $0x90000049  }
0xb1: {  	s29 =	simm.s32 $0xD;
	_ =	strace $0x8000004B  }
0xb2: {  	_ =	swait.ge [sflag:s29], $0x1  }
0xb3: {  	[sflag:s29] =	ssyncadd.s32 $0xFFFFFFFF  }
0xb4: {  	_ =	strace $0x9000004B  }
0xb5: {  	_ =	sfence  }
0xb6: {  	s30 =	sld [smem:$0x0];
	_ =	sdelay $0x2  }
0xb7: {  	s31 =	sshll.u32 s1, $0xD;
	s1 =	sshrl.u32 s1, $0x2  }
0xb8: {  	s3 =	sand.u32 $0x4000, s31;
	s1 =	sadd.s32 s1, s30  }
0xb9: {  	s0 =	sor.u32 s3, s0;
	s1 =	sshll.u32 s1, $0x11  }
0xba: {  	s0 =	sor.u32 s1, s0  }
0xbb: {  	s0 =	sadd.s32 $0x8F2B, s0  }
0xbc: {  	[sflag:s0] =	ssyncadd.remote.s32 $0x1  }
0xbd: {  	_ =	sfence.sel $0xFFFF  }
0xbe: {  	[dreg:$0x0] =	wrdreg $0xFFFFFFFF;
	(pc) =	sbr.abs _section_cstart, $3  }
0xbf: {  	[dreg:$0x1] =	wrdreg $0xFFFFFFFF  }
0xc0: {  	_ =	task.clear_ibuf [dreg:s6], $0x2FFFF;
	_ =	strace $0x9FFFFFFF  }
0xc1: {  	(tm) =	ssettm $0x7FFFFFFF  }
tec
execute0_lowered:
.L_overlay_start_1:
0x0: {  	(tag) =	ssettag $0x1  }
0x1: {  	s4 =	rddreg [dreg:$0x0]  }
0x2: {  	s0 =	rddreg [dreg:$0x1];
	s2 =	simm.s32 $0x0  }
0x3: {  	s3 =	srdreg.scid;
	s1 =	stileid.u32;
	s28 =	simm.s32 $0x1400  }
0x4: {  	s29 =	simm.s32 $0x100;
	s30 =	simm.s32 $0x2400;
	s31 =	simm.s32 $0x180  }
0x5: {  	s9 =	simm.s32 $0x200;
	s10 =	simm.s32 $0x4400;
	s11 =	simm.s32 $0x280  }
0x6: {  	s12 =	simm.s32 $0x5400;
	s13 =	simm.s32 $0x300;
	s14 =	simm.s32 $0x6400  }
0x7: {  	s15 =	simm.s32 $0x380;
	s16 =	simm.s32 $0x7400;
	[smem:$0x7FF] =	sst s2  }
0x8: {  	s5 =	sand.u32 $0x1, s3;
	s3 =	sadd.s32 $0x2A00, s4;
	s7 =	sadd.s32 $0x3E9A00, s4  }
0x9: {  	s4 =	sadd.s32 $0x3EEA00, s4;
	_ =	strace $0x8000004A;
	[dreg:$0x2] =	wrdreg s7  }
0xa: {  	s17 =	simm.s32 $0x1;
	s18 =	simm.s32 $0x20;
	[dreg:$0x3] =	wrdreg s4  }
0xb: {  	s19 =	simm.s32 $0x40;
	s6 =	smul.u32 $0xA, s1;
	[dreg:$0x5] =	wrdreg s28  }
0xc: {  	s20 =	simm.s32 $0x0;
	s8 =	smul.u32 $0x5, s5;
	[dreg:$0x6] =	wrdreg s29  }
0xd: {  	s5 =	ssub.s32 $0x2, s5;
	[dreg:$0x7] =	wrdreg s30;
	s7 =	simm.s32 $0x400  }
0xe: {  	[dreg:$0x8] =	wrdreg s31;
	s26 =	sshrl.u32 s5, $0x1;
	s6 =	sadd.s32 s8, s6  }
0xf: {  	s4 =	ssub.s32 s5, s26;
	s5 =	simm.s32 $0x2;
	s8 =	simm.s32 $0x3400  }
0x10: {  	[dreg:$0x4] =	wrdreg s6;
	s4 =	smax.u32 s4, $0x1;
	s6 =	simm.s32 $0x80  }
.LBB2_1:
0x11: {  	s21 =	rddreg [dreg:$0x4]  }
0x12: {  	s21 =	sadd.s32 $0x0, s21  }
0x13: {  	s23 =	sand.u32 $0x3, s21  }
0x14: {  	s22 =	rddreg [dreg:$0x2];
	s24 =	sshrl.u32 s21, $0x2;
	s23 =	sshll.u32 s23, $0x7  }
0x15: {  	s25 =	sshll.u32 s24, $0x9;
	s22 =	sadd.s32 s22, s23  }
0x16: {  	s22 =	sadd.s32 s25, s22  }
0x17: {  	[tilespmem:s2], [sflag:$0x2] =	stream.linear.gather [hbm4b:s22+s2], $0x400, $0x38;
	[tilespmem:$0x8400] =	vst v63  }
0x18: {  	_ =	swait.ge [sflag:s5], $0x400  }
0x19: {  	[sflag:s5] =	ssyncset.done $0x0  }
0x1a: {  	s25 =	rddreg [dreg:$0x7];
	[sflag:s5] =	ssyncadd.s32 $0xFFFFFC00  }
0x1b: {  	[tilespmem:s7], [sflag:$0x1] =	stream.indirect.gather [hbm4b:s3+s6], $0x20, s2, s6, $0xb8;
	[tilespmem:$0x8400] =	vst v63  }
0x1c: {  	s26 =	rddreg [dreg:$0x5]  }
0x1d: {  	[tilespmem:s26], [sflag:$0x1] =	stream.indirect.gather [hbm4b:s3+s6], $0x20, s6, s6, $0xb8;
	[tilespmem:$0x8400] =	vst v63  }
0x1e: {  	s28 =	rddreg [dreg:$0x6]  }
0x1f: {  	[tilespmem:s25], [sflag:$0x1] =	stream.indirect.gather [hbm4b:s3+s6], $0x20, s28, s6, $0xb8;
	[tilespmem:$0x8400] =	vst v63  }
0x20: {  	s29 =	rddreg [dreg:$0x8]  }
0x21: {  	[tilespmem:s8], [sflag:$0x1] =	stream.indirect.gather [hbm4b:s3+s6], $0x20, s29, s6, $0xb8;
	[tilespmem:$0x8400] =	vst v63  }
0x22: {  	_ = 	snop  }
0x23: {  	[tilespmem:s10], [sflag:$0x1] =	stream.indirect.gather [hbm4b:s3+s6], $0x20, s9, s6, $0xb8;
	[tilespmem:$0x8400] =	vst v63  }
0x24: {  	_ = 	snop  }
0x25: {  	[tilespmem:s12], [sflag:$0x1] =	stream.indirect.gather [hbm4b:s3+s6], $0x20, s11, s6, $0xb8;
	[tilespmem:$0x8400] =	vst v63  }
0x26: {  	_ = 	snop  }
0x27: {  	[tilespmem:s14], [sflag:$0x1] =	stream.indirect.gather [hbm4b:s3+s6], $0x20, s13, s6, $0xb8;
	[tilespmem:$0x8400] =	vst v63  }
0x28: {  	_ = 	snop  }
0x29: {  	[tilespmem:s16], [sflag:$0x1] =	stream.indirect.gather [hbm4b:s3+s6], $0x20, s15, s6, $0xb8;
	[tilespmem:$0x8400] =	vst v63  }
0x2a: {  	_ =	swait.ge [sflag:s17], $0x1000  }
0x2b: {  	[sflag:s17] =	ssyncset.done $0x0  }
0x2c: {  	[sflag:s17] =	ssyncadd.s32 $0xFFFFF000  }
0x2d: {  	_ =	swait.ge [sflag:s17], $0x1000  }
0x2e: {  	[sflag:s17] =	ssyncset.done $0x0  }
0x2f: {  	[sflag:s17] =	ssyncadd.s32 $0xFFFFF000  }
0x30: {  	_ =	swait.ge [sflag:s17], $0x1000  }
0x31: {  	[sflag:s17] =	ssyncset.done $0x0  }
0x32: {  	[sflag:s17] =	ssyncadd.s32 $0xFFFFF000  }
0x33: {  	_ =	swait.ge [sflag:s17], $0x1000  }
0x34: {  	[sflag:s17] =	ssyncset.done $0x0  }
0x35: {  	[sflag:s17] =	ssyncadd.s32 $0xFFFFF000  }
0x36: {  	_ =	swait.ge [sflag:s17], $0x1000  }
0x37: {  	[sflag:s17] =	ssyncset.done $0x0  }
0x38: {  	[sflag:s17] =	ssyncadd.s32 $0xFFFFF000  }
0x39: {  	_ =	swait.ge [sflag:s17], $0x1000  }
0x3a: {  	[sflag:s17] =	ssyncset.done $0x0  }
0x3b: {  	[sflag:s17] =	ssyncadd.s32 $0xFFFFF000  }
0x3c: {  	_ =	swait.ge [sflag:s17], $0x1000  }
0x3d: {  	[sflag:s17] =	ssyncset.done $0x0  }
0x3e: {  	[sflag:s17] =	ssyncadd.s32 $0xFFFFF000  }
0x3f: {  	_ =	swait.ge [sflag:s17], $0x1000  }
0x40: {  	s31 =	sshll.u32 s21, $0xD;
	s24 =	sshll.u32 s24, $0xE;
	s30 =	rddreg [dreg:$0x3]  }
0x41: {  	s21 =	sshll.u32 s21, $0x1;
	s23 =	sand.u32 $0x2000, s31;
	s22 =	sadd.s32 s30, s24  }
0x42: {  	s21 =	sand.u32 $0x4, s21;
	[sflag:s17] =	ssyncset.done $0x0;
	s22 =	sadd.s32 s23, s22  }
0x43: {  	[sflag:s17] =	ssyncadd.s32 $0xFFFFF000;
	s21 =	sadd.s32 s21, s22  }
0x44: {  	[hbm4b:s21+s18] =	stream.strided.scatter [tilespmem:s7], [sflag:$0x2], $0x8000, s19, s18, $0x38;
	[tilespmem:$0x8400] =	vst v63  }
0x45: {  	s22 =	simm.s32 $0x2;
	_ =	swait.ge [sflag:s5], $0x8000  }
0x46: {  	s21 =	simm.s32 $0x1;
	s23 =	rddreg [dreg:$0x4];
	[sflag:s5] =	ssyncset.done $0x0  }
.LBB2_2:
0x47: {  	s25 =	sadd.s32 s21, s23  }
0x48: {  	s28 =	sand.u32 $0x3, s25  }
0x49: {  	s26 =	rddreg [dreg:$0x2];
	s23 =	sshrl.u32 s25, $0x2;
	s28 =	sshll.u32 s28, $0x7  }
0x4a: {  	s29 =	sshll.u32 s23, $0x9;
	s26 =	sadd.s32 s26, s28  }
0x4b: {  	[sflag:s5] =	ssyncadd.s32 $0xFFFF8000;
	s26 =	sadd.s32 s29, s26  }
0x4c: {  	[tilespmem:s2], [sflag:$0x2] =	stream.linear.gather [hbm4b:s26+s2], $0x400, $0x38;
	[tilespmem:$0x8400] =	vst v63  }
0x4d: {  	_ =	swait.ge [sflag:s5], $0x400  }
0x4e: {  	[sflag:s5] =	ssyncset.done $0x0  }
0x4f: {  	s26 =	rddreg [dreg:$0x7];
	[sflag:s5] =	ssyncadd.s32 $0xFFFFFC00  }
0x50: {  	[tilespmem:s7], [sflag:$0x1] =	stream.indirect.gather [hbm4b:s3+s6], $0x20, s2, s6, $0xb8;
	[tilespmem:$0x8400] =	vst v63  }
0x51: {  	s30 =	rddreg [dreg:$0x5]  }
0x52: {  	[tilespmem:s30], [sflag:$0x1] =	stream.indirect.gather [hbm4b:s3+s6], $0x20, s6, s6, $0xb8;
	[tilespmem:$0x8400] =	vst v63  }
0x53: {  	s31 =	rddreg [dreg:$0x6]  }
0x54: {  	[tilespmem:s26], [sflag:$0x1] =	stream.indirect.gather [hbm4b:s3+s6], $0x20, s31, s6, $0xb8;
	[tilespmem:$0x8400] =	vst v63  }
0x55: {  	s30 =	rddreg [dreg:$0x8]  }
0x56: {  	[tilespmem:s8], [sflag:$0x1] =	stream.indirect.gather [hbm4b:s3+s6], $0x20, s30, s6, $0xb8;
	[tilespmem:$0x8400] =	vst v63  }
0x57: {  	_ = 	snop  }
0x58: {  	[tilespmem:s10], [sflag:$0x1] =	stream.indirect.gather [hbm4b:s3+s6], $0x20, s9, s6, $0xb8;
	[tilespmem:$0x8400] =	vst v63  }
0x59: {  	_ = 	snop  }
0x5a: {  	[tilespmem:s12], [sflag:$0x1] =	stream.indirect.gather [hbm4b:s3+s6], $0x20, s11, s6, $0xb8;
	[tilespmem:$0x8400] =	vst v63  }
0x5b: {  	_ = 	snop  }
0x5c: {  	[tilespmem:s14], [sflag:$0x1] =	stream.indirect.gather [hbm4b:s3+s6], $0x20, s13, s6, $0xb8;
	[tilespmem:$0x8400] =	vst v63  }
0x5d: {  	_ = 	snop  }
0x5e: {  	[tilespmem:s16], [sflag:$0x1] =	stream.indirect.gather [hbm4b:s3+s6], $0x20, s15, s6, $0xb8;
	[tilespmem:$0x8400] =	vst v63  }
0x5f: {  	_ =	swait.ge [sflag:s17], $0x1000  }
0x60: {  	[sflag:s17] =	ssyncset.done $0x0  }
0x61: {  	[sflag:s17] =	ssyncadd.s32 $0xFFFFF000  }
0x62: {  	_ =	swait.ge [sflag:s17], $0x1000  }
0x63: {  	[sflag:s17] =	ssyncset.done $0x0  }
0x64: {  	[sflag:s17] =	ssyncadd.s32 $0xFFFFF000  }
0x65: {  	_ =	swait.ge [sflag:s17], $0x1000  }
0x66: {  	[sflag:s17] =	ssyncset.done $0x0  }
0x67: {  	[sflag:s17] =	ssyncadd.s32 $0xFFFFF000  }
0x68: {  	_ =	swait.ge [sflag:s17], $0x1000  }
0x69: {  	[sflag:s17] =	ssyncset.done $0x0  }
0x6a: {  	[sflag:s17] =	ssyncadd.s32 $0xFFFFF000  }
0x6b: {  	_ =	swait.ge [sflag:s17], $0x1000  }
0x6c: {  	[sflag:s17] =	ssyncset.done $0x0  }
0x6d: {  	[sflag:s17] =	ssyncadd.s32 $0xFFFFF000  }
0x6e: {  	_ =	swait.ge [sflag:s17], $0x1000  }
0x6f: {  	[sflag:s17] =	ssyncset.done $0x0  }
0x70: {  	[sflag:s17] =	ssyncadd.s32 $0xFFFFF000  }
0x71: {  	_ =	swait.ge [sflag:s17], $0x1000  }
0x72: {  	[sflag:s17] =	ssyncset.done $0x0  }
0x73: {  	p0 =	sne.s32 s22, $0x4;
	s24 =	smov.u32 s22;
	[sflag:s17] =	ssyncadd.s32 $0xFFFFF000  }
0x74: {  	s21 =	smov.u32 s24;
	s24 =	sshll.u32 s25, $0xD;
	_ =	swait.ge [sflag:s17], $0x1000  }
0x75: {  	s25 =	sshll.u32 s25, $0x1;
	s23 =	sshll.u32 s23, $0xE;
	s31 =	rddreg [dreg:$0x3]  }
0x76: {  	s24 =	sand.u32 $0x2000, s24;
	s25 =	sand.u32 $0x4, s25;
	s23 =	sadd.s32 s31, s23  }
.Ltmp0:
0x77: {  	[sflag:s17] =	ssyncset.done $0x0;
	s23 =	sadd.s32 s24, s23;
	(pc) =	sbr.rel @p0 .LBB2_2-.Ltmp0, $4  }
0x78: {  	[sflag:s17] =	ssyncadd.s32 $0xFFFFF000;
	s23 =	sadd.s32 s25, s23  }
0x79: {  	[hbm4b:s23+s18] =	stream.strided.scatter [tilespmem:s7], [sflag:$0x2], $0x8000, s19, s18, $0x38;
	[tilespmem:$0x8400] =	vst v63  }
0x7a: {  	_ =	swait.ge [sflag:s5], $0x8000  }
0x7b: {  	s22 =	sadd.s32 $0x1, s22;
	s23 =	rddreg [dreg:$0x4];
	[sflag:s5] =	ssyncset.done $0x0  }
0x7c: {  	s21 =	sadd.s32 s21, s23  }
0x7d: {  	s23 =	sand.u32 $0x3, s21  }
0x7e: {  	s22 =	rddreg [dreg:$0x2];
	s24 =	sshrl.u32 s21, $0x2;
	s23 =	sshll.u32 s23, $0x7  }
0x7f: {  	s25 =	sshll.u32 s24, $0x9;
	s22 =	sadd.s32 s22, s23  }
0x80: {  	[sflag:s5] =	ssyncadd.s32 $0xFFFF8000;
	s22 =	sadd.s32 s25, s22  }
0x81: {  	[tilespmem:s2], [sflag:$0x2] =	stream.linear.gather [hbm4b:s22+s2], $0x400, $0x38;
	[tilespmem:$0x8400] =	vst v63  }
0x82: {  	_ =	swait.ge [sflag:s5], $0x400  }
0x83: {  	[sflag:s5] =	ssyncset.done $0x0  }
0x84: {  	s25 =	rddreg [dreg:$0x7];
	[sflag:s5] =	ssyncadd.s32 $0xFFFFFC00  }
0x85: {  	[tilespmem:s7], [sflag:$0x1] =	stream.indirect.gather [hbm4b:s3+s6], $0x20, s2, s6, $0xb8;
	[tilespmem:$0x8400] =	vst v63  }
0x86: {  	s26 =	rddreg [dreg:$0x5]  }
0x87: {  	[tilespmem:s26], [sflag:$0x1] =	stream.indirect.gather [hbm4b:s3+s6], $0x20, s6, s6, $0xb8;
	[tilespmem:$0x8400] =	vst v63  }
0x88: {  	s28 =	rddreg [dreg:$0x6]  }
0x89: {  	[tilespmem:s25], [sflag:$0x1] =	stream.indirect.gather [hbm4b:s3+s6], $0x20, s28, s6, $0xb8;
	[tilespmem:$0x8400] =	vst v63  }
0x8a: {  	s29 =	rddreg [dreg:$0x8]  }
0x8b: {  	[tilespmem:s8], [sflag:$0x1] =	stream.indirect.gather [hbm4b:s3+s6], $0x20, s29, s6, $0xb8;
	[tilespmem:$0x8400] =	vst v63  }
0x8c: {  	_ = 	snop  }
0x8d: {  	[tilespmem:s10], [sflag:$0x1] =	stream.indirect.gather [hbm4b:s3+s6], $0x20, s9, s6, $0xb8;
	[tilespmem:$0x8400] =	vst v63  }
0x8e: {  	_ = 	snop  }
0x8f: {  	[tilespmem:s12], [sflag:$0x1] =	stream.indirect.gather [hbm4b:s3+s6], $0x20, s11, s6, $0xb8;
	[tilespmem:$0x8400] =	vst v63  }
0x90: {  	_ = 	snop  }
0x91: {  	[tilespmem:s14], [sflag:$0x1] =	stream.indirect.gather [hbm4b:s3+s6], $0x20, s13, s6, $0xb8;
	[tilespmem:$0x8400] =	vst v63  }
0x92: {  	_ = 	snop  }
0x93: {  	[tilespmem:s16], [sflag:$0x1] =	stream.indirect.gather [hbm4b:s3+s6], $0x20, s15, s6, $0xb8;
	[tilespmem:$0x8400] =	vst v63  }
0x94: {  	_ =	swait.ge [sflag:s17], $0x1000  }
0x95: {  	[sflag:s17] =	ssyncset.done $0x0  }
0x96: {  	[sflag:s17] =	ssyncadd.s32 $0xFFFFF000  }
0x97: {  	_ =	swait.ge [sflag:s17], $0x1000  }
0x98: {  	[sflag:s17] =	ssyncset.done $0x0  }
0x99: {  	[sflag:s17] =	ssyncadd.s32 $0xFFFFF000  }
0x9a: {  	_ =	swait.ge [sflag:s17], $0x1000  }
0x9b: {  	[sflag:s17] =	ssyncset.done $0x0  }
0x9c: {  	[sflag:s17] =	ssyncadd.s32 $0xFFFFF000  }
0x9d: {  	_ =	swait.ge [sflag:s17], $0x1000  }
0x9e: {  	[sflag:s17] =	ssyncset.done $0x0  }
0x9f: {  	[sflag:s17] =	ssyncadd.s32 $0xFFFFF000  }
0xa0: {  	_ =	swait.ge [sflag:s17], $0x1000  }
0xa1: {  	[sflag:s17] =	ssyncset.done $0x0  }
0xa2: {  	[sflag:s17] =	ssyncadd.s32 $0xFFFFF000  }
0xa3: {  	_ =	swait.ge [sflag:s17], $0x1000  }
0xa4: {  	[sflag:s17] =	ssyncset.done $0x0  }
0xa5: {  	[sflag:s17] =	ssyncadd.s32 $0xFFFFF000  }
0xa6: {  	_ =	swait.ge [sflag:s17], $0x1000  }
0xa7: {  	[sflag:s17] =	ssyncset.done $0x0  }
0xa8: {  	[sflag:s17] =	ssyncadd.s32 $0xFFFFF000  }
0xa9: {  	s20 =	sadd.s32 $0x1, s20;
	s31 =	sshll.u32 s21, $0xD;
	_ =	swait.ge [sflag:s17], $0x1000  }
0xaa: {  	s21 =	sshll.u32 s21, $0x1;
	s24 =	sshll.u32 s24, $0xE;
	s30 =	rddreg [dreg:$0x3]  }
0xab: {  	p0 =	sne.s32 s20, s4;
	s23 =	sand.u32 $0x2000, s31;
	s22 =	sadd.s32 s30, s24  }
0xac: {  	s21 =	sand.u32 $0x4, s21;
	[sflag:s17] =	ssyncset.done $0x0;
	s22 =	sadd.s32 s23, s22  }
.Ltmp1:
0xad: {  	[sflag:s17] =	ssyncadd.s32 $0xFFFFF000;
	s21 =	sadd.s32 s21, s22;
	(pc) =	sbr.rel @p0 .LBB2_1-.Ltmp1, $4  }
0xae: {  	[hbm4b:s21+s18] =	stream.strided.scatter [tilespmem:s7], [sflag:$0x2], $0x8000, s19, s18, $0x38;
	[tilespmem:$0x8400] =	vst v63  }
0xaf: {  	_ =	swait.ge [sflag:s5], $0x8000  }
0xb0: {  	[sflag:s5] =	ssyncset.done $0x0  }
0xb1: {  	[sflag:s5] =	ssyncadd.s32 $0xFFFF8000  }
0xb2: {  	_ =	sfence.sel $0x180000  }
0xb3: {  	[bflag:$0x0] =	sbarrier.arrive $0xFFFF  }
0xb4: {  	p0 =	sne.s32 s1, $0x0;
	_ =	strace $0x9000004A  }
0xb5: {  	s0 =	sadd.s32 @!p0 $0x100000, s0;
	[bflag:$0x2] =	sbarrier.arrive $0xFFFF  }
0xb6: {  	[sflag:s0] =	ssyncadd.tile.s32 @!p0 $0x1;
	_ =	shalt  }
.Lfunc_end2:
_tile_overlayer_lowered:
.L_overlay_start_2:
0xb7: {  	(tag) =	ssettag $0x2  }
0xb8: {  	s0 =	rddreg [dreg:$0x0];
	s2 =	stileid.u32  }
0xb9: {  	s1 =	rddreg [dreg:$0x1];
	p0 =	sne.s32 s2, $0x0  }
0xba: {  	s3 =	rddreg [dreg:$0x2];
	[bflag:$0x3] =	sbarrier.arrive $0xFFFF;
	s2 =	simm.s32 @!p0 $0x1C02  }
0xbb: {  	[timem:s3], [sflag:s2] =	dma.local @!p0 [hbm:s0], s1  }
0xbc: {  	s0 =	simm.s32 @!p0 $0x2  }
0xbd: {  	_ =	swait.ge @!p0 [sflag:s0], s1  }
0xbe: {  	s1 =	ssub.s32 @!p0 $0x0, s1;
	[sflag:s0] =	ssyncset.done @!p0 $0x0  }
0xbf: {  	[sflag:s0] =	ssyncadd.s32 @!p0 s1  }
0xc0: {  	[bflag:$0x3] =	sbarrier.arrive $0xFFFF  }
0xc1: {  	_ =	shalt  }

// kernel: sparse-core-data-format-call.cloned.1.call-start
scs
called_computation_lowered:
.L_overlay_start_0:
0x0: {  	s2 =	sld [smem:$0x3FD9]  }
0x1: {  	s3 =	sld [smem:$0x3FFE];
	_ =	sdelay $0x1  }
0x2: {  	s1 =	srdreg.scid  }
0x3: {  	s0 =	sand.u32 $0x1, s1  }
0x4: {  	s18 =	sshll.u32 s0, $0xA;
	s2 =	sadd.s32 s3, s2  }
0x5: {  	s2 =	sadd.s32 s2, s18  }
0x6: {  	[smem:$0x3FC4] =	sst s2  }
0x7: {  	_ = 	snop  }
0x8: {  	s2 =	sld [smem:$0x3FD0];
	(tm) =	ssettm $0x1  }
0x9: {  	s19 =	sld [smem:$0x3FFB];
	_ =	sdelay $0x3  }
0xa: {  	_ =	strace s19  }
0xb: {  	s3 =	sld [smem:$0x3FFC];
	_ =	sdelay $0x3  }
0xc: {  	_ =	strace s3  }
0xd: {  	s3 =	sld [smem:$0x3FFD];
	_ =	sdelay $0x3  }
0xe: {  	_ =	strace s3  }
0xf: {  	_ =	strace $0x8FFFFFFF  }
0x10: {  	s20 =	sld [smem:$0x3FDB];
	_ =	sdelay $0x1  }
0x11: {  	s4 =	simm.s32 $_scs_section_size  }
0x12: {  	s5 =	simm.s32 $_size__tile_overlayer_lowered;
	s6 =	simm.s32 $_tile_overlayer_lowered  }
0x13: {  	s23 =	simm.s32 $0x1BFF;
	s22 =	sshll.u32 s6, $0x1;
	s3 =	sadd.s32 s4, s20  }
0x14: {  	s7 =	simm.s32 $0x0;
	s21 =	sshll.u32 s5, $0x1;
	s5 =	sadd.s32 s22, s3  }
0x15: {  	[timem:s7], [sflag:s23] =	dma.local [hbm:s5], s21  }
0x16: {  	_ =	swait.ge [sflag:s23], s21  }
0x17: {  	s4 =	ssub.s32 $0x0, s21;
	[sflag:s23] =	ssyncset.done $0x0  }
0x18: {  	[sflag:s23] =	ssyncadd.s32 s4;
	_ =	sdelay $0x1  }
0x19: {  	s24 =	simm.s32 $0x1B8B  }
0x1a: {  	_ =	swait.ge [sflag:s24], $0x1  }
0x1b: {  	[sflag:s24] =	ssyncset.done $0x0  }
0x1c: {  	s26 =	simm.s32 $0x1B8E;
	s25 =	sld [smem:$0x3FFE];
	[sflag:s24] =	ssyncadd.s32 $0xFFFFFFFF  }
0x1d: {  	s27 =	simm.s32 $execute0_lowered;
	[smem:$0x3FD2] =	sst s26  }
0x1e: {  	s5 =	sshll.u32 s27, $0x1;
	_ =	strace $0x80000046;
	[dreg:$0x1] =	wrdreg $0xFFFFFFFF  }
0x1f: {  	s28 =	simm.s32 $_size_execute0_lowered;
	s3 =	sadd.s32 s3, s5;
	[dreg:$0x0] =	wrdreg $0x0  }
0x20: {  	s5 =	sshll.u32 s28, $0x1;
	[dreg:$0x2] =	wrdreg s3  }
0x21: {  	[dreg:$0x3] =	wrdreg s5  }
0x22: {  	[dreg:$0x4] =	wrdreg $0xC0  }
0x23: {  	_ =	task [dreg:s7], $0x5FFFF  }
0x24: {  	[dreg:$0x1] =	wrdreg $0xFFFFFFFF  }
0x25: {  	[dreg:$0x0] =	wrdreg $0x60  }
0x26: {  	[dreg:$0x2] =	wrdreg s2  }
0x27: {  	[dreg:$0x3] =	wrdreg s25  }
0x28: {  	[dreg:$0x4] =	wrdreg $0x9  }
0x29: {  	_ =	task.clear_ibuf [dreg:s7], $0x5FFFF;
	_ =	strace $0x90000046  }
0x2a: {  	s29 =	simm.s32 $0x9;
	_ =	strace $0x80000048  }
0x2b: {  	_ =	swait.ge [sflag:s29], $0x1  }
0x2c: {  	[sflag:s29] =	ssyncadd.s32 $0xFFFFFFFF  }
0x2d: {  	_ =	strace $0x90000048  }
0x2e: {  	_ =	sfence  }
0x2f: {  	s30 =	sld [smem:$0x0];
	_ =	sdelay $0x2  }
0x30: {  	s31 =	sshll.u32 s1, $0xD;
	s1 =	sshrl.u32 s1, $0x2  }
0x31: {  	s3 =	sand.u32 $0x4000, s31;
	s1 =	sadd.s32 s1, s30  }
0x32: {  	s0 =	sor.u32 s3, s0;
	s1 =	sshll.u32 s1, $0x11  }
0x33: {  	s0 =	sor.u32 s1, s0  }
0x34: {  	s0 =	sadd.s32 $0x8F2B, s0  }
0x35: {  	[sflag:s0] =	ssyncadd.remote.s32 $0x1  }
0x36: {  	_ =	sfence.sel $0xFFFF  }
0x37: {  	[dreg:$0x0] =	wrdreg $0xFFFFFFFF;
	(pc) =	sbr.abs _section_cstart, $3  }
0x38: {  	[dreg:$0x1] =	wrdreg $0xFFFFFFFF  }
0x39: {  	_ =	task.clear_ibuf [dreg:s7], $0x2FFFF;
	_ =	strace $0x9FFFFFFF  }
0x3a: {  	(tm) =	ssettm $0x7FFFFFFF  }
0x3b: {  	_ =	shalt  }
tec
execute0_lowered:
.L_overlay_start_1:
0x0: {  	(tag) =	ssettag $0x1  }
0x1: {  	s0 =	srdreg.scid  }
0x2: {  	s1 =	sshll.u32 s0, $0x4  }
0x3: {  	s2 =	rddreg [dreg:$0x0];
	s0 =	stileid.u32;
	s1 =	sand.u32 $0x10, s1  }
0x4: {  	s4 =	rddreg [dreg:$0x1];
	s7 =	simm.s32 $0x1;
	s1 =	sor.u32 s0, s1  }
0x5: {  	s8 =	simm.s32 $0x2;
	s9 =	simm.s32 $0x0;
	s3 =	sshll.u32 s1, $0x4  }
0x6: {  	s12 =	simm.s32 $0x0;
	s11 =	simm.s32 $0x0;
	s6 =	ssub.s32 $0x7B00, s3  }
.Ltmp0:
0x7: {  	s4 =	sadd.s32 $0x2A00, s4;
	s5 =	sand.u32 $0x1F0, s6;
	(pc) =	sbr.rel .LBB1_1-.Ltmp0, $4  }
0x8: {  	s1 =	rddreg [dreg:$0x2];
	_ =	strace $0x80000047;
	p0 =	sne.s32 s5, $0x0  }
0x9: {  	s6 =	sshrl.u32 s6, $0x9;
	s5 =	simm.s32 $0x1;
	s7 =	simm.s32 @!p0 $0x0  }
0xa: {  	s10 =	smov.u32 s3;
	[sflag:s5] =	ssyncpa.u1 $0x0;
	s6 =	sadd.s32 s7, s6  }
0xb: {  	[sflag:s8] =	ssyncpa.u1 $0x0;
	s8 =	simm.s32 $0x0;
	s7 =	sadd.s32 $0x1, s6  }
.LBB1_7:
0xc: {  	s14 =	sadd.s32 $0x200, s10  }
0xd: {  	p1 =	sgt.s32 s14, $0x7AFF  }
0xe: {  	s14 =	smov.u32 @p1 s3;
	p1 =	sne.s32 s11, s7  }
.Ltmp1:
0xf: {  	p0 =	slt.u32 s11, $0x2;
	(pc) =	sbr.rel @!p1 .LBB1_8-.Ltmp1, $4  }
0x10: {  	s13 =	simm.s32 @!p0 $0x2  }
0x11: {  	s15 =	sadd.s32 $0x1, s11;
	_ =	swait.ge @!p0 [sflag:s13], $0x4000  }
0x12: {  	s12 =	smov.u32 s10;
	s9 =	sadd.s32 $0x8000, s9;
	[sflag:s13] =	ssyncset.done @!p0 $0x0  }
0x13: {  	s11 =	smov.u32 s15;
	s10 =	smov.u32 s14;
	[sflag:s13] =	ssyncadd.s32 @!p0 $0xFFFFC000  }
.LBB1_1:
0x14: {  	p0 =	sge.u32 s11, s6  }
0x15: {  	s13 =	sxor.u32 @!p0 $0xFFFFFFFF, s11  }
0x16: {  	s31 =	sadd.s32 $0xFFFFFFFF, s11;
	s14 =	sshll.u32 @!p0 s10, $0x7;
	s13 =	sshll.u32 @!p0 s13, $0xE  }
0x17: {  	s15 =	simm.s32 @!p0 $0x0;
	s14 =	sadd.s32 @!p0 s2, s14;
	s13 =	sand.u32 @!p0 $0x4000, s13  }
0x18: {  	[tilespmem:s13], [sflag:$0x1] =	stream.linear.gather @!p0 [hbm4b:s14+s15], $0x4000, $0x38;
	[tilespmem:$0x10000] =	vst v63  }
0x19: {  	p0 =	sge.u32 s31, s6  }
.Ltmp2:
0x1a: {  	_ = 	snop;
	(pc) =	sbr.rel @p0 .LBB1_7-.Ltmp2, $1  }
0x1b: {  	_ =	sdelay $0x3  }
0x1c: {  	s13 =	sshrl.u32 s9, $0x1;
	_ =	swait.ge [sflag:s5], $0x4000  }
0x1d: {  	s15 =	sshll.u32 s11, $0xE;
	s16 =	simm.s32 $0x0;
	s14 =	sand.u32 $0x4000, s13  }
0x1e: {  	[sflag:s5] =	ssyncset.done $0x0;
	s15 =	sand.u32 $0x4000, s15;
	s13 =	sor.u32 $0x200, s14  }
0x1f: {  	s14 =	sor.u32 $0x8080, s14;
	[sflag:s5] =	ssyncadd.s32 $0xFFFFC000;
	s15 =	sor.u32 $0x8000, s15  }
.LBB1_3:
0x20: {  	v0 =	vld [tilespmem:s13+$0xFFFFFE70]  }
0x21: {  	v1 =	vld [tilespmem:s13+$0x70]  }
0x22: {  	v2 =	vld [tilespmem:s13+$0x0]  }
0x23: {  	v3 =	vld [tilespmem:s13+$0xFFFFFE10]  }
0x24: {  	v4 =	vld [tilespmem:s13+$0x10]  }
0x25: {  	v5 =	vld [tilespmem:s13+$0xFFFFFE20]  }
0x26: {  	v7 =	vld [tilespmem:s13+$0x20]  }
0x27: {  	v11 =	vld [tilespmem:s13+$0x30];
	v6 =	vunpack.i.l.s16.s32 v0;
	v8 =	vunpack.i.u.s16.s32 v0;
	v9 =	vunpack.i.u.s16.s32 v1  }
0x28: {  	v10 =	vunpack.i.l.s16.s32 v1;
	v0 =	vunpack.i.u.s16.s32 v2;
	v1 =	vunpack.i.l.s16.s32 v2;
	v2 =	vld [tilespmem:s13+$0xFFFFFE30]  }
0x29: {  	v8 =	vpack.i.b32.b16 v9, v8;
	v9 =	vunpack.i.u.s16.s32 v3;
	v3 =	vunpack.i.l.s16.s32 v3  }
0x2a: {  	v12 =	vld [tilespmem:s13+$0xFFFFFE40];
	v6 =	vpack.i.b32.b16 v10, v6;
	[tilespmem:s14+$0x70] =	vst v8;
	v8 =	vunpack.i.u.s16.s32 v4;
	v4 =	vunpack.i.l.s16.s32 v4  }
0x2b: {  	v13 =	vld [tilespmem:s13+$0x40];
	v10 =	vunpack.i.u.s16.s32 v5;
	v5 =	vunpack.i.l.s16.s32 v5;
	[tilespmem:s14+$0xFFFFFFF0] =	vst v6;
	v3 =	vpack.i.b32.b16 v4, v3  }
0x2c: {  	v6 =	vunpack.i.l.s16.s32 v7;
	v4 =	vld [tilespmem:s13+$0xFFFFFE50];
	[tilespmem:s14+$0xFFFFFF90] =	vst v3;
	v3 =	vpack.i.b32.b16 v8, v9;
	v8 =	vunpack.i.u.s16.s32 v7  }
0x2d: {  	v7 =	vunpack.i.l.s16.s32 v11;
	[tilespmem:s14+$0x10] =	vst v3;
	v3 =	vpack.i.b32.b16 v6, v5;
	v9 =	vunpack.i.u.s16.s32 v2;
	v6 =	vld [tilespmem:s13+$0x50]  }
0x2e: {  	v5 =	vunpack.i.l.s16.s32 v2;
	v2 =	vld [tilespmem:s13+$0xFFFFFE60];
	[tilespmem:s14+$0xFFFFFFA0] =	vst v3;
	v3 =	vpack.i.b32.b16 v8, v10;
	v10 =	vunpack.i.u.s16.s32 v11  }
0x2f: {  	s19 =	simm.s32 $0x0;
	v11 =	vpack.i.b32.b16 v7, v5;
	v7 =	vunpack.i.u.s16.s32 v12;
	v8 =	vunpack.i.l.s16.s32 v12;
	[tilespmem:s14+$0x20] =	vst v3;
	v3 =	vld [tilespmem:s13+$0x60]  }
0x30: {  	s20 =	sadd.s32 $0x80, s13;
	s18 =	smov.u32 s14;
	s17 =	smov.u32 s14;
	v5 =	vld [tilespmem:s13+$0xFFFFFE00];
	[tilespmem:s14+$0xFFFFFFB0] =	vst v11;
	v10 =	vpack.i.b32.b16 v10, v9;
	v9 =	vunpack.i.u.s16.s32 v13;
	v11 =	vunpack.i.l.s16.s32 v13  }
.LBB1_4:
0x31: {  	v12 =	vld [tilespmem:s20+$0xFFFFFE70];
	[tilespmem:s18+$0x30] =	vst v10;
	v8 =	vpack.i.b32.b16 v11, v8;
	v10 =	vunpack.i.u.s16.s32 v4;
	v4 =	vunpack.i.l.s16.s32 v4  }
0x32: {  	s19 =	sadd.s32 $0x2, s19;
	v7 =	vpack.i.b32.b16 v9, v7;
	v11 =	vld [tilespmem:s20+$0x70];
	[tilespmem:s18+$0xFFFFFFC0] =	vst v8;
	v8 =	vunpack.i.u.s16.s32 v6;
	v6 =	vunpack.i.l.s16.s32 v6  }
0x33: {  	p0 =	slt.u32 s19, $0x6;
	v9 =	vld [tilespmem:s20+$0x0];
	[tilespmem:s18+$0x40] =	vst v7;
	v4 =	vpack.i.b32.b16 v6, v4;
	v6 =	vunpack.i.u.s16.s32 v2;
	v2 =	vunpack.i.l.s16.s32 v2  }
0x34: {  	v7 =	vld [tilespmem:s20+$0xFFFFFE10];
	[tilespmem:s18+$0xFFFFFFD0] =	vst v4;
	v4 =	vpack.i.b32.b16 v8, v10;
	v8 =	vunpack.i.u.s16.s32 v3;
	v3 =	vunpack.i.l.s16.s32 v3  }
0x35: {  	v10 =	vld [tilespmem:s20+$0x10];
	v13 =	vunpack.i.u.s16.s32 v5;
	v5 =	vunpack.i.l.s16.s32 v5;
	[tilespmem:s18+$0x50] =	vst v4;
	v2 =	vpack.i.b32.b16 v3, v2  }
0x36: {  	v3 =	vld [tilespmem:s20+$0xFFFFFE20];
	v4 =	vunpack.i.l.s16.s32 v12;
	v1 =	vpack.i.b32.b16 v1, v5;
	v5 =	vpack.i.b32.b16 v0, v13;
	[tilespmem:s18+$0xFFFFFFE0] =	vst v2  }
0x37: {  	v12 =	vunpack.i.u.s16.s32 v12;
	v2 =	vld [tilespmem:s20+$0x20];
	v13 =	vunpack.i.u.s16.s32 v11;
	v11 =	vunpack.i.l.s16.s32 v11;
	[tilespmem:s18+$0xFFFFFF80] =	vst v1  }
0x38: {  	s18 =	sadd.s32 $0x100, s18;
	v0 =	vunpack.i.u.s16.s32 v9;
	v1 =	vunpack.i.l.s16.s32 v9;
	v9 =	vld [tilespmem:s20+$0xFFFFFE30];
	v12 =	vpack.i.b32.b16 v13, v12;
	[tilespmem:s17+$0x0] =	vst v5  }
0x39: {  	v6 =	vpack.i.b32.b16 v8, v6;
	v5 =	vunpack.i.u.s16.s32 v7;
	v7 =	vunpack.i.l.s16.s32 v7;
	v13 =	vld [tilespmem:s20+$0x30];
	[tilespmem:s18+$0x70] =	vst v12  }
0x3a: {  	v4 =	vpack.i.b32.b16 v11, v4;
	v8 =	vunpack.i.u.s16.s32 v10;
	v10 =	vunpack.i.l.s16.s32 v10;
	v12 =	vld [tilespmem:s20+$0xFFFFFE40];
	[tilespmem:s17+$0x60] =	vst v6;
	s17 =	smov.u32 s18  }
0x3b: {  	v6 =	vpack.i.b32.b16 v10, v7;
	v7 =	vunpack.i.u.s16.s32 v3;
	v3 =	vunpack.i.l.s16.s32 v3;
	v11 =	vld [tilespmem:s20+$0x40];
	[tilespmem:s18+$0xFFFFFFF0] =	vst v4  }
.Ltmp3:
0x3c: {  	v5 =	vpack.i.b32.b16 v8, v5;
	[tilespmem:s18+$0xFFFFFF90] =	vst v6;
	v8 =	vunpack.i.u.s16.s32 v2;
	v2 =	vunpack.i.l.s16.s32 v2;
	v4 =	vld [tilespmem:s20+$0xFFFFFE50];
	(pc) =	sbr.rel @p0 .LBB1_4-.Ltmp3, $4  }
0x3d: {  	[tilespmem:s18+$0x10] =	vst v5;
	v2 =	vpack.i.b32.b16 v2, v3;
	v10 =	vunpack.i.u.s16.s32 v9;
	v3 =	vunpack.i.l.s16.s32 v9;
	v6 =	vld [tilespmem:s20+$0x50]  }
0x3e: {  	v5 =	vpack.i.b32.b16 v8, v7;
	[tilespmem:s18+$0xFFFFFFA0] =	vst v2;
	v9 =	vunpack.i.u.s16.s32 v13;
	v7 =	vunpack.i.l.s16.s32 v13;
	v2 =	vld [tilespmem:s20+$0xFFFFFE60]  }
0x3f: {  	[tilespmem:s18+$0x20] =	vst v5;
	v13 =	vpack.i.b32.b16 v7, v3;
	v7 =	vunpack.i.u.s16.s32 v12;
	v8 =	vunpack.i.l.s16.s32 v12;
	v3 =	vld [tilespmem:s20+$0x60]  }
0x40: {  	v10 =	vpack.i.b32.b16 v9, v10;
	v5 =	vld [tilespmem:s20+$0xFFFFFE00];
	[tilespmem:s18+$0xFFFFFFB0] =	vst v13;
	v9 =	vunpack.i.u.s16.s32 v11;
	v11 =	vunpack.i.l.s16.s32 v11;
	s20 =	sadd.s32 $0x80, s20  }
0x41: {  	[tilespmem:s18+$0x30] =	vst v10;
	v8 =	vpack.i.b32.b16 v11, v8  }
0x42: {  	v51 =	vunpack.i.l.s16.s32 v4;
	v7 =	vpack.i.b32.b16 v9, v7;
	[tilespmem:s18+$0xFFFFFFC0] =	vst v8;
	v52 =	vunpack.i.l.s16.s32 v6  }
0x43: {  	v53 =	vunpack.i.u.s16.s32 v4;
	s16 =	sadd.s32 $0x1, s16;
	v54 =	vunpack.i.u.s16.s32 v6;
	[tilespmem:s18+$0x40] =	vst v7;
	v55 =	vpack.i.b32.b16 v52, v51  }
0x44: {  	p0 =	sne.s32 s16, $0x10;
	v56 =	vunpack.i.l.s16.s32 v2;
	v4 =	vpack.i.b32.b16 v54, v53;
	[tilespmem:s18+$0xFFFFFFD0] =	vst v55;
	v57 =	vunpack.i.l.s16.s32 v3  }
.Ltmp4:
0x45: {  	[tilespmem:s18+$0x50] =	vst v4;
	v58 =	vunpack.i.l.s16.s32 v5;
	v59 =	vpack.i.b32.b16 v57, v56;
	(pc) =	sbr.rel @p0 .LBB1_3-.Ltmp4, $4  }
0x46: {  	v61 =	vunpack.i.u.s16.s32 v2;
	v62 =	vunpack.i.u.s16.s32 v3;
	v1 =	vpack.i.b32.b16 v1, v58;
	[tilespmem:s18+$0xFFFFFFE0] =	vst v59  }
0x47: {  	v60 =	vunpack.i.u.s16.s32 v5;
	v63 =	vpack.i.b32.b16 v62, v61;
	[tilespmem:s18+$0xFFFFFF80] =	vst v1  }
0x48: {  	v0 =	vpack.i.b32.b16 v0, v60;
	[tilespmem:s17+$0x60] =	vst v63  }
0x49: {  	s13 =	sadd.s32 $0x400, s13;
	s14 =	sadd.s32 $0x400, s14;
	[tilespmem:s17+$0x0] =	vst v0  }
.Ltmp5:
0x4a: {  	(pc) =	sbr.rel .LBB1_7-.Ltmp5, $4  }
0x4b: {  	_ = 	snop  }
0x4c: {  	s12 =	sshll.u32 s12, $0x7  }
0x4d: {  	s12 =	sadd.s32 s4, s12  }
0x4e: {  	[hbm4b:s12+s8] =	stream.linear.scatter [tilespmem:s15], [sflag:$0x2], $0x4000, $0x38;
	[tilespmem:$0x10000] =	vst v63  }
.LBB1_8:
0x4f: {  	_ =	sfence.sel $0x180000  }
0x50: {  	s2 =	simm.s32 $0x1;
	[bflag:$0x0] =	sbarrier.arrive $0xFFFF  }
0x51: {  	s31 =	simm.s32 $0x2;
	[sflag:s2] =	ssyncpa.u1 $0x1  }
0x52: {  	[sflag:s31] =	ssyncpa.u1 $0x1  }
0x53: {  	p0 =	sne.s32 s0, $0x0;
	_ =	strace $0x90000047  }
0x54: {  	s0 =	sadd.s32 @!p0 $0x100000, s1;
	[bflag:$0x2] =	sbarrier.arrive $0xFFFF  }
0x55: {  	[sflag:s0] =	ssyncadd.tile.s32 @!p0 $0x1;
	_ =	shalt  }
.Lfunc_end1:
_tile_overlayer_lowered:
.L_overlay_start_2:
0x56: {  	(tag) =	ssettag $0x2  }
0x57: {  	s0 =	rddreg [dreg:$0x0];
	s2 =	stileid.u32  }
0x58: {  	s1 =	rddreg [dreg:$0x1];
	p0 =	sne.s32 s2, $0x0  }
0x59: {  	s3 =	rddreg [dreg:$0x2];
	[bflag:$0x3] =	sbarrier.arrive $0xFFFF;
	s2 =	simm.s32 @!p0 $0x1C01  }
0x5a: {  	[timem:s3], [sflag:s2] =	dma.local @!p0 [hbm:s0], s1  }
0x5b: {  	s0 =	simm.s32 @!p0 $0x1  }
0x5c: {  	_ =	swait.ge @!p0 [sflag:s0], s1  }
0x5d: {  	s1 =	ssub.s32 @!p0 $0x0, s1;
	[sflag:s0] =	ssyncset.done @!p0 $0x0  }
0x5e: {  	[sflag:s0] =	ssyncadd.s32 @!p0 s1  }
0x5f: {  	[bflag:$0x3] =	sbarrier.arrive $0xFFFF  }
0x60: {  	_ =	shalt  }

</sc_bundles>
